<compile_context>
chip_gen: v7x
topology: tpu7x:2x2x1
jax: 0.10.2.dev20260603
libtpu: 0.0.44.dev20260713+nightly
codegen_flags: <defaults>
</compile_context>

<pallas_src>
import functools

import jax
import jax.numpy as jnp
from jax import lax
from jax.experimental import pallas as pl
from jax.experimental.pallas import tpu as pltpu
from jax.experimental.pallas import tpu_sc as plsc

_K = 32
_STILE = 128
_EPS = 1e-07


def _sc_gather(tables, idx):
    R = idx.shape[0]
    info = plsc.get_sparse_core_info()
    nw = info.num_cores * info.num_subcores
    per_w = R // nw
    n_chunks = 2
    while per_w % n_chunks or (per_w // n_chunks) % 8:
        n_chunks //= 2
    chunk = per_w // n_chunks
    mesh = plsc.VectorSubcoreMesh(core_axis_name="c", subcore_axis_name="s")

    @functools.partial(
        pl.kernel,
        mesh=mesh,
        compiler_params=pltpu.CompilerParams(use_tc_tiling_on_sc=False),
        out_type=jax.ShapeDtypeStruct((6, R), jnp.float32),
        scratch_types=[
            pltpu.VMEM((chunk,), jnp.int32),
            pltpu.VMEM((6, chunk), jnp.float32),
            pltpu.SemaphoreType.DMA,
        ],
    )
    def k(tbl_hbm, idx_hbm, out_hbm, idx_v, rows_v, sem):
        wid = lax.axis_index("s") * info.num_cores + lax.axis_index("c")
        base = wid * per_w
        for i in range(n_chunks):
            off = base + i * chunk
            pltpu.sync_copy(idx_hbm.at[pl.ds(off, chunk)], idx_v)
            copies = [
                pltpu.async_copy(tbl_hbm.at[c].at[idx_v], rows_v.at[c], sem)
                for c in range(6)
            ]
            for cp in copies:
                cp.wait()
            pltpu.sync_copy(rows_v, out_hbm.at[:, pl.ds(off, chunk)])

    return k(tables, idx)


def _dot3(ax, ay, az, bx, by, bz):
    return ax * bx + ay * by + az * bz


def _b16(x):
    return x.astype(jnp.bfloat16).astype(jnp.float32)


def _dot3_b16(ax, ay, az, bx, by, bz):
    return (_b16(ax) * _b16(bx) + _b16(ay) * _b16(by)) + _b16(az) * _b16(bz)


def _cross3(ax, ay, az, bx, by, bz):
    return (ay * bz - az * by, az * bx - ax * bz, ax * by - ay * bx)


def _unit_eps(ax, ay, az):
    ln = jnp.sqrt(ax * ax + ay * ay + az * az)
    d = ln + _EPS
    return ax / d, ay / d, az / d, ln


def _feat_kernel(g_ref, c_ref, out_ref, *, nshift):
    g = g_ref[:, 0]
    c = c_ref[:, 0, 0]
    gx, gy, gz = g[0], g[1], g[2]
    gnx, gny, gnz = g[3], g[4], g[5]
    cx, cy, cz = c[0:1], c[1:2], c[2:3]
    ncx, ncy, ncz = c[3:4], c[4:5], c[5:6]

    lx, ly, lz = gx - cx, gy - cy, gz - cz
    dp = _dot3_b16(lx, ly, lz, ncx, ncy, ncz)
    px, py, pz = lx - dp * ncx, ly - dp * ncy, lz - dp * ncz
    plen = jnp.sqrt(px * px + py * py + pz * pz)
    ux, uy, uz = px / plen, py / plen, pz / plen
    ux = jnp.where(jnp.isnan(ux), 0.0, ux)
    uy = jnp.where(jnp.isnan(uy), 0.0, uy)
    uz = jnp.where(jnp.isnan(uz), 0.0, uz)

    kidx = lax.broadcasted_iota(jnp.int32, (_K, _STILE), 0)
    mval = jnp.max(plen, axis=0, keepdims=True)
    ksel = jnp.min(jnp.where(plen == mval, kidx, _K), axis=0, keepdims=True)
    selm = kidx == ksel
    vrx = jnp.sum(jnp.where(selm, ux, 0.0), axis=0, keepdims=True)
    vry = jnp.sum(jnp.where(selm, uy, 0.0), axis=0, keepdims=True)
    vrz = jnp.sum(jnp.where(selm, uz, 0.0), axis=0, keepdims=True)

    dots = _dot3_b16(ux, uy, uz, vrx, vry, vrz)
    crx, cry, crz = _cross3(ux, uy, uz, vrx, vry, vrz)
    sgn = jnp.sign(_dot3_b16(crx, cry, crz, ncx, ncy, ncz))
    sgn = jnp.where(kidx == 0, 1.0, sgn)
    d = sgn * dots - (1.0 - sgn)

    rank = jnp.zeros((_K, _STILE), jnp.int32)
    for j in range(_K):
        dj = d[j : j + 1]
        beats = (dj > d) | ((dj == d) & (j < kidx))
        rank = rank + beats.astype(jnp.int32)

    srt = [jnp.zeros((_K, _STILE), jnp.float32) for _ in range(6)]
    comps = (lx, ly, lz, gnx, gny, gnz)
    for j in range(_K):
        m = rank[j : j + 1] == kidx
        for t in range(6):
            srt[t] = jnp.where(m, comps[t][j : j + 1], srt[t])
    xix, xiy, xiz, xinx, xiny, xinz = srt

    def roll2(a, sh):
        return jnp.concatenate([a[-sh:], a[:-sh]], axis=0)

    ns = nshift
    x3x, x3y, x3z = roll2(xix, ns), roll2(xiy, ns), roll2(xiz, ns)
    x3nx, x3ny, x3nz = roll2(xinx, ns), roll2(xiny, ns), roll2(xinz, ns)
    x4x, x4y, x4z = roll2(xix, -ns), roll2(xiy, -ns), roll2(xiz, -ns)
    x4nx, x4ny, x4nz = roll2(xinx, -ns), roll2(xiny, -ns), roll2(xinz, -ns)

    uax, uay, uaz, l0 = _unit_eps(-xix, -xiy, -xiz)
    s10 = -_dot3(uax, uay, uaz, ncx, ncy, ncz)
    s20 = _dot3(uax, uay, uaz, xinx, xiny, xinz)
    ubx, uby, ubz, l1 = _unit_eps(-x3x, -x3y, -x3z)
    s11 = -_dot3(ubx, uby, ubz, ncx, ncy, ncz)
    s21 = _dot3(ubx, uby, ubz, x3nx, x3ny, x3nz)
    u12x, u12y, u12z, _ = _unit_eps(xix - x3x, xiy - x3y, xiz - x3z)
    s12 = -_dot3(u12x, u12y, u12z, xinx, xiny, xinz)
    s22 = _dot3(u12x, u12y, u12z, x3nx, x3ny, x3nz)
    angle_0 = _dot3(uax, uay, uaz, ubx, uby, ubz)
    angle_1 = _dot3(-ubx, -uby, -ubz, -u12x, -u12y, -u12z)

    pxx, pxy, pxz, _ = _unit_eps(x4x, x4y, x4z)
    p2x, p2y, p2z, _ = _unit_eps(xix, xiy, xiz)
    xxx, xxy, xxz, _ = _unit_eps(x4x - xix, x4y - xiy, x4z - xiz)
    p3x, p3y, p3z, _ = _unit_eps(x3x, x3y, x3z)
    sn1x, sn1y, sn1z = _cross3(pxx, pxy, pxz, p2x, p2y, p2z)
    sn2x, sn2y, sn2z = _cross3(p3x, p3y, p3z, p2x, p2y, p2z)
    a11 = _dot3(pxx, pxy, pxz, p2x, p2y, p2z)
    a12 = _dot3(pxx, pxy, pxz, xxx, xxy, xxz)
    a3 = _dot3(sn1x, sn1y, sn1z, sn2x, sn2y, sn2z)
    a21 = _dot3(xxx, xxy, xxz, x4nx, x4ny, x4nz)
    a22 = _dot3(p2x, p2y, p2z, x4nx, x4ny, x4nz)

    out_ref[0] = jnp.stack(
        [l0, s10, s20, angle_0, s11, s21, angle_1, s12, s22,
         a11, a12, a21, a22, a3],
        axis=0,
    )


def _mlp_kernel(rf_ref, w1t_ref, b1_ref, w2t_ref, b2_ref, out_ref):
    w1t = w1t_ref[...]
    w2t = w2t_ref[...]
    b1 = b1_ref[...]
    b2 = b2_ref[...]
    rf = rf_ref[0]
    for k in range(_K):
        x = rf[:, k, :]
        h = jnp.maximum(
            jnp.dot(w1t, x, preferred_element_type=jnp.float32) + b1, 0.0)
        h = jnp.maximum(
            jnp.dot(w2t, h, preferred_element_type=jnp.float32) + b2, 0.0)
        if k == 0:
            out_ref[0] = h
        else:
            out_ref[0] = jnp.maximum(out_ref[0], h)


def kernel(xyz, norm, fps_idx, knn_idx, W1, b1, W2, b2):
    B, N, _ = xyz.shape
    S = fps_idx.shape[1]
    K = knn_idx.shape[2]

    tables = jnp.concatenate([xyz, norm], axis=-1).transpose(2, 0, 1).reshape(6, B * N)
    offs = (jnp.arange(B, dtype=jnp.int32) * N)
    idx_knn = (knn_idx.astype(jnp.int32).transpose(0, 2, 1)
               + offs[:, None, None]).reshape(-1)
    idx_fps = (fps_idx.astype(jnp.int32) + offs[:, None]).reshape(-1)
    idx_all = jnp.concatenate([idx_knn, idx_fps])
    rows = _sc_gather(tables, idx_all)
    G = rows[:, : B * K * S].reshape(6, B, K, S)
    Cf = rows[:, B * K * S :].reshape(6, B, S)
    new_xyz = Cf[:3].transpose(1, 2, 0)
    new_norm = Cf[3:6].transpose(1, 2, 0)

    rf = pl.pallas_call(
        functools.partial(_feat_kernel, nshift=2 if S >= 1024 else 1),
        grid=(B, S // _STILE),
        in_specs=[
            pl.BlockSpec((6, 1, K, _STILE), lambda b, s: (0, b, 0, s)),
            pl.BlockSpec((6, 1, 1, _STILE), lambda b, s: (0, b, 0, s)),
        ],
        out_specs=pl.BlockSpec((1, 14, K, _STILE), lambda b, s: (b, 0, 0, s)),
        out_shape=jax.ShapeDtypeStruct((B, 14, K, S), jnp.float32),
    )(G, Cf.reshape(6, B, 1, S))

    pts_t = pl.pallas_call(
        _mlp_kernel,
        grid=(B,),
        in_specs=[
            pl.BlockSpec((1, 14, K, S), lambda b: (b, 0, 0, 0)),
            pl.BlockSpec((32, 14), lambda b: (0, 0)),
            pl.BlockSpec((32, 1), lambda b: (0, 0)),
            pl.BlockSpec((64, 32), lambda b: (0, 0)),
            pl.BlockSpec((64, 1), lambda b: (0, 0)),
        ],
        out_specs=pl.BlockSpec((1, 64, S), lambda b: (b, 0, 0)),
        out_shape=jax.ShapeDtypeStruct((B, 64, S), jnp.float32),
    )(rf, W1.T, b1.reshape(32, 1), W2.T, b2.reshape(64, 1))
    new_points = pts_t.transpose(0, 2, 1)

    return new_xyz, new_norm, new_points

# --- scband reference (transcript-rebuilt; emitter-appended) ---
"""Pipeline reference for scband-mvctnet-set-abstraction-8211977470434 (READ-ONLY COPY).

The authoritative reference and input builder live on the scoring server;
editing this copy changes nothing except your own understanding.
"""

import jax, jax.numpy as jnp
import numpy as np


def index_points(points, idx):
    # points: [B, N, C]; idx: [B, ...] -> [B, ..., C]
    return jax.vmap(lambda p, i: p[i])(points, idx)


def calculate_surface_norm(a, b):
    nx = a[..., 1] * b[..., 2] - a[..., 2] * b[..., 1]
    ny = a[..., 2] * b[..., 0] - a[..., 0] * b[..., 2]
    nz = a[..., 0] * b[..., 1] - a[..., 1] * b[..., 0]
    return jnp.stack([nx, ny, nz], axis=-1)


def calculate_unit(new_xi, x1):
    eps = 1e-07
    off = new_xi - x1
    length = jnp.linalg.norm(off, axis=-1, keepdims=True)
    u = off / (length + eps)
    return jnp.where(jnp.isnan(u), 0.0, u)


def calculate_new_surface_feature(new_xi, new_xi_norm, x1, x1_norm, x2, x2_norm, x3, x3_norm):
    pxi_u = calculate_unit(new_xi, x1)
    px2_u = calculate_unit(x2, x1)
    x2xi_u = calculate_unit(new_xi, x2)
    px3_u = calculate_unit(x3, x1)
    sn1 = calculate_surface_norm(pxi_u, px2_u)
    sn2 = calculate_surface_norm(px3_u, px2_u)
    a11 = (pxi_u * px2_u).sum(-1, keepdims=True)
    a12 = (pxi_u * x2xi_u).sum(-1, keepdims=True)
    a3 = (sn1 * sn2).sum(-1, keepdims=True)
    a21 = (x2xi_u * new_xi_norm).sum(-1, keepdims=True)
    a22 = (px2_u * new_xi_norm).sum(-1, keepdims=True)
    return jnp.concatenate([a11, a12, a21, a22, a3], axis=-1)


def calculate_two_surface_feature(x1, x1_norm, x2, x2_norm):
    eps = 1e-07
    off = x1 - x2
    length = jnp.linalg.norm(off, axis=-1, keepdims=True)
    u = off / (length + eps)
    u = jnp.where(jnp.isnan(u), 0.0, u)
    s1 = -(u * x1_norm).sum(-1, keepdims=True)
    s2 = (u * x2_norm).sum(-1, keepdims=True)
    return s1, s2, length


def order_index(xyz, new_xyz, new_norm, idx):
    # new_norm: [B, S, 3, 1]
    B, S, C = new_xyz.shape
    K = idx.shape[2]
    grouped = index_points(xyz, idx)                     # [B,S,K,3]
    local = grouped - new_xyz[:, :, None, :]
    dist_plane = jnp.matmul(local, new_norm)             # [B,S,K,1]
    proj = local - dist_plane * jnp.reshape(new_norm, (B, S, 1, C))
    plen = jnp.linalg.norm(proj, axis=-1, keepdims=True)
    unit = proj / plen
    unit = jnp.where(jnp.isnan(unit), 0.0, unit)
    lmax = jnp.argmax(plen, axis=2)                      # [B,S,1]
    gidx = jnp.broadcast_to(lmax[..., None], (B, S, 1, C))
    vec_ref = jnp.take_along_axis(unit, gidx, axis=2)    # [B,S,1,3]
    dots = jnp.matmul(unit, jnp.reshape(vec_ref, (B, S, C, 1)))  # [B,S,K,1]
    sign = jnp.cross(unit, jnp.broadcast_to(jnp.reshape(vec_ref, (B, S, 1, C)), (B, S, K, C)))
    sign = jnp.matmul(sign, new_norm)                    # [B,S,K,1]
    sign = jnp.sign(sign)
    sign = sign.at[:, :, 0, 0].set(1.0)
    dots = sign * dots - (1 - sign)
    d = jnp.squeeze(dots, -1)                            # [B,S,K]
    order = jnp.argsort(-d, axis=2)
    dots_sorted = jnp.take_along_axis(d, order, axis=2)[..., None]
    idx_ordered = jnp.take_along_axis(idx, order, axis=2)
    return dots_sorted, idx_ordered


def RISP_features(xyz, norm, new_xyz, new_norm, idx, group_all=False):
    B, N, C = new_xyz.shape
    K = idx.shape[-1]
    dots_sorted, idx_ordered = order_index(xyz, new_xyz, new_norm[..., None], idx)
    grouped_center = index_points(xyz, idx_ordered)
    xi_norm = index_points(norm, idx_ordered)
    if not group_all:
        xi = grouped_center - new_xyz[:, :, None, :]
    else:
        xi = grouped_center
    p_point = jnp.zeros_like(xi)
    p_norm = jnp.broadcast_to(new_norm[:, :, None, :], xi.shape)
    num_shifts = 2 if N >= 1024 else 1
    x3 = jnp.roll(xi, num_shifts, axis=2)
    x3_norm = jnp.roll(xi_norm, num_shifts, axis=2)
    s10, s20, l0 = calculate_two_surface_feature(p_point, p_norm, xi, xi_norm)
    s11, s21, l1 = calculate_two_surface_feature(p_point, p_norm, x3, x3_norm)
    s12, s22, l2 = calculate_two_surface_feature(xi, xi_norm, x3, x3_norm)
    angle_0 = (calculate_unit(p_point, xi) * calculate_unit(p_point, x3)).sum(-1, keepdims=True)
    angle_1 = (calculate_unit(x3, p_point) * calculate_unit(x3, xi)).sum(-1, keepdims=True)
    ri_feat = jnp.concatenate([l0, s10, s20, angle_0, s11, s21, angle_1, s12, s22], axis=-1)
    x4 = jnp.roll(xi, -num_shifts, axis=2)
    x4_norm = jnp.roll(xi_norm, -num_shifts, axis=2)
    new_feature = calculate_new_surface_feature(x4, x4_norm, p_point, p_norm, xi, xi_norm, x3, x3_norm)
    ri_feat = jnp.concatenate([ri_feat, new_feature], axis=-1)  # [B,S,K,14]
    return ri_feat, idx_ordered


def setup_inputs(seed: int = 0) -> dict:
    key = jax.random.key(seed)
    k1, k2, k3, k4, k5, k6 = jax.random.split(key, 6)
    B, N, S, K = 4, 32768, 4096, 32
    xyz = jax.random.normal(k1, (B, N, 3), dtype=jnp.float32)
    nrm = jax.random.normal(k2, (B, N, 3), dtype=jnp.float32)
    nrm = nrm / jnp.linalg.norm(nrm, axis=-1, keepdims=True)
    fps_idx = jax.random.randint(k3, (B, S), 0, N)
    knn_idx = jax.random.randint(k4, (B, S, K), 0, N)
    W1 = jax.random.normal(k5, (14, 32), dtype=jnp.float32) * 0.1
    b1 = jnp.zeros((32,), dtype=jnp.float32)
    W2 = jax.random.normal(k6, (32, 64), dtype=jnp.float32) * 0.1
    b2 = jnp.zeros((64,), dtype=jnp.float32)
    return {"xyz": xyz, "norm": nrm, "fps_idx": fps_idx, "knn_idx": knn_idx,
            "W1": W1, "b1": b1, "W2": W2, "b2": b2}


def reference(xyz, norm, fps_idx, knn_idx, W1, b1, W2, b2):
    # Set abstraction: sample centres, compute 14-dim RISP features over the
    # angularly ordered neighbourhood, run shared MLP, max-pool over neighbours.
    new_xyz = index_points(xyz, fps_idx)    # [B,S,3]
    new_norm = index_points(norm, fps_idx)  # [B,S,3]
    ri_feat, idx_ordered = RISP_features(xyz, norm, new_xyz, new_norm, knn_idx, group_all=False)
    h = jax.nn.relu(jnp.matmul(ri_feat, W1) + b1)
    h = jax.nn.relu(jnp.matmul(h, W2) + b2)
    new_points = jnp.max(h, axis=2)         # [B,S,64]
    return new_xyz, new_norm, new_points

if __name__ == "__main__":
    import jax
    _d = setup_inputs()
    print(jax.jit(kernel)(*tuple(_d.values())))

</pallas_src>

<mosaic_0001>
#map = affine_map<(d0, d1) -> (0, 0)>
#map1 = affine_map<(d0, d1) -> (0)>
module attributes {stable_mosaic.version = 14 : i64} {
  func.func @k(%arg0: i32, %arg1: i32, %arg2: memref<6x131072xf32, #tpu.memory_space<hbm>>, %arg3: memref<540672xi32, #tpu.memory_space<hbm>>, %arg4: memref<6x540672xf32, #tpu.memory_space<hbm>>, %arg5: memref<8448xi32, #tpu.memory_space<vmem>>, %arg6: memref<6x8448xf32, #tpu.memory_space<vmem>>, %arg7: memref<!tpu.dma_semaphore, #tpu.memory_space<semaphore_mem>>) attributes {dimension_semantics = [#tpu.dimension_semantics<core_parallel>, #tpu.dimension_semantics<subcore_parallel>], iteration_bounds = array<i64: 2, 16>, scalar_prefetch = 0 : i64, scratch_operands = 3 : i64, tpu.core_type = #tpu.core_type<sc_vector_subcore>, window_params = [{transform_indices = #map}, {transform_indices = #map1}, {transform_indices = #map}]} {
    %mul3A = arith.constant 2 : i32
    %mul3A_0 = arith.muli %arg1, %mul3A : i32
    %add3A = arith.addi %mul3A_0, %arg0 : i32
    %mul3A_1 = arith.constant 16896 : i32
    %mul3A_2 = arith.muli %add3A, %mul3A_1 : i32
    %add3A_3 = arith.constant 0 : i32
    %add3A_4 = arith.addi %mul3A_2, %add3A_3 : i32
    "tpu.region"() ({
      %run_scoped3A = tpu.sem_alloc : memref<!tpu.dma_semaphore, #tpu.memory_space<semaphore_mem>>
      %dma_start3A_245 = tpu.memref_slice %arg3[%add3A_4] : memref<540672xi32, #tpu.memory_space<hbm>> -> memref<8448xi32, #tpu.memory_space<hbm>>
      %dma_start3A_246 = tpu.memref_slice %arg3[%add3A_4] : memref<540672xi32, #tpu.memory_space<hbm>> -> memref<8448xi32, #tpu.memory_space<hbm>>
      tpu.enqueue_dma source(%dma_start3A_246 : memref<8448xi32, #tpu.memory_space<hbm>>) target(%arg5 : memref<8448xi32, #tpu.memory_space<vmem>>) target_semaphore(%run_scoped3A : memref<!tpu.dma_semaphore, #tpu.memory_space<semaphore_mem>>)
      %dma_wait3A_247 = tpu.memref_slice %arg3[%add3A_4] : memref<540672xi32, #tpu.memory_space<hbm>> -> memref<8448xi32, #tpu.memory_space<hbm>>
      %dma_wait3A_248 = tpu.memref_slice %arg3[%add3A_4] : memref<540672xi32, #tpu.memory_space<hbm>> -> memref<8448xi32, #tpu.memory_space<hbm>>
      tpu.wait_dma2 semaphore(%run_scoped3A : memref<!tpu.dma_semaphore, #tpu.memory_space<semaphore_mem>>) src(%dma_wait3A_248 : memref<8448xi32, #tpu.memory_space<hbm>>) dst(%arg5 : memref<8448xi32, #tpu.memory_space<vmem>>)
      tpu.yield
    }) : () -> ()
    %dma_start3A = arith.constant 0 : i32
    %dma_start3A_5 = arith.constant 0 : i32
    %dma_start3A_6 = arith.constant 0 : i32
    %dma_start3A_7 = tpu.memref_slice %arg6[%dma_start3A_5, %dma_start3A_6] : memref<6x8448xf32, #tpu.memory_space<vmem>> -> memref<1x8448xf32, #tpu.memory_space<vmem>>
    %dma_start3A_8 = tpu.memref_squeeze %dma_start3A_7 : memref<1x8448xf32, #tpu.memory_space<vmem>> -> memref<8448xf32, #tpu.memory_space<vmem>>
    %dma_start3A_9 = arith.constant 0 : i32
    %dma_start3A_10 = tpu.memref_slice %arg2[%dma_start3A, %dma_start3A_9] : memref<6x131072xf32, #tpu.memory_space<hbm>> -> memref<1x131072xf32, #tpu.memory_space<hbm>>
    %dma_start3A_11 = tpu.memref_squeeze %dma_start3A_10 : memref<1x131072xf32, #tpu.memory_space<hbm>> -> memref<131072xf32, #tpu.memory_space<hbm>>
    %dma_start3A_12 = arith.constant 0 : i32
    %dma_start3A_13 = tpu.memref_slice %dma_start3A_11[%dma_start3A_12] : memref<131072xf32, #tpu.memory_space<hbm>> -> memref<131072xf32, #tpu.memory_space<hbm>>
    tpu.enqueue_indirect_dma source(%dma_start3A_13 : memref<131072xf32, #tpu.memory_space<hbm>>) target(%dma_start3A_8 : memref<8448xf32, #tpu.memory_space<vmem>>) offsets(%arg5 : memref<8448xi32, #tpu.memory_space<vmem>>) semaphore(%arg7 : memref<!tpu.dma_semaphore, #tpu.memory_space<semaphore_mem>>)
    %dma_start3A_14 = arith.constant 1 : i32
    %dma_start3A_15 = arith.constant 1 : i32
    %dma_start3A_16 = arith.constant 0 : i32
    %dma_start3A_17 = tpu.memref_slice %arg6[%dma_start3A_15, %dma_start3A_16] : memref<6x8448xf32, #tpu.memory_space<vmem>> -> memref<1x8448xf32, #tpu.memory_space<vmem>>
    %dma_start3A_18 = tpu.memref_squeeze %dma_start3A_17 : memref<1x8448xf32, #tpu.memory_space<vmem>> -> memref<8448xf32, #tpu.memory_space<vmem>>
    %dma_start3A_19 = arith.constant 0 : i32
    %dma_start3A_20 = tpu.memref_slice %arg2[%dma_start3A_14, %dma_start3A_19] : memref<6x131072xf32, #tpu.memory_space<hbm>> -> memref<1x131072xf32, #tpu.memory_space<hbm>>
    %dma_start3A_21 = tpu.memref_squeeze %dma_start3A_20 : memref<1x131072xf32, #tpu.memory_space<hbm>> -> memref<131072xf32, #tpu.memory_space<hbm>>
    %dma_start3A_22 = arith.constant 0 : i32
    %dma_start3A_23 = tpu.memref_slice %dma_start3A_21[%dma_start3A_22] : memref<131072xf32, #tpu.memory_space<hbm>> -> memref<131072xf32, #tpu.memory_space<hbm>>
    tpu.enqueue_indirect_dma source(%dma_start3A_23 : memref<131072xf32, #tpu.memory_space<hbm>>) target(%dma_start3A_18 : memref<8448xf32, #tpu.memory_space<vmem>>) offsets(%arg5 : memref<8448xi32, #tpu.memory_space<vmem>>) semaphore(%arg7 : memref<!tpu.dma_semaphore, #tpu.memory_space<semaphore_mem>>)
    %dma_start3A_24 = arith.constant 2 : i32
    %dma_start3A_25 = arith.constant 2 : i32
    %dma_start3A_26 = arith.constant 0 : i32
    %dma_start3A_27 = tpu.memref_slice %arg6[%dma_start3A_25, %dma_start3A_26] : memref<6x8448xf32, #tpu.memory_space<vmem>> -> memref<1x8448xf32, #tpu.memory_space<vmem>>
    %dma_start3A_28 = tpu.memref_squeeze %dma_start3A_27 : memref<1x8448xf32, #tpu.memory_space<vmem>> -> memref<8448xf32, #tpu.memory_space<vmem>>
    %dma_start3A_29 = arith.constant 0 : i32
    %dma_start3A_30 = tpu.memref_slice %arg2[%dma_start3A_24, %dma_start3A_29] : memref<6x131072xf32, #tpu.memory_space<hbm>> -> memref<1x131072xf32, #tpu.memory_space<hbm>>
    %dma_start3A_31 = tpu.memref_squeeze %dma_start3A_30 : memref<1x131072xf32, #tpu.memory_space<hbm>> -> memref<131072xf32, #tpu.memory_space<hbm>>
    %dma_start3A_32 = arith.constant 0 : i32
    %dma_start3A_33 = tpu.memref_slice %dma_start3A_31[%dma_start3A_32] : memref<131072xf32, #tpu.memory_space<hbm>> -> memref<131072xf32, #tpu.memory_space<hbm>>
    tpu.enqueue_indirect_dma source(%dma_start3A_33 : memref<131072xf32, #tpu.memory_space<hbm>>) target(%dma_start3A_28 : memref<8448xf32, #tpu.memory_space<vmem>>) offsets(%arg5 : memref<8448xi32, #tpu.memory_space<vmem>>) semaphore(%arg7 : memref<!tpu.dma_semaphore, #tpu.memory_space<semaphore_mem>>)
    %dma_start3A_34 = arith.constant 3 : i32
    %dma_start3A_35 = arith.constant 3 : i32
    %dma_start3A_36 = arith.constant 0 : i32
    %dma_start3A_37 = tpu.memref_slice %arg6[%dma_start3A_35, %dma_start3A_36] : memref<6x8448xf32, #tpu.memory_space<vmem>> -> memref<1x8448xf32, #tpu.memory_space<vmem>>
    %dma_start3A_38 = tpu.memref_squeeze %dma_start3A_37 : memref<1x8448xf32, #tpu.memory_space<vmem>> -> memref<8448xf32, #tpu.memory_space<vmem>>
    %dma_start3A_39 = arith.constant 0 : i32
    %dma_start3A_40 = tpu.memref_slice %arg2[%dma_start3A_34, %dma_start3A_39] : memref<6x131072xf32, #tpu.memory_space<hbm>> -> memref<1x131072xf32, #tpu.memory_space<hbm>>
    %dma_start3A_41 = tpu.memref_squeeze %dma_start3A_40 : memref<1x131072xf32, #tpu.memory_space<hbm>> -> memref<131072xf32, #tpu.memory_space<hbm>>
    %dma_start3A_42 = arith.constant 0 : i32
    %dma_start3A_43 = tpu.memref_slice %dma_start3A_41[%dma_start3A_42] : memref<131072xf32, #tpu.memory_space<hbm>> -> memref<131072xf32, #tpu.memory_space<hbm>>
    tpu.enqueue_indirect_dma source(%dma_start3A_43 : memref<131072xf32, #tpu.memory_space<hbm>>) target(%dma_start3A_38 : memref<8448xf32, #tpu.memory_space<vmem>>) offsets(%arg5 : memref<8448xi32, #tpu.memory_space<vmem>>) semaphore(%arg7 : memref<!tpu.dma_semaphore, #tpu.memory_space<semaphore_mem>>)
    %dma_start3A_44 = arith.constant 4 : i32
    %dma_start3A_45 = arith.constant 4 : i32
    %dma_start3A_46 = arith.constant 0 : i32
    %dma_start3A_47 = tpu.memref_slice %arg6[%dma_start3A_45, %dma_start3A_46] : memref<6x8448xf32, #tpu.memory_space<vmem>> -> memref<1x8448xf32, #tpu.memory_space<vmem>>
    %dma_start3A_48 = tpu.memref_squeeze %dma_start3A_47 : memref<1x8448xf32, #tpu.memory_space<vmem>> -> memref<8448xf32, #tpu.memory_space<vmem>>
    %dma_start3A_49 = arith.constant 0 : i32
    %dma_start3A_50 = tpu.memref_slice %arg2[%dma_start3A_44, %dma_start3A_49] : memref<6x131072xf32, #tpu.memory_space<hbm>> -> memref<1x131072xf32, #tpu.memory_space<hbm>>
    %dma_start3A_51 = tpu.memref_squeeze %dma_start3A_50 : memref<1x131072xf32, #tpu.memory_space<hbm>> -> memref<131072xf32, #tpu.memory_space<hbm>>
    %dma_start3A_52 = arith.constant 0 : i32
    %dma_start3A_53 = tpu.memref_slice %dma_start3A_51[%dma_start3A_52] : memref<131072xf32, #tpu.memory_space<hbm>> -> memref<131072xf32, #tpu.memory_space<hbm>>
    tpu.enqueue_indirect_dma source(%dma_start3A_53 : memref<131072xf32, #tpu.memory_space<hbm>>) target(%dma_start3A_48 : memref<8448xf32, #tpu.memory_space<vmem>>) offsets(%arg5 : memref<8448xi32, #tpu.memory_space<vmem>>) semaphore(%arg7 : memref<!tpu.dma_semaphore, #tpu.memory_space<semaphore_mem>>)
    %dma_start3A_54 = arith.constant 5 : i32
    %dma_start3A_55 = arith.constant 5 : i32
    %dma_start3A_56 = arith.constant 0 : i32
    %dma_start3A_57 = tpu.memref_slice %arg6[%dma_start3A_55, %dma_start3A_56] : memref<6x8448xf32, #tpu.memory_space<vmem>> -> memref<1x8448xf32, #tpu.memory_space<vmem>>
    %dma_start3A_58 = tpu.memref_squeeze %dma_start3A_57 : memref<1x8448xf32, #tpu.memory_space<vmem>> -> memref<8448xf32, #tpu.memory_space<vmem>>
    %dma_start3A_59 = arith.constant 0 : i32
    %dma_start3A_60 = tpu.memref_slice %arg2[%dma_start3A_54, %dma_start3A_59] : memref<6x131072xf32, #tpu.memory_space<hbm>> -> memref<1x131072xf32, #tpu.memory_space<hbm>>
    %dma_start3A_61 = tpu.memref_squeeze %dma_start3A_60 : memref<1x131072xf32, #tpu.memory_space<hbm>> -> memref<131072xf32, #tpu.memory_space<hbm>>
    %dma_start3A_62 = arith.constant 0 : i32
    %dma_start3A_63 = tpu.memref_slice %dma_start3A_61[%dma_start3A_62] : memref<131072xf32, #tpu.memory_space<hbm>> -> memref<131072xf32, #tpu.memory_space<hbm>>
    tpu.enqueue_indirect_dma source(%dma_start3A_63 : memref<131072xf32, #tpu.memory_space<hbm>>) target(%dma_start3A_58 : memref<8448xf32, #tpu.memory_space<vmem>>) offsets(%arg5 : memref<8448xi32, #tpu.memory_space<vmem>>) semaphore(%arg7 : memref<!tpu.dma_semaphore, #tpu.memory_space<semaphore_mem>>)
    %dma_wait3A = arith.constant 0 : i32
    %dma_wait3A_64 = arith.constant 0 : i32
    %dma_wait3A_65 = arith.constant 0 : i32
    %dma_wait3A_66 = tpu.memref_slice %arg6[%dma_wait3A_64, %dma_wait3A_65] : memref<6x8448xf32, #tpu.memory_space<vmem>> -> memref<1x8448xf32, #tpu.memory_space<vmem>>
    %dma_wait3A_67 = tpu.memref_squeeze %dma_wait3A_66 : memref<1x8448xf32, #tpu.memory_space<vmem>> -> memref<8448xf32, #tpu.memory_space<vmem>>
    %dma_wait3A_68 = arith.constant 0 : i32
    %dma_wait3A_69 = tpu.memref_slice %arg2[%dma_wait3A, %dma_wait3A_68] : memref<6x131072xf32, #tpu.memory_space<hbm>> -> memref<1x131072xf32, #tpu.memory_space<hbm>>
    %dma_wait3A_70 = tpu.memref_squeeze %dma_wait3A_69 : memref<1x131072xf32, #tpu.memory_space<hbm>> -> memref<131072xf32, #tpu.memory_space<hbm>>
    %dma_wait3A_71 = arith.constant 0 : i32
    %dma_wait3A_72 = tpu.memref_slice %dma_wait3A_70[%dma_wait3A_71] : memref<131072xf32, #tpu.memory_space<hbm>> -> memref<131072xf32, #tpu.memory_space<hbm>>
    tpu.wait_indirect_dma semaphore(%arg7 : memref<!tpu.dma_semaphore, #tpu.memory_space<semaphore_mem>>) src(%dma_wait3A_72 : memref<131072xf32, #tpu.memory_space<hbm>>) dst(%dma_wait3A_67 : memref<8448xf32, #tpu.memory_space<vmem>>)
    %dma_wait3A_73 = arith.constant 1 : i32
    %dma_wait3A_74 = arith.constant 1 : i32
    %dma_wait3A_75 = arith.constant 0 : i32
    %dma_wait3A_76 = tpu.memref_slice %arg6[%dma_wait3A_74, %dma_wait3A_75] : memref<6x8448xf32, #tpu.memory_space<vmem>> -> memref<1x8448xf32, #tpu.memory_space<vmem>>
    %dma_wait3A_77 = tpu.memref_squeeze %dma_wait3A_76 : memref<1x8448xf32, #tpu.memory_space<vmem>> -> memref<8448xf32, #tpu.memory_space<vmem>>
    %dma_wait3A_78 = arith.constant 0 : i32
    %dma_wait3A_79 = tpu.memref_slice %arg2[%dma_wait3A_73, %dma_wait3A_78] : memref<6x131072xf32, #tpu.memory_space<hbm>> -> memref<1x131072xf32, #tpu.memory_space<hbm>>
    %dma_wait3A_80 = tpu.memref_squeeze %dma_wait3A_79 : memref<1x131072xf32, #tpu.memory_space<hbm>> -> memref<131072xf32, #tpu.memory_space<hbm>>
    %dma_wait3A_81 = arith.constant 0 : i32
    %dma_wait3A_82 = tpu.memref_slice %dma_wait3A_80[%dma_wait3A_81] : memref<131072xf32, #tpu.memory_space<hbm>> -> memref<131072xf32, #tpu.memory_space<hbm>>
    tpu.wait_indirect_dma semaphore(%arg7 : memref<!tpu.dma_semaphore, #tpu.memory_space<semaphore_mem>>) src(%dma_wait3A_82 : memref<131072xf32, #tpu.memory_space<hbm>>) dst(%dma_wait3A_77 : memref<8448xf32, #tpu.memory_space<vmem>>)
    %dma_wait3A_83 = arith.constant 2 : i32
    %dma_wait3A_84 = arith.constant 2 : i32
    %dma_wait3A_85 = arith.constant 0 : i32
    %dma_wait3A_86 = tpu.memref_slice %arg6[%dma_wait3A_84, %dma_wait3A_85] : memref<6x8448xf32, #tpu.memory_space<vmem>> -> memref<1x8448xf32, #tpu.memory_space<vmem>>
    %dma_wait3A_87 = tpu.memref_squeeze %dma_wait3A_86 : memref<1x8448xf32, #tpu.memory_space<vmem>> -> memref<8448xf32, #tpu.memory_space<vmem>>
    %dma_wait3A_88 = arith.constant 0 : i32
    %dma_wait3A_89 = tpu.memref_slice %arg2[%dma_wait3A_83, %dma_wait3A_88] : memref<6x131072xf32, #tpu.memory_space<hbm>> -> memref<1x131072xf32, #tpu.memory_space<hbm>>
    %dma_wait3A_90 = tpu.memref_squeeze %dma_wait3A_89 : memref<1x131072xf32, #tpu.memory_space<hbm>> -> memref<131072xf32, #tpu.memory_space<hbm>>
    %dma_wait3A_91 = arith.constant 0 : i32
    %dma_wait3A_92 = tpu.memref_slice %dma_wait3A_90[%dma_wait3A_91] : memref<131072xf32, #tpu.memory_space<hbm>> -> memref<131072xf32, #tpu.memory_space<hbm>>
    tpu.wait_indirect_dma semaphore(%arg7 : memref<!tpu.dma_semaphore, #tpu.memory_space<semaphore_mem>>) src(%dma_wait3A_92 : memref<131072xf32, #tpu.memory_space<hbm>>) dst(%dma_wait3A_87 : memref<8448xf32, #tpu.memory_space<vmem>>)
    %dma_wait3A_93 = arith.constant 3 : i32
    %dma_wait3A_94 = arith.constant 3 : i32
    %dma_wait3A_95 = arith.constant 0 : i32
    %dma_wait3A_96 = tpu.memref_slice %arg6[%dma_wait3A_94, %dma_wait3A_95] : memref<6x8448xf32, #tpu.memory_space<vmem>> -> memref<1x8448xf32, #tpu.memory_space<vmem>>
    %dma_wait3A_97 = tpu.memref_squeeze %dma_wait3A_96 : memref<1x8448xf32, #tpu.memory_space<vmem>> -> memref<8448xf32, #tpu.memory_space<vmem>>
    %dma_wait3A_98 = arith.constant 0 : i32
    %dma_wait3A_99 = tpu.memref_slice %arg2[%dma_wait3A_93, %dma_wait3A_98] : memref<6x131072xf32, #tpu.memory_space<hbm>> -> memref<1x131072xf32, #tpu.memory_space<hbm>>
    %dma_wait3A_100 = tpu.memref_squeeze %dma_wait3A_99 : memref<1x131072xf32, #tpu.memory_space<hbm>> -> memref<131072xf32, #tpu.memory_space<hbm>>
    %dma_wait3A_101 = arith.constant 0 : i32
    %dma_wait3A_102 = tpu.memref_slice %dma_wait3A_100[%dma_wait3A_101] : memref<131072xf32, #tpu.memory_space<hbm>> -> memref<131072xf32, #tpu.memory_space<hbm>>
    tpu.wait_indirect_dma semaphore(%arg7 : memref<!tpu.dma_semaphore, #tpu.memory_space<semaphore_mem>>) src(%dma_wait3A_102 : memref<131072xf32, #tpu.memory_space<hbm>>) dst(%dma_wait3A_97 : memref<8448xf32, #tpu.memory_space<vmem>>)
    %dma_wait3A_103 = arith.constant 4 : i32
    %dma_wait3A_104 = arith.constant 4 : i32
    %dma_wait3A_105 = arith.constant 0 : i32
    %dma_wait3A_106 = tpu.memref_slice %arg6[%dma_wait3A_104, %dma_wait3A_105] : memref<6x8448xf32, #tpu.memory_space<vmem>> -> memref<1x8448xf32, #tpu.memory_space<vmem>>
    %dma_wait3A_107 = tpu.memref_squeeze %dma_wait3A_106 : memref<1x8448xf32, #tpu.memory_space<vmem>> -> memref<8448xf32, #tpu.memory_space<vmem>>
    %dma_wait3A_108 = arith.constant 0 : i32
    %dma_wait3A_109 = tpu.memref_slice %arg2[%dma_wait3A_103, %dma_wait3A_108] : memref<6x131072xf32, #tpu.memory_space<hbm>> -> memref<1x131072xf32, #tpu.memory_space<hbm>>
    %dma_wait3A_110 = tpu.memref_squeeze %dma_wait3A_109 : memref<1x131072xf32, #tpu.memory_space<hbm>> -> memref<131072xf32, #tpu.memory_space<hbm>>
    %dma_wait3A_111 = arith.constant 0 : i32
    %dma_wait3A_112 = tpu.memref_slice %dma_wait3A_110[%dma_wait3A_111] : memref<131072xf32, #tpu.memory_space<hbm>> -> memref<131072xf32, #tpu.memory_space<hbm>>
    tpu.wait_indirect_dma semaphore(%arg7 : memref<!tpu.dma_semaphore, #tpu.memory_space<semaphore_mem>>) src(%dma_wait3A_112 : memref<131072xf32, #tpu.memory_space<hbm>>) dst(%dma_wait3A_107 : memref<8448xf32, #tpu.memory_space<vmem>>)
    %dma_wait3A_113 = arith.constant 5 : i32
    %dma_wait3A_114 = arith.constant 5 : i32
    %dma_wait3A_115 = arith.constant 0 : i32
    %dma_wait3A_116 = tpu.memref_slice %arg6[%dma_wait3A_114, %dma_wait3A_115] : memref<6x8448xf32, #tpu.memory_space<vmem>> -> memref<1x8448xf32, #tpu.memory_space<vmem>>
    %dma_wait3A_117 = tpu.memref_squeeze %dma_wait3A_116 : memref<1x8448xf32, #tpu.memory_space<vmem>> -> memref<8448xf32, #tpu.memory_space<vmem>>
    %dma_wait3A_118 = arith.constant 0 : i32
    %dma_wait3A_119 = tpu.memref_slice %arg2[%dma_wait3A_113, %dma_wait3A_118] : memref<6x131072xf32, #tpu.memory_space<hbm>> -> memref<1x131072xf32, #tpu.memory_space<hbm>>
    %dma_wait3A_120 = tpu.memref_squeeze %dma_wait3A_119 : memref<1x131072xf32, #tpu.memory_space<hbm>> -> memref<131072xf32, #tpu.memory_space<hbm>>
    %dma_wait3A_121 = arith.constant 0 : i32
    %dma_wait3A_122 = tpu.memref_slice %dma_wait3A_120[%dma_wait3A_121] : memref<131072xf32, #tpu.memory_space<hbm>> -> memref<131072xf32, #tpu.memory_space<hbm>>
    tpu.wait_indirect_dma semaphore(%arg7 : memref<!tpu.dma_semaphore, #tpu.memory_space<semaphore_mem>>) src(%dma_wait3A_122 : memref<131072xf32, #tpu.memory_space<hbm>>) dst(%dma_wait3A_117 : memref<8448xf32, #tpu.memory_space<vmem>>)
    "tpu.region"() ({
      %run_scoped3A = tpu.sem_alloc : memref<!tpu.dma_semaphore, #tpu.memory_space<semaphore_mem>>
      %dma_start3A_245 = arith.constant 0 : i32
      %dma_start3A_246 = tpu.memref_slice %arg4[%dma_start3A_245, %add3A_4] : memref<6x540672xf32, #tpu.memory_space<hbm>> -> memref<6x8448xf32, #tpu.memory_space<hbm>>
      %dma_start3A_247 = arith.constant 0 : i32
      %dma_start3A_248 = tpu.memref_slice %arg4[%dma_start3A_247, %add3A_4] : memref<6x540672xf32, #tpu.memory_space<hbm>> -> memref<6x8448xf32, #tpu.memory_space<hbm>>
      tpu.enqueue_dma source(%arg6 : memref<6x8448xf32, #tpu.memory_space<vmem>>) target(%dma_start3A_248 : memref<6x8448xf32, #tpu.memory_space<hbm>>) target_semaphore(%run_scoped3A : memref<!tpu.dma_semaphore, #tpu.memory_space<semaphore_mem>>)
      %dma_wait3A_249 = arith.constant 0 : i32
      %dma_wait3A_250 = tpu.memref_slice %arg4[%dma_wait3A_249, %add3A_4] : memref<6x540672xf32, #tpu.memory_space<hbm>> -> memref<6x8448xf32, #tpu.memory_space<hbm>>
      %dma_wait3A_251 = arith.constant 0 : i32
      %dma_wait3A_252 = tpu.memref_slice %arg4[%dma_wait3A_251, %add3A_4] : memref<6x540672xf32, #tpu.memory_space<hbm>> -> memref<6x8448xf32, #tpu.memory_space<hbm>>
      tpu.wait_dma2 semaphore(%run_scoped3A : memref<!tpu.dma_semaphore, #tpu.memory_space<semaphore_mem>>) src(%arg6 : memref<6x8448xf32, #tpu.memory_space<vmem>>) dst(%dma_wait3A_252 : memref<6x8448xf32, #tpu.memory_space<hbm>>)
      tpu.yield
    }) : () -> ()
    %add3A_123 = arith.constant 8448 : i32
    %add3A_124 = arith.addi %mul3A_2, %add3A_123 : i32
    "tpu.region"() ({
      %run_scoped3A = tpu.sem_alloc : memref<!tpu.dma_semaphore, #tpu.memory_space<semaphore_mem>>
      %dma_start3A_245 = tpu.memref_slice %arg3[%add3A_124] : memref<540672xi32, #tpu.memory_space<hbm>> -> memref<8448xi32, #tpu.memory_space<hbm>>
      %dma_start3A_246 = tpu.memref_slice %arg3[%add3A_124] : memref<540672xi32, #tpu.memory_space<hbm>> -> memref<8448xi32, #tpu.memory_space<hbm>>
      tpu.enqueue_dma source(%dma_start3A_246 : memref<8448xi32, #tpu.memory_space<hbm>>) target(%arg5 : memref<8448xi32, #tpu.memory_space<vmem>>) target_semaphore(%run_scoped3A : memref<!tpu.dma_semaphore, #tpu.memory_space<semaphore_mem>>)
      %dma_wait3A_247 = tpu.memref_slice %arg3[%add3A_124] : memref<540672xi32, #tpu.memory_space<hbm>> -> memref<8448xi32, #tpu.memory_space<hbm>>
      %dma_wait3A_248 = tpu.memref_slice %arg3[%add3A_124] : memref<540672xi32, #tpu.memory_space<hbm>> -> memref<8448xi32, #tpu.memory_space<hbm>>
      tpu.wait_dma2 semaphore(%run_scoped3A : memref<!tpu.dma_semaphore, #tpu.memory_space<semaphore_mem>>) src(%dma_wait3A_248 : memref<8448xi32, #tpu.memory_space<hbm>>) dst(%arg5 : memref<8448xi32, #tpu.memory_space<vmem>>)
      tpu.yield
    }) : () -> ()
    %dma_start3A_125 = arith.constant 0 : i32
    %dma_start3A_126 = arith.constant 0 : i32
    %dma_start3A_127 = arith.constant 0 : i32
    %dma_start3A_128 = tpu.memref_slice %arg6[%dma_start3A_126, %dma_start3A_127] : memref<6x8448xf32, #tpu.memory_space<vmem>> -> memref<1x8448xf32, #tpu.memory_space<vmem>>
    %dma_start3A_129 = tpu.memref_squeeze %dma_start3A_128 : memref<1x8448xf32, #tpu.memory_space<vmem>> -> memref<8448xf32, #tpu.memory_space<vmem>>
    %dma_start3A_130 = arith.constant 0 : i32
    %dma_start3A_131 = tpu.memref_slice %arg2[%dma_start3A_125, %dma_start3A_130] : memref<6x131072xf32, #tpu.memory_space<hbm>> -> memref<1x131072xf32, #tpu.memory_space<hbm>>
    %dma_start3A_132 = tpu.memref_squeeze %dma_start3A_131 : memref<1x131072xf32, #tpu.memory_space<hbm>> -> memref<131072xf32, #tpu.memory_space<hbm>>
    %dma_start3A_133 = arith.constant 0 : i32
    %dma_start3A_134 = tpu.memref_slice %dma_start3A_132[%dma_start3A_133] : memref<131072xf32, #tpu.memory_space<hbm>> -> memref<131072xf32, #tpu.memory_space<hbm>>
    tpu.enqueue_indirect_dma source(%dma_start3A_134 : memref<131072xf32, #tpu.memory_space<hbm>>) target(%dma_start3A_129 : memref<8448xf32, #tpu.memory_space<vmem>>) offsets(%arg5 : memref<8448xi32, #tpu.memory_space<vmem>>) semaphore(%arg7 : memref<!tpu.dma_semaphore, #tpu.memory_space<semaphore_mem>>)
    %dma_start3A_135 = arith.constant 1 : i32
    %dma_start3A_136 = arith.constant 1 : i32
    %dma_start3A_137 = arith.constant 0 : i32
    %dma_start3A_138 = tpu.memref_slice %arg6[%dma_start3A_136, %dma_start3A_137] : memref<6x8448xf32, #tpu.memory_space<vmem>> -> memref<1x8448xf32, #tpu.memory_space<vmem>>
    %dma_start3A_139 = tpu.memref_squeeze %dma_start3A_138 : memref<1x8448xf32, #tpu.memory_space<vmem>> -> memref<8448xf32, #tpu.memory_space<vmem>>
    %dma_start3A_140 = arith.constant 0 : i32
    %dma_start3A_141 = tpu.memref_slice %arg2[%dma_start3A_135, %dma_start3A_140] : memref<6x131072xf32, #tpu.memory_space<hbm>> -> memref<1x131072xf32, #tpu.memory_space<hbm>>
    %dma_start3A_142 = tpu.memref_squeeze %dma_start3A_141 : memref<1x131072xf32, #tpu.memory_space<hbm>> -> memref<131072xf32, #tpu.memory_space<hbm>>
    %dma_start3A_143 = arith.constant 0 : i32
    %dma_start3A_144 = tpu.memref_slice %dma_start3A_142[%dma_start3A_143] : memref<131072xf32, #tpu.memory_space<hbm>> -> memref<131072xf32, #tpu.memory_space<hbm>>
    tpu.enqueue_indirect_dma source(%dma_start3A_144 : memref<131072xf32, #tpu.memory_space<hbm>>) target(%dma_start3A_139 : memref<8448xf32, #tpu.memory_space<vmem>>) offsets(%arg5 : memref<8448xi32, #tpu.memory_space<vmem>>) semaphore(%arg7 : memref<!tpu.dma_semaphore, #tpu.memory_space<semaphore_mem>>)
    %dma_start3A_145 = arith.constant 2 : i32
    %dma_start3A_146 = arith.constant 2 : i32
    %dma_start3A_147 = arith.constant 0 : i32
    %dma_start3A_148 = tpu.memref_slice %arg6[%dma_start3A_146, %dma_start3A_147] : memref<6x8448xf32, #tpu.memory_space<vmem>> -> memref<1x8448xf32, #tpu.memory_space<vmem>>
    %dma_start3A_149 = tpu.memref_squeeze %dma_start3A_148 : memref<1x8448xf32, #tpu.memory_space<vmem>> -> memref<8448xf32, #tpu.memory_space<vmem>>
    %dma_start3A_150 = arith.constant 0 : i32
    %dma_start3A_151 = tpu.memref_slice %arg2[%dma_start3A_145, %dma_start3A_150] : memref<6x131072xf32, #tpu.memory_space<hbm>> -> memref<1x131072xf32, #tpu.memory_space<hbm>>
    %dma_start3A_152 = tpu.memref_squeeze %dma_start3A_151 : memref<1x131072xf32, #tpu.memory_space<hbm>> -> memref<131072xf32, #tpu.memory_space<hbm>>
    %dma_start3A_153 = arith.constant 0 : i32
    %dma_start3A_154 = tpu.memref_slice %dma_start3A_152[%dma_start3A_153] : memref<131072xf32, #tpu.memory_space<hbm>> -> memref<131072xf32, #tpu.memory_space<hbm>>
    tpu.enqueue_indirect_dma source(%dma_start3A_154 : memref<131072xf32, #tpu.memory_space<hbm>>) target(%dma_start3A_149 : memref<8448xf32, #tpu.memory_space<vmem>>) offsets(%arg5 : memref<8448xi32, #tpu.memory_space<vmem>>) semaphore(%arg7 : memref<!tpu.dma_semaphore, #tpu.memory_space<semaphore_mem>>)
    %dma_start3A_155 = arith.constant 3 : i32
    %dma_start3A_156 = arith.constant 3 : i32
    %dma_start3A_157 = arith.constant 0 : i32
    %dma_start3A_158 = tpu.memref_slice %arg6[%dma_start3A_156, %dma_start3A_157] : memref<6x8448xf32, #tpu.memory_space<vmem>> -> memref<1x8448xf32, #tpu.memory_space<vmem>>
    %dma_start3A_159 = tpu.memref_squeeze %dma_start3A_158 : memref<1x8448xf32, #tpu.memory_space<vmem>> -> memref<8448xf32, #tpu.memory_space<vmem>>
    %dma_start3A_160 = arith.constant 0 : i32
    %dma_start3A_161 = tpu.memref_slice %arg2[%dma_start3A_155, %dma_start3A_160] : memref<6x131072xf32, #tpu.memory_space<hbm>> -> memref<1x131072xf32, #tpu.memory_space<hbm>>
    %dma_start3A_162 = tpu.memref_squeeze %dma_start3A_161 : memref<1x131072xf32, #tpu.memory_space<hbm>> -> memref<131072xf32, #tpu.memory_space<hbm>>
    %dma_start3A_163 = arith.constant 0 : i32
    %dma_start3A_164 = tpu.memref_slice %dma_start3A_162[%dma_start3A_163] : memref<131072xf32, #tpu.memory_space<hbm>> -> memref<131072xf32, #tpu.memory_space<hbm>>
    tpu.enqueue_indirect_dma source(%dma_start3A_164 : memref<131072xf32, #tpu.memory_space<hbm>>) target(%dma_start3A_159 : memref<8448xf32, #tpu.memory_space<vmem>>) offsets(%arg5 : memref<8448xi32, #tpu.memory_space<vmem>>) semaphore(%arg7 : memref<!tpu.dma_semaphore, #tpu.memory_space<semaphore_mem>>)
    %dma_start3A_165 = arith.constant 4 : i32
    %dma_start3A_166 = arith.constant 4 : i32
    %dma_start3A_167 = arith.constant 0 : i32
    %dma_start3A_168 = tpu.memref_slice %arg6[%dma_start3A_166, %dma_start3A_167] : memref<6x8448xf32, #tpu.memory_space<vmem>> -> memref<1x8448xf32, #tpu.memory_space<vmem>>
    %dma_start3A_169 = tpu.memref_squeeze %dma_start3A_168 : memref<1x8448xf32, #tpu.memory_space<vmem>> -> memref<8448xf32, #tpu.memory_space<vmem>>
    %dma_start3A_170 = arith.constant 0 : i32
    %dma_start3A_171 = tpu.memref_slice %arg2[%dma_start3A_165, %dma_start3A_170] : memref<6x131072xf32, #tpu.memory_space<hbm>> -> memref<1x131072xf32, #tpu.memory_space<hbm>>
    %dma_start3A_172 = tpu.memref_squeeze %dma_start3A_171 : memref<1x131072xf32, #tpu.memory_space<hbm>> -> memref<131072xf32, #tpu.memory_space<hbm>>
    %dma_start3A_173 = arith.constant 0 : i32
    %dma_start3A_174 = tpu.memref_slice %dma_start3A_172[%dma_start3A_173] : memref<131072xf32, #tpu.memory_space<hbm>> -> memref<131072xf32, #tpu.memory_space<hbm>>
    tpu.enqueue_indirect_dma source(%dma_start3A_174 : memref<131072xf32, #tpu.memory_space<hbm>>) target(%dma_start3A_169 : memref<8448xf32, #tpu.memory_space<vmem>>) offsets(%arg5 : memref<8448xi32, #tpu.memory_space<vmem>>) semaphore(%arg7 : memref<!tpu.dma_semaphore, #tpu.memory_space<semaphore_mem>>)
    %dma_start3A_175 = arith.constant 5 : i32
    %dma_start3A_176 = arith.constant 5 : i32
    %dma_start3A_177 = arith.constant 0 : i32
    %dma_start3A_178 = tpu.memref_slice %arg6[%dma_start3A_176, %dma_start3A_177] : memref<6x8448xf32, #tpu.memory_space<vmem>> -> memref<1x8448xf32, #tpu.memory_space<vmem>>
    %dma_start3A_179 = tpu.memref_squeeze %dma_start3A_178 : memref<1x8448xf32, #tpu.memory_space<vmem>> -> memref<8448xf32, #tpu.memory_space<vmem>>
    %dma_start3A_180 = arith.constant 0 : i32
    %dma_start3A_181 = tpu.memref_slice %arg2[%dma_start3A_175, %dma_start3A_180] : memref<6x131072xf32, #tpu.memory_space<hbm>> -> memref<1x131072xf32, #tpu.memory_space<hbm>>
    %dma_start3A_182 = tpu.memref_squeeze %dma_start3A_181 : memref<1x131072xf32, #tpu.memory_space<hbm>> -> memref<131072xf32, #tpu.memory_space<hbm>>
    %dma_start3A_183 = arith.constant 0 : i32
    %dma_start3A_184 = tpu.memref_slice %dma_start3A_182[%dma_start3A_183] : memref<131072xf32, #tpu.memory_space<hbm>> -> memref<131072xf32, #tpu.memory_space<hbm>>
    tpu.enqueue_indirect_dma source(%dma_start3A_184 : memref<131072xf32, #tpu.memory_space<hbm>>) target(%dma_start3A_179 : memref<8448xf32, #tpu.memory_space<vmem>>) offsets(%arg5 : memref<8448xi32, #tpu.memory_space<vmem>>) semaphore(%arg7 : memref<!tpu.dma_semaphore, #tpu.memory_space<semaphore_mem>>)
    %dma_wait3A_185 = arith.constant 0 : i32
    %dma_wait3A_186 = arith.constant 0 : i32
    %dma_wait3A_187 = arith.constant 0 : i32
    %dma_wait3A_188 = tpu.memref_slice %arg6[%dma_wait3A_186, %dma_wait3A_187] : memref<6x8448xf32, #tpu.memory_space<vmem>> -> memref<1x8448xf32, #tpu.memory_space<vmem>>
    %dma_wait3A_189 = tpu.memref_squeeze %dma_wait3A_188 : memref<1x8448xf32, #tpu.memory_space<vmem>> -> memref<8448xf32, #tpu.memory_space<vmem>>
    %dma_wait3A_190 = arith.constant 0 : i32
    %dma_wait3A_191 = tpu.memref_slice %arg2[%dma_wait3A_185, %dma_wait3A_190] : memref<6x131072xf32, #tpu.memory_space<hbm>> -> memref<1x131072xf32, #tpu.memory_space<hbm>>
    %dma_wait3A_192 = tpu.memref_squeeze %dma_wait3A_191 : memref<1x131072xf32, #tpu.memory_space<hbm>> -> memref<131072xf32, #tpu.memory_space<hbm>>
    %dma_wait3A_193 = arith.constant 0 : i32
    %dma_wait3A_194 = tpu.memref_slice %dma_wait3A_192[%dma_wait3A_193] : memref<131072xf32, #tpu.memory_space<hbm>> -> memref<131072xf32, #tpu.memory_space<hbm>>
    tpu.wait_indirect_dma semaphore(%arg7 : memref<!tpu.dma_semaphore, #tpu.memory_space<semaphore_mem>>) src(%dma_wait3A_194 : memref<131072xf32, #tpu.memory_space<hbm>>) dst(%dma_wait3A_189 : memref<8448xf32, #tpu.memory_space<vmem>>)
    %dma_wait3A_195 = arith.constant 1 : i32
    %dma_wait3A_196 = arith.constant 1 : i32
    %dma_wait3A_197 = arith.constant 0 : i32
    %dma_wait3A_198 = tpu.memref_slice %arg6[%dma_wait3A_196, %dma_wait3A_197] : memref<6x8448xf32, #tpu.memory_space<vmem>> -> memref<1x8448xf32, #tpu.memory_space<vmem>>
    %dma_wait3A_199 = tpu.memref_squeeze %dma_wait3A_198 : memref<1x8448xf32, #tpu.memory_space<vmem>> -> memref<8448xf32, #tpu.memory_space<vmem>>
    %dma_wait3A_200 = arith.constant 0 : i32
    %dma_wait3A_201 = tpu.memref_slice %arg2[%dma_wait3A_195, %dma_wait3A_200] : memref<6x131072xf32, #tpu.memory_space<hbm>> -> memref<1x131072xf32, #tpu.memory_space<hbm>>
    %dma_wait3A_202 = tpu.memref_squeeze %dma_wait3A_201 : memref<1x131072xf32, #tpu.memory_space<hbm>> -> memref<131072xf32, #tpu.memory_space<hbm>>
    %dma_wait3A_203 = arith.constant 0 : i32
    %dma_wait3A_204 = tpu.memref_slice %dma_wait3A_202[%dma_wait3A_203] : memref<131072xf32, #tpu.memory_space<hbm>> -> memref<131072xf32, #tpu.memory_space<hbm>>
    tpu.wait_indirect_dma semaphore(%arg7 : memref<!tpu.dma_semaphore, #tpu.memory_space<semaphore_mem>>) src(%dma_wait3A_204 : memref<131072xf32, #tpu.memory_space<hbm>>) dst(%dma_wait3A_199 : memref<8448xf32, #tpu.memory_space<vmem>>)
    %dma_wait3A_205 = arith.constant 2 : i32
    %dma_wait3A_206 = arith.constant 2 : i32
    %dma_wait3A_207 = arith.constant 0 : i32
    %dma_wait3A_208 = tpu.memref_slice %arg6[%dma_wait3A_206, %dma_wait3A_207] : memref<6x8448xf32, #tpu.memory_space<vmem>> -> memref<1x8448xf32, #tpu.memory_space<vmem>>
    %dma_wait3A_209 = tpu.memref_squeeze %dma_wait3A_208 : memref<1x8448xf32, #tpu.memory_space<vmem>> -> memref<8448xf32, #tpu.memory_space<vmem>>
    %dma_wait3A_210 = arith.constant 0 : i32
    %dma_wait3A_211 = tpu.memref_slice %arg2[%dma_wait3A_205, %dma_wait3A_210] : memref<6x131072xf32, #tpu.memory_space<hbm>> -> memref<1x131072xf32, #tpu.memory_space<hbm>>
    %dma_wait3A_212 = tpu.memref_squeeze %dma_wait3A_211 : memref<1x131072xf32, #tpu.memory_space<hbm>> -> memref<131072xf32, #tpu.memory_space<hbm>>
    %dma_wait3A_213 = arith.constant 0 : i32
    %dma_wait3A_214 = tpu.memref_slice %dma_wait3A_212[%dma_wait3A_213] : memref<131072xf32, #tpu.memory_space<hbm>> -> memref<131072xf32, #tpu.memory_space<hbm>>
    tpu.wait_indirect_dma semaphore(%arg7 : memref<!tpu.dma_semaphore, #tpu.memory_space<semaphore_mem>>) src(%dma_wait3A_214 : memref<131072xf32, #tpu.memory_space<hbm>>) dst(%dma_wait3A_209 : memref<8448xf32, #tpu.memory_space<vmem>>)
    %dma_wait3A_215 = arith.constant 3 : i32
    %dma_wait3A_216 = arith.constant 3 : i32
    %dma_wait3A_217 = arith.constant 0 : i32
    %dma_wait3A_218 = tpu.memref_slice %arg6[%dma_wait3A_216, %dma_wait3A_217] : memref<6x8448xf32, #tpu.memory_space<vmem>> -> memref<1x8448xf32, #tpu.memory_space<vmem>>
    %dma_wait3A_219 = tpu.memref_squeeze %dma_wait3A_218 : memref<1x8448xf32, #tpu.memory_space<vmem>> -> memref<8448xf32, #tpu.memory_space<vmem>>
    %dma_wait3A_220 = arith.constant 0 : i32
    %dma_wait3A_221 = tpu.memref_slice %arg2[%dma_wait3A_215, %dma_wait3A_220] : memref<6x131072xf32, #tpu.memory_space<hbm>> -> memref<1x131072xf32, #tpu.memory_space<hbm>>
    %dma_wait3A_222 = tpu.memref_squeeze %dma_wait3A_221 : memref<1x131072xf32, #tpu.memory_space<hbm>> -> memref<131072xf32, #tpu.memory_space<hbm>>
    %dma_wait3A_223 = arith.constant 0 : i32
    %dma_wait3A_224 = tpu.memref_slice %dma_wait3A_222[%dma_wait3A_223] : memref<131072xf32, #tpu.memory_space<hbm>> -> memref<131072xf32, #tpu.memory_space<hbm>>
    tpu.wait_indirect_dma semaphore(%arg7 : memref<!tpu.dma_semaphore, #tpu.memory_space<semaphore_mem>>) src(%dma_wait3A_224 : memref<131072xf32, #tpu.memory_space<hbm>>) dst(%dma_wait3A_219 : memref<8448xf32, #tpu.memory_space<vmem>>)
    %dma_wait3A_225 = arith.constant 4 : i32
    %dma_wait3A_226 = arith.constant 4 : i32
    %dma_wait3A_227 = arith.constant 0 : i32
    %dma_wait3A_228 = tpu.memref_slice %arg6[%dma_wait3A_226, %dma_wait3A_227] : memref<6x8448xf32, #tpu.memory_space<vmem>> -> memref<1x8448xf32, #tpu.memory_space<vmem>>
    %dma_wait3A_229 = tpu.memref_squeeze %dma_wait3A_228 : memref<1x8448xf32, #tpu.memory_space<vmem>> -> memref<8448xf32, #tpu.memory_space<vmem>>
    %dma_wait3A_230 = arith.constant 0 : i32
    %dma_wait3A_231 = tpu.memref_slice %arg2[%dma_wait3A_225, %dma_wait3A_230] : memref<6x131072xf32, #tpu.memory_space<hbm>> -> memref<1x131072xf32, #tpu.memory_space<hbm>>
    %dma_wait3A_232 = tpu.memref_squeeze %dma_wait3A_231 : memref<1x131072xf32, #tpu.memory_space<hbm>> -> memref<131072xf32, #tpu.memory_space<hbm>>
    %dma_wait3A_233 = arith.constant 0 : i32
    %dma_wait3A_234 = tpu.memref_slice %dma_wait3A_232[%dma_wait3A_233] : memref<131072xf32, #tpu.memory_space<hbm>> -> memref<131072xf32, #tpu.memory_space<hbm>>
    tpu.wait_indirect_dma semaphore(%arg7 : memref<!tpu.dma_semaphore, #tpu.memory_space<semaphore_mem>>) src(%dma_wait3A_234 : memref<131072xf32, #tpu.memory_space<hbm>>) dst(%dma_wait3A_229 : memref<8448xf32, #tpu.memory_space<vmem>>)
    %dma_wait3A_235 = arith.constant 5 : i32
    %dma_wait3A_236 = arith.constant 5 : i32
    %dma_wait3A_237 = arith.constant 0 : i32
    %dma_wait3A_238 = tpu.memref_slice %arg6[%dma_wait3A_236, %dma_wait3A_237] : memref<6x8448xf32, #tpu.memory_space<vmem>> -> memref<1x8448xf32, #tpu.memory_space<vmem>>
    %dma_wait3A_239 = tpu.memref_squeeze %dma_wait3A_238 : memref<1x8448xf32, #tpu.memory_space<vmem>> -> memref<8448xf32, #tpu.memory_space<vmem>>
    %dma_wait3A_240 = arith.constant 0 : i32
    %dma_wait3A_241 = tpu.memref_slice %arg2[%dma_wait3A_235, %dma_wait3A_240] : memref<6x131072xf32, #tpu.memory_space<hbm>> -> memref<1x131072xf32, #tpu.memory_space<hbm>>
    %dma_wait3A_242 = tpu.memref_squeeze %dma_wait3A_241 : memref<1x131072xf32, #tpu.memory_space<hbm>> -> memref<131072xf32, #tpu.memory_space<hbm>>
    %dma_wait3A_243 = arith.constant 0 : i32
    %dma_wait3A_244 = tpu.memref_slice %dma_wait3A_242[%dma_wait3A_243] : memref<131072xf32, #tpu.memory_space<hbm>> -> memref<131072xf32, #tpu.memory_space<hbm>>
    tpu.wait_indirect_dma semaphore(%arg7 : memref<!tpu.dma_semaphore, #tpu.memory_space<semaphore_mem>>) src(%dma_wait3A_244 : memref<131072xf32, #tpu.memory_space<hbm>>) dst(%dma_wait3A_239 : memref<8448xf32, #tpu.memory_space<vmem>>)
    "tpu.region"() ({
      %run_scoped3A = tpu.sem_alloc : memref<!tpu.dma_semaphore, #tpu.memory_space<semaphore_mem>>
      %dma_start3A_245 = arith.constant 0 : i32
      %dma_start3A_246 = tpu.memref_slice %arg4[%dma_start3A_245, %add3A_124] : memref<6x540672xf32, #tpu.memory_space<hbm>> -> memref<6x8448xf32, #tpu.memory_space<hbm>>
      %dma_start3A_247 = arith.constant 0 : i32
      %dma_start3A_248 = tpu.memref_slice %arg4[%dma_start3A_247, %add3A_124] : memref<6x540672xf32, #tpu.memory_space<hbm>> -> memref<6x8448xf32, #tpu.memory_space<hbm>>
      tpu.enqueue_dma source(%arg6 : memref<6x8448xf32, #tpu.memory_space<vmem>>) target(%dma_start3A_248 : memref<6x8448xf32, #tpu.memory_space<hbm>>) target_semaphore(%run_scoped3A : memref<!tpu.dma_semaphore, #tpu.memory_space<semaphore_mem>>)
      %dma_wait3A_249 = arith.constant 0 : i32
      %dma_wait3A_250 = tpu.memref_slice %arg4[%dma_wait3A_249, %add3A_124] : memref<6x540672xf32, #tpu.memory_space<hbm>> -> memref<6x8448xf32, #tpu.memory_space<hbm>>
      %dma_wait3A_251 = arith.constant 0 : i32
      %dma_wait3A_252 = tpu.memref_slice %arg4[%dma_wait3A_251, %add3A_124] : memref<6x540672xf32, #tpu.memory_space<hbm>> -> memref<6x8448xf32, #tpu.memory_space<hbm>>
      tpu.wait_dma2 semaphore(%run_scoped3A : memref<!tpu.dma_semaphore, #tpu.memory_space<semaphore_mem>>) src(%arg6 : memref<6x8448xf32, #tpu.memory_space<vmem>>) dst(%dma_wait3A_252 : memref<6x8448xf32, #tpu.memory_space<hbm>>)
      tpu.yield
    }) : () -> ()
    return
  }
}

module attributes {stable_mosaic.version = 14 : i64} {
  func.func @_feat_kernel(%arg0: i32, %arg1: i32, %arg2: memref<6x1x32x128xf32, #tpu.memory_space<vmem>>, %arg3: memref<6x1x1x128xf32, #tpu.memory_space<vmem>>, %arg4: memref<1x14x32x128xf32, #tpu.memory_space<vmem>>) attributes {dimension_semantics = [#tpu.dimension_semantics<arbitrary>, #tpu.dimension_semantics<arbitrary>], iteration_bounds = array<i64: 4, 32>, scalar_prefetch = 0 : i64, scratch_operands = 0 : i64, tpu.core_type = #tpu.core_type<tc>, window_params = [{transform_indices = @transform_0, window_bounds = array<i64: 6, 1, 32, 128>}, {transform_indices = @transform_1, window_bounds = array<i64: 6, 1, 1, 128>}, {transform_indices = @transform_2, window_bounds = array<i64: 1, 14, 32, 128>}]} {
    %get3A = arith.constant 0 : index
    %get3A_0 = arith.constant 0 : index
    %get3A_1 = arith.constant 0 : index
    %get3A_2 = arith.constant 0 : index
    %get3A_3 = vector.load %arg2[%get3A, %get3A_0, %get3A_1, %get3A_2] : memref<6x1x32x128xf32, #tpu.memory_space<vmem>>, vector<6x1x32x128xf32>
    %get3A_4 = vector.shape_cast %get3A_3 : vector<6x1x32x128xf32> to vector<6x32x128xf32>
    %get3A_5 = arith.constant 0 : index
    %get3A_6 = arith.constant 0 : index
    %get3A_7 = arith.constant 0 : index
    %get3A_8 = arith.constant 0 : index
    %get3A_9 = vector.load %arg3[%get3A_5, %get3A_6, %get3A_7, %get3A_8] : memref<6x1x1x128xf32, #tpu.memory_space<vmem>>, vector<6x1x1x128xf32>
    %get3A_10 = vector.shape_cast %get3A_9 : vector<6x1x1x128xf32> to vector<6x128xf32>
    %slice3A = vector.extract_strided_slice %get3A_4 {offsets = [0, 0, 0], sizes = [1, 32, 128], strides = [1, 1, 1]} : vector<6x32x128xf32> to vector<1x32x128xf32>
    %squeeze3A = vector.shape_cast %slice3A : vector<1x32x128xf32> to vector<32x128xf32>
    %slice3A_11 = vector.extract_strided_slice %get3A_4 {offsets = [1, 0, 0], sizes = [1, 32, 128], strides = [1, 1, 1]} : vector<6x32x128xf32> to vector<1x32x128xf32>
    %squeeze3A_12 = vector.shape_cast %slice3A_11 : vector<1x32x128xf32> to vector<32x128xf32>
    %slice3A_13 = vector.extract_strided_slice %get3A_4 {offsets = [2, 0, 0], sizes = [1, 32, 128], strides = [1, 1, 1]} : vector<6x32x128xf32> to vector<1x32x128xf32>
    %squeeze3A_14 = vector.shape_cast %slice3A_13 : vector<1x32x128xf32> to vector<32x128xf32>
    %slice3A_15 = vector.extract_strided_slice %get3A_4 {offsets = [3, 0, 0], sizes = [1, 32, 128], strides = [1, 1, 1]} : vector<6x32x128xf32> to vector<1x32x128xf32>
    %squeeze3A_16 = vector.shape_cast %slice3A_15 : vector<1x32x128xf32> to vector<32x128xf32>
    %slice3A_17 = vector.extract_strided_slice %get3A_4 {offsets = [4, 0, 0], sizes = [1, 32, 128], strides = [1, 1, 1]} : vector<6x32x128xf32> to vector<1x32x128xf32>
    %squeeze3A_18 = vector.shape_cast %slice3A_17 : vector<1x32x128xf32> to vector<32x128xf32>
    %slice3A_19 = vector.extract_strided_slice %get3A_4 {offsets = [5, 0, 0], sizes = [1, 32, 128], strides = [1, 1, 1]} : vector<6x32x128xf32> to vector<1x32x128xf32>
    %squeeze3A_20 = vector.shape_cast %slice3A_19 : vector<1x32x128xf32> to vector<32x128xf32>
    %slice3A_21 = vector.extract_strided_slice %get3A_10 {offsets = [0, 0], sizes = [1, 128], strides = [1, 1]} : vector<6x128xf32> to vector<1x128xf32>
    %slice3A_22 = vector.extract_strided_slice %get3A_10 {offsets = [1, 0], sizes = [1, 128], strides = [1, 1]} : vector<6x128xf32> to vector<1x128xf32>
    %slice3A_23 = vector.extract_strided_slice %get3A_10 {offsets = [2, 0], sizes = [1, 128], strides = [1, 1]} : vector<6x128xf32> to vector<1x128xf32>
    %slice3A_24 = vector.extract_strided_slice %get3A_10 {offsets = [3, 0], sizes = [1, 128], strides = [1, 1]} : vector<6x128xf32> to vector<1x128xf32>
    %slice3A_25 = vector.extract_strided_slice %get3A_10 {offsets = [4, 0], sizes = [1, 128], strides = [1, 1]} : vector<6x128xf32> to vector<1x128xf32>
    %slice3A_26 = vector.extract_strided_slice %get3A_10 {offsets = [5, 0], sizes = [1, 128], strides = [1, 1]} : vector<6x128xf32> to vector<1x128xf32>
    %sub3A = vector.broadcast %slice3A_21 : vector<1x128xf32> to vector<32x128xf32>
    %sub3A_27 = arith.subf %squeeze3A, %sub3A : vector<32x128xf32>
    %sub3A_28 = vector.broadcast %slice3A_22 : vector<1x128xf32> to vector<32x128xf32>
    %sub3A_29 = arith.subf %squeeze3A_12, %sub3A_28 : vector<32x128xf32>
    %sub3A_30 = vector.broadcast %slice3A_23 : vector<1x128xf32> to vector<32x128xf32>
    %sub3A_31 = arith.subf %squeeze3A_14, %sub3A_30 : vector<32x128xf32>
    %convert_element_type3A = arith.truncf %sub3A_27 : vector<32x128xf32> to vector<32x128xbf16>
    %convert_element_type3A_32 = arith.extf %convert_element_type3A : vector<32x128xbf16> to vector<32x128xf32>
    %convert_element_type3A_33 = arith.truncf %slice3A_24 : vector<1x128xf32> to vector<1x128xbf16>
    %convert_element_type3A_34 = arith.extf %convert_element_type3A_33 : vector<1x128xbf16> to vector<1x128xf32>
    %mul3A = vector.broadcast %convert_element_type3A_34 : vector<1x128xf32> to vector<32x128xf32>
    %mul3A_35 = arith.mulf %convert_element_type3A_32, %mul3A : vector<32x128xf32>
    %convert_element_type3A_36 = arith.truncf %sub3A_29 : vector<32x128xf32> to vector<32x128xbf16>
    %convert_element_type3A_37 = arith.extf %convert_element_type3A_36 : vector<32x128xbf16> to vector<32x128xf32>
    %convert_element_type3A_38 = arith.truncf %slice3A_25 : vector<1x128xf32> to vector<1x128xbf16>
    %convert_element_type3A_39 = arith.extf %convert_element_type3A_38 : vector<1x128xbf16> to vector<1x128xf32>
    %mul3A_40 = vector.broadcast %convert_element_type3A_39 : vector<1x128xf32> to vector<32x128xf32>
    %mul3A_41 = arith.mulf %convert_element_type3A_37, %mul3A_40 : vector<32x128xf32>
    %add3A = arith.addf %mul3A_35, %mul3A_41 : vector<32x128xf32>
    %convert_element_type3A_42 = arith.truncf %sub3A_31 : vector<32x128xf32> to vector<32x128xbf16>
    %convert_element_type3A_43 = arith.extf %convert_element_type3A_42 : vector<32x128xbf16> to vector<32x128xf32>
    %convert_element_type3A_44 = arith.truncf %slice3A_26 : vector<1x128xf32> to vector<1x128xbf16>
    %convert_element_type3A_45 = arith.extf %convert_element_type3A_44 : vector<1x128xbf16> to vector<1x128xf32>
    %mul3A_46 = vector.broadcast %convert_element_type3A_45 : vector<1x128xf32> to vector<32x128xf32>
    %mul3A_47 = arith.mulf %convert_element_type3A_43, %mul3A_46 : vector<32x128xf32>
    %add3A_48 = arith.addf %add3A, %mul3A_47 : vector<32x128xf32>
    %mul3A_49 = vector.broadcast %slice3A_24 : vector<1x128xf32> to vector<32x128xf32>
    %mul3A_50 = arith.mulf %add3A_48, %mul3A_49 : vector<32x128xf32>
    %sub3A_51 = arith.subf %sub3A_27, %mul3A_50 : vector<32x128xf32>
    %mul3A_52 = vector.broadcast %slice3A_25 : vector<1x128xf32> to vector<32x128xf32>
    %mul3A_53 = arith.mulf %add3A_48, %mul3A_52 : vector<32x128xf32>
    %sub3A_54 = arith.subf %sub3A_29, %mul3A_53 : vector<32x128xf32>
    %mul3A_55 = vector.broadcast %slice3A_26 : vector<1x128xf32> to vector<32x128xf32>
    %mul3A_56 = arith.mulf %add3A_48, %mul3A_55 : vector<32x128xf32>
    %sub3A_57 = arith.subf %sub3A_31, %mul3A_56 : vector<32x128xf32>
    %mul3A_58 = arith.mulf %sub3A_51, %sub3A_51 : vector<32x128xf32>
    %mul3A_59 = arith.mulf %sub3A_54, %sub3A_54 : vector<32x128xf32>
    %add3A_60 = arith.addf %mul3A_58, %mul3A_59 : vector<32x128xf32>
    %mul3A_61 = arith.mulf %sub3A_57, %sub3A_57 : vector<32x128xf32>
    %add3A_62 = arith.addf %add3A_60, %mul3A_61 : vector<32x128xf32>
    %sqrt3A = math.sqrt %add3A_62 : vector<32x128xf32>
    %div3A = arith.divf %sub3A_51, %sqrt3A : vector<32x128xf32>
    %div3A_63 = arith.divf %sub3A_54, %sqrt3A : vector<32x128xf32>
    %div3A_64 = arith.divf %sub3A_57, %sqrt3A : vector<32x128xf32>
    %ne3A = arith.cmpf one, %div3A, %div3A : vector<32x128xf32>
    %jit3A = arith.constant 0.000000e+00 : f32
    %broadcast_in_dim3A = vector.broadcast %jit3A : f32 to vector<32x128xf32>
    %select_n3A = arith.select %ne3A, %broadcast_in_dim3A, %div3A : vector<32x128xi1>, vector<32x128xf32>
    %ne3A_65 = arith.cmpf one, %div3A_63, %div3A_63 : vector<32x128xf32>
    %jit3A_66 = arith.constant 0.000000e+00 : f32
    %broadcast_in_dim3A_67 = vector.broadcast %jit3A_66 : f32 to vector<32x128xf32>
    %select_n3A_68 = arith.select %ne3A_65, %broadcast_in_dim3A_67, %div3A_63 : vector<32x128xi1>, vector<32x128xf32>
    %ne3A_69 = arith.cmpf one, %div3A_64, %div3A_64 : vector<32x128xf32>
    %jit3A_70 = arith.constant 0.000000e+00 : f32
    %broadcast_in_dim3A_71 = vector.broadcast %jit3A_70 : f32 to vector<32x128xf32>
    %select_n3A_72 = arith.select %ne3A_69, %broadcast_in_dim3A_71, %div3A_64 : vector<32x128xi1>, vector<32x128xf32>
    %iota3A = tpu.iota {dimensions = array<i32: 0>} : vector<32x128xi32>
    %reduce_max3A = arith.constant dense<0xFF800000> : vector<128xf32>
    %reduce_max3A_73 = vector.multi_reduction <maximumf>, %sqrt3A, %reduce_max3A [0] : vector<32x128xf32> to vector<128xf32>
    %broadcast_in_dim3A_74 = vector.shape_cast %reduce_max3A_73 : vector<128xf32> to vector<1x128xf32>
    %eq3A = vector.broadcast %broadcast_in_dim3A_74 : vector<1x128xf32> to vector<32x128xf32>
    %eq3A_75 = arith.cmpf oeq, %sqrt3A, %eq3A : vector<32x128xf32>
    %jit3A_76 = arith.constant 32 : i32
    %broadcast_in_dim3A_77 = vector.broadcast %jit3A_76 : i32 to vector<32x128xi32>
    %select_n3A_78 = arith.select %eq3A_75, %iota3A, %broadcast_in_dim3A_77 : vector<32x128xi1>, vector<32x128xi32>
    %reduce_min3A = arith.constant dense<2147483647> : vector<128xi32>
    %reduce_min3A_79 = vector.multi_reduction <minsi>, %select_n3A_78, %reduce_min3A [0] : vector<32x128xi32> to vector<128xi32>
    %broadcast_in_dim3A_80 = vector.shape_cast %reduce_min3A_79 : vector<128xi32> to vector<1x128xi32>
    %eq3A_81 = vector.broadcast %broadcast_in_dim3A_80 : vector<1x128xi32> to vector<32x128xi32>
    %eq3A_82 = arith.cmpi eq, %iota3A, %eq3A_81 : vector<32x128xi32>
    %jit3A_83 = arith.constant 0.000000e+00 : f32
    %broadcast_in_dim3A_84 = vector.broadcast %jit3A_83 : f32 to vector<32x128xf32>
    %select_n3A_85 = arith.select %eq3A_82, %select_n3A, %broadcast_in_dim3A_84 : vector<32x128xi1>, vector<32x128xf32>
    %reduce_sum3A = arith.constant dense<0.000000e+00> : vector<128xf32>
    %reduce_sum3A_86 = vector.multi_reduction <add>, %select_n3A_85, %reduce_sum3A [0] : vector<32x128xf32> to vector<128xf32>
    %broadcast_in_dim3A_87 = vector.shape_cast %reduce_sum3A_86 : vector<128xf32> to vector<1x128xf32>
    %jit3A_88 = arith.constant 0.000000e+00 : f32
    %broadcast_in_dim3A_89 = vector.broadcast %jit3A_88 : f32 to vector<32x128xf32>
    %select_n3A_90 = arith.select %eq3A_82, %select_n3A_68, %broadcast_in_dim3A_89 : vector<32x128xi1>, vector<32x128xf32>
    %reduce_sum3A_91 = arith.constant dense<0.000000e+00> : vector<128xf32>
    %reduce_sum3A_92 = vector.multi_reduction <add>, %select_n3A_90, %reduce_sum3A_91 [0] : vector<32x128xf32> to vector<128xf32>
    %broadcast_in_dim3A_93 = vector.shape_cast %reduce_sum3A_92 : vector<128xf32> to vector<1x128xf32>
    %jit3A_94 = arith.constant 0.000000e+00 : f32
    %broadcast_in_dim3A_95 = vector.broadcast %jit3A_94 : f32 to vector<32x128xf32>
    %select_n3A_96 = arith.select %eq3A_82, %select_n3A_72, %broadcast_in_dim3A_95 : vector<32x128xi1>, vector<32x128xf32>
    %reduce_sum3A_97 = arith.constant dense<0.000000e+00> : vector<128xf32>
    %reduce_sum3A_98 = vector.multi_reduction <add>, %select_n3A_96, %reduce_sum3A_97 [0] : vector<32x128xf32> to vector<128xf32>
    %broadcast_in_dim3A_99 = vector.shape_cast %reduce_sum3A_98 : vector<128xf32> to vector<1x128xf32>
    %convert_element_type3A_100 = arith.truncf %select_n3A : vector<32x128xf32> to vector<32x128xbf16>
    %convert_element_type3A_101 = arith.extf %convert_element_type3A_100 : vector<32x128xbf16> to vector<32x128xf32>
    %convert_element_type3A_102 = arith.truncf %broadcast_in_dim3A_87 : vector<1x128xf32> to vector<1x128xbf16>
    %convert_element_type3A_103 = arith.extf %convert_element_type3A_102 : vector<1x128xbf16> to vector<1x128xf32>
    %mul3A_104 = vector.broadcast %convert_element_type3A_103 : vector<1x128xf32> to vector<32x128xf32>
    %mul3A_105 = arith.mulf %convert_element_type3A_101, %mul3A_104 : vector<32x128xf32>
    %convert_element_type3A_106 = arith.truncf %select_n3A_68 : vector<32x128xf32> to vector<32x128xbf16>
    %convert_element_type3A_107 = arith.extf %convert_element_type3A_106 : vector<32x128xbf16> to vector<32x128xf32>
    %convert_element_type3A_108 = arith.truncf %broadcast_in_dim3A_93 : vector<1x128xf32> to vector<1x128xbf16>
    %convert_element_type3A_109 = arith.extf %convert_element_type3A_108 : vector<1x128xbf16> to vector<1x128xf32>
    %mul3A_110 = vector.broadcast %convert_element_type3A_109 : vector<1x128xf32> to vector<32x128xf32>
    %mul3A_111 = arith.mulf %convert_element_type3A_107, %mul3A_110 : vector<32x128xf32>
    %add3A_112 = arith.addf %mul3A_105, %mul3A_111 : vector<32x128xf32>
    %convert_element_type3A_113 = arith.truncf %select_n3A_72 : vector<32x128xf32> to vector<32x128xbf16>
    %convert_element_type3A_114 = arith.extf %convert_element_type3A_113 : vector<32x128xbf16> to vector<32x128xf32>
    %convert_element_type3A_115 = arith.truncf %broadcast_in_dim3A_99 : vector<1x128xf32> to vector<1x128xbf16>
    %convert_element_type3A_116 = arith.extf %convert_element_type3A_115 : vector<1x128xbf16> to vector<1x128xf32>
    %mul3A_117 = vector.broadcast %convert_element_type3A_116 : vector<1x128xf32> to vector<32x128xf32>
    %mul3A_118 = arith.mulf %convert_element_type3A_114, %mul3A_117 : vector<32x128xf32>
    %add3A_119 = arith.addf %add3A_112, %mul3A_118 : vector<32x128xf32>
    %mul3A_120 = vector.broadcast %broadcast_in_dim3A_99 : vector<1x128xf32> to vector<32x128xf32>
    %mul3A_121 = arith.mulf %select_n3A_68, %mul3A_120 : vector<32x128xf32>
    %mul3A_122 = vector.broadcast %broadcast_in_dim3A_93 : vector<1x128xf32> to vector<32x128xf32>
    %mul3A_123 = arith.mulf %select_n3A_72, %mul3A_122 : vector<32x128xf32>
    %sub3A_124 = arith.subf %mul3A_121, %mul3A_123 : vector<32x128xf32>
    %mul3A_125 = vector.broadcast %broadcast_in_dim3A_87 : vector<1x128xf32> to vector<32x128xf32>
    %mul3A_126 = arith.mulf %select_n3A_72, %mul3A_125 : vector<32x128xf32>
    %mul3A_127 = vector.broadcast %broadcast_in_dim3A_99 : vector<1x128xf32> to vector<32x128xf32>
    %mul3A_128 = arith.mulf %select_n3A, %mul3A_127 : vector<32x128xf32>
    %sub3A_129 = arith.subf %mul3A_126, %mul3A_128 : vector<32x128xf32>
    %mul3A_130 = vector.broadcast %broadcast_in_dim3A_93 : vector<1x128xf32> to vector<32x128xf32>
    %mul3A_131 = arith.mulf %select_n3A, %mul3A_130 : vector<32x128xf32>
    %mul3A_132 = vector.broadcast %broadcast_in_dim3A_87 : vector<1x128xf32> to vector<32x128xf32>
    %mul3A_133 = arith.mulf %select_n3A_68, %mul3A_132 : vector<32x128xf32>
    %sub3A_134 = arith.subf %mul3A_131, %mul3A_133 : vector<32x128xf32>
    %convert_element_type3A_135 = arith.truncf %sub3A_124 : vector<32x128xf32> to vector<32x128xbf16>
    %convert_element_type3A_136 = arith.extf %convert_element_type3A_135 : vector<32x128xbf16> to vector<32x128xf32>
    %convert_element_type3A_137 = arith.truncf %slice3A_24 : vector<1x128xf32> to vector<1x128xbf16>
    %convert_element_type3A_138 = arith.extf %convert_element_type3A_137 : vector<1x128xbf16> to vector<1x128xf32>
    %mul3A_139 = vector.broadcast %convert_element_type3A_138 : vector<1x128xf32> to vector<32x128xf32>
    %mul3A_140 = arith.mulf %convert_element_type3A_136, %mul3A_139 : vector<32x128xf32>
    %convert_element_type3A_141 = arith.truncf %sub3A_129 : vector<32x128xf32> to vector<32x128xbf16>
    %convert_element_type3A_142 = arith.extf %convert_element_type3A_141 : vector<32x128xbf16> to vector<32x128xf32>
    %convert_element_type3A_143 = arith.truncf %slice3A_25 : vector<1x128xf32> to vector<1x128xbf16>
    %convert_element_type3A_144 = arith.extf %convert_element_type3A_143 : vector<1x128xbf16> to vector<1x128xf32>
    %mul3A_145 = vector.broadcast %convert_element_type3A_144 : vector<1x128xf32> to vector<32x128xf32>
    %mul3A_146 = arith.mulf %convert_element_type3A_142, %mul3A_145 : vector<32x128xf32>
    %add3A_147 = arith.addf %mul3A_140, %mul3A_146 : vector<32x128xf32>
    %convert_element_type3A_148 = arith.truncf %sub3A_134 : vector<32x128xf32> to vector<32x128xbf16>
    %convert_element_type3A_149 = arith.extf %convert_element_type3A_148 : vector<32x128xbf16> to vector<32x128xf32>
    %convert_element_type3A_150 = arith.truncf %slice3A_26 : vector<1x128xf32> to vector<1x128xbf16>
    %convert_element_type3A_151 = arith.extf %convert_element_type3A_150 : vector<1x128xbf16> to vector<1x128xf32>
    %mul3A_152 = vector.broadcast %convert_element_type3A_151 : vector<1x128xf32> to vector<32x128xf32>
    %mul3A_153 = arith.mulf %convert_element_type3A_149, %mul3A_152 : vector<32x128xf32>
    %add3A_154 = arith.addf %add3A_147, %mul3A_153 : vector<32x128xf32>
    %sign3A = tpu.bitcast %add3A_154 : vector<32x128xf32> -> vector<32x128xi32>
    %sign3A_155 = arith.constant -2147483648 : i32
    %sign3A_156 = vector.broadcast %sign3A_155 : i32 to vector<32x128xi32>
    %sign3A_157 = arith.andi %sign3A, %sign3A_156 : vector<32x128xi32>
    %sign3A_158 = arith.constant 1065353216 : i32
    %sign3A_159 = vector.broadcast %sign3A_158 : i32 to vector<32x128xi32>
    %sign3A_160 = arith.ori %sign3A_159, %sign3A_157 : vector<32x128xi32>
    %sign3A_161 = tpu.bitcast %sign3A_160 : vector<32x128xi32> -> vector<32x128xf32>
    %sign3A_162 = math.absf %add3A_154 : vector<32x128xf32>
    %sign3A_163 = arith.constant 0.000000e+00 : f32
    %sign3A_164 = vector.broadcast %sign3A_163 : f32 to vector<32x128xf32>
    %sign3A_165 = arith.cmpf ogt, %sign3A_162, %sign3A_164 : vector<32x128xf32>
    %sign3A_166 = arith.select %sign3A_165, %sign3A_161, %add3A_154 : vector<32x128xi1>, vector<32x128xf32>
    %eq3A_167 = arith.constant 0 : i32
    %eq3A_168 = vector.broadcast %eq3A_167 : i32 to vector<32x128xi32>
    %eq3A_169 = arith.cmpi eq, %iota3A, %eq3A_168 : vector<32x128xi32>
    %jit3A_170 = arith.constant 1.000000e+00 : f32
    %broadcast_in_dim3A_171 = vector.broadcast %jit3A_170 : f32 to vector<32x128xf32>
    %select_n3A_172 = arith.select %eq3A_169, %broadcast_in_dim3A_171, %sign3A_166 : vector<32x128xi1>, vector<32x128xf32>
    %mul3A_173 = arith.mulf %select_n3A_172, %add3A_119 : vector<32x128xf32>
    %sub3A_174 = arith.constant 1.000000e+00 : f32
    %sub3A_175 = vector.broadcast %sub3A_174 : f32 to vector<32x128xf32>
    %sub3A_176 = arith.subf %sub3A_175, %select_n3A_172 : vector<32x128xf32>
    %sub3A_177 = arith.subf %mul3A_173, %sub3A_176 : vector<32x128xf32>
    %broadcast_in_dim3A_178 = arith.constant 0 : i32
    %broadcast_in_dim3A_179 = vector.broadcast %broadcast_in_dim3A_178 : i32 to vector<32x128xi32>
    %slice3A_180 = vector.extract_strided_slice %sub3A_177 {offsets = [0, 0], sizes = [1, 128], strides = [1, 1]} : vector<32x128xf32> to vector<1x128xf32>
    %gt3A = vector.broadcast %slice3A_180 : vector<1x128xf32> to vector<32x128xf32>
    %gt3A_181 = arith.cmpf ogt, %gt3A, %sub3A_177 : vector<32x128xf32>
    %eq3A_182 = vector.broadcast %slice3A_180 : vector<1x128xf32> to vector<32x128xf32>
    %eq3A_183 = arith.cmpf oeq, %eq3A_182, %sub3A_177 : vector<32x128xf32>
    %gt3A_184 = arith.constant 0 : i32
    %gt3A_185 = vector.broadcast %gt3A_184 : i32 to vector<32x128xi32>
    %gt3A_186 = arith.cmpi sgt, %iota3A, %gt3A_185 : vector<32x128xi32>
    %and3A = arith.andi %eq3A_183, %gt3A_186 : vector<32x128xi1>
    %or3A = arith.ori %gt3A_181, %and3A : vector<32x128xi1>
    %convert_element_type3A_187 = arith.extui %or3A : vector<32x128xi1> to vector<32x128xi32>
    %add3A_188 = arith.addi %broadcast_in_dim3A_179, %convert_element_type3A_187 : vector<32x128xi32>
    %slice3A_189 = vector.extract_strided_slice %sub3A_177 {offsets = [1, 0], sizes = [1, 128], strides = [1, 1]} : vector<32x128xf32> to vector<1x128xf32>
    %gt3A_190 = vector.broadcast %slice3A_189 : vector<1x128xf32> to vector<32x128xf32>
    %gt3A_191 = arith.cmpf ogt, %gt3A_190, %sub3A_177 : vector<32x128xf32>
    %eq3A_192 = vector.broadcast %slice3A_189 : vector<1x128xf32> to vector<32x128xf32>
    %eq3A_193 = arith.cmpf oeq, %eq3A_192, %sub3A_177 : vector<32x128xf32>
    %gt3A_194 = arith.constant 1 : i32
    %gt3A_195 = vector.broadcast %gt3A_194 : i32 to vector<32x128xi32>
    %gt3A_196 = arith.cmpi sgt, %iota3A, %gt3A_195 : vector<32x128xi32>
    %and3A_197 = arith.andi %eq3A_193, %gt3A_196 : vector<32x128xi1>
    %or3A_198 = arith.ori %gt3A_191, %and3A_197 : vector<32x128xi1>
    %convert_element_type3A_199 = arith.extui %or3A_198 : vector<32x128xi1> to vector<32x128xi32>
    %add3A_200 = arith.addi %add3A_188, %convert_element_type3A_199 : vector<32x128xi32>
    %slice3A_201 = vector.extract_strided_slice %sub3A_177 {offsets = [2, 0], sizes = [1, 128], strides = [1, 1]} : vector<32x128xf32> to vector<1x128xf32>
    %gt3A_202 = vector.broadcast %slice3A_201 : vector<1x128xf32> to vector<32x128xf32>
    %gt3A_203 = arith.cmpf ogt, %gt3A_202, %sub3A_177 : vector<32x128xf32>
    %eq3A_204 = vector.broadcast %slice3A_201 : vector<1x128xf32> to vector<32x128xf32>
    %eq3A_205 = arith.cmpf oeq, %eq3A_204, %sub3A_177 : vector<32x128xf32>
    %gt3A_206 = arith.constant 2 : i32
    %gt3A_207 = vector.broadcast %gt3A_206 : i32 to vector<32x128xi32>
    %gt3A_208 = arith.cmpi sgt, %iota3A, %gt3A_207 : vector<32x128xi32>
    %and3A_209 = arith.andi %eq3A_205, %gt3A_208 : vector<32x128xi1>
    %or3A_210 = arith.ori %gt3A_203, %and3A_209 : vector<32x128xi1>
    %convert_element_type3A_211 = arith.extui %or3A_210 : vector<32x128xi1> to vector<32x128xi32>
    %add3A_212 = arith.addi %add3A_200, %convert_element_type3A_211 : vector<32x128xi32>
    %slice3A_213 = vector.extract_strided_slice %sub3A_177 {offsets = [3, 0], sizes = [1, 128], strides = [1, 1]} : vector<32x128xf32> to vector<1x128xf32>
    %gt3A_214 = vector.broadcast %slice3A_213 : vector<1x128xf32> to vector<32x128xf32>
    %gt3A_215 = arith.cmpf ogt, %gt3A_214, %sub3A_177 : vector<32x128xf32>
    %eq3A_216 = vector.broadcast %slice3A_213 : vector<1x128xf32> to vector<32x128xf32>
    %eq3A_217 = arith.cmpf oeq, %eq3A_216, %sub3A_177 : vector<32x128xf32>
    %gt3A_218 = arith.constant 3 : i32
    %gt3A_219 = vector.broadcast %gt3A_218 : i32 to vector<32x128xi32>
    %gt3A_220 = arith.cmpi sgt, %iota3A, %gt3A_219 : vector<32x128xi32>
    %and3A_221 = arith.andi %eq3A_217, %gt3A_220 : vector<32x128xi1>
    %or3A_222 = arith.ori %gt3A_215, %and3A_221 : vector<32x128xi1>
    %convert_element_type3A_223 = arith.extui %or3A_222 : vector<32x128xi1> to vector<32x128xi32>
    %add3A_224 = arith.addi %add3A_212, %convert_element_type3A_223 : vector<32x128xi32>
    %slice3A_225 = vector.extract_strided_slice %sub3A_177 {offsets = [4, 0], sizes = [1, 128], strides = [1, 1]} : vector<32x128xf32> to vector<1x128xf32>
    %gt3A_226 = vector.broadcast %slice3A_225 : vector<1x128xf32> to vector<32x128xf32>
    %gt3A_227 = arith.cmpf ogt, %gt3A_226, %sub3A_177 : vector<32x128xf32>
    %eq3A_228 = vector.broadcast %slice3A_225 : vector<1x128xf32> to vector<32x128xf32>
    %eq3A_229 = arith.cmpf oeq, %eq3A_228, %sub3A_177 : vector<32x128xf32>
    %gt3A_230 = arith.constant 4 : i32
    %gt3A_231 = vector.broadcast %gt3A_230 : i32 to vector<32x128xi32>
    %gt3A_232 = arith.cmpi sgt, %iota3A, %gt3A_231 : vector<32x128xi32>
    %and3A_233 = arith.andi %eq3A_229, %gt3A_232 : vector<32x128xi1>
    %or3A_234 = arith.ori %gt3A_227, %and3A_233 : vector<32x128xi1>
    %convert_element_type3A_235 = arith.extui %or3A_234 : vector<32x128xi1> to vector<32x128xi32>
    %add3A_236 = arith.addi %add3A_224, %convert_element_type3A_235 : vector<32x128xi32>
    %slice3A_237 = vector.extract_strided_slice %sub3A_177 {offsets = [5, 0], sizes = [1, 128], strides = [1, 1]} : vector<32x128xf32> to vector<1x128xf32>
    %gt3A_238 = vector.broadcast %slice3A_237 : vector<1x128xf32> to vector<32x128xf32>
    %gt3A_239 = arith.cmpf ogt, %gt3A_238, %sub3A_177 : vector<32x128xf32>
    %eq3A_240 = vector.broadcast %slice3A_237 : vector<1x128xf32> to vector<32x128xf32>
    %eq3A_241 = arith.cmpf oeq, %eq3A_240, %sub3A_177 : vector<32x128xf32>
    %gt3A_242 = arith.constant 5 : i32
    %gt3A_243 = vector.broadcast %gt3A_242 : i32 to vector<32x128xi32>
    %gt3A_244 = arith.cmpi sgt, %iota3A, %gt3A_243 : vector<32x128xi32>
    %and3A_245 = arith.andi %eq3A_241, %gt3A_244 : vector<32x128xi1>
    %or3A_246 = arith.ori %gt3A_239, %and3A_245 : vector<32x128xi1>
    %convert_element_type3A_247 = arith.extui %or3A_246 : vector<32x128xi1> to vector<32x128xi32>
    %add3A_248 = arith.addi %add3A_236, %convert_element_type3A_247 : vector<32x128xi32>
    %slice3A_249 = vector.extract_strided_slice %sub3A_177 {offsets = [6, 0], sizes = [1, 128], strides = [1, 1]} : vector<32x128xf32> to vector<1x128xf32>
    %gt3A_250 = vector.broadcast %slice3A_249 : vector<1x128xf32> to vector<32x128xf32>
    %gt3A_251 = arith.cmpf ogt, %gt3A_250, %sub3A_177 : vector<32x128xf32>
    %eq3A_252 = vector.broadcast %slice3A_249 : vector<1x128xf32> to vector<32x128xf32>
    %eq3A_253 = arith.cmpf oeq, %eq3A_252, %sub3A_177 : vector<32x128xf32>
    %gt3A_254 = arith.constant 6 : i32
    %gt3A_255 = vector.broadcast %gt3A_254 : i32 to vector<32x128xi32>
    %gt3A_256 = arith.cmpi sgt, %iota3A, %gt3A_255 : vector<32x128xi32>
    %and3A_257 = arith.andi %eq3A_253, %gt3A_256 : vector<32x128xi1>
    %or3A_258 = arith.ori %gt3A_251, %and3A_257 : vector<32x128xi1>
    %convert_element_type3A_259 = arith.extui %or3A_258 : vector<32x128xi1> to vector<32x128xi32>
    %add3A_260 = arith.addi %add3A_248, %convert_element_type3A_259 : vector<32x128xi32>
    %slice3A_261 = vector.extract_strided_slice %sub3A_177 {offsets = [7, 0], sizes = [1, 128], strides = [1, 1]} : vector<32x128xf32> to vector<1x128xf32>
    %gt3A_262 = vector.broadcast %slice3A_261 : vector<1x128xf32> to vector<32x128xf32>
    %gt3A_263 = arith.cmpf ogt, %gt3A_262, %sub3A_177 : vector<32x128xf32>
    %eq3A_264 = vector.broadcast %slice3A_261 : vector<1x128xf32> to vector<32x128xf32>
    %eq3A_265 = arith.cmpf oeq, %eq3A_264, %sub3A_177 : vector<32x128xf32>
    %gt3A_266 = arith.constant 7 : i32
    %gt3A_267 = vector.broadcast %gt3A_266 : i32 to vector<32x128xi32>
    %gt3A_268 = arith.cmpi sgt, %iota3A, %gt3A_267 : vector<32x128xi32>
    %and3A_269 = arith.andi %eq3A_265, %gt3A_268 : vector<32x128xi1>
    %or3A_270 = arith.ori %gt3A_263, %and3A_269 : vector<32x128xi1>
    %convert_element_type3A_271 = arith.extui %or3A_270 : vector<32x128xi1> to vector<32x128xi32>
    %add3A_272 = arith.addi %add3A_260, %convert_element_type3A_271 : vector<32x128xi32>
    %slice3A_273 = vector.extract_strided_slice %sub3A_177 {offsets = [8, 0], sizes = [1, 128], strides = [1, 1]} : vector<32x128xf32> to vector<1x128xf32>
    %gt3A_274 = vector.broadcast %slice3A_273 : vector<1x128xf32> to vector<32x128xf32>
    %gt3A_275 = arith.cmpf ogt, %gt3A_274, %sub3A_177 : vector<32x128xf32>
    %eq3A_276 = vector.broadcast %slice3A_273 : vector<1x128xf32> to vector<32x128xf32>
    %eq3A_277 = arith.cmpf oeq, %eq3A_276, %sub3A_177 : vector<32x128xf32>
    %gt3A_278 = arith.constant 8 : i32
    %gt3A_279 = vector.broadcast %gt3A_278 : i32 to vector<32x128xi32>
    %gt3A_280 = arith.cmpi sgt, %iota3A, %gt3A_279 : vector<32x128xi32>
    %and3A_281 = arith.andi %eq3A_277, %gt3A_280 : vector<32x128xi1>
    %or3A_282 = arith.ori %gt3A_275, %and3A_281 : vector<32x128xi1>
    %convert_element_type3A_283 = arith.extui %or3A_282 : vector<32x128xi1> to vector<32x128xi32>
    %add3A_284 = arith.addi %add3A_272, %convert_element_type3A_283 : vector<32x128xi32>
    %slice3A_285 = vector.extract_strided_slice %sub3A_177 {offsets = [9, 0], sizes = [1, 128], strides = [1, 1]} : vector<32x128xf32> to vector<1x128xf32>
    %gt3A_286 = vector.broadcast %slice3A_285 : vector<1x128xf32> to vector<32x128xf32>
    %gt3A_287 = arith.cmpf ogt, %gt3A_286, %sub3A_177 : vector<32x128xf32>
    %eq3A_288 = vector.broadcast %slice3A_285 : vector<1x128xf32> to vector<32x128xf32>
    %eq3A_289 = arith.cmpf oeq, %eq3A_288, %sub3A_177 : vector<32x128xf32>
    %gt3A_290 = arith.constant 9 : i32
    %gt3A_291 = vector.broadcast %gt3A_290 : i32 to vector<32x128xi32>
    %gt3A_292 = arith.cmpi sgt, %iota3A, %gt3A_291 : vector<32x128xi32>
    %and3A_293 = arith.andi %eq3A_289, %gt3A_292 : vector<32x128xi1>
    %or3A_294 = arith.ori %gt3A_287, %and3A_293 : vector<32x128xi1>
    %convert_element_type3A_295 = arith.extui %or3A_294 : vector<32x128xi1> to vector<32x128xi32>
    %add3A_296 = arith.addi %add3A_284, %convert_element_type3A_295 : vector<32x128xi32>
    %slice3A_297 = vector.extract_strided_slice %sub3A_177 {offsets = [10, 0], sizes = [1, 128], strides = [1, 1]} : vector<32x128xf32> to vector<1x128xf32>
    %gt3A_298 = vector.broadcast %slice3A_297 : vector<1x128xf32> to vector<32x128xf32>
    %gt3A_299 = arith.cmpf ogt, %gt3A_298, %sub3A_177 : vector<32x128xf32>
    %eq3A_300 = vector.broadcast %slice3A_297 : vector<1x128xf32> to vector<32x128xf32>
    %eq3A_301 = arith.cmpf oeq, %eq3A_300, %sub3A_177 : vector<32x128xf32>
    %gt3A_302 = arith.constant 10 : i32
    %gt3A_303 = vector.broadcast %gt3A_302 : i32 to vector<32x128xi32>
    %gt3A_304 = arith.cmpi sgt, %iota3A, %gt3A_303 : vector<32x128xi32>
    %and3A_305 = arith.andi %eq3A_301, %gt3A_304 : vector<32x128xi1>
    %or3A_306 = arith.ori %gt3A_299, %and3A_305 : vector<32x128xi1>
    %convert_element_type3A_307 = arith.extui %or3A_306 : vector<32x128xi1> to vector<32x128xi32>
    %add3A_308 = arith.addi %add3A_296, %convert_element_type3A_307 : vector<32x128xi32>
    %slice3A_309 = vector.extract_strided_slice %sub3A_177 {offsets = [11, 0], sizes = [1, 128], strides = [1, 1]} : vector<32x128xf32> to vector<1x128xf32>
    %gt3A_310 = vector.broadcast %slice3A_309 : vector<1x128xf32> to vector<32x128xf32>
    %gt3A_311 = arith.cmpf ogt, %gt3A_310, %sub3A_177 : vector<32x128xf32>
    %eq3A_312 = vector.broadcast %slice3A_309 : vector<1x128xf32> to vector<32x128xf32>
    %eq3A_313 = arith.cmpf oeq, %eq3A_312, %sub3A_177 : vector<32x128xf32>
    %gt3A_314 = arith.constant 11 : i32
    %gt3A_315 = vector.broadcast %gt3A_314 : i32 to vector<32x128xi32>
    %gt3A_316 = arith.cmpi sgt, %iota3A, %gt3A_315 : vector<32x128xi32>
    %and3A_317 = arith.andi %eq3A_313, %gt3A_316 : vector<32x128xi1>
    %or3A_318 = arith.ori %gt3A_311, %and3A_317 : vector<32x128xi1>
    %convert_element_type3A_319 = arith.extui %or3A_318 : vector<32x128xi1> to vector<32x128xi32>
    %add3A_320 = arith.addi %add3A_308, %convert_element_type3A_319 : vector<32x128xi32>
    %slice3A_321 = vector.extract_strided_slice %sub3A_177 {offsets = [12, 0], sizes = [1, 128], strides = [1, 1]} : vector<32x128xf32> to vector<1x128xf32>
    %gt3A_322 = vector.broadcast %slice3A_321 : vector<1x128xf32> to vector<32x128xf32>
    %gt3A_323 = arith.cmpf ogt, %gt3A_322, %sub3A_177 : vector<32x128xf32>
    %eq3A_324 = vector.broadcast %slice3A_321 : vector<1x128xf32> to vector<32x128xf32>
    %eq3A_325 = arith.cmpf oeq, %eq3A_324, %sub3A_177 : vector<32x128xf32>
    %gt3A_326 = arith.constant 12 : i32
    %gt3A_327 = vector.broadcast %gt3A_326 : i32 to vector<32x128xi32>
    %gt3A_328 = arith.cmpi sgt, %iota3A, %gt3A_327 : vector<32x128xi32>
    %and3A_329 = arith.andi %eq3A_325, %gt3A_328 : vector<32x128xi1>
    %or3A_330 = arith.ori %gt3A_323, %and3A_329 : vector<32x128xi1>
    %convert_element_type3A_331 = arith.extui %or3A_330 : vector<32x128xi1> to vector<32x128xi32>
    %add3A_332 = arith.addi %add3A_320, %convert_element_type3A_331 : vector<32x128xi32>
    %slice3A_333 = vector.extract_strided_slice %sub3A_177 {offsets = [13, 0], sizes = [1, 128], strides = [1, 1]} : vector<32x128xf32> to vector<1x128xf32>
    %gt3A_334 = vector.broadcast %slice3A_333 : vector<1x128xf32> to vector<32x128xf32>
    %gt3A_335 = arith.cmpf ogt, %gt3A_334, %sub3A_177 : vector<32x128xf32>
    %eq3A_336 = vector.broadcast %slice3A_333 : vector<1x128xf32> to vector<32x128xf32>
    %eq3A_337 = arith.cmpf oeq, %eq3A_336, %sub3A_177 : vector<32x128xf32>
    %gt3A_338 = arith.constant 13 : i32
    %gt3A_339 = vector.broadcast %gt3A_338 : i32 to vector<32x128xi32>
    %gt3A_340 = arith.cmpi sgt, %iota3A, %gt3A_339 : vector<32x128xi32>
    %and3A_341 = arith.andi %eq3A_337, %gt3A_340 : vector<32x128xi1>
    %or3A_342 = arith.ori %gt3A_335, %and3A_341 : vector<32x128xi1>
    %convert_element_type3A_343 = arith.extui %or3A_342 : vector<32x128xi1> to vector<32x128xi32>
    %add3A_344 = arith.addi %add3A_332, %convert_element_type3A_343 : vector<32x128xi32>
    %slice3A_345 = vector.extract_strided_slice %sub3A_177 {offsets = [14, 0], sizes = [1, 128], strides = [1, 1]} : vector<32x128xf32> to vector<1x128xf32>
    %gt3A_346 = vector.broadcast %slice3A_345 : vector<1x128xf32> to vector<32x128xf32>
    %gt3A_347 = arith.cmpf ogt, %gt3A_346, %sub3A_177 : vector<32x128xf32>
    %eq3A_348 = vector.broadcast %slice3A_345 : vector<1x128xf32> to vector<32x128xf32>
    %eq3A_349 = arith.cmpf oeq, %eq3A_348, %sub3A_177 : vector<32x128xf32>
    %gt3A_350 = arith.constant 14 : i32
    %gt3A_351 = vector.broadcast %gt3A_350 : i32 to vector<32x128xi32>
    %gt3A_352 = arith.cmpi sgt, %iota3A, %gt3A_351 : vector<32x128xi32>
    %and3A_353 = arith.andi %eq3A_349, %gt3A_352 : vector<32x128xi1>
    %or3A_354 = arith.ori %gt3A_347, %and3A_353 : vector<32x128xi1>
    %convert_element_type3A_355 = arith.extui %or3A_354 : vector<32x128xi1> to vector<32x128xi32>
    %add3A_356 = arith.addi %add3A_344, %convert_element_type3A_355 : vector<32x128xi32>
    %slice3A_357 = vector.extract_strided_slice %sub3A_177 {offsets = [15, 0], sizes = [1, 128], strides = [1, 1]} : vector<32x128xf32> to vector<1x128xf32>
    %gt3A_358 = vector.broadcast %slice3A_357 : vector<1x128xf32> to vector<32x128xf32>
    %gt3A_359 = arith.cmpf ogt, %gt3A_358, %sub3A_177 : vector<32x128xf32>
    %eq3A_360 = vector.broadcast %slice3A_357 : vector<1x128xf32> to vector<32x128xf32>
    %eq3A_361 = arith.cmpf oeq, %eq3A_360, %sub3A_177 : vector<32x128xf32>
    %gt3A_362 = arith.constant 15 : i32
    %gt3A_363 = vector.broadcast %gt3A_362 : i32 to vector<32x128xi32>
    %gt3A_364 = arith.cmpi sgt, %iota3A, %gt3A_363 : vector<32x128xi32>
    %and3A_365 = arith.andi %eq3A_361, %gt3A_364 : vector<32x128xi1>
    %or3A_366 = arith.ori %gt3A_359, %and3A_365 : vector<32x128xi1>
    %convert_element_type3A_367 = arith.extui %or3A_366 : vector<32x128xi1> to vector<32x128xi32>
    %add3A_368 = arith.addi %add3A_356, %convert_element_type3A_367 : vector<32x128xi32>
    %slice3A_369 = vector.extract_strided_slice %sub3A_177 {offsets = [16, 0], sizes = [1, 128], strides = [1, 1]} : vector<32x128xf32> to vector<1x128xf32>
    %gt3A_370 = vector.broadcast %slice3A_369 : vector<1x128xf32> to vector<32x128xf32>
    %gt3A_371 = arith.cmpf ogt, %gt3A_370, %sub3A_177 : vector<32x128xf32>
    %eq3A_372 = vector.broadcast %slice3A_369 : vector<1x128xf32> to vector<32x128xf32>
    %eq3A_373 = arith.cmpf oeq, %eq3A_372, %sub3A_177 : vector<32x128xf32>
    %gt3A_374 = arith.constant 16 : i32
    %gt3A_375 = vector.broadcast %gt3A_374 : i32 to vector<32x128xi32>
    %gt3A_376 = arith.cmpi sgt, %iota3A, %gt3A_375 : vector<32x128xi32>
    %and3A_377 = arith.andi %eq3A_373, %gt3A_376 : vector<32x128xi1>
    %or3A_378 = arith.ori %gt3A_371, %and3A_377 : vector<32x128xi1>
    %convert_element_type3A_379 = arith.extui %or3A_378 : vector<32x128xi1> to vector<32x128xi32>
    %add3A_380 = arith.addi %add3A_368, %convert_element_type3A_379 : vector<32x128xi32>
    %slice3A_381 = vector.extract_strided_slice %sub3A_177 {offsets = [17, 0], sizes = [1, 128], strides = [1, 1]} : vector<32x128xf32> to vector<1x128xf32>
    %gt3A_382 = vector.broadcast %slice3A_381 : vector<1x128xf32> to vector<32x128xf32>
    %gt3A_383 = arith.cmpf ogt, %gt3A_382, %sub3A_177 : vector<32x128xf32>
    %eq3A_384 = vector.broadcast %slice3A_381 : vector<1x128xf32> to vector<32x128xf32>
    %eq3A_385 = arith.cmpf oeq, %eq3A_384, %sub3A_177 : vector<32x128xf32>
    %gt3A_386 = arith.constant 17 : i32
    %gt3A_387 = vector.broadcast %gt3A_386 : i32 to vector<32x128xi32>
    %gt3A_388 = arith.cmpi sgt, %iota3A, %gt3A_387 : vector<32x128xi32>
    %and3A_389 = arith.andi %eq3A_385, %gt3A_388 : vector<32x128xi1>
    %or3A_390 = arith.ori %gt3A_383, %and3A_389 : vector<32x128xi1>
    %convert_element_type3A_391 = arith.extui %or3A_390 : vector<32x128xi1> to vector<32x128xi32>
    %add3A_392 = arith.addi %add3A_380, %convert_element_type3A_391 : vector<32x128xi32>
    %slice3A_393 = vector.extract_strided_slice %sub3A_177 {offsets = [18, 0], sizes = [1, 128], strides = [1, 1]} : vector<32x128xf32> to vector<1x128xf32>
    %gt3A_394 = vector.broadcast %slice3A_393 : vector<1x128xf32> to vector<32x128xf32>
    %gt3A_395 = arith.cmpf ogt, %gt3A_394, %sub3A_177 : vector<32x128xf32>
    %eq3A_396 = vector.broadcast %slice3A_393 : vector<1x128xf32> to vector<32x128xf32>
    %eq3A_397 = arith.cmpf oeq, %eq3A_396, %sub3A_177 : vector<32x128xf32>
    %gt3A_398 = arith.constant 18 : i32
    %gt3A_399 = vector.broadcast %gt3A_398 : i32 to vector<32x128xi32>
    %gt3A_400 = arith.cmpi sgt, %iota3A, %gt3A_399 : vector<32x128xi32>
    %and3A_401 = arith.andi %eq3A_397, %gt3A_400 : vector<32x128xi1>
    %or3A_402 = arith.ori %gt3A_395, %and3A_401 : vector<32x128xi1>
    %convert_element_type3A_403 = arith.extui %or3A_402 : vector<32x128xi1> to vector<32x128xi32>
    %add3A_404 = arith.addi %add3A_392, %convert_element_type3A_403 : vector<32x128xi32>
    %slice3A_405 = vector.extract_strided_slice %sub3A_177 {offsets = [19, 0], sizes = [1, 128], strides = [1, 1]} : vector<32x128xf32> to vector<1x128xf32>
    %gt3A_406 = vector.broadcast %slice3A_405 : vector<1x128xf32> to vector<32x128xf32>
    %gt3A_407 = arith.cmpf ogt, %gt3A_406, %sub3A_177 : vector<32x128xf32>
    %eq3A_408 = vector.broadcast %slice3A_405 : vector<1x128xf32> to vector<32x128xf32>
    %eq3A_409 = arith.cmpf oeq, %eq3A_408, %sub3A_177 : vector<32x128xf32>
    %gt3A_410 = arith.constant 19 : i32
    %gt3A_411 = vector.broadcast %gt3A_410 : i32 to vector<32x128xi32>
    %gt3A_412 = arith.cmpi sgt, %iota3A, %gt3A_411 : vector<32x128xi32>
    %and3A_413 = arith.andi %eq3A_409, %gt3A_412 : vector<32x128xi1>
    %or3A_414 = arith.ori %gt3A_407, %and3A_413 : vector<32x128xi1>
    %convert_element_type3A_415 = arith.extui %or3A_414 : vector<32x128xi1> to vector<32x128xi32>
    %add3A_416 = arith.addi %add3A_404, %convert_element_type3A_415 : vector<32x128xi32>
    %slice3A_417 = vector.extract_strided_slice %sub3A_177 {offsets = [20, 0], sizes = [1, 128], strides = [1, 1]} : vector<32x128xf32> to vector<1x128xf32>
    %gt3A_418 = vector.broadcast %slice3A_417 : vector<1x128xf32> to vector<32x128xf32>
    %gt3A_419 = arith.cmpf ogt, %gt3A_418, %sub3A_177 : vector<32x128xf32>
    %eq3A_420 = vector.broadcast %slice3A_417 : vector<1x128xf32> to vector<32x128xf32>
    %eq3A_421 = arith.cmpf oeq, %eq3A_420, %sub3A_177 : vector<32x128xf32>
    %gt3A_422 = arith.constant 20 : i32
    %gt3A_423 = vector.broadcast %gt3A_422 : i32 to vector<32x128xi32>
    %gt3A_424 = arith.cmpi sgt, %iota3A, %gt3A_423 : vector<32x128xi32>
    %and3A_425 = arith.andi %eq3A_421, %gt3A_424 : vector<32x128xi1>
    %or3A_426 = arith.ori %gt3A_419, %and3A_425 : vector<32x128xi1>
    %convert_element_type3A_427 = arith.extui %or3A_426 : vector<32x128xi1> to vector<32x128xi32>
    %add3A_428 = arith.addi %add3A_416, %convert_element_type3A_427 : vector<32x128xi32>
    %slice3A_429 = vector.extract_strided_slice %sub3A_177 {offsets = [21, 0], sizes = [1, 128], strides = [1, 1]} : vector<32x128xf32> to vector<1x128xf32>
    %gt3A_430 = vector.broadcast %slice3A_429 : vector<1x128xf32> to vector<32x128xf32>
    %gt3A_431 = arith.cmpf ogt, %gt3A_430, %sub3A_177 : vector<32x128xf32>
    %eq3A_432 = vector.broadcast %slice3A_429 : vector<1x128xf32> to vector<32x128xf32>
    %eq3A_433 = arith.cmpf oeq, %eq3A_432, %sub3A_177 : vector<32x128xf32>
    %gt3A_434 = arith.constant 21 : i32
    %gt3A_435 = vector.broadcast %gt3A_434 : i32 to vector<32x128xi32>
    %gt3A_436 = arith.cmpi sgt, %iota3A, %gt3A_435 : vector<32x128xi32>
    %and3A_437 = arith.andi %eq3A_433, %gt3A_436 : vector<32x128xi1>
    %or3A_438 = arith.ori %gt3A_431, %and3A_437 : vector<32x128xi1>
    %convert_element_type3A_439 = arith.extui %or3A_438 : vector<32x128xi1> to vector<32x128xi32>
    %add3A_440 = arith.addi %add3A_428, %convert_element_type3A_439 : vector<32x128xi32>
    %slice3A_441 = vector.extract_strided_slice %sub3A_177 {offsets = [22, 0], sizes = [1, 128], strides = [1, 1]} : vector<32x128xf32> to vector<1x128xf32>
    %gt3A_442 = vector.broadcast %slice3A_441 : vector<1x128xf32> to vector<32x128xf32>
    %gt3A_443 = arith.cmpf ogt, %gt3A_442, %sub3A_177 : vector<32x128xf32>
    %eq3A_444 = vector.broadcast %slice3A_441 : vector<1x128xf32> to vector<32x128xf32>
    %eq3A_445 = arith.cmpf oeq, %eq3A_444, %sub3A_177 : vector<32x128xf32>
    %gt3A_446 = arith.constant 22 : i32
    %gt3A_447 = vector.broadcast %gt3A_446 : i32 to vector<32x128xi32>
    %gt3A_448 = arith.cmpi sgt, %iota3A, %gt3A_447 : vector<32x128xi32>
    %and3A_449 = arith.andi %eq3A_445, %gt3A_448 : vector<32x128xi1>
    %or3A_450 = arith.ori %gt3A_443, %and3A_449 : vector<32x128xi1>
    %convert_element_type3A_451 = arith.extui %or3A_450 : vector<32x128xi1> to vector<32x128xi32>
    %add3A_452 = arith.addi %add3A_440, %convert_element_type3A_451 : vector<32x128xi32>
    %slice3A_453 = vector.extract_strided_slice %sub3A_177 {offsets = [23, 0], sizes = [1, 128], strides = [1, 1]} : vector<32x128xf32> to vector<1x128xf32>
    %gt3A_454 = vector.broadcast %slice3A_453 : vector<1x128xf32> to vector<32x128xf32>
    %gt3A_455 = arith.cmpf ogt, %gt3A_454, %sub3A_177 : vector<32x128xf32>
    %eq3A_456 = vector.broadcast %slice3A_453 : vector<1x128xf32> to vector<32x128xf32>
    %eq3A_457 = arith.cmpf oeq, %eq3A_456, %sub3A_177 : vector<32x128xf32>
    %gt3A_458 = arith.constant 23 : i32
    %gt3A_459 = vector.broadcast %gt3A_458 : i32 to vector<32x128xi32>
    %gt3A_460 = arith.cmpi sgt, %iota3A, %gt3A_459 : vector<32x128xi32>
    %and3A_461 = arith.andi %eq3A_457, %gt3A_460 : vector<32x128xi1>
    %or3A_462 = arith.ori %gt3A_455, %and3A_461 : vector<32x128xi1>
    %convert_element_type3A_463 = arith.extui %or3A_462 : vector<32x128xi1> to vector<32x128xi32>
    %add3A_464 = arith.addi %add3A_452, %convert_element_type3A_463 : vector<32x128xi32>
    %slice3A_465 = vector.extract_strided_slice %sub3A_177 {offsets = [24, 0], sizes = [1, 128], strides = [1, 1]} : vector<32x128xf32> to vector<1x128xf32>
    %gt3A_466 = vector.broadcast %slice3A_465 : vector<1x128xf32> to vector<32x128xf32>
    %gt3A_467 = arith.cmpf ogt, %gt3A_466, %sub3A_177 : vector<32x128xf32>
    %eq3A_468 = vector.broadcast %slice3A_465 : vector<1x128xf32> to vector<32x128xf32>
    %eq3A_469 = arith.cmpf oeq, %eq3A_468, %sub3A_177 : vector<32x128xf32>
    %gt3A_470 = arith.constant 24 : i32
    %gt3A_471 = vector.broadcast %gt3A_470 : i32 to vector<32x128xi32>
    %gt3A_472 = arith.cmpi sgt, %iota3A, %gt3A_471 : vector<32x128xi32>
    %and3A_473 = arith.andi %eq3A_469, %gt3A_472 : vector<32x128xi1>
    %or3A_474 = arith.ori %gt3A_467, %and3A_473 : vector<32x128xi1>
    %convert_element_type3A_475 = arith.extui %or3A_474 : vector<32x128xi1> to vector<32x128xi32>
    %add3A_476 = arith.addi %add3A_464, %convert_element_type3A_475 : vector<32x128xi32>
    %slice3A_477 = vector.extract_strided_slice %sub3A_177 {offsets = [25, 0], sizes = [1, 128], strides = [1, 1]} : vector<32x128xf32> to vector<1x128xf32>
    %gt3A_478 = vector.broadcast %slice3A_477 : vector<1x128xf32> to vector<32x128xf32>
    %gt3A_479 = arith.cmpf ogt, %gt3A_478, %sub3A_177 : vector<32x128xf32>
    %eq3A_480 = vector.broadcast %slice3A_477 : vector<1x128xf32> to vector<32x128xf32>
    %eq3A_481 = arith.cmpf oeq, %eq3A_480, %sub3A_177 : vector<32x128xf32>
    %gt3A_482 = arith.constant 25 : i32
    %gt3A_483 = vector.broadcast %gt3A_482 : i32 to vector<32x128xi32>
    %gt3A_484 = arith.cmpi sgt, %iota3A, %gt3A_483 : vector<32x128xi32>
    %and3A_485 = arith.andi %eq3A_481, %gt3A_484 : vector<32x128xi1>
    %or3A_486 = arith.ori %gt3A_479, %and3A_485 : vector<32x128xi1>
    %convert_element_type3A_487 = arith.extui %or3A_486 : vector<32x128xi1> to vector<32x128xi32>
    %add3A_488 = arith.addi %add3A_476, %convert_element_type3A_487 : vector<32x128xi32>
    %slice3A_489 = vector.extract_strided_slice %sub3A_177 {offsets = [26, 0], sizes = [1, 128], strides = [1, 1]} : vector<32x128xf32> to vector<1x128xf32>
    %gt3A_490 = vector.broadcast %slice3A_489 : vector<1x128xf32> to vector<32x128xf32>
    %gt3A_491 = arith.cmpf ogt, %gt3A_490, %sub3A_177 : vector<32x128xf32>
    %eq3A_492 = vector.broadcast %slice3A_489 : vector<1x128xf32> to vector<32x128xf32>
    %eq3A_493 = arith.cmpf oeq, %eq3A_492, %sub3A_177 : vector<32x128xf32>
    %gt3A_494 = arith.constant 26 : i32
    %gt3A_495 = vector.broadcast %gt3A_494 : i32 to vector<32x128xi32>
    %gt3A_496 = arith.cmpi sgt, %iota3A, %gt3A_495 : vector<32x128xi32>
    %and3A_497 = arith.andi %eq3A_493, %gt3A_496 : vector<32x128xi1>
    %or3A_498 = arith.ori %gt3A_491, %and3A_497 : vector<32x128xi1>
    %convert_element_type3A_499 = arith.extui %or3A_498 : vector<32x128xi1> to vector<32x128xi32>
    %add3A_500 = arith.addi %add3A_488, %convert_element_type3A_499 : vector<32x128xi32>
    %slice3A_501 = vector.extract_strided_slice %sub3A_177 {offsets = [27, 0], sizes = [1, 128], strides = [1, 1]} : vector<32x128xf32> to vector<1x128xf32>
    %gt3A_502 = vector.broadcast %slice3A_501 : vector<1x128xf32> to vector<32x128xf32>
    %gt3A_503 = arith.cmpf ogt, %gt3A_502, %sub3A_177 : vector<32x128xf32>
    %eq3A_504 = vector.broadcast %slice3A_501 : vector<1x128xf32> to vector<32x128xf32>
    %eq3A_505 = arith.cmpf oeq, %eq3A_504, %sub3A_177 : vector<32x128xf32>
    %gt3A_506 = arith.constant 27 : i32
    %gt3A_507 = vector.broadcast %gt3A_506 : i32 to vector<32x128xi32>
    %gt3A_508 = arith.cmpi sgt, %iota3A, %gt3A_507 : vector<32x128xi32>
    %and3A_509 = arith.andi %eq3A_505, %gt3A_508 : vector<32x128xi1>
    %or3A_510 = arith.ori %gt3A_503, %and3A_509 : vector<32x128xi1>
    %convert_element_type3A_511 = arith.extui %or3A_510 : vector<32x128xi1> to vector<32x128xi32>
    %add3A_512 = arith.addi %add3A_500, %convert_element_type3A_511 : vector<32x128xi32>
    %slice3A_513 = vector.extract_strided_slice %sub3A_177 {offsets = [28, 0], sizes = [1, 128], strides = [1, 1]} : vector<32x128xf32> to vector<1x128xf32>
    %gt3A_514 = vector.broadcast %slice3A_513 : vector<1x128xf32> to vector<32x128xf32>
    %gt3A_515 = arith.cmpf ogt, %gt3A_514, %sub3A_177 : vector<32x128xf32>
    %eq3A_516 = vector.broadcast %slice3A_513 : vector<1x128xf32> to vector<32x128xf32>
    %eq3A_517 = arith.cmpf oeq, %eq3A_516, %sub3A_177 : vector<32x128xf32>
    %gt3A_518 = arith.constant 28 : i32
    %gt3A_519 = vector.broadcast %gt3A_518 : i32 to vector<32x128xi32>
    %gt3A_520 = arith.cmpi sgt, %iota3A, %gt3A_519 : vector<32x128xi32>
    %and3A_521 = arith.andi %eq3A_517, %gt3A_520 : vector<32x128xi1>
    %or3A_522 = arith.ori %gt3A_515, %and3A_521 : vector<32x128xi1>
    %convert_element_type3A_523 = arith.extui %or3A_522 : vector<32x128xi1> to vector<32x128xi32>
    %add3A_524 = arith.addi %add3A_512, %convert_element_type3A_523 : vector<32x128xi32>
    %slice3A_525 = vector.extract_strided_slice %sub3A_177 {offsets = [29, 0], sizes = [1, 128], strides = [1, 1]} : vector<32x128xf32> to vector<1x128xf32>
    %gt3A_526 = vector.broadcast %slice3A_525 : vector<1x128xf32> to vector<32x128xf32>
    %gt3A_527 = arith.cmpf ogt, %gt3A_526, %sub3A_177 : vector<32x128xf32>
    %eq3A_528 = vector.broadcast %slice3A_525 : vector<1x128xf32> to vector<32x128xf32>
    %eq3A_529 = arith.cmpf oeq, %eq3A_528, %sub3A_177 : vector<32x128xf32>
    %gt3A_530 = arith.constant 29 : i32
    %gt3A_531 = vector.broadcast %gt3A_530 : i32 to vector<32x128xi32>
    %gt3A_532 = arith.cmpi sgt, %iota3A, %gt3A_531 : vector<32x128xi32>
    %and3A_533 = arith.andi %eq3A_529, %gt3A_532 : vector<32x128xi1>
    %or3A_534 = arith.ori %gt3A_527, %and3A_533 : vector<32x128xi1>
    %convert_element_type3A_535 = arith.extui %or3A_534 : vector<32x128xi1> to vector<32x128xi32>
    %add3A_536 = arith.addi %add3A_524, %convert_element_type3A_535 : vector<32x128xi32>
    %slice3A_537 = vector.extract_strided_slice %sub3A_177 {offsets = [30, 0], sizes = [1, 128], strides = [1, 1]} : vector<32x128xf32> to vector<1x128xf32>
    %gt3A_538 = vector.broadcast %slice3A_537 : vector<1x128xf32> to vector<32x128xf32>
    %gt3A_539 = arith.cmpf ogt, %gt3A_538, %sub3A_177 : vector<32x128xf32>
    %eq3A_540 = vector.broadcast %slice3A_537 : vector<1x128xf32> to vector<32x128xf32>
    %eq3A_541 = arith.cmpf oeq, %eq3A_540, %sub3A_177 : vector<32x128xf32>
    %gt3A_542 = arith.constant 30 : i32
    %gt3A_543 = vector.broadcast %gt3A_542 : i32 to vector<32x128xi32>
    %gt3A_544 = arith.cmpi sgt, %iota3A, %gt3A_543 : vector<32x128xi32>
    %and3A_545 = arith.andi %eq3A_541, %gt3A_544 : vector<32x128xi1>
    %or3A_546 = arith.ori %gt3A_539, %and3A_545 : vector<32x128xi1>
    %convert_element_type3A_547 = arith.extui %or3A_546 : vector<32x128xi1> to vector<32x128xi32>
    %add3A_548 = arith.addi %add3A_536, %convert_element_type3A_547 : vector<32x128xi32>
    %slice3A_549 = vector.extract_strided_slice %sub3A_177 {offsets = [31, 0], sizes = [1, 128], strides = [1, 1]} : vector<32x128xf32> to vector<1x128xf32>
    %gt3A_550 = vector.broadcast %slice3A_549 : vector<1x128xf32> to vector<32x128xf32>
    %gt3A_551 = arith.cmpf ogt, %gt3A_550, %sub3A_177 : vector<32x128xf32>
    %eq3A_552 = vector.broadcast %slice3A_549 : vector<1x128xf32> to vector<32x128xf32>
    %eq3A_553 = arith.cmpf oeq, %eq3A_552, %sub3A_177 : vector<32x128xf32>
    %gt3A_554 = arith.constant 31 : i32
    %gt3A_555 = vector.broadcast %gt3A_554 : i32 to vector<32x128xi32>
    %gt3A_556 = arith.cmpi sgt, %iota3A, %gt3A_555 : vector<32x128xi32>
    %and3A_557 = arith.andi %eq3A_553, %gt3A_556 : vector<32x128xi1>
    %or3A_558 = arith.ori %gt3A_551, %and3A_557 : vector<32x128xi1>
    %convert_element_type3A_559 = arith.extui %or3A_558 : vector<32x128xi1> to vector<32x128xi32>
    %add3A_560 = arith.addi %add3A_548, %convert_element_type3A_559 : vector<32x128xi32>
    %broadcast_in_dim3A_561 = arith.constant 0.000000e+00 : f32
    %broadcast_in_dim3A_562 = vector.broadcast %broadcast_in_dim3A_561 : f32 to vector<32x128xf32>
    %broadcast_in_dim3A_563 = arith.constant 0.000000e+00 : f32
    %broadcast_in_dim3A_564 = vector.broadcast %broadcast_in_dim3A_563 : f32 to vector<32x128xf32>
    %broadcast_in_dim3A_565 = arith.constant 0.000000e+00 : f32
    %broadcast_in_dim3A_566 = vector.broadcast %broadcast_in_dim3A_565 : f32 to vector<32x128xf32>
    %broadcast_in_dim3A_567 = arith.constant 0.000000e+00 : f32
    %broadcast_in_dim3A_568 = vector.broadcast %broadcast_in_dim3A_567 : f32 to vector<32x128xf32>
    %broadcast_in_dim3A_569 = arith.constant 0.000000e+00 : f32
    %broadcast_in_dim3A_570 = vector.broadcast %broadcast_in_dim3A_569 : f32 to vector<32x128xf32>
    %broadcast_in_dim3A_571 = arith.constant 0.000000e+00 : f32
    %broadcast_in_dim3A_572 = vector.broadcast %broadcast_in_dim3A_571 : f32 to vector<32x128xf32>
    %slice3A_573 = vector.extract_strided_slice %add3A_560 {offsets = [0, 0], sizes = [1, 128], strides = [1, 1]} : vector<32x128xi32> to vector<1x128xi32>
    %eq3A_574 = vector.broadcast %slice3A_573 : vector<1x128xi32> to vector<32x128xi32>
    %eq3A_575 = arith.cmpi eq, %eq3A_574, %iota3A : vector<32x128xi32>
    %slice3A_576 = vector.extract_strided_slice %sub3A_27 {offsets = [0, 0], sizes = [1, 128], strides = [1, 1]} : vector<32x128xf32> to vector<1x128xf32>
    %broadcast_in_dim3A_577 = vector.shape_cast %slice3A_576 : vector<1x128xf32> to vector<1x128xf32>
    %broadcast_in_dim3A_578 = vector.broadcast %broadcast_in_dim3A_577 : vector<1x128xf32> to vector<32x128xf32>
    %select_n3A_579 = arith.select %eq3A_575, %broadcast_in_dim3A_578, %broadcast_in_dim3A_562 : vector<32x128xi1>, vector<32x128xf32>
    %slice3A_580 = vector.extract_strided_slice %sub3A_29 {offsets = [0, 0], sizes = [1, 128], strides = [1, 1]} : vector<32x128xf32> to vector<1x128xf32>
    %broadcast_in_dim3A_581 = vector.shape_cast %slice3A_580 : vector<1x128xf32> to vector<1x128xf32>
    %broadcast_in_dim3A_582 = vector.broadcast %broadcast_in_dim3A_581 : vector<1x128xf32> to vector<32x128xf32>
    %select_n3A_583 = arith.select %eq3A_575, %broadcast_in_dim3A_582, %broadcast_in_dim3A_564 : vector<32x128xi1>, vector<32x128xf32>
    %slice3A_584 = vector.extract_strided_slice %sub3A_31 {offsets = [0, 0], sizes = [1, 128], strides = [1, 1]} : vector<32x128xf32> to vector<1x128xf32>
    %broadcast_in_dim3A_585 = vector.shape_cast %slice3A_584 : vector<1x128xf32> to vector<1x128xf32>
    %broadcast_in_dim3A_586 = vector.broadcast %broadcast_in_dim3A_585 : vector<1x128xf32> to vector<32x128xf32>
    %select_n3A_587 = arith.select %eq3A_575, %broadcast_in_dim3A_586, %broadcast_in_dim3A_566 : vector<32x128xi1>, vector<32x128xf32>
    %slice3A_588 = vector.extract_strided_slice %squeeze3A_16 {offsets = [0, 0], sizes = [1, 128], strides = [1, 1]} : vector<32x128xf32> to vector<1x128xf32>
    %broadcast_in_dim3A_589 = vector.shape_cast %slice3A_588 : vector<1x128xf32> to vector<1x128xf32>
    %broadcast_in_dim3A_590 = vector.broadcast %broadcast_in_dim3A_589 : vector<1x128xf32> to vector<32x128xf32>
    %select_n3A_591 = arith.select %eq3A_575, %broadcast_in_dim3A_590, %broadcast_in_dim3A_568 : vector<32x128xi1>, vector<32x128xf32>
    %slice3A_592 = vector.extract_strided_slice %squeeze3A_18 {offsets = [0, 0], sizes = [1, 128], strides = [1, 1]} : vector<32x128xf32> to vector<1x128xf32>
    %broadcast_in_dim3A_593 = vector.shape_cast %slice3A_592 : vector<1x128xf32> to vector<1x128xf32>
    %broadcast_in_dim3A_594 = vector.broadcast %broadcast_in_dim3A_593 : vector<1x128xf32> to vector<32x128xf32>
    %select_n3A_595 = arith.select %eq3A_575, %broadcast_in_dim3A_594, %broadcast_in_dim3A_570 : vector<32x128xi1>, vector<32x128xf32>
    %slice3A_596 = vector.extract_strided_slice %squeeze3A_20 {offsets = [0, 0], sizes = [1, 128], strides = [1, 1]} : vector<32x128xf32> to vector<1x128xf32>
    %broadcast_in_dim3A_597 = vector.shape_cast %slice3A_596 : vector<1x128xf32> to vector<1x128xf32>
    %broadcast_in_dim3A_598 = vector.broadcast %broadcast_in_dim3A_597 : vector<1x128xf32> to vector<32x128xf32>
    %select_n3A_599 = arith.select %eq3A_575, %broadcast_in_dim3A_598, %broadcast_in_dim3A_572 : vector<32x128xi1>, vector<32x128xf32>
    %slice3A_600 = vector.extract_strided_slice %add3A_560 {offsets = [1, 0], sizes = [1, 128], strides = [1, 1]} : vector<32x128xi32> to vector<1x128xi32>
    %eq3A_601 = vector.broadcast %slice3A_600 : vector<1x128xi32> to vector<32x128xi32>
    %eq3A_602 = arith.cmpi eq, %eq3A_601, %iota3A : vector<32x128xi32>
    %slice3A_603 = vector.extract_strided_slice %sub3A_27 {offsets = [1, 0], sizes = [1, 128], strides = [1, 1]} : vector<32x128xf32> to vector<1x128xf32>
    %broadcast_in_dim3A_604 = vector.shape_cast %slice3A_603 : vector<1x128xf32> to vector<1x128xf32>
    %broadcast_in_dim3A_605 = vector.broadcast %broadcast_in_dim3A_604 : vector<1x128xf32> to vector<32x128xf32>
    %select_n3A_606 = arith.select %eq3A_602, %broadcast_in_dim3A_605, %select_n3A_579 : vector<32x128xi1>, vector<32x128xf32>
    %slice3A_607 = vector.extract_strided_slice %sub3A_29 {offsets = [1, 0], sizes = [1, 128], strides = [1, 1]} : vector<32x128xf32> to vector<1x128xf32>
    %broadcast_in_dim3A_608 = vector.shape_cast %slice3A_607 : vector<1x128xf32> to vector<1x128xf32>
    %broadcast_in_dim3A_609 = vector.broadcast %broadcast_in_dim3A_608 : vector<1x128xf32> to vector<32x128xf32>
    %select_n3A_610 = arith.select %eq3A_602, %broadcast_in_dim3A_609, %select_n3A_583 : vector<32x128xi1>, vector<32x128xf32>
    %slice3A_611 = vector.extract_strided_slice %sub3A_31 {offsets = [1, 0], sizes = [1, 128], strides = [1, 1]} : vector<32x128xf32> to vector<1x128xf32>
    %broadcast_in_dim3A_612 = vector.shape_cast %slice3A_611 : vector<1x128xf32> to vector<1x128xf32>
    %broadcast_in_dim3A_613 = vector.broadcast %broadcast_in_dim3A_612 : vector<1x128xf32> to vector<32x128xf32>
    %select_n3A_614 = arith.select %eq3A_602, %broadcast_in_dim3A_613, %select_n3A_587 : vector<32x128xi1>, vector<32x128xf32>
    %slice3A_615 = vector.extract_strided_slice %squeeze3A_16 {offsets = [1, 0], sizes = [1, 128], strides = [1, 1]} : vector<32x128xf32> to vector<1x128xf32>
    %broadcast_in_dim3A_616 = vector.shape_cast %slice3A_615 : vector<1x128xf32> to vector<1x128xf32>
    %broadcast_in_dim3A_617 = vector.broadcast %broadcast_in_dim3A_616 : vector<1x128xf32> to vector<32x128xf32>
    %select_n3A_618 = arith.select %eq3A_602, %broadcast_in_dim3A_617, %select_n3A_591 : vector<32x128xi1>, vector<32x128xf32>
    %slice3A_619 = vector.extract_strided_slice %squeeze3A_18 {offsets = [1, 0], sizes = [1, 128], strides = [1, 1]} : vector<32x128xf32> to vector<1x128xf32>
    %broadcast_in_dim3A_620 = vector.shape_cast %slice3A_619 : vector<1x128xf32> to vector<1x128xf32>
    %broadcast_in_dim3A_621 = vector.broadcast %broadcast_in_dim3A_620 : vector<1x128xf32> to vector<32x128xf32>
    %select_n3A_622 = arith.select %eq3A_602, %broadcast_in_dim3A_621, %select_n3A_595 : vector<32x128xi1>, vector<32x128xf32>
    %slice3A_623 = vector.extract_strided_slice %squeeze3A_20 {offsets = [1, 0], sizes = [1, 128], strides = [1, 1]} : vector<32x128xf32> to vector<1x128xf32>
    %broadcast_in_dim3A_624 = vector.shape_cast %slice3A_623 : vector<1x128xf32> to vector<1x128xf32>
    %broadcast_in_dim3A_625 = vector.broadcast %broadcast_in_dim3A_624 : vector<1x128xf32> to vector<32x128xf32>
    %select_n3A_626 = arith.select %eq3A_602, %broadcast_in_dim3A_625, %select_n3A_599 : vector<32x128xi1>, vector<32x128xf32>
    %slice3A_627 = vector.extract_strided_slice %add3A_560 {offsets = [2, 0], sizes = [1, 128], strides = [1, 1]} : vector<32x128xi32> to vector<1x128xi32>
    %eq3A_628 = vector.broadcast %slice3A_627 : vector<1x128xi32> to vector<32x128xi32>
    %eq3A_629 = arith.cmpi eq, %eq3A_628, %iota3A : vector<32x128xi32>
    %slice3A_630 = vector.extract_strided_slice %sub3A_27 {offsets = [2, 0], sizes = [1, 128], strides = [1, 1]} : vector<32x128xf32> to vector<1x128xf32>
    %broadcast_in_dim3A_631 = vector.shape_cast %slice3A_630 : vector<1x128xf32> to vector<1x128xf32>
    %broadcast_in_dim3A_632 = vector.broadcast %broadcast_in_dim3A_631 : vector<1x128xf32> to vector<32x128xf32>
    %select_n3A_633 = arith.select %eq3A_629, %broadcast_in_dim3A_632, %select_n3A_606 : vector<32x128xi1>, vector<32x128xf32>
    %slice3A_634 = vector.extract_strided_slice %sub3A_29 {offsets = [2, 0], sizes = [1, 128], strides = [1, 1]} : vector<32x128xf32> to vector<1x128xf32>
    %broadcast_in_dim3A_635 = vector.shape_cast %slice3A_634 : vector<1x128xf32> to vector<1x128xf32>
    %broadcast_in_dim3A_636 = vector.broadcast %broadcast_in_dim3A_635 : vector<1x128xf32> to vector<32x128xf32>
    %select_n3A_637 = arith.select %eq3A_629, %broadcast_in_dim3A_636, %select_n3A_610 : vector<32x128xi1>, vector<32x128xf32>
    %slice3A_638 = vector.extract_strided_slice %sub3A_31 {offsets = [2, 0], sizes = [1, 128], strides = [1, 1]} : vector<32x128xf32> to vector<1x128xf32>
    %broadcast_in_dim3A_639 = vector.shape_cast %slice3A_638 : vector<1x128xf32> to vector<1x128xf32>
    %broadcast_in_dim3A_640 = vector.broadcast %broadcast_in_dim3A_639 : vector<1x128xf32> to vector<32x128xf32>
    %select_n3A_641 = arith.select %eq3A_629, %broadcast_in_dim3A_640, %select_n3A_614 : vector<32x128xi1>, vector<32x128xf32>
    %slice3A_642 = vector.extract_strided_slice %squeeze3A_16 {offsets = [2, 0], sizes = [1, 128], strides = [1, 1]} : vector<32x128xf32> to vector<1x128xf32>
    %broadcast_in_dim3A_643 = vector.shape_cast %slice3A_642 : vector<1x128xf32> to vector<1x128xf32>
    %broadcast_in_dim3A_644 = vector.broadcast %broadcast_in_dim3A_643 : vector<1x128xf32> to vector<32x128xf32>
    %select_n3A_645 = arith.select %eq3A_629, %broadcast_in_dim3A_644, %select_n3A_618 : vector<32x128xi1>, vector<32x128xf32>
    %slice3A_646 = vector.extract_strided_slice %squeeze3A_18 {offsets = [2, 0], sizes = [1, 128], strides = [1, 1]} : vector<32x128xf32> to vector<1x128xf32>
    %broadcast_in_dim3A_647 = vector.shape_cast %slice3A_646 : vector<1x128xf32> to vector<1x128xf32>
    %broadcast_in_dim3A_648 = vector.broadcast %broadcast_in_dim3A_647 : vector<1x128xf32> to vector<32x128xf32>
    %select_n3A_649 = arith.select %eq3A_629, %broadcast_in_dim3A_648, %select_n3A_622 : vector<32x128xi1>, vector<32x128xf32>
    %slice3A_650 = vector.extract_strided_slice %squeeze3A_20 {offsets = [2, 0], sizes = [1, 128], strides = [1, 1]} : vector<32x128xf32> to vector<1x128xf32>
    %broadcast_in_dim3A_651 = vector.shape_cast %slice3A_650 : vector<1x128xf32> to vector<1x128xf32>
    %broadcast_in_dim3A_652 = vector.broadcast %broadcast_in_dim3A_651 : vector<1x128xf32> to vector<32x128xf32>
    %select_n3A_653 = arith.select %eq3A_629, %broadcast_in_dim3A_652, %select_n3A_626 : vector<32x128xi1>, vector<32x128xf32>
    %slice3A_654 = vector.extract_strided_slice %add3A_560 {offsets = [3, 0], sizes = [1, 128], strides = [1, 1]} : vector<32x128xi32> to vector<1x128xi32>
    %eq3A_655 = vector.broadcast %slice3A_654 : vector<1x128xi32> to vector<32x128xi32>
    %eq3A_656 = arith.cmpi eq, %eq3A_655, %iota3A : vector<32x128xi32>
    %slice3A_657 = vector.extract_strided_slice %sub3A_27 {offsets = [3, 0], sizes = [1, 128], strides = [1, 1]} : vector<32x128xf32> to vector<1x128xf32>
    %broadcast_in_dim3A_658 = vector.shape_cast %slice3A_657 : vector<1x128xf32> to vector<1x128xf32>
    %broadcast_in_dim3A_659 = vector.broadcast %broadcast_in_dim3A_658 : vector<1x128xf32> to vector<32x128xf32>
    %select_n3A_660 = arith.select %eq3A_656, %broadcast_in_dim3A_659, %select_n3A_633 : vector<32x128xi1>, vector<32x128xf32>
    %slice3A_661 = vector.extract_strided_slice %sub3A_29 {offsets = [3, 0], sizes = [1, 128], strides = [1, 1]} : vector<32x128xf32> to vector<1x128xf32>
    %broadcast_in_dim3A_662 = vector.shape_cast %slice3A_661 : vector<1x128xf32> to vector<1x128xf32>
    %broadcast_in_dim3A_663 = vector.broadcast %broadcast_in_dim3A_662 : vector<1x128xf32> to vector<32x128xf32>
    %select_n3A_664 = arith.select %eq3A_656, %broadcast_in_dim3A_663, %select_n3A_637 : vector<32x128xi1>, vector<32x128xf32>
    %slice3A_665 = vector.extract_strided_slice %sub3A_31 {offsets = [3, 0], sizes = [1, 128], strides = [1, 1]} : vector<32x128xf32> to vector<1x128xf32>
    %broadcast_in_dim3A_666 = vector.shape_cast %slice3A_665 : vector<1x128xf32> to vector<1x128xf32>
    %broadcast_in_dim3A_667 = vector.broadcast %broadcast_in_dim3A_666 : vector<1x128xf32> to vector<32x128xf32>
    %select_n3A_668 = arith.select %eq3A_656, %broadcast_in_dim3A_667, %select_n3A_641 : vector<32x128xi1>, vector<32x128xf32>
    %slice3A_669 = vector.extract_strided_slice %squeeze3A_16 {offsets = [3, 0], sizes = [1, 128], strides = [1, 1]} : vector<32x128xf32> to vector<1x128xf32>
    %broadcast_in_dim3A_670 = vector.shape_cast %slice3A_669 : vector<1x128xf32> to vector<1x128xf32>
    %broadcast_in_dim3A_671 = vector.broadcast %broadcast_in_dim3A_670 : vector<1x128xf32> to vector<32x128xf32>
    %select_n3A_672 = arith.select %eq3A_656, %broadcast_in_dim3A_671, %select_n3A_645 : vector<32x128xi1>, vector<32x128xf32>
    %slice3A_673 = vector.extract_strided_slice %squeeze3A_18 {offsets = [3, 0], sizes = [1, 128], strides = [1, 1]} : vector<32x128xf32> to vector<1x128xf32>
    %broadcast_in_dim3A_674 = vector.shape_cast %slice3A_673 : vector<1x128xf32> to vector<1x128xf32>
    %broadcast_in_dim3A_675 = vector.broadcast %broadcast_in_dim3A_674 : vector<1x128xf32> to vector<32x128xf32>
    %select_n3A_676 = arith.select %eq3A_656, %broadcast_in_dim3A_675, %select_n3A_649 : vector<32x128xi1>, vector<32x128xf32>
    %slice3A_677 = vector.extract_strided_slice %squeeze3A_20 {offsets = [3, 0], sizes = [1, 128], strides = [1, 1]} : vector<32x128xf32> to vector<1x128xf32>
    %broadcast_in_dim3A_678 = vector.shape_cast %slice3A_677 : vector<1x128xf32> to vector<1x128xf32>
    %broadcast_in_dim3A_679 = vector.broadcast %broadcast_in_dim3A_678 : vector<1x128xf32> to vector<32x128xf32>
    %select_n3A_680 = arith.select %eq3A_656, %broadcast_in_dim3A_679, %select_n3A_653 : vector<32x128xi1>, vector<32x128xf32>
    %slice3A_681 = vector.extract_strided_slice %add3A_560 {offsets = [4, 0], sizes = [1, 128], strides = [1, 1]} : vector<32x128xi32> to vector<1x128xi32>
    %eq3A_682 = vector.broadcast %slice3A_681 : vector<1x128xi32> to vector<32x128xi32>
    %eq3A_683 = arith.cmpi eq, %eq3A_682, %iota3A : vector<32x128xi32>
    %slice3A_684 = vector.extract_strided_slice %sub3A_27 {offsets = [4, 0], sizes = [1, 128], strides = [1, 1]} : vector<32x128xf32> to vector<1x128xf32>
    %broadcast_in_dim3A_685 = vector.shape_cast %slice3A_684 : vector<1x128xf32> to vector<1x128xf32>
    %broadcast_in_dim3A_686 = vector.broadcast %broadcast_in_dim3A_685 : vector<1x128xf32> to vector<32x128xf32>
    %select_n3A_687 = arith.select %eq3A_683, %broadcast_in_dim3A_686, %select_n3A_660 : vector<32x128xi1>, vector<32x128xf32>
    %slice3A_688 = vector.extract_strided_slice %sub3A_29 {offsets = [4, 0], sizes = [1, 128], strides = [1, 1]} : vector<32x128xf32> to vector<1x128xf32>
    %broadcast_in_dim3A_689 = vector.shape_cast %slice3A_688 : vector<1x128xf32> to vector<1x128xf32>
    %broadcast_in_dim3A_690 = vector.broadcast %broadcast_in_dim3A_689 : vector<1x128xf32> to vector<32x128xf32>
    %select_n3A_691 = arith.select %eq3A_683, %broadcast_in_dim3A_690, %select_n3A_664 : vector<32x128xi1>, vector<32x128xf32>
    %slice3A_692 = vector.extract_strided_slice %sub3A_31 {offsets = [4, 0], sizes = [1, 128], strides = [1, 1]} : vector<32x128xf32> to vector<1x128xf32>
    %broadcast_in_dim3A_693 = vector.shape_cast %slice3A_692 : vector<1x128xf32> to vector<1x128xf32>
    %broadcast_in_dim3A_694 = vector.broadcast %broadcast_in_dim3A_693 : vector<1x128xf32> to vector<32x128xf32>
    %select_n3A_695 = arith.select %eq3A_683, %broadcast_in_dim3A_694, %select_n3A_668 : vector<32x128xi1>, vector<32x128xf32>
    %slice3A_696 = vector.extract_strided_slice %squeeze3A_16 {offsets = [4, 0], sizes = [1, 128], strides = [1, 1]} : vector<32x128xf32> to vector<1x128xf32>
    %broadcast_in_dim3A_697 = vector.shape_cast %slice3A_696 : vector<1x128xf32> to vector<1x128xf32>
    %broadcast_in_dim3A_698 = vector.broadcast %broadcast_in_dim3A_697 : vector<1x128xf32> to vector<32x128xf32>
    %select_n3A_699 = arith.select %eq3A_683, %broadcast_in_dim3A_698, %select_n3A_672 : vector<32x128xi1>, vector<32x128xf32>
    %slice3A_700 = vector.extract_strided_slice %squeeze3A_18 {offsets = [4, 0], sizes = [1, 128], strides = [1, 1]} : vector<32x128xf32> to vector<1x128xf32>
    %broadcast_in_dim3A_701 = vector.shape_cast %slice3A_700 : vector<1x128xf32> to vector<1x128xf32>
    %broadcast_in_dim3A_702 = vector.broadcast %broadcast_in_dim3A_701 : vector<1x128xf32> to vector<32x128xf32>
    %select_n3A_703 = arith.select %eq3A_683, %broadcast_in_dim3A_702, %select_n3A_676 : vector<32x128xi1>, vector<32x128xf32>
    %slice3A_704 = vector.extract_strided_slice %squeeze3A_20 {offsets = [4, 0], sizes = [1, 128], strides = [1, 1]} : vector<32x128xf32> to vector<1x128xf32>
    %broadcast_in_dim3A_705 = vector.shape_cast %slice3A_704 : vector<1x128xf32> to vector<1x128xf32>
    %broadcast_in_dim3A_706 = vector.broadcast %broadcast_in_dim3A_705 : vector<1x128xf32> to vector<32x128xf32>
    %select_n3A_707 = arith.select %eq3A_683, %broadcast_in_dim3A_706, %select_n3A_680 : vector<32x128xi1>, vector<32x128xf32>
    %slice3A_708 = vector.extract_strided_slice %add3A_560 {offsets = [5, 0], sizes = [1, 128], strides = [1, 1]} : vector<32x128xi32> to vector<1x128xi32>
    %eq3A_709 = vector.broadcast %slice3A_708 : vector<1x128xi32> to vector<32x128xi32>
    %eq3A_710 = arith.cmpi eq, %eq3A_709, %iota3A : vector<32x128xi32>
    %slice3A_711 = vector.extract_strided_slice %sub3A_27 {offsets = [5, 0], sizes = [1, 128], strides = [1, 1]} : vector<32x128xf32> to vector<1x128xf32>
    %broadcast_in_dim3A_712 = vector.shape_cast %slice3A_711 : vector<1x128xf32> to vector<1x128xf32>
    %broadcast_in_dim3A_713 = vector.broadcast %broadcast_in_dim3A_712 : vector<1x128xf32> to vector<32x128xf32>
    %select_n3A_714 = arith.select %eq3A_710, %broadcast_in_dim3A_713, %select_n3A_687 : vector<32x128xi1>, vector<32x128xf32>
    %slice3A_715 = vector.extract_strided_slice %sub3A_29 {offsets = [5, 0], sizes = [1, 128], strides = [1, 1]} : vector<32x128xf32> to vector<1x128xf32>
    %broadcast_in_dim3A_716 = vector.shape_cast %slice3A_715 : vector<1x128xf32> to vector<1x128xf32>
    %broadcast_in_dim3A_717 = vector.broadcast %broadcast_in_dim3A_716 : vector<1x128xf32> to vector<32x128xf32>
    %select_n3A_718 = arith.select %eq3A_710, %broadcast_in_dim3A_717, %select_n3A_691 : vector<32x128xi1>, vector<32x128xf32>
    %slice3A_719 = vector.extract_strided_slice %sub3A_31 {offsets = [5, 0], sizes = [1, 128], strides = [1, 1]} : vector<32x128xf32> to vector<1x128xf32>
    %broadcast_in_dim3A_720 = vector.shape_cast %slice3A_719 : vector<1x128xf32> to vector<1x128xf32>
    %broadcast_in_dim3A_721 = vector.broadcast %broadcast_in_dim3A_720 : vector<1x128xf32> to vector<32x128xf32>
    %select_n3A_722 = arith.select %eq3A_710, %broadcast_in_dim3A_721, %select_n3A_695 : vector<32x128xi1>, vector<32x128xf32>
    %slice3A_723 = vector.extract_strided_slice %squeeze3A_16 {offsets = [5, 0], sizes = [1, 128], strides = [1, 1]} : vector<32x128xf32> to vector<1x128xf32>
    %broadcast_in_dim3A_724 = vector.shape_cast %slice3A_723 : vector<1x128xf32> to vector<1x128xf32>
    %broadcast_in_dim3A_725 = vector.broadcast %broadcast_in_dim3A_724 : vector<1x128xf32> to vector<32x128xf32>
    %select_n3A_726 = arith.select %eq3A_710, %broadcast_in_dim3A_725, %select_n3A_699 : vector<32x128xi1>, vector<32x128xf32>
    %slice3A_727 = vector.extract_strided_slice %squeeze3A_18 {offsets = [5, 0], sizes = [1, 128], strides = [1, 1]} : vector<32x128xf32> to vector<1x128xf32>
    %broadcast_in_dim3A_728 = vector.shape_cast %slice3A_727 : vector<1x128xf32> to vector<1x128xf32>
    %broadcast_in_dim3A_729 = vector.broadcast %broadcast_in_dim3A_728 : vector<1x128xf32> to vector<32x128xf32>
    %select_n3A_730 = arith.select %eq3A_710, %broadcast_in_dim3A_729, %select_n3A_703 : vector<32x128xi1>, vector<32x128xf32>
    %slice3A_731 = vector.extract_strided_slice %squeeze3A_20 {offsets = [5, 0], sizes = [1, 128], strides = [1, 1]} : vector<32x128xf32> to vector<1x128xf32>
    %broadcast_in_dim3A_732 = vector.shape_cast %slice3A_731 : vector<1x128xf32> to vector<1x128xf32>
    %broadcast_in_dim3A_733 = vector.broadcast %broadcast_in_dim3A_732 : vector<1x128xf32> to vector<32x128xf32>
    %select_n3A_734 = arith.select %eq3A_710, %broadcast_in_dim3A_733, %select_n3A_707 : vector<32x128xi1>, vector<32x128xf32>
    %slice3A_735 = vector.extract_strided_slice %add3A_560 {offsets = [6, 0], sizes = [1, 128], strides = [1, 1]} : vector<32x128xi32> to vector<1x128xi32>
    %eq3A_736 = vector.broadcast %slice3A_735 : vector<1x128xi32> to vector<32x128xi32>
    %eq3A_737 = arith.cmpi eq, %eq3A_736, %iota3A : vector<32x128xi32>
    %slice3A_738 = vector.extract_strided_slice %sub3A_27 {offsets = [6, 0], sizes = [1, 128], strides = [1, 1]} : vector<32x128xf32> to vector<1x128xf32>
    %broadcast_in_dim3A_739 = vector.shape_cast %slice3A_738 : vector<1x128xf32> to vector<1x128xf32>
    %broadcast_in_dim3A_740 = vector.broadcast %broadcast_in_dim3A_739 : vector<1x128xf32> to vector<32x128xf32>
    %select_n3A_741 = arith.select %eq3A_737, %broadcast_in_dim3A_740, %select_n3A_714 : vector<32x128xi1>, vector<32x128xf32>
    %slice3A_742 = vector.extract_strided_slice %sub3A_29 {offsets = [6, 0], sizes = [1, 128], strides = [1, 1]} : vector<32x128xf32> to vector<1x128xf32>
    %broadcast_in_dim3A_743 = vector.shape_cast %slice3A_742 : vector<1x128xf32> to vector<1x128xf32>
    %broadcast_in_dim3A_744 = vector.broadcast %broadcast_in_dim3A_743 : vector<1x128xf32> to vector<32x128xf32>
    %select_n3A_745 = arith.select %eq3A_737, %broadcast_in_dim3A_744, %select_n3A_718 : vector<32x128xi1>, vector<32x128xf32>
    %slice3A_746 = vector.extract_strided_slice %sub3A_31 {offsets = [6, 0], sizes = [1, 128], strides = [1, 1]} : vector<32x128xf32> to vector<1x128xf32>
    %broadcast_in_dim3A_747 = vector.shape_cast %slice3A_746 : vector<1x128xf32> to vector<1x128xf32>
    %broadcast_in_dim3A_748 = vector.broadcast %broadcast_in_dim3A_747 : vector<1x128xf32> to vector<32x128xf32>
    %select_n3A_749 = arith.select %eq3A_737, %broadcast_in_dim3A_748, %select_n3A_722 : vector<32x128xi1>, vector<32x128xf32>
    %slice3A_750 = vector.extract_strided_slice %squeeze3A_16 {offsets = [6, 0], sizes = [1, 128], strides = [1, 1]} : vector<32x128xf32> to vector<1x128xf32>
    %broadcast_in_dim3A_751 = vector.shape_cast %slice3A_750 : vector<1x128xf32> to vector<1x128xf32>
    %broadcast_in_dim3A_752 = vector.broadcast %broadcast_in_dim3A_751 : vector<1x128xf32> to vector<32x128xf32>
    %select_n3A_753 = arith.select %eq3A_737, %broadcast_in_dim3A_752, %select_n3A_726 : vector<32x128xi1>, vector<32x128xf32>
    %slice3A_754 = vector.extract_strided_slice %squeeze3A_18 {offsets = [6, 0], sizes = [1, 128], strides = [1, 1]} : vector<32x128xf32> to vector<1x128xf32>
    %broadcast_in_dim3A_755 = vector.shape_cast %slice3A_754 : vector<1x128xf32> to vector<1x128xf32>
    %broadcast_in_dim3A_756 = vector.broadcast %broadcast_in_dim3A_755 : vector<1x128xf32> to vector<32x128xf32>
    %select_n3A_757 = arith.select %eq3A_737, %broadcast_in_dim3A_756, %select_n3A_730 : vector<32x128xi1>, vector<32x128xf32>
    %slice3A_758 = vector.extract_strided_slice %squeeze3A_20 {offsets = [6, 0], sizes = [1, 128], strides = [1, 1]} : vector<32x128xf32> to vector<1x128xf32>
    %broadcast_in_dim3A_759 = vector.shape_cast %slice3A_758 : vector<1x128xf32> to vector<1x128xf32>
    %broadcast_in_dim3A_760 = vector.broadcast %broadcast_in_dim3A_759 : vector<1x128xf32> to vector<32x128xf32>
    %select_n3A_761 = arith.select %eq3A_737, %broadcast_in_dim3A_760, %select_n3A_734 : vector<32x128xi1>, vector<32x128xf32>
    %slice3A_762 = vector.extract_strided_slice %add3A_560 {offsets = [7, 0], sizes = [1, 128], strides = [1, 1]} : vector<32x128xi32> to vector<1x128xi32>
    %eq3A_763 = vector.broadcast %slice3A_762 : vector<1x128xi32> to vector<32x128xi32>
    %eq3A_764 = arith.cmpi eq, %eq3A_763, %iota3A : vector<32x128xi32>
    %slice3A_765 = vector.extract_strided_slice %sub3A_27 {offsets = [7, 0], sizes = [1, 128], strides = [1, 1]} : vector<32x128xf32> to vector<1x128xf32>
    %broadcast_in_dim3A_766 = vector.shape_cast %slice3A_765 : vector<1x128xf32> to vector<1x128xf32>
    %broadcast_in_dim3A_767 = vector.broadcast %broadcast_in_dim3A_766 : vector<1x128xf32> to vector<32x128xf32>
    %select_n3A_768 = arith.select %eq3A_764, %broadcast_in_dim3A_767, %select_n3A_741 : vector<32x128xi1>, vector<32x128xf32>
    %slice3A_769 = vector.extract_strided_slice %sub3A_29 {offsets = [7, 0], sizes = [1, 128], strides = [1, 1]} : vector<32x128xf32> to vector<1x128xf32>
    %broadcast_in_dim3A_770 = vector.shape_cast %slice3A_769 : vector<1x128xf32> to vector<1x128xf32>
    %broadcast_in_dim3A_771 = vector.broadcast %broadcast_in_dim3A_770 : vector<1x128xf32> to vector<32x128xf32>
    %select_n3A_772 = arith.select %eq3A_764, %broadcast_in_dim3A_771, %select_n3A_745 : vector<32x128xi1>, vector<32x128xf32>
    %slice3A_773 = vector.extract_strided_slice %sub3A_31 {offsets = [7, 0], sizes = [1, 128], strides = [1, 1]} : vector<32x128xf32> to vector<1x128xf32>
    %broadcast_in_dim3A_774 = vector.shape_cast %slice3A_773 : vector<1x128xf32> to vector<1x128xf32>
    %broadcast_in_dim3A_775 = vector.broadcast %broadcast_in_dim3A_774 : vector<1x128xf32> to vector<32x128xf32>
    %select_n3A_776 = arith.select %eq3A_764, %broadcast_in_dim3A_775, %select_n3A_749 : vector<32x128xi1>, vector<32x128xf32>
    %slice3A_777 = vector.extract_strided_slice %squeeze3A_16 {offsets = [7, 0], sizes = [1, 128], strides = [1, 1]} : vector<32x128xf32> to vector<1x128xf32>
    %broadcast_in_dim3A_778 = vector.shape_cast %slice3A_777 : vector<1x128xf32> to vector<1x128xf32>
    %broadcast_in_dim3A_779 = vector.broadcast %broadcast_in_dim3A_778 : vector<1x128xf32> to vector<32x128xf32>
    %select_n3A_780 = arith.select %eq3A_764, %broadcast_in_dim3A_779, %select_n3A_753 : vector<32x128xi1>, vector<32x128xf32>
    %slice3A_781 = vector.extract_strided_slice %squeeze3A_18 {offsets = [7, 0], sizes = [1, 128], strides = [1, 1]} : vector<32x128xf32> to vector<1x128xf32>
    %broadcast_in_dim3A_782 = vector.shape_cast %slice3A_781 : vector<1x128xf32> to vector<1x128xf32>
    %broadcast_in_dim3A_783 = vector.broadcast %broadcast_in_dim3A_782 : vector<1x128xf32> to vector<32x128xf32>
    %select_n3A_784 = arith.select %eq3A_764, %broadcast_in_dim3A_783, %select_n3A_757 : vector<32x128xi1>, vector<32x128xf32>
    %slice3A_785 = vector.extract_strided_slice %squeeze3A_20 {offsets = [7, 0], sizes = [1, 128], strides = [1, 1]} : vector<32x128xf32> to vector<1x128xf32>
    %broadcast_in_dim3A_786 = vector.shape_cast %slice3A_785 : vector<1x128xf32> to vector<1x128xf32>
    %broadcast_in_dim3A_787 = vector.broadcast %broadcast_in_dim3A_786 : vector<1x128xf32> to vector<32x128xf32>
    %select_n3A_788 = arith.select %eq3A_764, %broadcast_in_dim3A_787, %select_n3A_761 : vector<32x128xi1>, vector<32x128xf32>
    %slice3A_789 = vector.extract_strided_slice %add3A_560 {offsets = [8, 0], sizes = [1, 128], strides = [1, 1]} : vector<32x128xi32> to vector<1x128xi32>
    %eq3A_790 = vector.broadcast %slice3A_789 : vector<1x128xi32> to vector<32x128xi32>
    %eq3A_791 = arith.cmpi eq, %eq3A_790, %iota3A : vector<32x128xi32>
    %slice3A_792 = vector.extract_strided_slice %sub3A_27 {offsets = [8, 0], sizes = [1, 128], strides = [1, 1]} : vector<32x128xf32> to vector<1x128xf32>
    %broadcast_in_dim3A_793 = vector.shape_cast %slice3A_792 : vector<1x128xf32> to vector<1x128xf32>
    %broadcast_in_dim3A_794 = vector.broadcast %broadcast_in_dim3A_793 : vector<1x128xf32> to vector<32x128xf32>
    %select_n3A_795 = arith.select %eq3A_791, %broadcast_in_dim3A_794, %select_n3A_768 : vector<32x128xi1>, vector<32x128xf32>
    %slice3A_796 = vector.extract_strided_slice %sub3A_29 {offsets = [8, 0], sizes = [1, 128], strides = [1, 1]} : vector<32x128xf32> to vector<1x128xf32>
    %broadcast_in_dim3A_797 = vector.shape_cast %slice3A_796 : vector<1x128xf32> to vector<1x128xf32>
    %broadcast_in_dim3A_798 = vector.broadcast %broadcast_in_dim3A_797 : vector<1x128xf32> to vector<32x128xf32>
    %select_n3A_799 = arith.select %eq3A_791, %broadcast_in_dim3A_798, %select_n3A_772 : vector<32x128xi1>, vector<32x128xf32>
    %slice3A_800 = vector.extract_strided_slice %sub3A_31 {offsets = [8, 0], sizes = [1, 128], strides = [1, 1]} : vector<32x128xf32> to vector<1x128xf32>
    %broadcast_in_dim3A_801 = vector.shape_cast %slice3A_800 : vector<1x128xf32> to vector<1x128xf32>
    %broadcast_in_dim3A_802 = vector.broadcast %broadcast_in_dim3A_801 : vector<1x128xf32> to vector<32x128xf32>
    %select_n3A_803 = arith.select %eq3A_791, %broadcast_in_dim3A_802, %select_n3A_776 : vector<32x128xi1>, vector<32x128xf32>
    %slice3A_804 = vector.extract_strided_slice %squeeze3A_16 {offsets = [8, 0], sizes = [1, 128], strides = [1, 1]} : vector<32x128xf32> to vector<1x128xf32>
    %broadcast_in_dim3A_805 = vector.shape_cast %slice3A_804 : vector<1x128xf32> to vector<1x128xf32>
    %broadcast_in_dim3A_806 = vector.broadcast %broadcast_in_dim3A_805 : vector<1x128xf32> to vector<32x128xf32>
    %select_n3A_807 = arith.select %eq3A_791, %broadcast_in_dim3A_806, %select_n3A_780 : vector<32x128xi1>, vector<32x128xf32>
    %slice3A_808 = vector.extract_strided_slice %squeeze3A_18 {offsets = [8, 0], sizes = [1, 128], strides = [1, 1]} : vector<32x128xf32> to vector<1x128xf32>
    %broadcast_in_dim3A_809 = vector.shape_cast %slice3A_808 : vector<1x128xf32> to vector<1x128xf32>
    %broadcast_in_dim3A_810 = vector.broadcast %broadcast_in_dim3A_809 : vector<1x128xf32> to vector<32x128xf32>
    %select_n3A_811 = arith.select %eq3A_791, %broadcast_in_dim3A_810, %select_n3A_784 : vector<32x128xi1>, vector<32x128xf32>
    %slice3A_812 = vector.extract_strided_slice %squeeze3A_20 {offsets = [8, 0], sizes = [1, 128], strides = [1, 1]} : vector<32x128xf32> to vector<1x128xf32>
    %broadcast_in_dim3A_813 = vector.shape_cast %slice3A_812 : vector<1x128xf32> to vector<1x128xf32>
    %broadcast_in_dim3A_814 = vector.broadcast %broadcast_in_dim3A_813 : vector<1x128xf32> to vector<32x128xf32>
    %select_n3A_815 = arith.select %eq3A_791, %broadcast_in_dim3A_814, %select_n3A_788 : vector<32x128xi1>, vector<32x128xf32>
    %slice3A_816 = vector.extract_strided_slice %add3A_560 {offsets = [9, 0], sizes = [1, 128], strides = [1, 1]} : vector<32x128xi32> to vector<1x128xi32>
    %eq3A_817 = vector.broadcast %slice3A_816 : vector<1x128xi32> to vector<32x128xi32>
    %eq3A_818 = arith.cmpi eq, %eq3A_817, %iota3A : vector<32x128xi32>
    %slice3A_819 = vector.extract_strided_slice %sub3A_27 {offsets = [9, 0], sizes = [1, 128], strides = [1, 1]} : vector<32x128xf32> to vector<1x128xf32>
    %broadcast_in_dim3A_820 = vector.shape_cast %slice3A_819 : vector<1x128xf32> to vector<1x128xf32>
    %broadcast_in_dim3A_821 = vector.broadcast %broadcast_in_dim3A_820 : vector<1x128xf32> to vector<32x128xf32>
    %select_n3A_822 = arith.select %eq3A_818, %broadcast_in_dim3A_821, %select_n3A_795 : vector<32x128xi1>, vector<32x128xf32>
    %slice3A_823 = vector.extract_strided_slice %sub3A_29 {offsets = [9, 0], sizes = [1, 128], strides = [1, 1]} : vector<32x128xf32> to vector<1x128xf32>
    %broadcast_in_dim3A_824 = vector.shape_cast %slice3A_823 : vector<1x128xf32> to vector<1x128xf32>
    %broadcast_in_dim3A_825 = vector.broadcast %broadcast_in_dim3A_824 : vector<1x128xf32> to vector<32x128xf32>
    %select_n3A_826 = arith.select %eq3A_818, %broadcast_in_dim3A_825, %select_n3A_799 : vector<32x128xi1>, vector<32x128xf32>
    %slice3A_827 = vector.extract_strided_slice %sub3A_31 {offsets = [9, 0], sizes = [1, 128], strides = [1, 1]} : vector<32x128xf32> to vector<1x128xf32>
    %broadcast_in_dim3A_828 = vector.shape_cast %slice3A_827 : vector<1x128xf32> to vector<1x128xf32>
    %broadcast_in_dim3A_829 = vector.broadcast %broadcast_in_dim3A_828 : vector<1x128xf32> to vector<32x128xf32>
    %select_n3A_830 = arith.select %eq3A_818, %broadcast_in_dim3A_829, %select_n3A_803 : vector<32x128xi1>, vector<32x128xf32>
    %slice3A_831 = vector.extract_strided_slice %squeeze3A_16 {offsets = [9, 0], sizes = [1, 128], strides = [1, 1]} : vector<32x128xf32> to vector<1x128xf32>
    %broadcast_in_dim3A_832 = vector.shape_cast %slice3A_831 : vector<1x128xf32> to vector<1x128xf32>
    %broadcast_in_dim3A_833 = vector.broadcast %broadcast_in_dim3A_832 : vector<1x128xf32> to vector<32x128xf32>
    %select_n3A_834 = arith.select %eq3A_818, %broadcast_in_dim3A_833, %select_n3A_807 : vector<32x128xi1>, vector<32x128xf32>
    %slice3A_835 = vector.extract_strided_slice %squeeze3A_18 {offsets = [9, 0], sizes = [1, 128], strides = [1, 1]} : vector<32x128xf32> to vector<1x128xf32>
    %broadcast_in_dim3A_836 = vector.shape_cast %slice3A_835 : vector<1x128xf32> to vector<1x128xf32>
    %broadcast_in_dim3A_837 = vector.broadcast %broadcast_in_dim3A_836 : vector<1x128xf32> to vector<32x128xf32>
    %select_n3A_838 = arith.select %eq3A_818, %broadcast_in_dim3A_837, %select_n3A_811 : vector<32x128xi1>, vector<32x128xf32>
    %slice3A_839 = vector.extract_strided_slice %squeeze3A_20 {offsets = [9, 0], sizes = [1, 128], strides = [1, 1]} : vector<32x128xf32> to vector<1x128xf32>
    %broadcast_in_dim3A_840 = vector.shape_cast %slice3A_839 : vector<1x128xf32> to vector<1x128xf32>
    %broadcast_in_dim3A_841 = vector.broadcast %broadcast_in_dim3A_840 : vector<1x128xf32> to vector<32x128xf32>
    %select_n3A_842 = arith.select %eq3A_818, %broadcast_in_dim3A_841, %select_n3A_815 : vector<32x128xi1>, vector<32x128xf32>
    %slice3A_843 = vector.extract_strided_slice %add3A_560 {offsets = [10, 0], sizes = [1, 128], strides = [1, 1]} : vector<32x128xi32> to vector<1x128xi32>
    %eq3A_844 = vector.broadcast %slice3A_843 : vector<1x128xi32> to vector<32x128xi32>
    %eq3A_845 = arith.cmpi eq, %eq3A_844, %iota3A : vector<32x128xi32>
    %slice3A_846 = vector.extract_strided_slice %sub3A_27 {offsets = [10, 0], sizes = [1, 128], strides = [1, 1]} : vector<32x128xf32> to vector<1x128xf32>
    %broadcast_in_dim3A_847 = vector.shape_cast %slice3A_846 : vector<1x128xf32> to vector<1x128xf32>
    %broadcast_in_dim3A_848 = vector.broadcast %broadcast_in_dim3A_847 : vector<1x128xf32> to vector<32x128xf32>
    %select_n3A_849 = arith.select %eq3A_845, %broadcast_in_dim3A_848, %select_n3A_822 : vector<32x128xi1>, vector<32x128xf32>
    %slice3A_850 = vector.extract_strided_slice %sub3A_29 {offsets = [10, 0], sizes = [1, 128], strides = [1, 1]} : vector<32x128xf32> to vector<1x128xf32>
    %broadcast_in_dim3A_851 = vector.shape_cast %slice3A_850 : vector<1x128xf32> to vector<1x128xf32>
    %broadcast_in_dim3A_852 = vector.broadcast %broadcast_in_dim3A_851 : vector<1x128xf32> to vector<32x128xf32>
    %select_n3A_853 = arith.select %eq3A_845, %broadcast_in_dim3A_852, %select_n3A_826 : vector<32x128xi1>, vector<32x128xf32>
    %slice3A_854 = vector.extract_strided_slice %sub3A_31 {offsets = [10, 0], sizes = [1, 128], strides = [1, 1]} : vector<32x128xf32> to vector<1x128xf32>
    %broadcast_in_dim3A_855 = vector.shape_cast %slice3A_854 : vector<1x128xf32> to vector<1x128xf32>
    %broadcast_in_dim3A_856 = vector.broadcast %broadcast_in_dim3A_855 : vector<1x128xf32> to vector<32x128xf32>
    %select_n3A_857 = arith.select %eq3A_845, %broadcast_in_dim3A_856, %select_n3A_830 : vector<32x128xi1>, vector<32x128xf32>
    %slice3A_858 = vector.extract_strided_slice %squeeze3A_16 {offsets = [10, 0], sizes = [1, 128], strides = [1, 1]} : vector<32x128xf32> to vector<1x128xf32>
    %broadcast_in_dim3A_859 = vector.shape_cast %slice3A_858 : vector<1x128xf32> to vector<1x128xf32>
    %broadcast_in_dim3A_860 = vector.broadcast %broadcast_in_dim3A_859 : vector<1x128xf32> to vector<32x128xf32>
    %select_n3A_861 = arith.select %eq3A_845, %broadcast_in_dim3A_860, %select_n3A_834 : vector<32x128xi1>, vector<32x128xf32>
    %slice3A_862 = vector.extract_strided_slice %squeeze3A_18 {offsets = [10, 0], sizes = [1, 128], strides = [1, 1]} : vector<32x128xf32> to vector<1x128xf32>
    %broadcast_in_dim3A_863 = vector.shape_cast %slice3A_862 : vector<1x128xf32> to vector<1x128xf32>
    %broadcast_in_dim3A_864 = vector.broadcast %broadcast_in_dim3A_863 : vector<1x128xf32> to vector<32x128xf32>
    %select_n3A_865 = arith.select %eq3A_845, %broadcast_in_dim3A_864, %select_n3A_838 : vector<32x128xi1>, vector<32x128xf32>
    %slice3A_866 = vector.extract_strided_slice %squeeze3A_20 {offsets = [10, 0], sizes = [1, 128], strides = [1, 1]} : vector<32x128xf32> to vector<1x128xf32>
    %broadcast_in_dim3A_867 = vector.shape_cast %slice3A_866 : vector<1x128xf32> to vector<1x128xf32>
    %broadcast_in_dim3A_868 = vector.broadcast %broadcast_in_dim3A_867 : vector<1x128xf32> to vector<32x128xf32>
    %select_n3A_869 = arith.select %eq3A_845, %broadcast_in_dim3A_868, %select_n3A_842 : vector<32x128xi1>, vector<32x128xf32>
    %slice3A_870 = vector.extract_strided_slice %add3A_560 {offsets = [11, 0], sizes = [1, 128], strides = [1, 1]} : vector<32x128xi32> to vector<1x128xi32>
    %eq3A_871 = vector.broadcast %slice3A_870 : vector<1x128xi32> to vector<32x128xi32>
    %eq3A_872 = arith.cmpi eq, %eq3A_871, %iota3A : vector<32x128xi32>
    %slice3A_873 = vector.extract_strided_slice %sub3A_27 {offsets = [11, 0], sizes = [1, 128], strides = [1, 1]} : vector<32x128xf32> to vector<1x128xf32>
    %broadcast_in_dim3A_874 = vector.shape_cast %slice3A_873 : vector<1x128xf32> to vector<1x128xf32>
    %broadcast_in_dim3A_875 = vector.broadcast %broadcast_in_dim3A_874 : vector<1x128xf32> to vector<32x128xf32>
    %select_n3A_876 = arith.select %eq3A_872, %broadcast_in_dim3A_875, %select_n3A_849 : vector<32x128xi1>, vector<32x128xf32>
    %slice3A_877 = vector.extract_strided_slice %sub3A_29 {offsets = [11, 0], sizes = [1, 128], strides = [1, 1]} : vector<32x128xf32> to vector<1x128xf32>
    %broadcast_in_dim3A_878 = vector.shape_cast %slice3A_877 : vector<1x128xf32> to vector<1x128xf32>
    %broadcast_in_dim3A_879 = vector.broadcast %broadcast_in_dim3A_878 : vector<1x128xf32> to vector<32x128xf32>
    %select_n3A_880 = arith.select %eq3A_872, %broadcast_in_dim3A_879, %select_n3A_853 : vector<32x128xi1>, vector<32x128xf32>
    %slice3A_881 = vector.extract_strided_slice %sub3A_31 {offsets = [11, 0], sizes = [1, 128], strides = [1, 1]} : vector<32x128xf32> to vector<1x128xf32>
    %broadcast_in_dim3A_882 = vector.shape_cast %slice3A_881 : vector<1x128xf32> to vector<1x128xf32>
    %broadcast_in_dim3A_883 = vector.broadcast %broadcast_in_dim3A_882 : vector<1x128xf32> to vector<32x128xf32>
    %select_n3A_884 = arith.select %eq3A_872, %broadcast_in_dim3A_883, %select_n3A_857 : vector<32x128xi1>, vector<32x128xf32>
    %slice3A_885 = vector.extract_strided_slice %squeeze3A_16 {offsets = [11, 0], sizes = [1, 128], strides = [1, 1]} : vector<32x128xf32> to vector<1x128xf32>
    %broadcast_in_dim3A_886 = vector.shape_cast %slice3A_885 : vector<1x128xf32> to vector<1x128xf32>
    %broadcast_in_dim3A_887 = vector.broadcast %broadcast_in_dim3A_886 : vector<1x128xf32> to vector<32x128xf32>
    %select_n3A_888 = arith.select %eq3A_872, %broadcast_in_dim3A_887, %select_n3A_861 : vector<32x128xi1>, vector<32x128xf32>
    %slice3A_889 = vector.extract_strided_slice %squeeze3A_18 {offsets = [11, 0], sizes = [1, 128], strides = [1, 1]} : vector<32x128xf32> to vector<1x128xf32>
    %broadcast_in_dim3A_890 = vector.shape_cast %slice3A_889 : vector<1x128xf32> to vector<1x128xf32>
    %broadcast_in_dim3A_891 = vector.broadcast %broadcast_in_dim3A_890 : vector<1x128xf32> to vector<32x128xf32>
    %select_n3A_892 = arith.select %eq3A_872, %broadcast_in_dim3A_891, %select_n3A_865 : vector<32x128xi1>, vector<32x128xf32>
    %slice3A_893 = vector.extract_strided_slice %squeeze3A_20 {offsets = [11, 0], sizes = [1, 128], strides = [1, 1]} : vector<32x128xf32> to vector<1x128xf32>
    %broadcast_in_dim3A_894 = vector.shape_cast %slice3A_893 : vector<1x128xf32> to vector<1x128xf32>
    %broadcast_in_dim3A_895 = vector.broadcast %broadcast_in_dim3A_894 : vector<1x128xf32> to vector<32x128xf32>
    %select_n3A_896 = arith.select %eq3A_872, %broadcast_in_dim3A_895, %select_n3A_869 : vector<32x128xi1>, vector<32x128xf32>
    %slice3A_897 = vector.extract_strided_slice %add3A_560 {offsets = [12, 0], sizes = [1, 128], strides = [1, 1]} : vector<32x128xi32> to vector<1x128xi32>
    %eq3A_898 = vector.broadcast %slice3A_897 : vector<1x128xi32> to vector<32x128xi32>
    %eq3A_899 = arith.cmpi eq, %eq3A_898, %iota3A : vector<32x128xi32>
    %slice3A_900 = vector.extract_strided_slice %sub3A_27 {offsets = [12, 0], sizes = [1, 128], strides = [1, 1]} : vector<32x128xf32> to vector<1x128xf32>
    %broadcast_in_dim3A_901 = vector.shape_cast %slice3A_900 : vector<1x128xf32> to vector<1x128xf32>
    %broadcast_in_dim3A_902 = vector.broadcast %broadcast_in_dim3A_901 : vector<1x128xf32> to vector<32x128xf32>
    %select_n3A_903 = arith.select %eq3A_899, %broadcast_in_dim3A_902, %select_n3A_876 : vector<32x128xi1>, vector<32x128xf32>
    %slice3A_904 = vector.extract_strided_slice %sub3A_29 {offsets = [12, 0], sizes = [1, 128], strides = [1, 1]} : vector<32x128xf32> to vector<1x128xf32>
    %broadcast_in_dim3A_905 = vector.shape_cast %slice3A_904 : vector<1x128xf32> to vector<1x128xf32>
    %broadcast_in_dim3A_906 = vector.broadcast %broadcast_in_dim3A_905 : vector<1x128xf32> to vector<32x128xf32>
    %select_n3A_907 = arith.select %eq3A_899, %broadcast_in_dim3A_906, %select_n3A_880 : vector<32x128xi1>, vector<32x128xf32>
    %slice3A_908 = vector.extract_strided_slice %sub3A_31 {offsets = [12, 0], sizes = [1, 128], strides = [1, 1]} : vector<32x128xf32> to vector<1x128xf32>
    %broadcast_in_dim3A_909 = vector.shape_cast %slice3A_908 : vector<1x128xf32> to vector<1x128xf32>
    %broadcast_in_dim3A_910 = vector.broadcast %broadcast_in_dim3A_909 : vector<1x128xf32> to vector<32x128xf32>
    %select_n3A_911 = arith.select %eq3A_899, %broadcast_in_dim3A_910, %select_n3A_884 : vector<32x128xi1>, vector<32x128xf32>
    %slice3A_912 = vector.extract_strided_slice %squeeze3A_16 {offsets = [12, 0], sizes = [1, 128], strides = [1, 1]} : vector<32x128xf32> to vector<1x128xf32>
    %broadcast_in_dim3A_913 = vector.shape_cast %slice3A_912 : vector<1x128xf32> to vector<1x128xf32>
    %broadcast_in_dim3A_914 = vector.broadcast %broadcast_in_dim3A_913 : vector<1x128xf32> to vector<32x128xf32>
    %select_n3A_915 = arith.select %eq3A_899, %broadcast_in_dim3A_914, %select_n3A_888 : vector<32x128xi1>, vector<32x128xf32>
    %slice3A_916 = vector.extract_strided_slice %squeeze3A_18 {offsets = [12, 0], sizes = [1, 128], strides = [1, 1]} : vector<32x128xf32> to vector<1x128xf32>
    %broadcast_in_dim3A_917 = vector.shape_cast %slice3A_916 : vector<1x128xf32> to vector<1x128xf32>
    %broadcast_in_dim3A_918 = vector.broadcast %broadcast_in_dim3A_917 : vector<1x128xf32> to vector<32x128xf32>
    %select_n3A_919 = arith.select %eq3A_899, %broadcast_in_dim3A_918, %select_n3A_892 : vector<32x128xi1>, vector<32x128xf32>
    %slice3A_920 = vector.extract_strided_slice %squeeze3A_20 {offsets = [12, 0], sizes = [1, 128], strides = [1, 1]} : vector<32x128xf32> to vector<1x128xf32>
    %broadcast_in_dim3A_921 = vector.shape_cast %slice3A_920 : vector<1x128xf32> to vector<1x128xf32>
    %broadcast_in_dim3A_922 = vector.broadcast %broadcast_in_dim3A_921 : vector<1x128xf32> to vector<32x128xf32>
    %select_n3A_923 = arith.select %eq3A_899, %broadcast_in_dim3A_922, %select_n3A_896 : vector<32x128xi1>, vector<32x128xf32>
    %slice3A_924 = vector.extract_strided_slice %add3A_560 {offsets = [13, 0], sizes = [1, 128], strides = [1, 1]} : vector<32x128xi32> to vector<1x128xi32>
    %eq3A_925 = vector.broadcast %slice3A_924 : vector<1x128xi32> to vector<32x128xi32>
    %eq3A_926 = arith.cmpi eq, %eq3A_925, %iota3A : vector<32x128xi32>
    %slice3A_927 = vector.extract_strided_slice %sub3A_27 {offsets = [13, 0], sizes = [1, 128], strides = [1, 1]} : vector<32x128xf32> to vector<1x128xf32>
    %broadcast_in_dim3A_928 = vector.shape_cast %slice3A_927 : vector<1x128xf32> to vector<1x128xf32>
    %broadcast_in_dim3A_929 = vector.broadcast %broadcast_in_dim3A_928 : vector<1x128xf32> to vector<32x128xf32>
    %select_n3A_930 = arith.select %eq3A_926, %broadcast_in_dim3A_929, %select_n3A_903 : vector<32x128xi1>, vector<32x128xf32>
    %slice3A_931 = vector.extract_strided_slice %sub3A_29 {offsets = [13, 0], sizes = [1, 128], strides = [1, 1]} : vector<32x128xf32> to vector<1x128xf32>
    %broadcast_in_dim3A_932 = vector.shape_cast %slice3A_931 : vector<1x128xf32> to vector<1x128xf32>
    %broadcast_in_dim3A_933 = vector.broadcast %broadcast_in_dim3A_932 : vector<1x128xf32> to vector<32x128xf32>
    %select_n3A_934 = arith.select %eq3A_926, %broadcast_in_dim3A_933, %select_n3A_907 : vector<32x128xi1>, vector<32x128xf32>
    %slice3A_935 = vector.extract_strided_slice %sub3A_31 {offsets = [13, 0], sizes = [1, 128], strides = [1, 1]} : vector<32x128xf32> to vector<1x128xf32>
    %broadcast_in_dim3A_936 = vector.shape_cast %slice3A_935 : vector<1x128xf32> to vector<1x128xf32>
    %broadcast_in_dim3A_937 = vector.broadcast %broadcast_in_dim3A_936 : vector<1x128xf32> to vector<32x128xf32>
    %select_n3A_938 = arith.select %eq3A_926, %broadcast_in_dim3A_937, %select_n3A_911 : vector<32x128xi1>, vector<32x128xf32>
    %slice3A_939 = vector.extract_strided_slice %squeeze3A_16 {offsets = [13, 0], sizes = [1, 128], strides = [1, 1]} : vector<32x128xf32> to vector<1x128xf32>
    %broadcast_in_dim3A_940 = vector.shape_cast %slice3A_939 : vector<1x128xf32> to vector<1x128xf32>
    %broadcast_in_dim3A_941 = vector.broadcast %broadcast_in_dim3A_940 : vector<1x128xf32> to vector<32x128xf32>
    %select_n3A_942 = arith.select %eq3A_926, %broadcast_in_dim3A_941, %select_n3A_915 : vector<32x128xi1>, vector<32x128xf32>
    %slice3A_943 = vector.extract_strided_slice %squeeze3A_18 {offsets = [13, 0], sizes = [1, 128], strides = [1, 1]} : vector<32x128xf32> to vector<1x128xf32>
    %broadcast_in_dim3A_944 = vector.shape_cast %slice3A_943 : vector<1x128xf32> to vector<1x128xf32>
    %broadcast_in_dim3A_945 = vector.broadcast %broadcast_in_dim3A_944 : vector<1x128xf32> to vector<32x128xf32>
    %select_n3A_946 = arith.select %eq3A_926, %broadcast_in_dim3A_945, %select_n3A_919 : vector<32x128xi1>, vector<32x128xf32>
    %slice3A_947 = vector.extract_strided_slice %squeeze3A_20 {offsets = [13, 0], sizes = [1, 128], strides = [1, 1]} : vector<32x128xf32> to vector<1x128xf32>
    %broadcast_in_dim3A_948 = vector.shape_cast %slice3A_947 : vector<1x128xf32> to vector<1x128xf32>
    %broadcast_in_dim3A_949 = vector.broadcast %broadcast_in_dim3A_948 : vector<1x128xf32> to vector<32x128xf32>
    %select_n3A_950 = arith.select %eq3A_926, %broadcast_in_dim3A_949, %select_n3A_923 : vector<32x128xi1>, vector<32x128xf32>
    %slice3A_951 = vector.extract_strided_slice %add3A_560 {offsets = [14, 0], sizes = [1, 128], strides = [1, 1]} : vector<32x128xi32> to vector<1x128xi32>
    %eq3A_952 = vector.broadcast %slice3A_951 : vector<1x128xi32> to vector<32x128xi32>
    %eq3A_953 = arith.cmpi eq, %eq3A_952, %iota3A : vector<32x128xi32>
    %slice3A_954 = vector.extract_strided_slice %sub3A_27 {offsets = [14, 0], sizes = [1, 128], strides = [1, 1]} : vector<32x128xf32> to vector<1x128xf32>
    %broadcast_in_dim3A_955 = vector.shape_cast %slice3A_954 : vector<1x128xf32> to vector<1x128xf32>
    %broadcast_in_dim3A_956 = vector.broadcast %broadcast_in_dim3A_955 : vector<1x128xf32> to vector<32x128xf32>
    %select_n3A_957 = arith.select %eq3A_953, %broadcast_in_dim3A_956, %select_n3A_930 : vector<32x128xi1>, vector<32x128xf32>
    %slice3A_958 = vector.extract_strided_slice %sub3A_29 {offsets = [14, 0], sizes = [1, 128], strides = [1, 1]} : vector<32x128xf32> to vector<1x128xf32>
    %broadcast_in_dim3A_959 = vector.shape_cast %slice3A_958 : vector<1x128xf32> to vector<1x128xf32>
    %broadcast_in_dim3A_960 = vector.broadcast %broadcast_in_dim3A_959 : vector<1x128xf32> to vector<32x128xf32>
    %select_n3A_961 = arith.select %eq3A_953, %broadcast_in_dim3A_960, %select_n3A_934 : vector<32x128xi1>, vector<32x128xf32>
    %slice3A_962 = vector.extract_strided_slice %sub3A_31 {offsets = [14, 0], sizes = [1, 128], strides = [1, 1]} : vector<32x128xf32> to vector<1x128xf32>
    %broadcast_in_dim3A_963 = vector.shape_cast %slice3A_962 : vector<1x128xf32> to vector<1x128xf32>
    %broadcast_in_dim3A_964 = vector.broadcast %broadcast_in_dim3A_963 : vector<1x128xf32> to vector<32x128xf32>
    %select_n3A_965 = arith.select %eq3A_953, %broadcast_in_dim3A_964, %select_n3A_938 : vector<32x128xi1>, vector<32x128xf32>
    %slice3A_966 = vector.extract_strided_slice %squeeze3A_16 {offsets = [14, 0], sizes = [1, 128], strides = [1, 1]} : vector<32x128xf32> to vector<1x128xf32>
    %broadcast_in_dim3A_967 = vector.shape_cast %slice3A_966 : vector<1x128xf32> to vector<1x128xf32>
    %broadcast_in_dim3A_968 = vector.broadcast %broadcast_in_dim3A_967 : vector<1x128xf32> to vector<32x128xf32>
    %select_n3A_969 = arith.select %eq3A_953, %broadcast_in_dim3A_968, %select_n3A_942 : vector<32x128xi1>, vector<32x128xf32>
    %slice3A_970 = vector.extract_strided_slice %squeeze3A_18 {offsets = [14, 0], sizes = [1, 128], strides = [1, 1]} : vector<32x128xf32> to vector<1x128xf32>
    %broadcast_in_dim3A_971 = vector.shape_cast %slice3A_970 : vector<1x128xf32> to vector<1x128xf32>
    %broadcast_in_dim3A_972 = vector.broadcast %broadcast_in_dim3A_971 : vector<1x128xf32> to vector<32x128xf32>
    %select_n3A_973 = arith.select %eq3A_953, %broadcast_in_dim3A_972, %select_n3A_946 : vector<32x128xi1>, vector<32x128xf32>
    %slice3A_974 = vector.extract_strided_slice %squeeze3A_20 {offsets = [14, 0], sizes = [1, 128], strides = [1, 1]} : vector<32x128xf32> to vector<1x128xf32>
    %broadcast_in_dim3A_975 = vector.shape_cast %slice3A_974 : vector<1x128xf32> to vector<1x128xf32>
    %broadcast_in_dim3A_976 = vector.broadcast %broadcast_in_dim3A_975 : vector<1x128xf32> to vector<32x128xf32>
    %select_n3A_977 = arith.select %eq3A_953, %broadcast_in_dim3A_976, %select_n3A_950 : vector<32x128xi1>, vector<32x128xf32>
    %slice3A_978 = vector.extract_strided_slice %add3A_560 {offsets = [15, 0], sizes = [1, 128], strides = [1, 1]} : vector<32x128xi32> to vector<1x128xi32>
    %eq3A_979 = vector.broadcast %slice3A_978 : vector<1x128xi32> to vector<32x128xi32>
    %eq3A_980 = arith.cmpi eq, %eq3A_979, %iota3A : vector<32x128xi32>
    %slice3A_981 = vector.extract_strided_slice %sub3A_27 {offsets = [15, 0], sizes = [1, 128], strides = [1, 1]} : vector<32x128xf32> to vector<1x128xf32>
    %broadcast_in_dim3A_982 = vector.shape_cast %slice3A_981 : vector<1x128xf32> to vector<1x128xf32>
    %broadcast_in_dim3A_983 = vector.broadcast %broadcast_in_dim3A_982 : vector<1x128xf32> to vector<32x128xf32>
    %select_n3A_984 = arith.select %eq3A_980, %broadcast_in_dim3A_983, %select_n3A_957 : vector<32x128xi1>, vector<32x128xf32>
    %slice3A_985 = vector.extract_strided_slice %sub3A_29 {offsets = [15, 0], sizes = [1, 128], strides = [1, 1]} : vector<32x128xf32> to vector<1x128xf32>
    %broadcast_in_dim3A_986 = vector.shape_cast %slice3A_985 : vector<1x128xf32> to vector<1x128xf32>
    %broadcast_in_dim3A_987 = vector.broadcast %broadcast_in_dim3A_986 : vector<1x128xf32> to vector<32x128xf32>
    %select_n3A_988 = arith.select %eq3A_980, %broadcast_in_dim3A_987, %select_n3A_961 : vector<32x128xi1>, vector<32x128xf32>
    %slice3A_989 = vector.extract_strided_slice %sub3A_31 {offsets = [15, 0], sizes = [1, 128], strides = [1, 1]} : vector<32x128xf32> to vector<1x128xf32>
    %broadcast_in_dim3A_990 = vector.shape_cast %slice3A_989 : vector<1x128xf32> to vector<1x128xf32>
    %broadcast_in_dim3A_991 = vector.broadcast %broadcast_in_dim3A_990 : vector<1x128xf32> to vector<32x128xf32>
    %select_n3A_992 = arith.select %eq3A_980, %broadcast_in_dim3A_991, %select_n3A_965 : vector<32x128xi1>, vector<32x128xf32>
    %slice3A_993 = vector.extract_strided_slice %squeeze3A_16 {offsets = [15, 0], sizes = [1, 128], strides = [1, 1]} : vector<32x128xf32> to vector<1x128xf32>
    %broadcast_in_dim3A_994 = vector.shape_cast %slice3A_993 : vector<1x128xf32> to vector<1x128xf32>
    %broadcast_in_dim3A_995 = vector.broadcast %broadcast_in_dim3A_994 : vector<1x128xf32> to vector<32x128xf32>
    %select_n3A_996 = arith.select %eq3A_980, %broadcast_in_dim3A_995, %select_n3A_969 : vector<32x128xi1>, vector<32x128xf32>
    %slice3A_997 = vector.extract_strided_slice %squeeze3A_18 {offsets = [15, 0], sizes = [1, 128], strides = [1, 1]} : vector<32x128xf32> to vector<1x128xf32>
    %broadcast_in_dim3A_998 = vector.shape_cast %slice3A_997 : vector<1x128xf32> to vector<1x128xf32>
    %broadcast_in_dim3A_999 = vector.broadcast %broadcast_in_dim3A_998 : vector<1x128xf32> to vector<32x128xf32>
    %select_n3A_1000 = arith.select %eq3A_980, %broadcast_in_dim3A_999, %select_n3A_973 : vector<32x128xi1>, vector<32x128xf32>
    %slice3A_1001 = vector.extract_strided_slice %squeeze3A_20 {offsets = [15, 0], sizes = [1, 128], strides = [1, 1]} : vector<32x128xf32> to vector<1x128xf32>
    %broadcast_in_dim3A_1002 = vector.shape_cast %slice3A_1001 : vector<1x128xf32> to vector<1x128xf32>
    %broadcast_in_dim3A_1003 = vector.broadcast %broadcast_in_dim3A_1002 : vector<1x128xf32> to vector<32x128xf32>
    %select_n3A_1004 = arith.select %eq3A_980, %broadcast_in_dim3A_1003, %select_n3A_977 : vector<32x128xi1>, vector<32x128xf32>
    %slice3A_1005 = vector.extract_strided_slice %add3A_560 {offsets = [16, 0], sizes = [1, 128], strides = [1, 1]} : vector<32x128xi32> to vector<1x128xi32>
    %eq3A_1006 = vector.broadcast %slice3A_1005 : vector<1x128xi32> to vector<32x128xi32>
    %eq3A_1007 = arith.cmpi eq, %eq3A_1006, %iota3A : vector<32x128xi32>
    %slice3A_1008 = vector.extract_strided_slice %sub3A_27 {offsets = [16, 0], sizes = [1, 128], strides = [1, 1]} : vector<32x128xf32> to vector<1x128xf32>
    %broadcast_in_dim3A_1009 = vector.shape_cast %slice3A_1008 : vector<1x128xf32> to vector<1x128xf32>
    %broadcast_in_dim3A_1010 = vector.broadcast %broadcast_in_dim3A_1009 : vector<1x128xf32> to vector<32x128xf32>
    %select_n3A_1011 = arith.select %eq3A_1007, %broadcast_in_dim3A_1010, %select_n3A_984 : vector<32x128xi1>, vector<32x128xf32>
    %slice3A_1012 = vector.extract_strided_slice %sub3A_29 {offsets = [16, 0], sizes = [1, 128], strides = [1, 1]} : vector<32x128xf32> to vector<1x128xf32>
    %broadcast_in_dim3A_1013 = vector.shape_cast %slice3A_1012 : vector<1x128xf32> to vector<1x128xf32>
    %broadcast_in_dim3A_1014 = vector.broadcast %broadcast_in_dim3A_1013 : vector<1x128xf32> to vector<32x128xf32>
    %select_n3A_1015 = arith.select %eq3A_1007, %broadcast_in_dim3A_1014, %select_n3A_988 : vector<32x128xi1>, vector<32x128xf32>
    %slice3A_1016 = vector.extract_strided_slice %sub3A_31 {offsets = [16, 0], sizes = [1, 128], strides = [1, 1]} : vector<32x128xf32> to vector<1x128xf32>
    %broadcast_in_dim3A_1017 = vector.shape_cast %slice3A_1016 : vector<1x128xf32> to vector<1x128xf32>
    %broadcast_in_dim3A_1018 = vector.broadcast %broadcast_in_dim3A_1017 : vector<1x128xf32> to vector<32x128xf32>
    %select_n3A_1019 = arith.select %eq3A_1007, %broadcast_in_dim3A_1018, %select_n3A_992 : vector<32x128xi1>, vector<32x128xf32>
    %slice3A_1020 = vector.extract_strided_slice %squeeze3A_16 {offsets = [16, 0], sizes = [1, 128], strides = [1, 1]} : vector<32x128xf32> to vector<1x128xf32>
    %broadcast_in_dim3A_1021 = vector.shape_cast %slice3A_1020 : vector<1x128xf32> to vector<1x128xf32>
    %broadcast_in_dim3A_1022 = vector.broadcast %broadcast_in_dim3A_1021 : vector<1x128xf32> to vector<32x128xf32>
    %select_n3A_1023 = arith.select %eq3A_1007, %broadcast_in_dim3A_1022, %select_n3A_996 : vector<32x128xi1>, vector<32x128xf32>
    %slice3A_1024 = vector.extract_strided_slice %squeeze3A_18 {offsets = [16, 0], sizes = [1, 128], strides = [1, 1]} : vector<32x128xf32> to vector<1x128xf32>
    %broadcast_in_dim3A_1025 = vector.shape_cast %slice3A_1024 : vector<1x128xf32> to vector<1x128xf32>
    %broadcast_in_dim3A_1026 = vector.broadcast %broadcast_in_dim3A_1025 : vector<1x128xf32> to vector<32x128xf32>
    %select_n3A_1027 = arith.select %eq3A_1007, %broadcast_in_dim3A_1026, %select_n3A_1000 : vector<32x128xi1>, vector<32x128xf32>
    %slice3A_1028 = vector.extract_strided_slice %squeeze3A_20 {offsets = [16, 0], sizes = [1, 128], strides = [1, 1]} : vector<32x128xf32> to vector<1x128xf32>
    %broadcast_in_dim3A_1029 = vector.shape_cast %slice3A_1028 : vector<1x128xf32> to vector<1x128xf32>
    %broadcast_in_dim3A_1030 = vector.broadcast %broadcast_in_dim3A_1029 : vector<1x128xf32> to vector<32x128xf32>
    %select_n3A_1031 = arith.select %eq3A_1007, %broadcast_in_dim3A_1030, %select_n3A_1004 : vector<32x128xi1>, vector<32x128xf32>
    %slice3A_1032 = vector.extract_strided_slice %add3A_560 {offsets = [17, 0], sizes = [1, 128], strides = [1, 1]} : vector<32x128xi32> to vector<1x128xi32>
    %eq3A_1033 = vector.broadcast %slice3A_1032 : vector<1x128xi32> to vector<32x128xi32>
    %eq3A_1034 = arith.cmpi eq, %eq3A_1033, %iota3A : vector<32x128xi32>
    %slice3A_1035 = vector.extract_strided_slice %sub3A_27 {offsets = [17, 0], sizes = [1, 128], strides = [1, 1]} : vector<32x128xf32> to vector<1x128xf32>
    %broadcast_in_dim3A_1036 = vector.shape_cast %slice3A_1035 : vector<1x128xf32> to vector<1x128xf32>
    %broadcast_in_dim3A_1037 = vector.broadcast %broadcast_in_dim3A_1036 : vector<1x128xf32> to vector<32x128xf32>
    %select_n3A_1038 = arith.select %eq3A_1034, %broadcast_in_dim3A_1037, %select_n3A_1011 : vector<32x128xi1>, vector<32x128xf32>
    %slice3A_1039 = vector.extract_strided_slice %sub3A_29 {offsets = [17, 0], sizes = [1, 128], strides = [1, 1]} : vector<32x128xf32> to vector<1x128xf32>
    %broadcast_in_dim3A_1040 = vector.shape_cast %slice3A_1039 : vector<1x128xf32> to vector<1x128xf32>
    %broadcast_in_dim3A_1041 = vector.broadcast %broadcast_in_dim3A_1040 : vector<1x128xf32> to vector<32x128xf32>
    %select_n3A_1042 = arith.select %eq3A_1034, %broadcast_in_dim3A_1041, %select_n3A_1015 : vector<32x128xi1>, vector<32x128xf32>
    %slice3A_1043 = vector.extract_strided_slice %sub3A_31 {offsets = [17, 0], sizes = [1, 128], strides = [1, 1]} : vector<32x128xf32> to vector<1x128xf32>
    %broadcast_in_dim3A_1044 = vector.shape_cast %slice3A_1043 : vector<1x128xf32> to vector<1x128xf32>
    %broadcast_in_dim3A_1045 = vector.broadcast %broadcast_in_dim3A_1044 : vector<1x128xf32> to vector<32x128xf32>
    %select_n3A_1046 = arith.select %eq3A_1034, %broadcast_in_dim3A_1045, %select_n3A_1019 : vector<32x128xi1>, vector<32x128xf32>
    %slice3A_1047 = vector.extract_strided_slice %squeeze3A_16 {offsets = [17, 0], sizes = [1, 128], strides = [1, 1]} : vector<32x128xf32> to vector<1x128xf32>
    %broadcast_in_dim3A_1048 = vector.shape_cast %slice3A_1047 : vector<1x128xf32> to vector<1x128xf32>
    %broadcast_in_dim3A_1049 = vector.broadcast %broadcast_in_dim3A_1048 : vector<1x128xf32> to vector<32x128xf32>
    %select_n3A_1050 = arith.select %eq3A_1034, %broadcast_in_dim3A_1049, %select_n3A_1023 : vector<32x128xi1>, vector<32x128xf32>
    %slice3A_1051 = vector.extract_strided_slice %squeeze3A_18 {offsets = [17, 0], sizes = [1, 128], strides = [1, 1]} : vector<32x128xf32> to vector<1x128xf32>
    %broadcast_in_dim3A_1052 = vector.shape_cast %slice3A_1051 : vector<1x128xf32> to vector<1x128xf32>
    %broadcast_in_dim3A_1053 = vector.broadcast %broadcast_in_dim3A_1052 : vector<1x128xf32> to vector<32x128xf32>
    %select_n3A_1054 = arith.select %eq3A_1034, %broadcast_in_dim3A_1053, %select_n3A_1027 : vector<32x128xi1>, vector<32x128xf32>
    %slice3A_1055 = vector.extract_strided_slice %squeeze3A_20 {offsets = [17, 0], sizes = [1, 128], strides = [1, 1]} : vector<32x128xf32> to vector<1x128xf32>
    %broadcast_in_dim3A_1056 = vector.shape_cast %slice3A_1055 : vector<1x128xf32> to vector<1x128xf32>
    %broadcast_in_dim3A_1057 = vector.broadcast %broadcast_in_dim3A_1056 : vector<1x128xf32> to vector<32x128xf32>
    %select_n3A_1058 = arith.select %eq3A_1034, %broadcast_in_dim3A_1057, %select_n3A_1031 : vector<32x128xi1>, vector<32x128xf32>
    %slice3A_1059 = vector.extract_strided_slice %add3A_560 {offsets = [18, 0], sizes = [1, 128], strides = [1, 1]} : vector<32x128xi32> to vector<1x128xi32>
    %eq3A_1060 = vector.broadcast %slice3A_1059 : vector<1x128xi32> to vector<32x128xi32>
    %eq3A_1061 = arith.cmpi eq, %eq3A_1060, %iota3A : vector<32x128xi32>
    %slice3A_1062 = vector.extract_strided_slice %sub3A_27 {offsets = [18, 0], sizes = [1, 128], strides = [1, 1]} : vector<32x128xf32> to vector<1x128xf32>
    %broadcast_in_dim3A_1063 = vector.shape_cast %slice3A_1062 : vector<1x128xf32> to vector<1x128xf32>
    %broadcast_in_dim3A_1064 = vector.broadcast %broadcast_in_dim3A_1063 : vector<1x128xf32> to vector<32x128xf32>
    %select_n3A_1065 = arith.select %eq3A_1061, %broadcast_in_dim3A_1064, %select_n3A_1038 : vector<32x128xi1>, vector<32x128xf32>
    %slice3A_1066 = vector.extract_strided_slice %sub3A_29 {offsets = [18, 0], sizes = [1, 128], strides = [1, 1]} : vector<32x128xf32> to vector<1x128xf32>
    %broadcast_in_dim3A_1067 = vector.shape_cast %slice3A_1066 : vector<1x128xf32> to vector<1x128xf32>
    %broadcast_in_dim3A_1068 = vector.broadcast %broadcast_in_dim3A_1067 : vector<1x128xf32> to vector<32x128xf32>
    %select_n3A_1069 = arith.select %eq3A_1061, %broadcast_in_dim3A_1068, %select_n3A_1042 : vector<32x128xi1>, vector<32x128xf32>
    %slice3A_1070 = vector.extract_strided_slice %sub3A_31 {offsets = [18, 0], sizes = [1, 128], strides = [1, 1]} : vector<32x128xf32> to vector<1x128xf32>
    %broadcast_in_dim3A_1071 = vector.shape_cast %slice3A_1070 : vector<1x128xf32> to vector<1x128xf32>
    %broadcast_in_dim3A_1072 = vector.broadcast %broadcast_in_dim3A_1071 : vector<1x128xf32> to vector<32x128xf32>
    %select_n3A_1073 = arith.select %eq3A_1061, %broadcast_in_dim3A_1072, %select_n3A_1046 : vector<32x128xi1>, vector<32x128xf32>
    %slice3A_1074 = vector.extract_strided_slice %squeeze3A_16 {offsets = [18, 0], sizes = [1, 128], strides = [1, 1]} : vector<32x128xf32> to vector<1x128xf32>
    %broadcast_in_dim3A_1075 = vector.shape_cast %slice3A_1074 : vector<1x128xf32> to vector<1x128xf32>
    %broadcast_in_dim3A_1076 = vector.broadcast %broadcast_in_dim3A_1075 : vector<1x128xf32> to vector<32x128xf32>
    %select_n3A_1077 = arith.select %eq3A_1061, %broadcast_in_dim3A_1076, %select_n3A_1050 : vector<32x128xi1>, vector<32x128xf32>
    %slice3A_1078 = vector.extract_strided_slice %squeeze3A_18 {offsets = [18, 0], sizes = [1, 128], strides = [1, 1]} : vector<32x128xf32> to vector<1x128xf32>
    %broadcast_in_dim3A_1079 = vector.shape_cast %slice3A_1078 : vector<1x128xf32> to vector<1x128xf32>
    %broadcast_in_dim3A_1080 = vector.broadcast %broadcast_in_dim3A_1079 : vector<1x128xf32> to vector<32x128xf32>
    %select_n3A_1081 = arith.select %eq3A_1061, %broadcast_in_dim3A_1080, %select_n3A_1054 : vector<32x128xi1>, vector<32x128xf32>
    %slice3A_1082 = vector.extract_strided_slice %squeeze3A_20 {offsets = [18, 0], sizes = [1, 128], strides = [1, 1]} : vector<32x128xf32> to vector<1x128xf32>
    %broadcast_in_dim3A_1083 = vector.shape_cast %slice3A_1082 : vector<1x128xf32> to vector<1x128xf32>
    %broadcast_in_dim3A_1084 = vector.broadcast %broadcast_in_dim3A_1083 : vector<1x128xf32> to vector<32x128xf32>
    %select_n3A_1085 = arith.select %eq3A_1061, %broadcast_in_dim3A_1084, %select_n3A_1058 : vector<32x128xi1>, vector<32x128xf32>
    %slice3A_1086 = vector.extract_strided_slice %add3A_560 {offsets = [19, 0], sizes = [1, 128], strides = [1, 1]} : vector<32x128xi32> to vector<1x128xi32>
    %eq3A_1087 = vector.broadcast %slice3A_1086 : vector<1x128xi32> to vector<32x128xi32>
    %eq3A_1088 = arith.cmpi eq, %eq3A_1087, %iota3A : vector<32x128xi32>
    %slice3A_1089 = vector.extract_strided_slice %sub3A_27 {offsets = [19, 0], sizes = [1, 128], strides = [1, 1]} : vector<32x128xf32> to vector<1x128xf32>
    %broadcast_in_dim3A_1090 = vector.shape_cast %slice3A_1089 : vector<1x128xf32> to vector<1x128xf32>
    %broadcast_in_dim3A_1091 = vector.broadcast %broadcast_in_dim3A_1090 : vector<1x128xf32> to vector<32x128xf32>
    %select_n3A_1092 = arith.select %eq3A_1088, %broadcast_in_dim3A_1091, %select_n3A_1065 : vector<32x128xi1>, vector<32x128xf32>
    %slice3A_1093 = vector.extract_strided_slice %sub3A_29 {offsets = [19, 0], sizes = [1, 128], strides = [1, 1]} : vector<32x128xf32> to vector<1x128xf32>
    %broadcast_in_dim3A_1094 = vector.shape_cast %slice3A_1093 : vector<1x128xf32> to vector<1x128xf32>
    %broadcast_in_dim3A_1095 = vector.broadcast %broadcast_in_dim3A_1094 : vector<1x128xf32> to vector<32x128xf32>
    %select_n3A_1096 = arith.select %eq3A_1088, %broadcast_in_dim3A_1095, %select_n3A_1069 : vector<32x128xi1>, vector<32x128xf32>
    %slice3A_1097 = vector.extract_strided_slice %sub3A_31 {offsets = [19, 0], sizes = [1, 128], strides = [1, 1]} : vector<32x128xf32> to vector<1x128xf32>
    %broadcast_in_dim3A_1098 = vector.shape_cast %slice3A_1097 : vector<1x128xf32> to vector<1x128xf32>
    %broadcast_in_dim3A_1099 = vector.broadcast %broadcast_in_dim3A_1098 : vector<1x128xf32> to vector<32x128xf32>
    %select_n3A_1100 = arith.select %eq3A_1088, %broadcast_in_dim3A_1099, %select_n3A_1073 : vector<32x128xi1>, vector<32x128xf32>
    %slice3A_1101 = vector.extract_strided_slice %squeeze3A_16 {offsets = [19, 0], sizes = [1, 128], strides = [1, 1]} : vector<32x128xf32> to vector<1x128xf32>
    %broadcast_in_dim3A_1102 = vector.shape_cast %slice3A_1101 : vector<1x128xf32> to vector<1x128xf32>
    %broadcast_in_dim3A_1103 = vector.broadcast %broadcast_in_dim3A_1102 : vector<1x128xf32> to vector<32x128xf32>
    %select_n3A_1104 = arith.select %eq3A_1088, %broadcast_in_dim3A_1103, %select_n3A_1077 : vector<32x128xi1>, vector<32x128xf32>
    %slice3A_1105 = vector.extract_strided_slice %squeeze3A_18 {offsets = [19, 0], sizes = [1, 128], strides = [1, 1]} : vector<32x128xf32> to vector<1x128xf32>
    %broadcast_in_dim3A_1106 = vector.shape_cast %slice3A_1105 : vector<1x128xf32> to vector<1x128xf32>
    %broadcast_in_dim3A_1107 = vector.broadcast %broadcast_in_dim3A_1106 : vector<1x128xf32> to vector<32x128xf32>
    %select_n3A_1108 = arith.select %eq3A_1088, %broadcast_in_dim3A_1107, %select_n3A_1081 : vector<32x128xi1>, vector<32x128xf32>
    %slice3A_1109 = vector.extract_strided_slice %squeeze3A_20 {offsets = [19, 0], sizes = [1, 128], strides = [1, 1]} : vector<32x128xf32> to vector<1x128xf32>
    %broadcast_in_dim3A_1110 = vector.shape_cast %slice3A_1109 : vector<1x128xf32> to vector<1x128xf32>
    %broadcast_in_dim3A_1111 = vector.broadcast %broadcast_in_dim3A_1110 : vector<1x128xf32> to vector<32x128xf32>
    %select_n3A_1112 = arith.select %eq3A_1088, %broadcast_in_dim3A_1111, %select_n3A_1085 : vector<32x128xi1>, vector<32x128xf32>
    %slice3A_1113 = vector.extract_strided_slice %add3A_560 {offsets = [20, 0], sizes = [1, 128], strides = [1, 1]} : vector<32x128xi32> to vector<1x128xi32>
    %eq3A_1114 = vector.broadcast %slice3A_1113 : vector<1x128xi32> to vector<32x128xi32>
    %eq3A_1115 = arith.cmpi eq, %eq3A_1114, %iota3A : vector<32x128xi32>
    %slice3A_1116 = vector.extract_strided_slice %sub3A_27 {offsets = [20, 0], sizes = [1, 128], strides = [1, 1]} : vector<32x128xf32> to vector<1x128xf32>
    %broadcast_in_dim3A_1117 = vector.shape_cast %slice3A_1116 : vector<1x128xf32> to vector<1x128xf32>
    %broadcast_in_dim3A_1118 = vector.broadcast %broadcast_in_dim3A_1117 : vector<1x128xf32> to vector<32x128xf32>
    %select_n3A_1119 = arith.select %eq3A_1115, %broadcast_in_dim3A_1118, %select_n3A_1092 : vector<32x128xi1>, vector<32x128xf32>
    %slice3A_1120 = vector.extract_strided_slice %sub3A_29 {offsets = [20, 0], sizes = [1, 128], strides = [1, 1]} : vector<32x128xf32> to vector<1x128xf32>
    %broadcast_in_dim3A_1121 = vector.shape_cast %slice3A_1120 : vector<1x128xf32> to vector<1x128xf32>
    %broadcast_in_dim3A_1122 = vector.broadcast %broadcast_in_dim3A_1121 : vector<1x128xf32> to vector<32x128xf32>
    %select_n3A_1123 = arith.select %eq3A_1115, %broadcast_in_dim3A_1122, %select_n3A_1096 : vector<32x128xi1>, vector<32x128xf32>
    %slice3A_1124 = vector.extract_strided_slice %sub3A_31 {offsets = [20, 0], sizes = [1, 128], strides = [1, 1]} : vector<32x128xf32> to vector<1x128xf32>
    %broadcast_in_dim3A_1125 = vector.shape_cast %slice3A_1124 : vector<1x128xf32> to vector<1x128xf32>
    %broadcast_in_dim3A_1126 = vector.broadcast %broadcast_in_dim3A_1125 : vector<1x128xf32> to vector<32x128xf32>
    %select_n3A_1127 = arith.select %eq3A_1115, %broadcast_in_dim3A_1126, %select_n3A_1100 : vector<32x128xi1>, vector<32x128xf32>
    %slice3A_1128 = vector.extract_strided_slice %squeeze3A_16 {offsets = [20, 0], sizes = [1, 128], strides = [1, 1]} : vector<32x128xf32> to vector<1x128xf32>
    %broadcast_in_dim3A_1129 = vector.shape_cast %slice3A_1128 : vector<1x128xf32> to vector<1x128xf32>
    %broadcast_in_dim3A_1130 = vector.broadcast %broadcast_in_dim3A_1129 : vector<1x128xf32> to vector<32x128xf32>
    %select_n3A_1131 = arith.select %eq3A_1115, %broadcast_in_dim3A_1130, %select_n3A_1104 : vector<32x128xi1>, vector<32x128xf32>
    %slice3A_1132 = vector.extract_strided_slice %squeeze3A_18 {offsets = [20, 0], sizes = [1, 128], strides = [1, 1]} : vector<32x128xf32> to vector<1x128xf32>
    %broadcast_in_dim3A_1133 = vector.shape_cast %slice3A_1132 : vector<1x128xf32> to vector<1x128xf32>
    %broadcast_in_dim3A_1134 = vector.broadcast %broadcast_in_dim3A_1133 : vector<1x128xf32> to vector<32x128xf32>
    %select_n3A_1135 = arith.select %eq3A_1115, %broadcast_in_dim3A_1134, %select_n3A_1108 : vector<32x128xi1>, vector<32x128xf32>
    %slice3A_1136 = vector.extract_strided_slice %squeeze3A_20 {offsets = [20, 0], sizes = [1, 128], strides = [1, 1]} : vector<32x128xf32> to vector<1x128xf32>
    %broadcast_in_dim3A_1137 = vector.shape_cast %slice3A_1136 : vector<1x128xf32> to vector<1x128xf32>
    %broadcast_in_dim3A_1138 = vector.broadcast %broadcast_in_dim3A_1137 : vector<1x128xf32> to vector<32x128xf32>
    %select_n3A_1139 = arith.select %eq3A_1115, %broadcast_in_dim3A_1138, %select_n3A_1112 : vector<32x128xi1>, vector<32x128xf32>
    %slice3A_1140 = vector.extract_strided_slice %add3A_560 {offsets = [21, 0], sizes = [1, 128], strides = [1, 1]} : vector<32x128xi32> to vector<1x128xi32>
    %eq3A_1141 = vector.broadcast %slice3A_1140 : vector<1x128xi32> to vector<32x128xi32>
    %eq3A_1142 = arith.cmpi eq, %eq3A_1141, %iota3A : vector<32x128xi32>
    %slice3A_1143 = vector.extract_strided_slice %sub3A_27 {offsets = [21, 0], sizes = [1, 128], strides = [1, 1]} : vector<32x128xf32> to vector<1x128xf32>
    %broadcast_in_dim3A_1144 = vector.shape_cast %slice3A_1143 : vector<1x128xf32> to vector<1x128xf32>
    %broadcast_in_dim3A_1145 = vector.broadcast %broadcast_in_dim3A_1144 : vector<1x128xf32> to vector<32x128xf32>
    %select_n3A_1146 = arith.select %eq3A_1142, %broadcast_in_dim3A_1145, %select_n3A_1119 : vector<32x128xi1>, vector<32x128xf32>
    %slice3A_1147 = vector.extract_strided_slice %sub3A_29 {offsets = [21, 0], sizes = [1, 128], strides = [1, 1]} : vector<32x128xf32> to vector<1x128xf32>
    %broadcast_in_dim3A_1148 = vector.shape_cast %slice3A_1147 : vector<1x128xf32> to vector<1x128xf32>
    %broadcast_in_dim3A_1149 = vector.broadcast %broadcast_in_dim3A_1148 : vector<1x128xf32> to vector<32x128xf32>
    %select_n3A_1150 = arith.select %eq3A_1142, %broadcast_in_dim3A_1149, %select_n3A_1123 : vector<32x128xi1>, vector<32x128xf32>
    %slice3A_1151 = vector.extract_strided_slice %sub3A_31 {offsets = [21, 0], sizes = [1, 128], strides = [1, 1]} : vector<32x128xf32> to vector<1x128xf32>
    %broadcast_in_dim3A_1152 = vector.shape_cast %slice3A_1151 : vector<1x128xf32> to vector<1x128xf32>
    %broadcast_in_dim3A_1153 = vector.broadcast %broadcast_in_dim3A_1152 : vector<1x128xf32> to vector<32x128xf32>
    %select_n3A_1154 = arith.select %eq3A_1142, %broadcast_in_dim3A_1153, %select_n3A_1127 : vector<32x128xi1>, vector<32x128xf32>
    %slice3A_1155 = vector.extract_strided_slice %squeeze3A_16 {offsets = [21, 0], sizes = [1, 128], strides = [1, 1]} : vector<32x128xf32> to vector<1x128xf32>
    %broadcast_in_dim3A_1156 = vector.shape_cast %slice3A_1155 : vector<1x128xf32> to vector<1x128xf32>
    %broadcast_in_dim3A_1157 = vector.broadcast %broadcast_in_dim3A_1156 : vector<1x128xf32> to vector<32x128xf32>
    %select_n3A_1158 = arith.select %eq3A_1142, %broadcast_in_dim3A_1157, %select_n3A_1131 : vector<32x128xi1>, vector<32x128xf32>
    %slice3A_1159 = vector.extract_strided_slice %squeeze3A_18 {offsets = [21, 0], sizes = [1, 128], strides = [1, 1]} : vector<32x128xf32> to vector<1x128xf32>
    %broadcast_in_dim3A_1160 = vector.shape_cast %slice3A_1159 : vector<1x128xf32> to vector<1x128xf32>
    %broadcast_in_dim3A_1161 = vector.broadcast %broadcast_in_dim3A_1160 : vector<1x128xf32> to vector<32x128xf32>
    %select_n3A_1162 = arith.select %eq3A_1142, %broadcast_in_dim3A_1161, %select_n3A_1135 : vector<32x128xi1>, vector<32x128xf32>
    %slice3A_1163 = vector.extract_strided_slice %squeeze3A_20 {offsets = [21, 0], sizes = [1, 128], strides = [1, 1]} : vector<32x128xf32> to vector<1x128xf32>
    %broadcast_in_dim3A_1164 = vector.shape_cast %slice3A_1163 : vector<1x128xf32> to vector<1x128xf32>
    %broadcast_in_dim3A_1165 = vector.broadcast %broadcast_in_dim3A_1164 : vector<1x128xf32> to vector<32x128xf32>
    %select_n3A_1166 = arith.select %eq3A_1142, %broadcast_in_dim3A_1165, %select_n3A_1139 : vector<32x128xi1>, vector<32x128xf32>
    %slice3A_1167 = vector.extract_strided_slice %add3A_560 {offsets = [22, 0], sizes = [1, 128], strides = [1, 1]} : vector<32x128xi32> to vector<1x128xi32>
    %eq3A_1168 = vector.broadcast %slice3A_1167 : vector<1x128xi32> to vector<32x128xi32>
    %eq3A_1169 = arith.cmpi eq, %eq3A_1168, %iota3A : vector<32x128xi32>
    %slice3A_1170 = vector.extract_strided_slice %sub3A_27 {offsets = [22, 0], sizes = [1, 128], strides = [1, 1]} : vector<32x128xf32> to vector<1x128xf32>
    %broadcast_in_dim3A_1171 = vector.shape_cast %slice3A_1170 : vector<1x128xf32> to vector<1x128xf32>
    %broadcast_in_dim3A_1172 = vector.broadcast %broadcast_in_dim3A_1171 : vector<1x128xf32> to vector<32x128xf32>
    %select_n3A_1173 = arith.select %eq3A_1169, %broadcast_in_dim3A_1172, %select_n3A_1146 : vector<32x128xi1>, vector<32x128xf32>
    %slice3A_1174 = vector.extract_strided_slice %sub3A_29 {offsets = [22, 0], sizes = [1, 128], strides = [1, 1]} : vector<32x128xf32> to vector<1x128xf32>
    %broadcast_in_dim3A_1175 = vector.shape_cast %slice3A_1174 : vector<1x128xf32> to vector<1x128xf32>
    %broadcast_in_dim3A_1176 = vector.broadcast %broadcast_in_dim3A_1175 : vector<1x128xf32> to vector<32x128xf32>
    %select_n3A_1177 = arith.select %eq3A_1169, %broadcast_in_dim3A_1176, %select_n3A_1150 : vector<32x128xi1>, vector<32x128xf32>
    %slice3A_1178 = vector.extract_strided_slice %sub3A_31 {offsets = [22, 0], sizes = [1, 128], strides = [1, 1]} : vector<32x128xf32> to vector<1x128xf32>
    %broadcast_in_dim3A_1179 = vector.shape_cast %slice3A_1178 : vector<1x128xf32> to vector<1x128xf32>
    %broadcast_in_dim3A_1180 = vector.broadcast %broadcast_in_dim3A_1179 : vector<1x128xf32> to vector<32x128xf32>
    %select_n3A_1181 = arith.select %eq3A_1169, %broadcast_in_dim3A_1180, %select_n3A_1154 : vector<32x128xi1>, vector<32x128xf32>
    %slice3A_1182 = vector.extract_strided_slice %squeeze3A_16 {offsets = [22, 0], sizes = [1, 128], strides = [1, 1]} : vector<32x128xf32> to vector<1x128xf32>
    %broadcast_in_dim3A_1183 = vector.shape_cast %slice3A_1182 : vector<1x128xf32> to vector<1x128xf32>
    %broadcast_in_dim3A_1184 = vector.broadcast %broadcast_in_dim3A_1183 : vector<1x128xf32> to vector<32x128xf32>
    %select_n3A_1185 = arith.select %eq3A_1169, %broadcast_in_dim3A_1184, %select_n3A_1158 : vector<32x128xi1>, vector<32x128xf32>
    %slice3A_1186 = vector.extract_strided_slice %squeeze3A_18 {offsets = [22, 0], sizes = [1, 128], strides = [1, 1]} : vector<32x128xf32> to vector<1x128xf32>
    %broadcast_in_dim3A_1187 = vector.shape_cast %slice3A_1186 : vector<1x128xf32> to vector<1x128xf32>
    %broadcast_in_dim3A_1188 = vector.broadcast %broadcast_in_dim3A_1187 : vector<1x128xf32> to vector<32x128xf32>
    %select_n3A_1189 = arith.select %eq3A_1169, %broadcast_in_dim3A_1188, %select_n3A_1162 : vector<32x128xi1>, vector<32x128xf32>
    %slice3A_1190 = vector.extract_strided_slice %squeeze3A_20 {offsets = [22, 0], sizes = [1, 128], strides = [1, 1]} : vector<32x128xf32> to vector<1x128xf32>
    %broadcast_in_dim3A_1191 = vector.shape_cast %slice3A_1190 : vector<1x128xf32> to vector<1x128xf32>
    %broadcast_in_dim3A_1192 = vector.broadcast %broadcast_in_dim3A_1191 : vector<1x128xf32> to vector<32x128xf32>
    %select_n3A_1193 = arith.select %eq3A_1169, %broadcast_in_dim3A_1192, %select_n3A_1166 : vector<32x128xi1>, vector<32x128xf32>
    %slice3A_1194 = vector.extract_strided_slice %add3A_560 {offsets = [23, 0], sizes = [1, 128], strides = [1, 1]} : vector<32x128xi32> to vector<1x128xi32>
    %eq3A_1195 = vector.broadcast %slice3A_1194 : vector<1x128xi32> to vector<32x128xi32>
    %eq3A_1196 = arith.cmpi eq, %eq3A_1195, %iota3A : vector<32x128xi32>
    %slice3A_1197 = vector.extract_strided_slice %sub3A_27 {offsets = [23, 0], sizes = [1, 128], strides = [1, 1]} : vector<32x128xf32> to vector<1x128xf32>
    %broadcast_in_dim3A_1198 = vector.shape_cast %slice3A_1197 : vector<1x128xf32> to vector<1x128xf32>
    %broadcast_in_dim3A_1199 = vector.broadcast %broadcast_in_dim3A_1198 : vector<1x128xf32> to vector<32x128xf32>
    %select_n3A_1200 = arith.select %eq3A_1196, %broadcast_in_dim3A_1199, %select_n3A_1173 : vector<32x128xi1>, vector<32x128xf32>
    %slice3A_1201 = vector.extract_strided_slice %sub3A_29 {offsets = [23, 0], sizes = [1, 128], strides = [1, 1]} : vector<32x128xf32> to vector<1x128xf32>
    %broadcast_in_dim3A_1202 = vector.shape_cast %slice3A_1201 : vector<1x128xf32> to vector<1x128xf32>
    %broadcast_in_dim3A_1203 = vector.broadcast %broadcast_in_dim3A_1202 : vector<1x128xf32> to vector<32x128xf32>
    %select_n3A_1204 = arith.select %eq3A_1196, %broadcast_in_dim3A_1203, %select_n3A_1177 : vector<32x128xi1>, vector<32x128xf32>
    %slice3A_1205 = vector.extract_strided_slice %sub3A_31 {offsets = [23, 0], sizes = [1, 128], strides = [1, 1]} : vector<32x128xf32> to vector<1x128xf32>
    %broadcast_in_dim3A_1206 = vector.shape_cast %slice3A_1205 : vector<1x128xf32> to vector<1x128xf32>
    %broadcast_in_dim3A_1207 = vector.broadcast %broadcast_in_dim3A_1206 : vector<1x128xf32> to vector<32x128xf32>
    %select_n3A_1208 = arith.select %eq3A_1196, %broadcast_in_dim3A_1207, %select_n3A_1181 : vector<32x128xi1>, vector<32x128xf32>
    %slice3A_1209 = vector.extract_strided_slice %squeeze3A_16 {offsets = [23, 0], sizes = [1, 128], strides = [1, 1]} : vector<32x128xf32> to vector<1x128xf32>
    %broadcast_in_dim3A_1210 = vector.shape_cast %slice3A_1209 : vector<1x128xf32> to vector<1x128xf32>
    %broadcast_in_dim3A_1211 = vector.broadcast %broadcast_in_dim3A_1210 : vector<1x128xf32> to vector<32x128xf32>
    %select_n3A_1212 = arith.select %eq3A_1196, %broadcast_in_dim3A_1211, %select_n3A_1185 : vector<32x128xi1>, vector<32x128xf32>
    %slice3A_1213 = vector.extract_strided_slice %squeeze3A_18 {offsets = [23, 0], sizes = [1, 128], strides = [1, 1]} : vector<32x128xf32> to vector<1x128xf32>
    %broadcast_in_dim3A_1214 = vector.shape_cast %slice3A_1213 : vector<1x128xf32> to vector<1x128xf32>
    %broadcast_in_dim3A_1215 = vector.broadcast %broadcast_in_dim3A_1214 : vector<1x128xf32> to vector<32x128xf32>
    %select_n3A_1216 = arith.select %eq3A_1196, %broadcast_in_dim3A_1215, %select_n3A_1189 : vector<32x128xi1>, vector<32x128xf32>
    %slice3A_1217 = vector.extract_strided_slice %squeeze3A_20 {offsets = [23, 0], sizes = [1, 128], strides = [1, 1]} : vector<32x128xf32> to vector<1x128xf32>
    %broadcast_in_dim3A_1218 = vector.shape_cast %slice3A_1217 : vector<1x128xf32> to vector<1x128xf32>
    %broadcast_in_dim3A_1219 = vector.broadcast %broadcast_in_dim3A_1218 : vector<1x128xf32> to vector<32x128xf32>
    %select_n3A_1220 = arith.select %eq3A_1196, %broadcast_in_dim3A_1219, %select_n3A_1193 : vector<32x128xi1>, vector<32x128xf32>
    %slice3A_1221 = vector.extract_strided_slice %add3A_560 {offsets = [24, 0], sizes = [1, 128], strides = [1, 1]} : vector<32x128xi32> to vector<1x128xi32>
    %eq3A_1222 = vector.broadcast %slice3A_1221 : vector<1x128xi32> to vector<32x128xi32>
    %eq3A_1223 = arith.cmpi eq, %eq3A_1222, %iota3A : vector<32x128xi32>
    %slice3A_1224 = vector.extract_strided_slice %sub3A_27 {offsets = [24, 0], sizes = [1, 128], strides = [1, 1]} : vector<32x128xf32> to vector<1x128xf32>
    %broadcast_in_dim3A_1225 = vector.shape_cast %slice3A_1224 : vector<1x128xf32> to vector<1x128xf32>
    %broadcast_in_dim3A_1226 = vector.broadcast %broadcast_in_dim3A_1225 : vector<1x128xf32> to vector<32x128xf32>
    %select_n3A_1227 = arith.select %eq3A_1223, %broadcast_in_dim3A_1226, %select_n3A_1200 : vector<32x128xi1>, vector<32x128xf32>
    %slice3A_1228 = vector.extract_strided_slice %sub3A_29 {offsets = [24, 0], sizes = [1, 128], strides = [1, 1]} : vector<32x128xf32> to vector<1x128xf32>
    %broadcast_in_dim3A_1229 = vector.shape_cast %slice3A_1228 : vector<1x128xf32> to vector<1x128xf32>
    %broadcast_in_dim3A_1230 = vector.broadcast %broadcast_in_dim3A_1229 : vector<1x128xf32> to vector<32x128xf32>
    %select_n3A_1231 = arith.select %eq3A_1223, %broadcast_in_dim3A_1230, %select_n3A_1204 : vector<32x128xi1>, vector<32x128xf32>
    %slice3A_1232 = vector.extract_strided_slice %sub3A_31 {offsets = [24, 0], sizes = [1, 128], strides = [1, 1]} : vector<32x128xf32> to vector<1x128xf32>
    %broadcast_in_dim3A_1233 = vector.shape_cast %slice3A_1232 : vector<1x128xf32> to vector<1x128xf32>
    %broadcast_in_dim3A_1234 = vector.broadcast %broadcast_in_dim3A_1233 : vector<1x128xf32> to vector<32x128xf32>
    %select_n3A_1235 = arith.select %eq3A_1223, %broadcast_in_dim3A_1234, %select_n3A_1208 : vector<32x128xi1>, vector<32x128xf32>
    %slice3A_1236 = vector.extract_strided_slice %squeeze3A_16 {offsets = [24, 0], sizes = [1, 128], strides = [1, 1]} : vector<32x128xf32> to vector<1x128xf32>
    %broadcast_in_dim3A_1237 = vector.shape_cast %slice3A_1236 : vector<1x128xf32> to vector<1x128xf32>
    %broadcast_in_dim3A_1238 = vector.broadcast %broadcast_in_dim3A_1237 : vector<1x128xf32> to vector<32x128xf32>
    %select_n3A_1239 = arith.select %eq3A_1223, %broadcast_in_dim3A_1238, %select_n3A_1212 : vector<32x128xi1>, vector<32x128xf32>
    %slice3A_1240 = vector.extract_strided_slice %squeeze3A_18 {offsets = [24, 0], sizes = [1, 128], strides = [1, 1]} : vector<32x128xf32> to vector<1x128xf32>
    %broadcast_in_dim3A_1241 = vector.shape_cast %slice3A_1240 : vector<1x128xf32> to vector<1x128xf32>
    %broadcast_in_dim3A_1242 = vector.broadcast %broadcast_in_dim3A_1241 : vector<1x128xf32> to vector<32x128xf32>
    %select_n3A_1243 = arith.select %eq3A_1223, %broadcast_in_dim3A_1242, %select_n3A_1216 : vector<32x128xi1>, vector<32x128xf32>
    %slice3A_1244 = vector.extract_strided_slice %squeeze3A_20 {offsets = [24, 0], sizes = [1, 128], strides = [1, 1]} : vector<32x128xf32> to vector<1x128xf32>
    %broadcast_in_dim3A_1245 = vector.shape_cast %slice3A_1244 : vector<1x128xf32> to vector<1x128xf32>
    %broadcast_in_dim3A_1246 = vector.broadcast %broadcast_in_dim3A_1245 : vector<1x128xf32> to vector<32x128xf32>
    %select_n3A_1247 = arith.select %eq3A_1223, %broadcast_in_dim3A_1246, %select_n3A_1220 : vector<32x128xi1>, vector<32x128xf32>
    %slice3A_1248 = vector.extract_strided_slice %add3A_560 {offsets = [25, 0], sizes = [1, 128], strides = [1, 1]} : vector<32x128xi32> to vector<1x128xi32>
    %eq3A_1249 = vector.broadcast %slice3A_1248 : vector<1x128xi32> to vector<32x128xi32>
    %eq3A_1250 = arith.cmpi eq, %eq3A_1249, %iota3A : vector<32x128xi32>
    %slice3A_1251 = vector.extract_strided_slice %sub3A_27 {offsets = [25, 0], sizes = [1, 128], strides = [1, 1]} : vector<32x128xf32> to vector<1x128xf32>
    %broadcast_in_dim3A_1252 = vector.shape_cast %slice3A_1251 : vector<1x128xf32> to vector<1x128xf32>
    %broadcast_in_dim3A_1253 = vector.broadcast %broadcast_in_dim3A_1252 : vector<1x128xf32> to vector<32x128xf32>
    %select_n3A_1254 = arith.select %eq3A_1250, %broadcast_in_dim3A_1253, %select_n3A_1227 : vector<32x128xi1>, vector<32x128xf32>
    %slice3A_1255 = vector.extract_strided_slice %sub3A_29 {offsets = [25, 0], sizes = [1, 128], strides = [1, 1]} : vector<32x128xf32> to vector<1x128xf32>
    %broadcast_in_dim3A_1256 = vector.shape_cast %slice3A_1255 : vector<1x128xf32> to vector<1x128xf32>
    %broadcast_in_dim3A_1257 = vector.broadcast %broadcast_in_dim3A_1256 : vector<1x128xf32> to vector<32x128xf32>
    %select_n3A_1258 = arith.select %eq3A_1250, %broadcast_in_dim3A_1257, %select_n3A_1231 : vector<32x128xi1>, vector<32x128xf32>
    %slice3A_1259 = vector.extract_strided_slice %sub3A_31 {offsets = [25, 0], sizes = [1, 128], strides = [1, 1]} : vector<32x128xf32> to vector<1x128xf32>
    %broadcast_in_dim3A_1260 = vector.shape_cast %slice3A_1259 : vector<1x128xf32> to vector<1x128xf32>
    %broadcast_in_dim3A_1261 = vector.broadcast %broadcast_in_dim3A_1260 : vector<1x128xf32> to vector<32x128xf32>
    %select_n3A_1262 = arith.select %eq3A_1250, %broadcast_in_dim3A_1261, %select_n3A_1235 : vector<32x128xi1>, vector<32x128xf32>
    %slice3A_1263 = vector.extract_strided_slice %squeeze3A_16 {offsets = [25, 0], sizes = [1, 128], strides = [1, 1]} : vector<32x128xf32> to vector<1x128xf32>
    %broadcast_in_dim3A_1264 = vector.shape_cast %slice3A_1263 : vector<1x128xf32> to vector<1x128xf32>
    %broadcast_in_dim3A_1265 = vector.broadcast %broadcast_in_dim3A_1264 : vector<1x128xf32> to vector<32x128xf32>
    %select_n3A_1266 = arith.select %eq3A_1250, %broadcast_in_dim3A_1265, %select_n3A_1239 : vector<32x128xi1>, vector<32x128xf32>
    %slice3A_1267 = vector.extract_strided_slice %squeeze3A_18 {offsets = [25, 0], sizes = [1, 128], strides = [1, 1]} : vector<32x128xf32> to vector<1x128xf32>
    %broadcast_in_dim3A_1268 = vector.shape_cast %slice3A_1267 : vector<1x128xf32> to vector<1x128xf32>
    %broadcast_in_dim3A_1269 = vector.broadcast %broadcast_in_dim3A_1268 : vector<1x128xf32> to vector<32x128xf32>
    %select_n3A_1270 = arith.select %eq3A_1250, %broadcast_in_dim3A_1269, %select_n3A_1243 : vector<32x128xi1>, vector<32x128xf32>
    %slice3A_1271 = vector.extract_strided_slice %squeeze3A_20 {offsets = [25, 0], sizes = [1, 128], strides = [1, 1]} : vector<32x128xf32> to vector<1x128xf32>
    %broadcast_in_dim3A_1272 = vector.shape_cast %slice3A_1271 : vector<1x128xf32> to vector<1x128xf32>
    %broadcast_in_dim3A_1273 = vector.broadcast %broadcast_in_dim3A_1272 : vector<1x128xf32> to vector<32x128xf32>
    %select_n3A_1274 = arith.select %eq3A_1250, %broadcast_in_dim3A_1273, %select_n3A_1247 : vector<32x128xi1>, vector<32x128xf32>
    %slice3A_1275 = vector.extract_strided_slice %add3A_560 {offsets = [26, 0], sizes = [1, 128], strides = [1, 1]} : vector<32x128xi32> to vector<1x128xi32>
    %eq3A_1276 = vector.broadcast %slice3A_1275 : vector<1x128xi32> to vector<32x128xi32>
    %eq3A_1277 = arith.cmpi eq, %eq3A_1276, %iota3A : vector<32x128xi32>
    %slice3A_1278 = vector.extract_strided_slice %sub3A_27 {offsets = [26, 0], sizes = [1, 128], strides = [1, 1]} : vector<32x128xf32> to vector<1x128xf32>
    %broadcast_in_dim3A_1279 = vector.shape_cast %slice3A_1278 : vector<1x128xf32> to vector<1x128xf32>
    %broadcast_in_dim3A_1280 = vector.broadcast %broadcast_in_dim3A_1279 : vector<1x128xf32> to vector<32x128xf32>
    %select_n3A_1281 = arith.select %eq3A_1277, %broadcast_in_dim3A_1280, %select_n3A_1254 : vector<32x128xi1>, vector<32x128xf32>
    %slice3A_1282 = vector.extract_strided_slice %sub3A_29 {offsets = [26, 0], sizes = [1, 128], strides = [1, 1]} : vector<32x128xf32> to vector<1x128xf32>
    %broadcast_in_dim3A_1283 = vector.shape_cast %slice3A_1282 : vector<1x128xf32> to vector<1x128xf32>
    %broadcast_in_dim3A_1284 = vector.broadcast %broadcast_in_dim3A_1283 : vector<1x128xf32> to vector<32x128xf32>
    %select_n3A_1285 = arith.select %eq3A_1277, %broadcast_in_dim3A_1284, %select_n3A_1258 : vector<32x128xi1>, vector<32x128xf32>
    %slice3A_1286 = vector.extract_strided_slice %sub3A_31 {offsets = [26, 0], sizes = [1, 128], strides = [1, 1]} : vector<32x128xf32> to vector<1x128xf32>
    %broadcast_in_dim3A_1287 = vector.shape_cast %slice3A_1286 : vector<1x128xf32> to vector<1x128xf32>
    %broadcast_in_dim3A_1288 = vector.broadcast %broadcast_in_dim3A_1287 : vector<1x128xf32> to vector<32x128xf32>
    %select_n3A_1289 = arith.select %eq3A_1277, %broadcast_in_dim3A_1288, %select_n3A_1262 : vector<32x128xi1>, vector<32x128xf32>
    %slice3A_1290 = vector.extract_strided_slice %squeeze3A_16 {offsets = [26, 0], sizes = [1, 128], strides = [1, 1]} : vector<32x128xf32> to vector<1x128xf32>
    %broadcast_in_dim3A_1291 = vector.shape_cast %slice3A_1290 : vector<1x128xf32> to vector<1x128xf32>
    %broadcast_in_dim3A_1292 = vector.broadcast %broadcast_in_dim3A_1291 : vector<1x128xf32> to vector<32x128xf32>
    %select_n3A_1293 = arith.select %eq3A_1277, %broadcast_in_dim3A_1292, %select_n3A_1266 : vector<32x128xi1>, vector<32x128xf32>
    %slice3A_1294 = vector.extract_strided_slice %squeeze3A_18 {offsets = [26, 0], sizes = [1, 128], strides = [1, 1]} : vector<32x128xf32> to vector<1x128xf32>
    %broadcast_in_dim3A_1295 = vector.shape_cast %slice3A_1294 : vector<1x128xf32> to vector<1x128xf32>
    %broadcast_in_dim3A_1296 = vector.broadcast %broadcast_in_dim3A_1295 : vector<1x128xf32> to vector<32x128xf32>
    %select_n3A_1297 = arith.select %eq3A_1277, %broadcast_in_dim3A_1296, %select_n3A_1270 : vector<32x128xi1>, vector<32x128xf32>
    %slice3A_1298 = vector.extract_strided_slice %squeeze3A_20 {offsets = [26, 0], sizes = [1, 128], strides = [1, 1]} : vector<32x128xf32> to vector<1x128xf32>
    %broadcast_in_dim3A_1299 = vector.shape_cast %slice3A_1298 : vector<1x128xf32> to vector<1x128xf32>
    %broadcast_in_dim3A_1300 = vector.broadcast %broadcast_in_dim3A_1299 : vector<1x128xf32> to vector<32x128xf32>
    %select_n3A_1301 = arith.select %eq3A_1277, %broadcast_in_dim3A_1300, %select_n3A_1274 : vector<32x128xi1>, vector<32x128xf32>
    %slice3A_1302 = vector.extract_strided_slice %add3A_560 {offsets = [27, 0], sizes = [1, 128], strides = [1, 1]} : vector<32x128xi32> to vector<1x128xi32>
    %eq3A_1303 = vector.broadcast %slice3A_1302 : vector<1x128xi32> to vector<32x128xi32>
    %eq3A_1304 = arith.cmpi eq, %eq3A_1303, %iota3A : vector<32x128xi32>
    %slice3A_1305 = vector.extract_strided_slice %sub3A_27 {offsets = [27, 0], sizes = [1, 128], strides = [1, 1]} : vector<32x128xf32> to vector<1x128xf32>
    %broadcast_in_dim3A_1306 = vector.shape_cast %slice3A_1305 : vector<1x128xf32> to vector<1x128xf32>
    %broadcast_in_dim3A_1307 = vector.broadcast %broadcast_in_dim3A_1306 : vector<1x128xf32> to vector<32x128xf32>
    %select_n3A_1308 = arith.select %eq3A_1304, %broadcast_in_dim3A_1307, %select_n3A_1281 : vector<32x128xi1>, vector<32x128xf32>
    %slice3A_1309 = vector.extract_strided_slice %sub3A_29 {offsets = [27, 0], sizes = [1, 128], strides = [1, 1]} : vector<32x128xf32> to vector<1x128xf32>
    %broadcast_in_dim3A_1310 = vector.shape_cast %slice3A_1309 : vector<1x128xf32> to vector<1x128xf32>
    %broadcast_in_dim3A_1311 = vector.broadcast %broadcast_in_dim3A_1310 : vector<1x128xf32> to vector<32x128xf32>
    %select_n3A_1312 = arith.select %eq3A_1304, %broadcast_in_dim3A_1311, %select_n3A_1285 : vector<32x128xi1>, vector<32x128xf32>
    %slice3A_1313 = vector.extract_strided_slice %sub3A_31 {offsets = [27, 0], sizes = [1, 128], strides = [1, 1]} : vector<32x128xf32> to vector<1x128xf32>
    %broadcast_in_dim3A_1314 = vector.shape_cast %slice3A_1313 : vector<1x128xf32> to vector<1x128xf32>
    %broadcast_in_dim3A_1315 = vector.broadcast %broadcast_in_dim3A_1314 : vector<1x128xf32> to vector<32x128xf32>
    %select_n3A_1316 = arith.select %eq3A_1304, %broadcast_in_dim3A_1315, %select_n3A_1289 : vector<32x128xi1>, vector<32x128xf32>
    %slice3A_1317 = vector.extract_strided_slice %squeeze3A_16 {offsets = [27, 0], sizes = [1, 128], strides = [1, 1]} : vector<32x128xf32> to vector<1x128xf32>
    %broadcast_in_dim3A_1318 = vector.shape_cast %slice3A_1317 : vector<1x128xf32> to vector<1x128xf32>
    %broadcast_in_dim3A_1319 = vector.broadcast %broadcast_in_dim3A_1318 : vector<1x128xf32> to vector<32x128xf32>
    %select_n3A_1320 = arith.select %eq3A_1304, %broadcast_in_dim3A_1319, %select_n3A_1293 : vector<32x128xi1>, vector<32x128xf32>
    %slice3A_1321 = vector.extract_strided_slice %squeeze3A_18 {offsets = [27, 0], sizes = [1, 128], strides = [1, 1]} : vector<32x128xf32> to vector<1x128xf32>
    %broadcast_in_dim3A_1322 = vector.shape_cast %slice3A_1321 : vector<1x128xf32> to vector<1x128xf32>
    %broadcast_in_dim3A_1323 = vector.broadcast %broadcast_in_dim3A_1322 : vector<1x128xf32> to vector<32x128xf32>
    %select_n3A_1324 = arith.select %eq3A_1304, %broadcast_in_dim3A_1323, %select_n3A_1297 : vector<32x128xi1>, vector<32x128xf32>
    %slice3A_1325 = vector.extract_strided_slice %squeeze3A_20 {offsets = [27, 0], sizes = [1, 128], strides = [1, 1]} : vector<32x128xf32> to vector<1x128xf32>
    %broadcast_in_dim3A_1326 = vector.shape_cast %slice3A_1325 : vector<1x128xf32> to vector<1x128xf32>
    %broadcast_in_dim3A_1327 = vector.broadcast %broadcast_in_dim3A_1326 : vector<1x128xf32> to vector<32x128xf32>
    %select_n3A_1328 = arith.select %eq3A_1304, %broadcast_in_dim3A_1327, %select_n3A_1301 : vector<32x128xi1>, vector<32x128xf32>
    %slice3A_1329 = vector.extract_strided_slice %add3A_560 {offsets = [28, 0], sizes = [1, 128], strides = [1, 1]} : vector<32x128xi32> to vector<1x128xi32>
    %eq3A_1330 = vector.broadcast %slice3A_1329 : vector<1x128xi32> to vector<32x128xi32>
    %eq3A_1331 = arith.cmpi eq, %eq3A_1330, %iota3A : vector<32x128xi32>
    %slice3A_1332 = vector.extract_strided_slice %sub3A_27 {offsets = [28, 0], sizes = [1, 128], strides = [1, 1]} : vector<32x128xf32> to vector<1x128xf32>
    %broadcast_in_dim3A_1333 = vector.shape_cast %slice3A_1332 : vector<1x128xf32> to vector<1x128xf32>
    %broadcast_in_dim3A_1334 = vector.broadcast %broadcast_in_dim3A_1333 : vector<1x128xf32> to vector<32x128xf32>
    %select_n3A_1335 = arith.select %eq3A_1331, %broadcast_in_dim3A_1334, %select_n3A_1308 : vector<32x128xi1>, vector<32x128xf32>
    %slice3A_1336 = vector.extract_strided_slice %sub3A_29 {offsets = [28, 0], sizes = [1, 128], strides = [1, 1]} : vector<32x128xf32> to vector<1x128xf32>
    %broadcast_in_dim3A_1337 = vector.shape_cast %slice3A_1336 : vector<1x128xf32> to vector<1x128xf32>
    %broadcast_in_dim3A_1338 = vector.broadcast %broadcast_in_dim3A_1337 : vector<1x128xf32> to vector<32x128xf32>
    %select_n3A_1339 = arith.select %eq3A_1331, %broadcast_in_dim3A_1338, %select_n3A_1312 : vector<32x128xi1>, vector<32x128xf32>
    %slice3A_1340 = vector.extract_strided_slice %sub3A_31 {offsets = [28, 0], sizes = [1, 128], strides = [1, 1]} : vector<32x128xf32> to vector<1x128xf32>
    %broadcast_in_dim3A_1341 = vector.shape_cast %slice3A_1340 : vector<1x128xf32> to vector<1x128xf32>
    %broadcast_in_dim3A_1342 = vector.broadcast %broadcast_in_dim3A_1341 : vector<1x128xf32> to vector<32x128xf32>
    %select_n3A_1343 = arith.select %eq3A_1331, %broadcast_in_dim3A_1342, %select_n3A_1316 : vector<32x128xi1>, vector<32x128xf32>
    %slice3A_1344 = vector.extract_strided_slice %squeeze3A_16 {offsets = [28, 0], sizes = [1, 128], strides = [1, 1]} : vector<32x128xf32> to vector<1x128xf32>
    %broadcast_in_dim3A_1345 = vector.shape_cast %slice3A_1344 : vector<1x128xf32> to vector<1x128xf32>
    %broadcast_in_dim3A_1346 = vector.broadcast %broadcast_in_dim3A_1345 : vector<1x128xf32> to vector<32x128xf32>
    %select_n3A_1347 = arith.select %eq3A_1331, %broadcast_in_dim3A_1346, %select_n3A_1320 : vector<32x128xi1>, vector<32x128xf32>
    %slice3A_1348 = vector.extract_strided_slice %squeeze3A_18 {offsets = [28, 0], sizes = [1, 128], strides = [1, 1]} : vector<32x128xf32> to vector<1x128xf32>
    %broadcast_in_dim3A_1349 = vector.shape_cast %slice3A_1348 : vector<1x128xf32> to vector<1x128xf32>
    %broadcast_in_dim3A_1350 = vector.broadcast %broadcast_in_dim3A_1349 : vector<1x128xf32> to vector<32x128xf32>
    %select_n3A_1351 = arith.select %eq3A_1331, %broadcast_in_dim3A_1350, %select_n3A_1324 : vector<32x128xi1>, vector<32x128xf32>
    %slice3A_1352 = vector.extract_strided_slice %squeeze3A_20 {offsets = [28, 0], sizes = [1, 128], strides = [1, 1]} : vector<32x128xf32> to vector<1x128xf32>
    %broadcast_in_dim3A_1353 = vector.shape_cast %slice3A_1352 : vector<1x128xf32> to vector<1x128xf32>
    %broadcast_in_dim3A_1354 = vector.broadcast %broadcast_in_dim3A_1353 : vector<1x128xf32> to vector<32x128xf32>
    %select_n3A_1355 = arith.select %eq3A_1331, %broadcast_in_dim3A_1354, %select_n3A_1328 : vector<32x128xi1>, vector<32x128xf32>
    %slice3A_1356 = vector.extract_strided_slice %add3A_560 {offsets = [29, 0], sizes = [1, 128], strides = [1, 1]} : vector<32x128xi32> to vector<1x128xi32>
    %eq3A_1357 = vector.broadcast %slice3A_1356 : vector<1x128xi32> to vector<32x128xi32>
    %eq3A_1358 = arith.cmpi eq, %eq3A_1357, %iota3A : vector<32x128xi32>
    %slice3A_1359 = vector.extract_strided_slice %sub3A_27 {offsets = [29, 0], sizes = [1, 128], strides = [1, 1]} : vector<32x128xf32> to vector<1x128xf32>
    %broadcast_in_dim3A_1360 = vector.shape_cast %slice3A_1359 : vector<1x128xf32> to vector<1x128xf32>
    %broadcast_in_dim3A_1361 = vector.broadcast %broadcast_in_dim3A_1360 : vector<1x128xf32> to vector<32x128xf32>
    %select_n3A_1362 = arith.select %eq3A_1358, %broadcast_in_dim3A_1361, %select_n3A_1335 : vector<32x128xi1>, vector<32x128xf32>
    %slice3A_1363 = vector.extract_strided_slice %sub3A_29 {offsets = [29, 0], sizes = [1, 128], strides = [1, 1]} : vector<32x128xf32> to vector<1x128xf32>
    %broadcast_in_dim3A_1364 = vector.shape_cast %slice3A_1363 : vector<1x128xf32> to vector<1x128xf32>
    %broadcast_in_dim3A_1365 = vector.broadcast %broadcast_in_dim3A_1364 : vector<1x128xf32> to vector<32x128xf32>
    %select_n3A_1366 = arith.select %eq3A_1358, %broadcast_in_dim3A_1365, %select_n3A_1339 : vector<32x128xi1>, vector<32x128xf32>
    %slice3A_1367 = vector.extract_strided_slice %sub3A_31 {offsets = [29, 0], sizes = [1, 128], strides = [1, 1]} : vector<32x128xf32> to vector<1x128xf32>
    %broadcast_in_dim3A_1368 = vector.shape_cast %slice3A_1367 : vector<1x128xf32> to vector<1x128xf32>
    %broadcast_in_dim3A_1369 = vector.broadcast %broadcast_in_dim3A_1368 : vector<1x128xf32> to vector<32x128xf32>
    %select_n3A_1370 = arith.select %eq3A_1358, %broadcast_in_dim3A_1369, %select_n3A_1343 : vector<32x128xi1>, vector<32x128xf32>
    %slice3A_1371 = vector.extract_strided_slice %squeeze3A_16 {offsets = [29, 0], sizes = [1, 128], strides = [1, 1]} : vector<32x128xf32> to vector<1x128xf32>
    %broadcast_in_dim3A_1372 = vector.shape_cast %slice3A_1371 : vector<1x128xf32> to vector<1x128xf32>
    %broadcast_in_dim3A_1373 = vector.broadcast %broadcast_in_dim3A_1372 : vector<1x128xf32> to vector<32x128xf32>
    %select_n3A_1374 = arith.select %eq3A_1358, %broadcast_in_dim3A_1373, %select_n3A_1347 : vector<32x128xi1>, vector<32x128xf32>
    %slice3A_1375 = vector.extract_strided_slice %squeeze3A_18 {offsets = [29, 0], sizes = [1, 128], strides = [1, 1]} : vector<32x128xf32> to vector<1x128xf32>
    %broadcast_in_dim3A_1376 = vector.shape_cast %slice3A_1375 : vector<1x128xf32> to vector<1x128xf32>
    %broadcast_in_dim3A_1377 = vector.broadcast %broadcast_in_dim3A_1376 : vector<1x128xf32> to vector<32x128xf32>
    %select_n3A_1378 = arith.select %eq3A_1358, %broadcast_in_dim3A_1377, %select_n3A_1351 : vector<32x128xi1>, vector<32x128xf32>
    %slice3A_1379 = vector.extract_strided_slice %squeeze3A_20 {offsets = [29, 0], sizes = [1, 128], strides = [1, 1]} : vector<32x128xf32> to vector<1x128xf32>
    %broadcast_in_dim3A_1380 = vector.shape_cast %slice3A_1379 : vector<1x128xf32> to vector<1x128xf32>
    %broadcast_in_dim3A_1381 = vector.broadcast %broadcast_in_dim3A_1380 : vector<1x128xf32> to vector<32x128xf32>
    %select_n3A_1382 = arith.select %eq3A_1358, %broadcast_in_dim3A_1381, %select_n3A_1355 : vector<32x128xi1>, vector<32x128xf32>
    %slice3A_1383 = vector.extract_strided_slice %add3A_560 {offsets = [30, 0], sizes = [1, 128], strides = [1, 1]} : vector<32x128xi32> to vector<1x128xi32>
    %eq3A_1384 = vector.broadcast %slice3A_1383 : vector<1x128xi32> to vector<32x128xi32>
    %eq3A_1385 = arith.cmpi eq, %eq3A_1384, %iota3A : vector<32x128xi32>
    %slice3A_1386 = vector.extract_strided_slice %sub3A_27 {offsets = [30, 0], sizes = [1, 128], strides = [1, 1]} : vector<32x128xf32> to vector<1x128xf32>
    %broadcast_in_dim3A_1387 = vector.shape_cast %slice3A_1386 : vector<1x128xf32> to vector<1x128xf32>
    %broadcast_in_dim3A_1388 = vector.broadcast %broadcast_in_dim3A_1387 : vector<1x128xf32> to vector<32x128xf32>
    %select_n3A_1389 = arith.select %eq3A_1385, %broadcast_in_dim3A_1388, %select_n3A_1362 : vector<32x128xi1>, vector<32x128xf32>
    %slice3A_1390 = vector.extract_strided_slice %sub3A_29 {offsets = [30, 0], sizes = [1, 128], strides = [1, 1]} : vector<32x128xf32> to vector<1x128xf32>
    %broadcast_in_dim3A_1391 = vector.shape_cast %slice3A_1390 : vector<1x128xf32> to vector<1x128xf32>
    %broadcast_in_dim3A_1392 = vector.broadcast %broadcast_in_dim3A_1391 : vector<1x128xf32> to vector<32x128xf32>
    %select_n3A_1393 = arith.select %eq3A_1385, %broadcast_in_dim3A_1392, %select_n3A_1366 : vector<32x128xi1>, vector<32x128xf32>
    %slice3A_1394 = vector.extract_strided_slice %sub3A_31 {offsets = [30, 0], sizes = [1, 128], strides = [1, 1]} : vector<32x128xf32> to vector<1x128xf32>
    %broadcast_in_dim3A_1395 = vector.shape_cast %slice3A_1394 : vector<1x128xf32> to vector<1x128xf32>
    %broadcast_in_dim3A_1396 = vector.broadcast %broadcast_in_dim3A_1395 : vector<1x128xf32> to vector<32x128xf32>
    %select_n3A_1397 = arith.select %eq3A_1385, %broadcast_in_dim3A_1396, %select_n3A_1370 : vector<32x128xi1>, vector<32x128xf32>
    %slice3A_1398 = vector.extract_strided_slice %squeeze3A_16 {offsets = [30, 0], sizes = [1, 128], strides = [1, 1]} : vector<32x128xf32> to vector<1x128xf32>
    %broadcast_in_dim3A_1399 = vector.shape_cast %slice3A_1398 : vector<1x128xf32> to vector<1x128xf32>
    %broadcast_in_dim3A_1400 = vector.broadcast %broadcast_in_dim3A_1399 : vector<1x128xf32> to vector<32x128xf32>
    %select_n3A_1401 = arith.select %eq3A_1385, %broadcast_in_dim3A_1400, %select_n3A_1374 : vector<32x128xi1>, vector<32x128xf32>
    %slice3A_1402 = vector.extract_strided_slice %squeeze3A_18 {offsets = [30, 0], sizes = [1, 128], strides = [1, 1]} : vector<32x128xf32> to vector<1x128xf32>
    %broadcast_in_dim3A_1403 = vector.shape_cast %slice3A_1402 : vector<1x128xf32> to vector<1x128xf32>
    %broadcast_in_dim3A_1404 = vector.broadcast %broadcast_in_dim3A_1403 : vector<1x128xf32> to vector<32x128xf32>
    %select_n3A_1405 = arith.select %eq3A_1385, %broadcast_in_dim3A_1404, %select_n3A_1378 : vector<32x128xi1>, vector<32x128xf32>
    %slice3A_1406 = vector.extract_strided_slice %squeeze3A_20 {offsets = [30, 0], sizes = [1, 128], strides = [1, 1]} : vector<32x128xf32> to vector<1x128xf32>
    %broadcast_in_dim3A_1407 = vector.shape_cast %slice3A_1406 : vector<1x128xf32> to vector<1x128xf32>
    %broadcast_in_dim3A_1408 = vector.broadcast %broadcast_in_dim3A_1407 : vector<1x128xf32> to vector<32x128xf32>
    %select_n3A_1409 = arith.select %eq3A_1385, %broadcast_in_dim3A_1408, %select_n3A_1382 : vector<32x128xi1>, vector<32x128xf32>
    %slice3A_1410 = vector.extract_strided_slice %add3A_560 {offsets = [31, 0], sizes = [1, 128], strides = [1, 1]} : vector<32x128xi32> to vector<1x128xi32>
    %eq3A_1411 = vector.broadcast %slice3A_1410 : vector<1x128xi32> to vector<32x128xi32>
    %eq3A_1412 = arith.cmpi eq, %eq3A_1411, %iota3A : vector<32x128xi32>
    %slice3A_1413 = vector.extract_strided_slice %sub3A_27 {offsets = [31, 0], sizes = [1, 128], strides = [1, 1]} : vector<32x128xf32> to vector<1x128xf32>
    %broadcast_in_dim3A_1414 = vector.shape_cast %slice3A_1413 : vector<1x128xf32> to vector<1x128xf32>
    %broadcast_in_dim3A_1415 = vector.broadcast %broadcast_in_dim3A_1414 : vector<1x128xf32> to vector<32x128xf32>
    %select_n3A_1416 = arith.select %eq3A_1412, %broadcast_in_dim3A_1415, %select_n3A_1389 : vector<32x128xi1>, vector<32x128xf32>
    %slice3A_1417 = vector.extract_strided_slice %sub3A_29 {offsets = [31, 0], sizes = [1, 128], strides = [1, 1]} : vector<32x128xf32> to vector<1x128xf32>
    %broadcast_in_dim3A_1418 = vector.shape_cast %slice3A_1417 : vector<1x128xf32> to vector<1x128xf32>
    %broadcast_in_dim3A_1419 = vector.broadcast %broadcast_in_dim3A_1418 : vector<1x128xf32> to vector<32x128xf32>
    %select_n3A_1420 = arith.select %eq3A_1412, %broadcast_in_dim3A_1419, %select_n3A_1393 : vector<32x128xi1>, vector<32x128xf32>
    %slice3A_1421 = vector.extract_strided_slice %sub3A_31 {offsets = [31, 0], sizes = [1, 128], strides = [1, 1]} : vector<32x128xf32> to vector<1x128xf32>
    %broadcast_in_dim3A_1422 = vector.shape_cast %slice3A_1421 : vector<1x128xf32> to vector<1x128xf32>
    %broadcast_in_dim3A_1423 = vector.broadcast %broadcast_in_dim3A_1422 : vector<1x128xf32> to vector<32x128xf32>
    %select_n3A_1424 = arith.select %eq3A_1412, %broadcast_in_dim3A_1423, %select_n3A_1397 : vector<32x128xi1>, vector<32x128xf32>
    %slice3A_1425 = vector.extract_strided_slice %squeeze3A_16 {offsets = [31, 0], sizes = [1, 128], strides = [1, 1]} : vector<32x128xf32> to vector<1x128xf32>
    %broadcast_in_dim3A_1426 = vector.shape_cast %slice3A_1425 : vector<1x128xf32> to vector<1x128xf32>
    %broadcast_in_dim3A_1427 = vector.broadcast %broadcast_in_dim3A_1426 : vector<1x128xf32> to vector<32x128xf32>
    %select_n3A_1428 = arith.select %eq3A_1412, %broadcast_in_dim3A_1427, %select_n3A_1401 : vector<32x128xi1>, vector<32x128xf32>
    %slice3A_1429 = vector.extract_strided_slice %squeeze3A_18 {offsets = [31, 0], sizes = [1, 128], strides = [1, 1]} : vector<32x128xf32> to vector<1x128xf32>
    %broadcast_in_dim3A_1430 = vector.shape_cast %slice3A_1429 : vector<1x128xf32> to vector<1x128xf32>
    %broadcast_in_dim3A_1431 = vector.broadcast %broadcast_in_dim3A_1430 : vector<1x128xf32> to vector<32x128xf32>
    %select_n3A_1432 = arith.select %eq3A_1412, %broadcast_in_dim3A_1431, %select_n3A_1405 : vector<32x128xi1>, vector<32x128xf32>
    %slice3A_1433 = vector.extract_strided_slice %squeeze3A_20 {offsets = [31, 0], sizes = [1, 128], strides = [1, 1]} : vector<32x128xf32> to vector<1x128xf32>
    %broadcast_in_dim3A_1434 = vector.shape_cast %slice3A_1433 : vector<1x128xf32> to vector<1x128xf32>
    %broadcast_in_dim3A_1435 = vector.broadcast %broadcast_in_dim3A_1434 : vector<1x128xf32> to vector<32x128xf32>
    %select_n3A_1436 = arith.select %eq3A_1412, %broadcast_in_dim3A_1435, %select_n3A_1409 : vector<32x128xi1>, vector<32x128xf32>
    %slice3A_1437 = vector.extract_strided_slice %select_n3A_1416 {offsets = [30, 0], sizes = [2, 128], strides = [1, 1]} : vector<32x128xf32> to vector<2x128xf32>
    %slice3A_1438 = vector.extract_strided_slice %select_n3A_1416 {offsets = [0, 0], sizes = [30, 128], strides = [1, 1]} : vector<32x128xf32> to vector<30x128xf32>
    %concatenate3A = tpu.concatenate %slice3A_1437, %slice3A_1438 in 0 : vector<2x128xf32>, vector<30x128xf32> -> vector<32x128xf32>
    %slice3A_1439 = vector.extract_strided_slice %select_n3A_1420 {offsets = [30, 0], sizes = [2, 128], strides = [1, 1]} : vector<32x128xf32> to vector<2x128xf32>
    %slice3A_1440 = vector.extract_strided_slice %select_n3A_1420 {offsets = [0, 0], sizes = [30, 128], strides = [1, 1]} : vector<32x128xf32> to vector<30x128xf32>
    %concatenate3A_1441 = tpu.concatenate %slice3A_1439, %slice3A_1440 in 0 : vector<2x128xf32>, vector<30x128xf32> -> vector<32x128xf32>
    %slice3A_1442 = vector.extract_strided_slice %select_n3A_1424 {offsets = [30, 0], sizes = [2, 128], strides = [1, 1]} : vector<32x128xf32> to vector<2x128xf32>
    %slice3A_1443 = vector.extract_strided_slice %select_n3A_1424 {offsets = [0, 0], sizes = [30, 128], strides = [1, 1]} : vector<32x128xf32> to vector<30x128xf32>
    %concatenate3A_1444 = tpu.concatenate %slice3A_1442, %slice3A_1443 in 0 : vector<2x128xf32>, vector<30x128xf32> -> vector<32x128xf32>
    %slice3A_1445 = vector.extract_strided_slice %select_n3A_1428 {offsets = [30, 0], sizes = [2, 128], strides = [1, 1]} : vector<32x128xf32> to vector<2x128xf32>
    %slice3A_1446 = vector.extract_strided_slice %select_n3A_1428 {offsets = [0, 0], sizes = [30, 128], strides = [1, 1]} : vector<32x128xf32> to vector<30x128xf32>
    %concatenate3A_1447 = tpu.concatenate %slice3A_1445, %slice3A_1446 in 0 : vector<2x128xf32>, vector<30x128xf32> -> vector<32x128xf32>
    %slice3A_1448 = vector.extract_strided_slice %select_n3A_1432 {offsets = [30, 0], sizes = [2, 128], strides = [1, 1]} : vector<32x128xf32> to vector<2x128xf32>
    %slice3A_1449 = vector.extract_strided_slice %select_n3A_1432 {offsets = [0, 0], sizes = [30, 128], strides = [1, 1]} : vector<32x128xf32> to vector<30x128xf32>
    %concatenate3A_1450 = tpu.concatenate %slice3A_1448, %slice3A_1449 in 0 : vector<2x128xf32>, vector<30x128xf32> -> vector<32x128xf32>
    %slice3A_1451 = vector.extract_strided_slice %select_n3A_1436 {offsets = [30, 0], sizes = [2, 128], strides = [1, 1]} : vector<32x128xf32> to vector<2x128xf32>
    %slice3A_1452 = vector.extract_strided_slice %select_n3A_1436 {offsets = [0, 0], sizes = [30, 128], strides = [1, 1]} : vector<32x128xf32> to vector<30x128xf32>
    %concatenate3A_1453 = tpu.concatenate %slice3A_1451, %slice3A_1452 in 0 : vector<2x128xf32>, vector<30x128xf32> -> vector<32x128xf32>
    %slice3A_1454 = vector.extract_strided_slice %select_n3A_1416 {offsets = [2, 0], sizes = [30, 128], strides = [1, 1]} : vector<32x128xf32> to vector<30x128xf32>
    %slice3A_1455 = vector.extract_strided_slice %select_n3A_1416 {offsets = [0, 0], sizes = [2, 128], strides = [1, 1]} : vector<32x128xf32> to vector<2x128xf32>
    %concatenate3A_1456 = tpu.concatenate %slice3A_1454, %slice3A_1455 in 0 : vector<30x128xf32>, vector<2x128xf32> -> vector<32x128xf32>
    %slice3A_1457 = vector.extract_strided_slice %select_n3A_1420 {offsets = [2, 0], sizes = [30, 128], strides = [1, 1]} : vector<32x128xf32> to vector<30x128xf32>
    %slice3A_1458 = vector.extract_strided_slice %select_n3A_1420 {offsets = [0, 0], sizes = [2, 128], strides = [1, 1]} : vector<32x128xf32> to vector<2x128xf32>
    %concatenate3A_1459 = tpu.concatenate %slice3A_1457, %slice3A_1458 in 0 : vector<30x128xf32>, vector<2x128xf32> -> vector<32x128xf32>
    %slice3A_1460 = vector.extract_strided_slice %select_n3A_1424 {offsets = [2, 0], sizes = [30, 128], strides = [1, 1]} : vector<32x128xf32> to vector<30x128xf32>
    %slice3A_1461 = vector.extract_strided_slice %select_n3A_1424 {offsets = [0, 0], sizes = [2, 128], strides = [1, 1]} : vector<32x128xf32> to vector<2x128xf32>
    %concatenate3A_1462 = tpu.concatenate %slice3A_1460, %slice3A_1461 in 0 : vector<30x128xf32>, vector<2x128xf32> -> vector<32x128xf32>
    %slice3A_1463 = vector.extract_strided_slice %select_n3A_1428 {offsets = [2, 0], sizes = [30, 128], strides = [1, 1]} : vector<32x128xf32> to vector<30x128xf32>
    %slice3A_1464 = vector.extract_strided_slice %select_n3A_1428 {offsets = [0, 0], sizes = [2, 128], strides = [1, 1]} : vector<32x128xf32> to vector<2x128xf32>
    %concatenate3A_1465 = tpu.concatenate %slice3A_1463, %slice3A_1464 in 0 : vector<30x128xf32>, vector<2x128xf32> -> vector<32x128xf32>
    %slice3A_1466 = vector.extract_strided_slice %select_n3A_1432 {offsets = [2, 0], sizes = [30, 128], strides = [1, 1]} : vector<32x128xf32> to vector<30x128xf32>
    %slice3A_1467 = vector.extract_strided_slice %select_n3A_1432 {offsets = [0, 0], sizes = [2, 128], strides = [1, 1]} : vector<32x128xf32> to vector<2x128xf32>
    %concatenate3A_1468 = tpu.concatenate %slice3A_1466, %slice3A_1467 in 0 : vector<30x128xf32>, vector<2x128xf32> -> vector<32x128xf32>
    %slice3A_1469 = vector.extract_strided_slice %select_n3A_1436 {offsets = [2, 0], sizes = [30, 128], strides = [1, 1]} : vector<32x128xf32> to vector<30x128xf32>
    %slice3A_1470 = vector.extract_strided_slice %select_n3A_1436 {offsets = [0, 0], sizes = [2, 128], strides = [1, 1]} : vector<32x128xf32> to vector<2x128xf32>
    %concatenate3A_1471 = tpu.concatenate %slice3A_1469, %slice3A_1470 in 0 : vector<30x128xf32>, vector<2x128xf32> -> vector<32x128xf32>
    %neg3A = arith.constant 0.000000e+00 : f32
    %neg3A_1472 = vector.broadcast %neg3A : f32 to vector<32x128xf32>
    %neg3A_1473 = arith.subf %neg3A_1472, %select_n3A_1416 : vector<32x128xf32>
    %neg3A_1474 = arith.constant 0.000000e+00 : f32
    %neg3A_1475 = vector.broadcast %neg3A_1474 : f32 to vector<32x128xf32>
    %neg3A_1476 = arith.subf %neg3A_1475, %select_n3A_1420 : vector<32x128xf32>
    %neg3A_1477 = arith.constant 0.000000e+00 : f32
    %neg3A_1478 = vector.broadcast %neg3A_1477 : f32 to vector<32x128xf32>
    %neg3A_1479 = arith.subf %neg3A_1478, %select_n3A_1424 : vector<32x128xf32>
    %mul3A_1480 = arith.mulf %neg3A_1473, %neg3A_1473 : vector<32x128xf32>
    %mul3A_1481 = arith.mulf %neg3A_1476, %neg3A_1476 : vector<32x128xf32>
    %add3A_1482 = arith.addf %mul3A_1480, %mul3A_1481 : vector<32x128xf32>
    %mul3A_1483 = arith.mulf %neg3A_1479, %neg3A_1479 : vector<32x128xf32>
    %add3A_1484 = arith.addf %add3A_1482, %mul3A_1483 : vector<32x128xf32>
    %sqrt3A_1485 = math.sqrt %add3A_1484 : vector<32x128xf32>
    %add3A_1486 = arith.constant 1.000000e-07 : f32
    %add3A_1487 = vector.broadcast %add3A_1486 : f32 to vector<32x128xf32>
    %add3A_1488 = arith.addf %sqrt3A_1485, %add3A_1487 : vector<32x128xf32>
    %div3A_1489 = arith.divf %neg3A_1473, %add3A_1488 : vector<32x128xf32>
    %div3A_1490 = arith.divf %neg3A_1476, %add3A_1488 : vector<32x128xf32>
    %div3A_1491 = arith.divf %neg3A_1479, %add3A_1488 : vector<32x128xf32>
    %mul3A_1492 = vector.broadcast %slice3A_24 : vector<1x128xf32> to vector<32x128xf32>
    %mul3A_1493 = arith.mulf %div3A_1489, %mul3A_1492 : vector<32x128xf32>
    %mul3A_1494 = vector.broadcast %slice3A_25 : vector<1x128xf32> to vector<32x128xf32>
    %mul3A_1495 = arith.mulf %div3A_1490, %mul3A_1494 : vector<32x128xf32>
    %add3A_1496 = arith.addf %mul3A_1493, %mul3A_1495 : vector<32x128xf32>
    %mul3A_1497 = vector.broadcast %slice3A_26 : vector<1x128xf32> to vector<32x128xf32>
    %mul3A_1498 = arith.mulf %div3A_1491, %mul3A_1497 : vector<32x128xf32>
    %add3A_1499 = arith.addf %add3A_1496, %mul3A_1498 : vector<32x128xf32>
    %neg3A_1500 = arith.constant 0.000000e+00 : f32
    %neg3A_1501 = vector.broadcast %neg3A_1500 : f32 to vector<32x128xf32>
    %neg3A_1502 = arith.subf %neg3A_1501, %add3A_1499 : vector<32x128xf32>
    %mul3A_1503 = arith.mulf %div3A_1489, %select_n3A_1428 : vector<32x128xf32>
    %mul3A_1504 = arith.mulf %div3A_1490, %select_n3A_1432 : vector<32x128xf32>
    %add3A_1505 = arith.addf %mul3A_1503, %mul3A_1504 : vector<32x128xf32>
    %mul3A_1506 = arith.mulf %div3A_1491, %select_n3A_1436 : vector<32x128xf32>
    %add3A_1507 = arith.addf %add3A_1505, %mul3A_1506 : vector<32x128xf32>
    %neg3A_1508 = arith.constant 0.000000e+00 : f32
    %neg3A_1509 = vector.broadcast %neg3A_1508 : f32 to vector<32x128xf32>
    %neg3A_1510 = arith.subf %neg3A_1509, %concatenate3A : vector<32x128xf32>
    %neg3A_1511 = arith.constant 0.000000e+00 : f32
    %neg3A_1512 = vector.broadcast %neg3A_1511 : f32 to vector<32x128xf32>
    %neg3A_1513 = arith.subf %neg3A_1512, %concatenate3A_1441 : vector<32x128xf32>
    %neg3A_1514 = arith.constant 0.000000e+00 : f32
    %neg3A_1515 = vector.broadcast %neg3A_1514 : f32 to vector<32x128xf32>
    %neg3A_1516 = arith.subf %neg3A_1515, %concatenate3A_1444 : vector<32x128xf32>
    %mul3A_1517 = arith.mulf %neg3A_1510, %neg3A_1510 : vector<32x128xf32>
    %mul3A_1518 = arith.mulf %neg3A_1513, %neg3A_1513 : vector<32x128xf32>
    %add3A_1519 = arith.addf %mul3A_1517, %mul3A_1518 : vector<32x128xf32>
    %mul3A_1520 = arith.mulf %neg3A_1516, %neg3A_1516 : vector<32x128xf32>
    %add3A_1521 = arith.addf %add3A_1519, %mul3A_1520 : vector<32x128xf32>
    %sqrt3A_1522 = math.sqrt %add3A_1521 : vector<32x128xf32>
    %add3A_1523 = arith.constant 1.000000e-07 : f32
    %add3A_1524 = vector.broadcast %add3A_1523 : f32 to vector<32x128xf32>
    %add3A_1525 = arith.addf %sqrt3A_1522, %add3A_1524 : vector<32x128xf32>
    %div3A_1526 = arith.divf %neg3A_1510, %add3A_1525 : vector<32x128xf32>
    %div3A_1527 = arith.divf %neg3A_1513, %add3A_1525 : vector<32x128xf32>
    %div3A_1528 = arith.divf %neg3A_1516, %add3A_1525 : vector<32x128xf32>
    %mul3A_1529 = vector.broadcast %slice3A_24 : vector<1x128xf32> to vector<32x128xf32>
    %mul3A_1530 = arith.mulf %div3A_1526, %mul3A_1529 : vector<32x128xf32>
    %mul3A_1531 = vector.broadcast %slice3A_25 : vector<1x128xf32> to vector<32x128xf32>
    %mul3A_1532 = arith.mulf %div3A_1527, %mul3A_1531 : vector<32x128xf32>
    %add3A_1533 = arith.addf %mul3A_1530, %mul3A_1532 : vector<32x128xf32>
    %mul3A_1534 = vector.broadcast %slice3A_26 : vector<1x128xf32> to vector<32x128xf32>
    %mul3A_1535 = arith.mulf %div3A_1528, %mul3A_1534 : vector<32x128xf32>
    %add3A_1536 = arith.addf %add3A_1533, %mul3A_1535 : vector<32x128xf32>
    %neg3A_1537 = arith.constant 0.000000e+00 : f32
    %neg3A_1538 = vector.broadcast %neg3A_1537 : f32 to vector<32x128xf32>
    %neg3A_1539 = arith.subf %neg3A_1538, %add3A_1536 : vector<32x128xf32>
    %mul3A_1540 = arith.mulf %div3A_1526, %concatenate3A_1447 : vector<32x128xf32>
    %mul3A_1541 = arith.mulf %div3A_1527, %concatenate3A_1450 : vector<32x128xf32>
    %add3A_1542 = arith.addf %mul3A_1540, %mul3A_1541 : vector<32x128xf32>
    %mul3A_1543 = arith.mulf %div3A_1528, %concatenate3A_1453 : vector<32x128xf32>
    %add3A_1544 = arith.addf %add3A_1542, %mul3A_1543 : vector<32x128xf32>
    %sub3A_1545 = arith.subf %select_n3A_1416, %concatenate3A : vector<32x128xf32>
    %sub3A_1546 = arith.subf %select_n3A_1420, %concatenate3A_1441 : vector<32x128xf32>
    %sub3A_1547 = arith.subf %select_n3A_1424, %concatenate3A_1444 : vector<32x128xf32>
    %mul3A_1548 = arith.mulf %sub3A_1545, %sub3A_1545 : vector<32x128xf32>
    %mul3A_1549 = arith.mulf %sub3A_1546, %sub3A_1546 : vector<32x128xf32>
    %add3A_1550 = arith.addf %mul3A_1548, %mul3A_1549 : vector<32x128xf32>
    %mul3A_1551 = arith.mulf %sub3A_1547, %sub3A_1547 : vector<32x128xf32>
    %add3A_1552 = arith.addf %add3A_1550, %mul3A_1551 : vector<32x128xf32>
    %sqrt3A_1553 = math.sqrt %add3A_1552 : vector<32x128xf32>
    %add3A_1554 = arith.constant 1.000000e-07 : f32
    %add3A_1555 = vector.broadcast %add3A_1554 : f32 to vector<32x128xf32>
    %add3A_1556 = arith.addf %sqrt3A_1553, %add3A_1555 : vector<32x128xf32>
    %div3A_1557 = arith.divf %sub3A_1545, %add3A_1556 : vector<32x128xf32>
    %div3A_1558 = arith.divf %sub3A_1546, %add3A_1556 : vector<32x128xf32>
    %div3A_1559 = arith.divf %sub3A_1547, %add3A_1556 : vector<32x128xf32>
    %mul3A_1560 = arith.mulf %div3A_1557, %select_n3A_1428 : vector<32x128xf32>
    %mul3A_1561 = arith.mulf %div3A_1558, %select_n3A_1432 : vector<32x128xf32>
    %add3A_1562 = arith.addf %mul3A_1560, %mul3A_1561 : vector<32x128xf32>
    %mul3A_1563 = arith.mulf %div3A_1559, %select_n3A_1436 : vector<32x128xf32>
    %add3A_1564 = arith.addf %add3A_1562, %mul3A_1563 : vector<32x128xf32>
    %neg3A_1565 = arith.constant 0.000000e+00 : f32
    %neg3A_1566 = vector.broadcast %neg3A_1565 : f32 to vector<32x128xf32>
    %neg3A_1567 = arith.subf %neg3A_1566, %add3A_1564 : vector<32x128xf32>
    %mul3A_1568 = arith.mulf %div3A_1557, %concatenate3A_1447 : vector<32x128xf32>
    %mul3A_1569 = arith.mulf %div3A_1558, %concatenate3A_1450 : vector<32x128xf32>
    %add3A_1570 = arith.addf %mul3A_1568, %mul3A_1569 : vector<32x128xf32>
    %mul3A_1571 = arith.mulf %div3A_1559, %concatenate3A_1453 : vector<32x128xf32>
    %add3A_1572 = arith.addf %add3A_1570, %mul3A_1571 : vector<32x128xf32>
    %mul3A_1573 = arith.mulf %div3A_1489, %div3A_1526 : vector<32x128xf32>
    %mul3A_1574 = arith.mulf %div3A_1490, %div3A_1527 : vector<32x128xf32>
    %add3A_1575 = arith.addf %mul3A_1573, %mul3A_1574 : vector<32x128xf32>
    %mul3A_1576 = arith.mulf %div3A_1491, %div3A_1528 : vector<32x128xf32>
    %add3A_1577 = arith.addf %add3A_1575, %mul3A_1576 : vector<32x128xf32>
    %neg3A_1578 = arith.constant 0.000000e+00 : f32
    %neg3A_1579 = vector.broadcast %neg3A_1578 : f32 to vector<32x128xf32>
    %neg3A_1580 = arith.subf %neg3A_1579, %div3A_1526 : vector<32x128xf32>
    %neg3A_1581 = arith.constant 0.000000e+00 : f32
    %neg3A_1582 = vector.broadcast %neg3A_1581 : f32 to vector<32x128xf32>
    %neg3A_1583 = arith.subf %neg3A_1582, %div3A_1527 : vector<32x128xf32>
    %neg3A_1584 = arith.constant 0.000000e+00 : f32
    %neg3A_1585 = vector.broadcast %neg3A_1584 : f32 to vector<32x128xf32>
    %neg3A_1586 = arith.subf %neg3A_1585, %div3A_1528 : vector<32x128xf32>
    %neg3A_1587 = arith.constant 0.000000e+00 : f32
    %neg3A_1588 = vector.broadcast %neg3A_1587 : f32 to vector<32x128xf32>
    %neg3A_1589 = arith.subf %neg3A_1588, %div3A_1557 : vector<32x128xf32>
    %neg3A_1590 = arith.constant 0.000000e+00 : f32
    %neg3A_1591 = vector.broadcast %neg3A_1590 : f32 to vector<32x128xf32>
    %neg3A_1592 = arith.subf %neg3A_1591, %div3A_1558 : vector<32x128xf32>
    %neg3A_1593 = arith.constant 0.000000e+00 : f32
    %neg3A_1594 = vector.broadcast %neg3A_1593 : f32 to vector<32x128xf32>
    %neg3A_1595 = arith.subf %neg3A_1594, %div3A_1559 : vector<32x128xf32>
    %mul3A_1596 = arith.mulf %neg3A_1580, %neg3A_1589 : vector<32x128xf32>
    %mul3A_1597 = arith.mulf %neg3A_1583, %neg3A_1592 : vector<32x128xf32>
    %add3A_1598 = arith.addf %mul3A_1596, %mul3A_1597 : vector<32x128xf32>
    %mul3A_1599 = arith.mulf %neg3A_1586, %neg3A_1595 : vector<32x128xf32>
    %add3A_1600 = arith.addf %add3A_1598, %mul3A_1599 : vector<32x128xf32>
    %mul3A_1601 = arith.mulf %concatenate3A_1456, %concatenate3A_1456 : vector<32x128xf32>
    %mul3A_1602 = arith.mulf %concatenate3A_1459, %concatenate3A_1459 : vector<32x128xf32>
    %add3A_1603 = arith.addf %mul3A_1601, %mul3A_1602 : vector<32x128xf32>
    %mul3A_1604 = arith.mulf %concatenate3A_1462, %concatenate3A_1462 : vector<32x128xf32>
    %add3A_1605 = arith.addf %add3A_1603, %mul3A_1604 : vector<32x128xf32>
    %sqrt3A_1606 = math.sqrt %add3A_1605 : vector<32x128xf32>
    %add3A_1607 = arith.constant 1.000000e-07 : f32
    %add3A_1608 = vector.broadcast %add3A_1607 : f32 to vector<32x128xf32>
    %add3A_1609 = arith.addf %sqrt3A_1606, %add3A_1608 : vector<32x128xf32>
    %div3A_1610 = arith.divf %concatenate3A_1456, %add3A_1609 : vector<32x128xf32>
    %div3A_1611 = arith.divf %concatenate3A_1459, %add3A_1609 : vector<32x128xf32>
    %div3A_1612 = arith.divf %concatenate3A_1462, %add3A_1609 : vector<32x128xf32>
    %mul3A_1613 = arith.mulf %select_n3A_1416, %select_n3A_1416 : vector<32x128xf32>
    %mul3A_1614 = arith.mulf %select_n3A_1420, %select_n3A_1420 : vector<32x128xf32>
    %add3A_1615 = arith.addf %mul3A_1613, %mul3A_1614 : vector<32x128xf32>
    %mul3A_1616 = arith.mulf %select_n3A_1424, %select_n3A_1424 : vector<32x128xf32>
    %add3A_1617 = arith.addf %add3A_1615, %mul3A_1616 : vector<32x128xf32>
    %sqrt3A_1618 = math.sqrt %add3A_1617 : vector<32x128xf32>
    %add3A_1619 = arith.constant 1.000000e-07 : f32
    %add3A_1620 = vector.broadcast %add3A_1619 : f32 to vector<32x128xf32>
    %add3A_1621 = arith.addf %sqrt3A_1618, %add3A_1620 : vector<32x128xf32>
    %div3A_1622 = arith.divf %select_n3A_1416, %add3A_1621 : vector<32x128xf32>
    %div3A_1623 = arith.divf %select_n3A_1420, %add3A_1621 : vector<32x128xf32>
    %div3A_1624 = arith.divf %select_n3A_1424, %add3A_1621 : vector<32x128xf32>
    %sub3A_1625 = arith.subf %concatenate3A_1456, %select_n3A_1416 : vector<32x128xf32>
    %sub3A_1626 = arith.subf %concatenate3A_1459, %select_n3A_1420 : vector<32x128xf32>
    %sub3A_1627 = arith.subf %concatenate3A_1462, %select_n3A_1424 : vector<32x128xf32>
    %mul3A_1628 = arith.mulf %sub3A_1625, %sub3A_1625 : vector<32x128xf32>
    %mul3A_1629 = arith.mulf %sub3A_1626, %sub3A_1626 : vector<32x128xf32>
    %add3A_1630 = arith.addf %mul3A_1628, %mul3A_1629 : vector<32x128xf32>
    %mul3A_1631 = arith.mulf %sub3A_1627, %sub3A_1627 : vector<32x128xf32>
    %add3A_1632 = arith.addf %add3A_1630, %mul3A_1631 : vector<32x128xf32>
    %sqrt3A_1633 = math.sqrt %add3A_1632 : vector<32x128xf32>
    %add3A_1634 = arith.constant 1.000000e-07 : f32
    %add3A_1635 = vector.broadcast %add3A_1634 : f32 to vector<32x128xf32>
    %add3A_1636 = arith.addf %sqrt3A_1633, %add3A_1635 : vector<32x128xf32>
    %div3A_1637 = arith.divf %sub3A_1625, %add3A_1636 : vector<32x128xf32>
    %div3A_1638 = arith.divf %sub3A_1626, %add3A_1636 : vector<32x128xf32>
    %div3A_1639 = arith.divf %sub3A_1627, %add3A_1636 : vector<32x128xf32>
    %mul3A_1640 = arith.mulf %concatenate3A, %concatenate3A : vector<32x128xf32>
    %mul3A_1641 = arith.mulf %concatenate3A_1441, %concatenate3A_1441 : vector<32x128xf32>
    %add3A_1642 = arith.addf %mul3A_1640, %mul3A_1641 : vector<32x128xf32>
    %mul3A_1643 = arith.mulf %concatenate3A_1444, %concatenate3A_1444 : vector<32x128xf32>
    %add3A_1644 = arith.addf %add3A_1642, %mul3A_1643 : vector<32x128xf32>
    %sqrt3A_1645 = math.sqrt %add3A_1644 : vector<32x128xf32>
    %add3A_1646 = arith.constant 1.000000e-07 : f32
    %add3A_1647 = vector.broadcast %add3A_1646 : f32 to vector<32x128xf32>
    %add3A_1648 = arith.addf %sqrt3A_1645, %add3A_1647 : vector<32x128xf32>
    %div3A_1649 = arith.divf %concatenate3A, %add3A_1648 : vector<32x128xf32>
    %div3A_1650 = arith.divf %concatenate3A_1441, %add3A_1648 : vector<32x128xf32>
    %div3A_1651 = arith.divf %concatenate3A_1444, %add3A_1648 : vector<32x128xf32>
    %mul3A_1652 = arith.mulf %div3A_1611, %div3A_1624 : vector<32x128xf32>
    %mul3A_1653 = arith.mulf %div3A_1612, %div3A_1623 : vector<32x128xf32>
    %sub3A_1654 = arith.subf %mul3A_1652, %mul3A_1653 : vector<32x128xf32>
    %mul3A_1655 = arith.mulf %div3A_1612, %div3A_1622 : vector<32x128xf32>
    %mul3A_1656 = arith.mulf %div3A_1610, %div3A_1624 : vector<32x128xf32>
    %sub3A_1657 = arith.subf %mul3A_1655, %mul3A_1656 : vector<32x128xf32>
    %mul3A_1658 = arith.mulf %div3A_1610, %div3A_1623 : vector<32x128xf32>
    %mul3A_1659 = arith.mulf %div3A_1611, %div3A_1622 : vector<32x128xf32>
    %sub3A_1660 = arith.subf %mul3A_1658, %mul3A_1659 : vector<32x128xf32>
    %mul3A_1661 = arith.mulf %div3A_1650, %div3A_1624 : vector<32x128xf32>
    %mul3A_1662 = arith.mulf %div3A_1651, %div3A_1623 : vector<32x128xf32>
    %sub3A_1663 = arith.subf %mul3A_1661, %mul3A_1662 : vector<32x128xf32>
    %mul3A_1664 = arith.mulf %div3A_1651, %div3A_1622 : vector<32x128xf32>
    %mul3A_1665 = arith.mulf %div3A_1649, %div3A_1624 : vector<32x128xf32>
    %sub3A_1666 = arith.subf %mul3A_1664, %mul3A_1665 : vector<32x128xf32>
    %mul3A_1667 = arith.mulf %div3A_1649, %div3A_1623 : vector<32x128xf32>
    %mul3A_1668 = arith.mulf %div3A_1650, %div3A_1622 : vector<32x128xf32>
    %sub3A_1669 = arith.subf %mul3A_1667, %mul3A_1668 : vector<32x128xf32>
    %mul3A_1670 = arith.mulf %div3A_1610, %div3A_1622 : vector<32x128xf32>
    %mul3A_1671 = arith.mulf %div3A_1611, %div3A_1623 : vector<32x128xf32>
    %add3A_1672 = arith.addf %mul3A_1670, %mul3A_1671 : vector<32x128xf32>
    %mul3A_1673 = arith.mulf %div3A_1612, %div3A_1624 : vector<32x128xf32>
    %add3A_1674 = arith.addf %add3A_1672, %mul3A_1673 : vector<32x128xf32>
    %mul3A_1675 = arith.mulf %div3A_1610, %div3A_1637 : vector<32x128xf32>
    %mul3A_1676 = arith.mulf %div3A_1611, %div3A_1638 : vector<32x128xf32>
    %add3A_1677 = arith.addf %mul3A_1675, %mul3A_1676 : vector<32x128xf32>
    %mul3A_1678 = arith.mulf %div3A_1612, %div3A_1639 : vector<32x128xf32>
    %add3A_1679 = arith.addf %add3A_1677, %mul3A_1678 : vector<32x128xf32>
    %mul3A_1680 = arith.mulf %sub3A_1654, %sub3A_1663 : vector<32x128xf32>
    %mul3A_1681 = arith.mulf %sub3A_1657, %sub3A_1666 : vector<32x128xf32>
    %add3A_1682 = arith.addf %mul3A_1680, %mul3A_1681 : vector<32x128xf32>
    %mul3A_1683 = arith.mulf %sub3A_1660, %sub3A_1669 : vector<32x128xf32>
    %add3A_1684 = arith.addf %add3A_1682, %mul3A_1683 : vector<32x128xf32>
    %mul3A_1685 = arith.mulf %div3A_1637, %concatenate3A_1465 : vector<32x128xf32>
    %mul3A_1686 = arith.mulf %div3A_1638, %concatenate3A_1468 : vector<32x128xf32>
    %add3A_1687 = arith.addf %mul3A_1685, %mul3A_1686 : vector<32x128xf32>
    %mul3A_1688 = arith.mulf %div3A_1639, %concatenate3A_1471 : vector<32x128xf32>
    %add3A_1689 = arith.addf %add3A_1687, %mul3A_1688 : vector<32x128xf32>
    %mul3A_1690 = arith.mulf %div3A_1622, %concatenate3A_1465 : vector<32x128xf32>
    %mul3A_1691 = arith.mulf %div3A_1623, %concatenate3A_1468 : vector<32x128xf32>
    %add3A_1692 = arith.addf %mul3A_1690, %mul3A_1691 : vector<32x128xf32>
    %mul3A_1693 = arith.mulf %div3A_1624, %concatenate3A_1471 : vector<32x128xf32>
    %add3A_1694 = arith.addf %add3A_1692, %mul3A_1693 : vector<32x128xf32>
    %stack3A = vector.shape_cast %sqrt3A_1485 : vector<32x128xf32> to vector<1x32x128xf32>
    %stack3A_1695 = vector.shape_cast %neg3A_1502 : vector<32x128xf32> to vector<1x32x128xf32>
    %stack3A_1696 = vector.shape_cast %add3A_1507 : vector<32x128xf32> to vector<1x32x128xf32>
    %stack3A_1697 = vector.shape_cast %add3A_1577 : vector<32x128xf32> to vector<1x32x128xf32>
    %stack3A_1698 = vector.shape_cast %neg3A_1539 : vector<32x128xf32> to vector<1x32x128xf32>
    %stack3A_1699 = vector.shape_cast %add3A_1544 : vector<32x128xf32> to vector<1x32x128xf32>
    %stack3A_1700 = vector.shape_cast %add3A_1600 : vector<32x128xf32> to vector<1x32x128xf32>
    %stack3A_1701 = vector.shape_cast %neg3A_1567 : vector<32x128xf32> to vector<1x32x128xf32>
    %stack3A_1702 = vector.shape_cast %add3A_1572 : vector<32x128xf32> to vector<1x32x128xf32>
    %stack3A_1703 = vector.shape_cast %add3A_1674 : vector<32x128xf32> to vector<1x32x128xf32>
    %stack3A_1704 = vector.shape_cast %add3A_1679 : vector<32x128xf32> to vector<1x32x128xf32>
    %stack3A_1705 = vector.shape_cast %add3A_1689 : vector<32x128xf32> to vector<1x32x128xf32>
    %stack3A_1706 = vector.shape_cast %add3A_1694 : vector<32x128xf32> to vector<1x32x128xf32>
    %stack3A_1707 = vector.shape_cast %add3A_1684 : vector<32x128xf32> to vector<1x32x128xf32>
    %stack3A_1708 = tpu.concatenate %stack3A, %stack3A_1695, %stack3A_1696, %stack3A_1697, %stack3A_1698, %stack3A_1699, %stack3A_1700, %stack3A_1701, %stack3A_1702, %stack3A_1703, %stack3A_1704, %stack3A_1705, %stack3A_1706, %stack3A_1707 in 0 : vector<1x32x128xf32>, vector<1x32x128xf32>, vector<1x32x128xf32>, vector<1x32x128xf32>, vector<1x32x128xf32>, vector<1x32x128xf32>, vector<1x32x128xf32>, vector<1x32x128xf32>, vector<1x32x128xf32>, vector<1x32x128xf32>, vector<1x32x128xf32>, vector<1x32x128xf32>, vector<1x32x128xf32>, vector<1x32x128xf32> -> vector<14x32x128xf32>
    %swap3A = arith.constant 0 : index
    %swap3A_1709 = arith.constant 0 : index
    %swap3A_1710 = arith.constant 0 : index
    %swap3A_1711 = arith.constant 0 : index
    %swap3A_1712 = vector.load %arg4[%swap3A, %swap3A_1709, %swap3A_1710, %swap3A_1711] : memref<1x14x32x128xf32, #tpu.memory_space<vmem>>, vector<1x14x32x128xf32>
    %swap3A_1713 = vector.shape_cast %swap3A_1712 : vector<1x14x32x128xf32> to vector<14x32x128xf32>
    %swap3A_1714 = vector.shape_cast %stack3A_1708 : vector<14x32x128xf32> to vector<1x14x32x128xf32>
    tpu.vector_store %arg4[%swap3A, %swap3A_1709, %swap3A_1710, %swap3A_1711], %swap3A_1714 {strides = array<i32>} : memref<1x14x32x128xf32, #tpu.memory_space<vmem>>, vector<1x14x32x128xf32>,
    return
  }
  func.func @transform_0(%arg0: i32, %arg1: i32) -> (i32, i32, i32, i32) {
    %c0_i32 = arith.constant 0 : i32
    %c0_i32_0 = arith.constant 0 : i32
    %c0_i32_1 = arith.constant 0 : i32
    return %c0_i32, %arg0, %c0_i32_0, %arg1 : i32, i32, i32, i32
  }
  func.func @transform_1(%arg0: i32, %arg1: i32) -> (i32, i32, i32, i32) {
    %c0_i32 = arith.constant 0 : i32
    %c0_i32_0 = arith.constant 0 : i32
    %c0_i32_1 = arith.constant 0 : i32
    return %c0_i32, %arg0, %c0_i32_0, %arg1 : i32, i32, i32, i32
  }
  func.func @transform_2(%arg0: i32, %arg1: i32) -> (i32, i32, i32, i32) {
    %c0_i32 = arith.constant 0 : i32
    %c0_i32_0 = arith.constant 0 : i32
    %c0_i32_1 = arith.constant 0 : i32
    return %arg0, %c0_i32, %c0_i32_0, %arg1 : i32, i32, i32, i32
  }
}

module attributes {stable_mosaic.version = 14 : i64} {
  func.func @_mlp_kernel(%arg0: i32, %arg1: memref<1x14x32x4096xf32, #tpu.memory_space<vmem>>, %arg2: memref<32x14xf32, #tpu.memory_space<vmem>>, %arg3: memref<32x1xf32, #tpu.memory_space<vmem>>, %arg4: memref<64x32xf32, #tpu.memory_space<vmem>>, %arg5: memref<64x1xf32, #tpu.memory_space<vmem>>, %arg6: memref<1x64x4096xf32, #tpu.memory_space<vmem>>) attributes {dimension_semantics = [#tpu.dimension_semantics<arbitrary>], iteration_bounds = array<i64: 4>, scalar_prefetch = 0 : i64, scratch_operands = 0 : i64, tpu.core_type = #tpu.core_type<tc>, window_params = [{transform_indices = @transform_0, window_bounds = array<i64: 1, 14, 32, 4096>}, {pipeline_mode = #tpu.pipeline_mode<synchronous>, transform_indices = @transform_1, window_bounds = array<i64: 32, 14>}, {pipeline_mode = #tpu.pipeline_mode<synchronous>, transform_indices = @transform_2, window_bounds = array<i64: 32, 1>}, {pipeline_mode = #tpu.pipeline_mode<synchronous>, transform_indices = @transform_3, window_bounds = array<i64: 64, 32>}, {pipeline_mode = #tpu.pipeline_mode<synchronous>, transform_indices = @transform_4, window_bounds = array<i64: 64, 1>}, {transform_indices = @transform_5, window_bounds = array<i64: 1, 64, 4096>}]} {
    %get3A = arith.constant 0 : index
    %get3A_0 = arith.constant 0 : index
    %get3A_1 = vector.load %arg2[%get3A, %get3A_0] : memref<32x14xf32, #tpu.memory_space<vmem>>, vector<32x14xf32>
    %get3A_2 = arith.constant 0 : index
    %get3A_3 = arith.constant 0 : index
    %get3A_4 = vector.load %arg4[%get3A_2, %get3A_3] : memref<64x32xf32, #tpu.memory_space<vmem>>, vector<64x32xf32>
    %get3A_5 = arith.constant 0 : index
    %get3A_6 = arith.constant 0 : index
    %get3A_7 = vector.load %arg3[%get3A_5, %get3A_6] : memref<32x1xf32, #tpu.memory_space<vmem>>, vector<32x1xf32>
    %get3A_8 = arith.constant 0 : index
    %get3A_9 = arith.constant 0 : index
    %get3A_10 = vector.load %arg5[%get3A_8, %get3A_9] : memref<64x1xf32, #tpu.memory_space<vmem>>, vector<64x1xf32>
    %get3A_11 = arith.constant 0 : index
    %get3A_12 = arith.constant 0 : index
    %get3A_13 = arith.constant 0 : index
    %get3A_14 = arith.constant 0 : index
    %get3A_15 = vector.load %arg1[%get3A_11, %get3A_12, %get3A_13, %get3A_14] : memref<1x14x32x4096xf32, #tpu.memory_space<vmem>>, vector<1x14x32x4096xf32>
    %get3A_16 = vector.shape_cast %get3A_15 : vector<1x14x32x4096xf32> to vector<14x32x4096xf32>
    %slice3A = vector.extract_strided_slice %get3A_16 {offsets = [0, 0, 0], sizes = [14, 1, 4096], strides = [1, 1, 1]} : vector<14x32x4096xf32> to vector<14x1x4096xf32>
    %squeeze3A = vector.shape_cast %slice3A : vector<14x1x4096xf32> to vector<14x4096xf32>
    %dot_general3A = arith.constant dense<0.000000e+00> : vector<32x4096xf32>
    %dot_general3A_17 = tpu.matmul %get3A_1, %squeeze3A, %dot_general3A {dimension_numbers = #tpu.dot_dimension_numbers<[1], [0], [0], [1], [0, 0, 1, 1], [], []>, transpose_lhs_hint = false} : vector<32x14xf32>, vector<14x4096xf32>, vector<32x4096xf32> -> vector<32x4096xf32>
    %add3A = vector.broadcast %get3A_7 : vector<32x1xf32> to vector<32x4096xf32>
    %add3A_18 = arith.addf %dot_general3A_17, %add3A : vector<32x4096xf32>
    %max3A = arith.constant 0.000000e+00 : f32
    %max3A_19 = vector.broadcast %max3A : f32 to vector<32x4096xf32>
    %max3A_20 = arith.maximumf %add3A_18, %max3A_19 : vector<32x4096xf32>
    %dot_general3A_21 = arith.constant dense<0.000000e+00> : vector<64x4096xf32>
    %dot_general3A_22 = tpu.matmul %get3A_4, %max3A_20, %dot_general3A_21 {dimension_numbers = #tpu.dot_dimension_numbers<[1], [0], [0], [1], [0, 0, 1, 1], [], []>, transpose_lhs_hint = false} : vector<64x32xf32>, vector<32x4096xf32>, vector<64x4096xf32> -> vector<64x4096xf32>
    %add3A_23 = vector.broadcast %get3A_10 : vector<64x1xf32> to vector<64x4096xf32>
    %add3A_24 = arith.addf %dot_general3A_22, %add3A_23 : vector<64x4096xf32>
    %max3A_25 = arith.constant 0.000000e+00 : f32
    %max3A_26 = vector.broadcast %max3A_25 : f32 to vector<64x4096xf32>
    %max3A_27 = arith.maximumf %add3A_24, %max3A_26 : vector<64x4096xf32>
    %swap3A = arith.constant 0 : index
    %swap3A_28 = arith.constant 0 : index
    %swap3A_29 = arith.constant 0 : index
    %swap3A_30 = vector.load %arg6[%swap3A, %swap3A_28, %swap3A_29] : memref<1x64x4096xf32, #tpu.memory_space<vmem>>, vector<1x64x4096xf32>
    %swap3A_31 = vector.shape_cast %swap3A_30 : vector<1x64x4096xf32> to vector<64x4096xf32>
    %swap3A_32 = vector.shape_cast %max3A_27 : vector<64x4096xf32> to vector<1x64x4096xf32>
    tpu.vector_store %arg6[%swap3A, %swap3A_28, %swap3A_29], %swap3A_32 {strides = array<i32>} : memref<1x64x4096xf32, #tpu.memory_space<vmem>>, vector<1x64x4096xf32>,
    %slice3A_33 = vector.extract_strided_slice %get3A_16 {offsets = [0, 1, 0], sizes = [14, 1, 4096], strides = [1, 1, 1]} : vector<14x32x4096xf32> to vector<14x1x4096xf32>
    %squeeze3A_34 = vector.shape_cast %slice3A_33 : vector<14x1x4096xf32> to vector<14x4096xf32>
    %dot_general3A_35 = arith.constant dense<0.000000e+00> : vector<32x4096xf32>
    %dot_general3A_36 = tpu.matmul %get3A_1, %squeeze3A_34, %dot_general3A_35 {dimension_numbers = #tpu.dot_dimension_numbers<[1], [0], [0], [1], [0, 0, 1, 1], [], []>, transpose_lhs_hint = false} : vector<32x14xf32>, vector<14x4096xf32>, vector<32x4096xf32> -> vector<32x4096xf32>
    %add3A_37 = vector.broadcast %get3A_7 : vector<32x1xf32> to vector<32x4096xf32>
    %add3A_38 = arith.addf %dot_general3A_36, %add3A_37 : vector<32x4096xf32>
    %max3A_39 = arith.constant 0.000000e+00 : f32
    %max3A_40 = vector.broadcast %max3A_39 : f32 to vector<32x4096xf32>
    %max3A_41 = arith.maximumf %add3A_38, %max3A_40 : vector<32x4096xf32>
    %dot_general3A_42 = arith.constant dense<0.000000e+00> : vector<64x4096xf32>
    %dot_general3A_43 = tpu.matmul %get3A_4, %max3A_41, %dot_general3A_42 {dimension_numbers = #tpu.dot_dimension_numbers<[1], [0], [0], [1], [0, 0, 1, 1], [], []>, transpose_lhs_hint = false} : vector<64x32xf32>, vector<32x4096xf32>, vector<64x4096xf32> -> vector<64x4096xf32>
    %add3A_44 = vector.broadcast %get3A_10 : vector<64x1xf32> to vector<64x4096xf32>
    %add3A_45 = arith.addf %dot_general3A_43, %add3A_44 : vector<64x4096xf32>
    %max3A_46 = arith.constant 0.000000e+00 : f32
    %max3A_47 = vector.broadcast %max3A_46 : f32 to vector<64x4096xf32>
    %max3A_48 = arith.maximumf %add3A_45, %max3A_47 : vector<64x4096xf32>
    %get3A_49 = arith.constant 0 : index
    %get3A_50 = arith.constant 0 : index
    %get3A_51 = arith.constant 0 : index
    %get3A_52 = vector.load %arg6[%get3A_49, %get3A_50, %get3A_51] : memref<1x64x4096xf32, #tpu.memory_space<vmem>>, vector<1x64x4096xf32>
    %get3A_53 = vector.shape_cast %get3A_52 : vector<1x64x4096xf32> to vector<64x4096xf32>
    %max3A_54 = arith.maximumf %get3A_53, %max3A_48 : vector<64x4096xf32>
    %swap3A_55 = arith.constant 0 : index
    %swap3A_56 = arith.constant 0 : index
    %swap3A_57 = arith.constant 0 : index
    %swap3A_58 = vector.load %arg6[%swap3A_55, %swap3A_56, %swap3A_57] : memref<1x64x4096xf32, #tpu.memory_space<vmem>>, vector<1x64x4096xf32>
    %swap3A_59 = vector.shape_cast %swap3A_58 : vector<1x64x4096xf32> to vector<64x4096xf32>
    %swap3A_60 = vector.shape_cast %max3A_54 : vector<64x4096xf32> to vector<1x64x4096xf32>
    tpu.vector_store %arg6[%swap3A_55, %swap3A_56, %swap3A_57], %swap3A_60 {strides = array<i32>} : memref<1x64x4096xf32, #tpu.memory_space<vmem>>, vector<1x64x4096xf32>,
    %slice3A_61 = vector.extract_strided_slice %get3A_16 {offsets = [0, 2, 0], sizes = [14, 1, 4096], strides = [1, 1, 1]} : vector<14x32x4096xf32> to vector<14x1x4096xf32>
    %squeeze3A_62 = vector.shape_cast %slice3A_61 : vector<14x1x4096xf32> to vector<14x4096xf32>
    %dot_general3A_63 = arith.constant dense<0.000000e+00> : vector<32x4096xf32>
    %dot_general3A_64 = tpu.matmul %get3A_1, %squeeze3A_62, %dot_general3A_63 {dimension_numbers = #tpu.dot_dimension_numbers<[1], [0], [0], [1], [0, 0, 1, 1], [], []>, transpose_lhs_hint = false} : vector<32x14xf32>, vector<14x4096xf32>, vector<32x4096xf32> -> vector<32x4096xf32>
    %add3A_65 = vector.broadcast %get3A_7 : vector<32x1xf32> to vector<32x4096xf32>
    %add3A_66 = arith.addf %dot_general3A_64, %add3A_65 : vector<32x4096xf32>
    %max3A_67 = arith.constant 0.000000e+00 : f32
    %max3A_68 = vector.broadcast %max3A_67 : f32 to vector<32x4096xf32>
    %max3A_69 = arith.maximumf %add3A_66, %max3A_68 : vector<32x4096xf32>
    %dot_general3A_70 = arith.constant dense<0.000000e+00> : vector<64x4096xf32>
    %dot_general3A_71 = tpu.matmul %get3A_4, %max3A_69, %dot_general3A_70 {dimension_numbers = #tpu.dot_dimension_numbers<[1], [0], [0], [1], [0, 0, 1, 1], [], []>, transpose_lhs_hint = false} : vector<64x32xf32>, vector<32x4096xf32>, vector<64x4096xf32> -> vector<64x4096xf32>
    %add3A_72 = vector.broadcast %get3A_10 : vector<64x1xf32> to vector<64x4096xf32>
    %add3A_73 = arith.addf %dot_general3A_71, %add3A_72 : vector<64x4096xf32>
    %max3A_74 = arith.constant 0.000000e+00 : f32
    %max3A_75 = vector.broadcast %max3A_74 : f32 to vector<64x4096xf32>
    %max3A_76 = arith.maximumf %add3A_73, %max3A_75 : vector<64x4096xf32>
    %get3A_77 = arith.constant 0 : index
    %get3A_78 = arith.constant 0 : index
    %get3A_79 = arith.constant 0 : index
    %get3A_80 = vector.load %arg6[%get3A_77, %get3A_78, %get3A_79] : memref<1x64x4096xf32, #tpu.memory_space<vmem>>, vector<1x64x4096xf32>
    %get3A_81 = vector.shape_cast %get3A_80 : vector<1x64x4096xf32> to vector<64x4096xf32>
    %max3A_82 = arith.maximumf %get3A_81, %max3A_76 : vector<64x4096xf32>
    %swap3A_83 = arith.constant 0 : index
    %swap3A_84 = arith.constant 0 : index
    %swap3A_85 = arith.constant 0 : index
    %swap3A_86 = vector.load %arg6[%swap3A_83, %swap3A_84, %swap3A_85] : memref<1x64x4096xf32, #tpu.memory_space<vmem>>, vector<1x64x4096xf32>
    %swap3A_87 = vector.shape_cast %swap3A_86 : vector<1x64x4096xf32> to vector<64x4096xf32>
    %swap3A_88 = vector.shape_cast %max3A_82 : vector<64x4096xf32> to vector<1x64x4096xf32>
    tpu.vector_store %arg6[%swap3A_83, %swap3A_84, %swap3A_85], %swap3A_88 {strides = array<i32>} : memref<1x64x4096xf32, #tpu.memory_space<vmem>>, vector<1x64x4096xf32>,
    %slice3A_89 = vector.extract_strided_slice %get3A_16 {offsets = [0, 3, 0], sizes = [14, 1, 4096], strides = [1, 1, 1]} : vector<14x32x4096xf32> to vector<14x1x4096xf32>
    %squeeze3A_90 = vector.shape_cast %slice3A_89 : vector<14x1x4096xf32> to vector<14x4096xf32>
    %dot_general3A_91 = arith.constant dense<0.000000e+00> : vector<32x4096xf32>
    %dot_general3A_92 = tpu.matmul %get3A_1, %squeeze3A_90, %dot_general3A_91 {dimension_numbers = #tpu.dot_dimension_numbers<[1], [0], [0], [1], [0, 0, 1, 1], [], []>, transpose_lhs_hint = false} : vector<32x14xf32>, vector<14x4096xf32>, vector<32x4096xf32> -> vector<32x4096xf32>
    %add3A_93 = vector.broadcast %get3A_7 : vector<32x1xf32> to vector<32x4096xf32>
    %add3A_94 = arith.addf %dot_general3A_92, %add3A_93 : vector<32x4096xf32>
    %max3A_95 = arith.constant 0.000000e+00 : f32
    %max3A_96 = vector.broadcast %max3A_95 : f32 to vector<32x4096xf32>
    %max3A_97 = arith.maximumf %add3A_94, %max3A_96 : vector<32x4096xf32>
    %dot_general3A_98 = arith.constant dense<0.000000e+00> : vector<64x4096xf32>
    %dot_general3A_99 = tpu.matmul %get3A_4, %max3A_97, %dot_general3A_98 {dimension_numbers = #tpu.dot_dimension_numbers<[1], [0], [0], [1], [0, 0, 1, 1], [], []>, transpose_lhs_hint = false} : vector<64x32xf32>, vector<32x4096xf32>, vector<64x4096xf32> -> vector<64x4096xf32>
    %add3A_100 = vector.broadcast %get3A_10 : vector<64x1xf32> to vector<64x4096xf32>
    %add3A_101 = arith.addf %dot_general3A_99, %add3A_100 : vector<64x4096xf32>
    %max3A_102 = arith.constant 0.000000e+00 : f32
    %max3A_103 = vector.broadcast %max3A_102 : f32 to vector<64x4096xf32>
    %max3A_104 = arith.maximumf %add3A_101, %max3A_103 : vector<64x4096xf32>
    %get3A_105 = arith.constant 0 : index
    %get3A_106 = arith.constant 0 : index
    %get3A_107 = arith.constant 0 : index
    %get3A_108 = vector.load %arg6[%get3A_105, %get3A_106, %get3A_107] : memref<1x64x4096xf32, #tpu.memory_space<vmem>>, vector<1x64x4096xf32>
    %get3A_109 = vector.shape_cast %get3A_108 : vector<1x64x4096xf32> to vector<64x4096xf32>
    %max3A_110 = arith.maximumf %get3A_109, %max3A_104 : vector<64x4096xf32>
    %swap3A_111 = arith.constant 0 : index
    %swap3A_112 = arith.constant 0 : index
    %swap3A_113 = arith.constant 0 : index
    %swap3A_114 = vector.load %arg6[%swap3A_111, %swap3A_112, %swap3A_113] : memref<1x64x4096xf32, #tpu.memory_space<vmem>>, vector<1x64x4096xf32>
    %swap3A_115 = vector.shape_cast %swap3A_114 : vector<1x64x4096xf32> to vector<64x4096xf32>
    %swap3A_116 = vector.shape_cast %max3A_110 : vector<64x4096xf32> to vector<1x64x4096xf32>
    tpu.vector_store %arg6[%swap3A_111, %swap3A_112, %swap3A_113], %swap3A_116 {strides = array<i32>} : memref<1x64x4096xf32, #tpu.memory_space<vmem>>, vector<1x64x4096xf32>,
    %slice3A_117 = vector.extract_strided_slice %get3A_16 {offsets = [0, 4, 0], sizes = [14, 1, 4096], strides = [1, 1, 1]} : vector<14x32x4096xf32> to vector<14x1x4096xf32>
    %squeeze3A_118 = vector.shape_cast %slice3A_117 : vector<14x1x4096xf32> to vector<14x4096xf32>
    %dot_general3A_119 = arith.constant dense<0.000000e+00> : vector<32x4096xf32>
    %dot_general3A_120 = tpu.matmul %get3A_1, %squeeze3A_118, %dot_general3A_119 {dimension_numbers = #tpu.dot_dimension_numbers<[1], [0], [0], [1], [0, 0, 1, 1], [], []>, transpose_lhs_hint = false} : vector<32x14xf32>, vector<14x4096xf32>, vector<32x4096xf32> -> vector<32x4096xf32>
    %add3A_121 = vector.broadcast %get3A_7 : vector<32x1xf32> to vector<32x4096xf32>
    %add3A_122 = arith.addf %dot_general3A_120, %add3A_121 : vector<32x4096xf32>
    %max3A_123 = arith.constant 0.000000e+00 : f32
    %max3A_124 = vector.broadcast %max3A_123 : f32 to vector<32x4096xf32>
    %max3A_125 = arith.maximumf %add3A_122, %max3A_124 : vector<32x4096xf32>
    %dot_general3A_126 = arith.constant dense<0.000000e+00> : vector<64x4096xf32>
    %dot_general3A_127 = tpu.matmul %get3A_4, %max3A_125, %dot_general3A_126 {dimension_numbers = #tpu.dot_dimension_numbers<[1], [0], [0], [1], [0, 0, 1, 1], [], []>, transpose_lhs_hint = false} : vector<64x32xf32>, vector<32x4096xf32>, vector<64x4096xf32> -> vector<64x4096xf32>
    %add3A_128 = vector.broadcast %get3A_10 : vector<64x1xf32> to vector<64x4096xf32>
    %add3A_129 = arith.addf %dot_general3A_127, %add3A_128 : vector<64x4096xf32>
    %max3A_130 = arith.constant 0.000000e+00 : f32
    %max3A_131 = vector.broadcast %max3A_130 : f32 to vector<64x4096xf32>
    %max3A_132 = arith.maximumf %add3A_129, %max3A_131 : vector<64x4096xf32>
    %get3A_133 = arith.constant 0 : index
    %get3A_134 = arith.constant 0 : index
    %get3A_135 = arith.constant 0 : index
    %get3A_136 = vector.load %arg6[%get3A_133, %get3A_134, %get3A_135] : memref<1x64x4096xf32, #tpu.memory_space<vmem>>, vector<1x64x4096xf32>
    %get3A_137 = vector.shape_cast %get3A_136 : vector<1x64x4096xf32> to vector<64x4096xf32>
    %max3A_138 = arith.maximumf %get3A_137, %max3A_132 : vector<64x4096xf32>
    %swap3A_139 = arith.constant 0 : index
    %swap3A_140 = arith.constant 0 : index
    %swap3A_141 = arith.constant 0 : index
    %swap3A_142 = vector.load %arg6[%swap3A_139, %swap3A_140, %swap3A_141] : memref<1x64x4096xf32, #tpu.memory_space<vmem>>, vector<1x64x4096xf32>
    %swap3A_143 = vector.shape_cast %swap3A_142 : vector<1x64x4096xf32> to vector<64x4096xf32>
    %swap3A_144 = vector.shape_cast %max3A_138 : vector<64x4096xf32> to vector<1x64x4096xf32>
    tpu.vector_store %arg6[%swap3A_139, %swap3A_140, %swap3A_141], %swap3A_144 {strides = array<i32>} : memref<1x64x4096xf32, #tpu.memory_space<vmem>>, vector<1x64x4096xf32>,
    %slice3A_145 = vector.extract_strided_slice %get3A_16 {offsets = [0, 5, 0], sizes = [14, 1, 4096], strides = [1, 1, 1]} : vector<14x32x4096xf32> to vector<14x1x4096xf32>
    %squeeze3A_146 = vector.shape_cast %slice3A_145 : vector<14x1x4096xf32> to vector<14x4096xf32>
    %dot_general3A_147 = arith.constant dense<0.000000e+00> : vector<32x4096xf32>
    %dot_general3A_148 = tpu.matmul %get3A_1, %squeeze3A_146, %dot_general3A_147 {dimension_numbers = #tpu.dot_dimension_numbers<[1], [0], [0], [1], [0, 0, 1, 1], [], []>, transpose_lhs_hint = false} : vector<32x14xf32>, vector<14x4096xf32>, vector<32x4096xf32> -> vector<32x4096xf32>
    %add3A_149 = vector.broadcast %get3A_7 : vector<32x1xf32> to vector<32x4096xf32>
    %add3A_150 = arith.addf %dot_general3A_148, %add3A_149 : vector<32x4096xf32>
    %max3A_151 = arith.constant 0.000000e+00 : f32
    %max3A_152 = vector.broadcast %max3A_151 : f32 to vector<32x4096xf32>
    %max3A_153 = arith.maximumf %add3A_150, %max3A_152 : vector<32x4096xf32>
    %dot_general3A_154 = arith.constant dense<0.000000e+00> : vector<64x4096xf32>
    %dot_general3A_155 = tpu.matmul %get3A_4, %max3A_153, %dot_general3A_154 {dimension_numbers = #tpu.dot_dimension_numbers<[1], [0], [0], [1], [0, 0, 1, 1], [], []>, transpose_lhs_hint = false} : vector<64x32xf32>, vector<32x4096xf32>, vector<64x4096xf32> -> vector<64x4096xf32>
    %add3A_156 = vector.broadcast %get3A_10 : vector<64x1xf32> to vector<64x4096xf32>
    %add3A_157 = arith.addf %dot_general3A_155, %add3A_156 : vector<64x4096xf32>
    %max3A_158 = arith.constant 0.000000e+00 : f32
    %max3A_159 = vector.broadcast %max3A_158 : f32 to vector<64x4096xf32>
    %max3A_160 = arith.maximumf %add3A_157, %max3A_159 : vector<64x4096xf32>
    %get3A_161 = arith.constant 0 : index
    %get3A_162 = arith.constant 0 : index
    %get3A_163 = arith.constant 0 : index
    %get3A_164 = vector.load %arg6[%get3A_161, %get3A_162, %get3A_163] : memref<1x64x4096xf32, #tpu.memory_space<vmem>>, vector<1x64x4096xf32>
    %get3A_165 = vector.shape_cast %get3A_164 : vector<1x64x4096xf32> to vector<64x4096xf32>
    %max3A_166 = arith.maximumf %get3A_165, %max3A_160 : vector<64x4096xf32>
    %swap3A_167 = arith.constant 0 : index
    %swap3A_168 = arith.constant 0 : index
    %swap3A_169 = arith.constant 0 : index
    %swap3A_170 = vector.load %arg6[%swap3A_167, %swap3A_168, %swap3A_169] : memref<1x64x4096xf32, #tpu.memory_space<vmem>>, vector<1x64x4096xf32>
    %swap3A_171 = vector.shape_cast %swap3A_170 : vector<1x64x4096xf32> to vector<64x4096xf32>
    %swap3A_172 = vector.shape_cast %max3A_166 : vector<64x4096xf32> to vector<1x64x4096xf32>
    tpu.vector_store %arg6[%swap3A_167, %swap3A_168, %swap3A_169], %swap3A_172 {strides = array<i32>} : memref<1x64x4096xf32, #tpu.memory_space<vmem>>, vector<1x64x4096xf32>,
    %slice3A_173 = vector.extract_strided_slice %get3A_16 {offsets = [0, 6, 0], sizes = [14, 1, 4096], strides = [1, 1, 1]} : vector<14x32x4096xf32> to vector<14x1x4096xf32>
    %squeeze3A_174 = vector.shape_cast %slice3A_173 : vector<14x1x4096xf32> to vector<14x4096xf32>
    %dot_general3A_175 = arith.constant dense<0.000000e+00> : vector<32x4096xf32>
    %dot_general3A_176 = tpu.matmul %get3A_1, %squeeze3A_174, %dot_general3A_175 {dimension_numbers = #tpu.dot_dimension_numbers<[1], [0], [0], [1], [0, 0, 1, 1], [], []>, transpose_lhs_hint = false} : vector<32x14xf32>, vector<14x4096xf32>, vector<32x4096xf32> -> vector<32x4096xf32>
    %add3A_177 = vector.broadcast %get3A_7 : vector<32x1xf32> to vector<32x4096xf32>
    %add3A_178 = arith.addf %dot_general3A_176, %add3A_177 : vector<32x4096xf32>
    %max3A_179 = arith.constant 0.000000e+00 : f32
    %max3A_180 = vector.broadcast %max3A_179 : f32 to vector<32x4096xf32>
    %max3A_181 = arith.maximumf %add3A_178, %max3A_180 : vector<32x4096xf32>
    %dot_general3A_182 = arith.constant dense<0.000000e+00> : vector<64x4096xf32>
    %dot_general3A_183 = tpu.matmul %get3A_4, %max3A_181, %dot_general3A_182 {dimension_numbers = #tpu.dot_dimension_numbers<[1], [0], [0], [1], [0, 0, 1, 1], [], []>, transpose_lhs_hint = false} : vector<64x32xf32>, vector<32x4096xf32>, vector<64x4096xf32> -> vector<64x4096xf32>
    %add3A_184 = vector.broadcast %get3A_10 : vector<64x1xf32> to vector<64x4096xf32>
    %add3A_185 = arith.addf %dot_general3A_183, %add3A_184 : vector<64x4096xf32>
    %max3A_186 = arith.constant 0.000000e+00 : f32
    %max3A_187 = vector.broadcast %max3A_186 : f32 to vector<64x4096xf32>
    %max3A_188 = arith.maximumf %add3A_185, %max3A_187 : vector<64x4096xf32>
    %get3A_189 = arith.constant 0 : index
    %get3A_190 = arith.constant 0 : index
    %get3A_191 = arith.constant 0 : index
    %get3A_192 = vector.load %arg6[%get3A_189, %get3A_190, %get3A_191] : memref<1x64x4096xf32, #tpu.memory_space<vmem>>, vector<1x64x4096xf32>
    %get3A_193 = vector.shape_cast %get3A_192 : vector<1x64x4096xf32> to vector<64x4096xf32>
    %max3A_194 = arith.maximumf %get3A_193, %max3A_188 : vector<64x4096xf32>
    %swap3A_195 = arith.constant 0 : index
    %swap3A_196 = arith.constant 0 : index
    %swap3A_197 = arith.constant 0 : index
    %swap3A_198 = vector.load %arg6[%swap3A_195, %swap3A_196, %swap3A_197] : memref<1x64x4096xf32, #tpu.memory_space<vmem>>, vector<1x64x4096xf32>
    %swap3A_199 = vector.shape_cast %swap3A_198 : vector<1x64x4096xf32> to vector<64x4096xf32>
    %swap3A_200 = vector.shape_cast %max3A_194 : vector<64x4096xf32> to vector<1x64x4096xf32>
    tpu.vector_store %arg6[%swap3A_195, %swap3A_196, %swap3A_197], %swap3A_200 {strides = array<i32>} : memref<1x64x4096xf32, #tpu.memory_space<vmem>>, vector<1x64x4096xf32>,
    %slice3A_201 = vector.extract_strided_slice %get3A_16 {offsets = [0, 7, 0], sizes = [14, 1, 4096], strides = [1, 1, 1]} : vector<14x32x4096xf32> to vector<14x1x4096xf32>
    %squeeze3A_202 = vector.shape_cast %slice3A_201 : vector<14x1x4096xf32> to vector<14x4096xf32>
    %dot_general3A_203 = arith.constant dense<0.000000e+00> : vector<32x4096xf32>
    %dot_general3A_204 = tpu.matmul %get3A_1, %squeeze3A_202, %dot_general3A_203 {dimension_numbers = #tpu.dot_dimension_numbers<[1], [0], [0], [1], [0, 0, 1, 1], [], []>, transpose_lhs_hint = false} : vector<32x14xf32>, vector<14x4096xf32>, vector<32x4096xf32> -> vector<32x4096xf32>
    %add3A_205 = vector.broadcast %get3A_7 : vector<32x1xf32> to vector<32x4096xf32>
    %add3A_206 = arith.addf %dot_general3A_204, %add3A_205 : vector<32x4096xf32>
    %max3A_207 = arith.constant 0.000000e+00 : f32
    %max3A_208 = vector.broadcast %max3A_207 : f32 to vector<32x4096xf32>
    %max3A_209 = arith.maximumf %add3A_206, %max3A_208 : vector<32x4096xf32>
    %dot_general3A_210 = arith.constant dense<0.000000e+00> : vector<64x4096xf32>
    %dot_general3A_211 = tpu.matmul %get3A_4, %max3A_209, %dot_general3A_210 {dimension_numbers = #tpu.dot_dimension_numbers<[1], [0], [0], [1], [0, 0, 1, 1], [], []>, transpose_lhs_hint = false} : vector<64x32xf32>, vector<32x4096xf32>, vector<64x4096xf32> -> vector<64x4096xf32>
    %add3A_212 = vector.broadcast %get3A_10 : vector<64x1xf32> to vector<64x4096xf32>
    %add3A_213 = arith.addf %dot_general3A_211, %add3A_212 : vector<64x4096xf32>
    %max3A_214 = arith.constant 0.000000e+00 : f32
    %max3A_215 = vector.broadcast %max3A_214 : f32 to vector<64x4096xf32>
    %max3A_216 = arith.maximumf %add3A_213, %max3A_215 : vector<64x4096xf32>
    %get3A_217 = arith.constant 0 : index
    %get3A_218 = arith.constant 0 : index
    %get3A_219 = arith.constant 0 : index
    %get3A_220 = vector.load %arg6[%get3A_217, %get3A_218, %get3A_219] : memref<1x64x4096xf32, #tpu.memory_space<vmem>>, vector<1x64x4096xf32>
    %get3A_221 = vector.shape_cast %get3A_220 : vector<1x64x4096xf32> to vector<64x4096xf32>
    %max3A_222 = arith.maximumf %get3A_221, %max3A_216 : vector<64x4096xf32>
    %swap3A_223 = arith.constant 0 : index
    %swap3A_224 = arith.constant 0 : index
    %swap3A_225 = arith.constant 0 : index
    %swap3A_226 = vector.load %arg6[%swap3A_223, %swap3A_224, %swap3A_225] : memref<1x64x4096xf32, #tpu.memory_space<vmem>>, vector<1x64x4096xf32>
    %swap3A_227 = vector.shape_cast %swap3A_226 : vector<1x64x4096xf32> to vector<64x4096xf32>
    %swap3A_228 = vector.shape_cast %max3A_222 : vector<64x4096xf32> to vector<1x64x4096xf32>
    tpu.vector_store %arg6[%swap3A_223, %swap3A_224, %swap3A_225], %swap3A_228 {strides = array<i32>} : memref<1x64x4096xf32, #tpu.memory_space<vmem>>, vector<1x64x4096xf32>,
    %slice3A_229 = vector.extract_strided_slice %get3A_16 {offsets = [0, 8, 0], sizes = [14, 1, 4096], strides = [1, 1, 1]} : vector<14x32x4096xf32> to vector<14x1x4096xf32>
    %squeeze3A_230 = vector.shape_cast %slice3A_229 : vector<14x1x4096xf32> to vector<14x4096xf32>
    %dot_general3A_231 = arith.constant dense<0.000000e+00> : vector<32x4096xf32>
    %dot_general3A_232 = tpu.matmul %get3A_1, %squeeze3A_230, %dot_general3A_231 {dimension_numbers = #tpu.dot_dimension_numbers<[1], [0], [0], [1], [0, 0, 1, 1], [], []>, transpose_lhs_hint = false} : vector<32x14xf32>, vector<14x4096xf32>, vector<32x4096xf32> -> vector<32x4096xf32>
    %add3A_233 = vector.broadcast %get3A_7 : vector<32x1xf32> to vector<32x4096xf32>
    %add3A_234 = arith.addf %dot_general3A_232, %add3A_233 : vector<32x4096xf32>
    %max3A_235 = arith.constant 0.000000e+00 : f32
    %max3A_236 = vector.broadcast %max3A_235 : f32 to vector<32x4096xf32>
    %max3A_237 = arith.maximumf %add3A_234, %max3A_236 : vector<32x4096xf32>
    %dot_general3A_238 = arith.constant dense<0.000000e+00> : vector<64x4096xf32>
    %dot_general3A_239 = tpu.matmul %get3A_4, %max3A_237, %dot_general3A_238 {dimension_numbers = #tpu.dot_dimension_numbers<[1], [0], [0], [1], [0, 0, 1, 1], [], []>, transpose_lhs_hint = false} : vector<64x32xf32>, vector<32x4096xf32>, vector<64x4096xf32> -> vector<64x4096xf32>
    %add3A_240 = vector.broadcast %get3A_10 : vector<64x1xf32> to vector<64x4096xf32>
    %add3A_241 = arith.addf %dot_general3A_239, %add3A_240 : vector<64x4096xf32>
    %max3A_242 = arith.constant 0.000000e+00 : f32
    %max3A_243 = vector.broadcast %max3A_242 : f32 to vector<64x4096xf32>
    %max3A_244 = arith.maximumf %add3A_241, %max3A_243 : vector<64x4096xf32>
    %get3A_245 = arith.constant 0 : index
    %get3A_246 = arith.constant 0 : index
    %get3A_247 = arith.constant 0 : index
    %get3A_248 = vector.load %arg6[%get3A_245, %get3A_246, %get3A_247] : memref<1x64x4096xf32, #tpu.memory_space<vmem>>, vector<1x64x4096xf32>
    %get3A_249 = vector.shape_cast %get3A_248 : vector<1x64x4096xf32> to vector<64x4096xf32>
    %max3A_250 = arith.maximumf %get3A_249, %max3A_244 : vector<64x4096xf32>
    %swap3A_251 = arith.constant 0 : index
    %swap3A_252 = arith.constant 0 : index
    %swap3A_253 = arith.constant 0 : index
    %swap3A_254 = vector.load %arg6[%swap3A_251, %swap3A_252, %swap3A_253] : memref<1x64x4096xf32, #tpu.memory_space<vmem>>, vector<1x64x4096xf32>
    %swap3A_255 = vector.shape_cast %swap3A_254 : vector<1x64x4096xf32> to vector<64x4096xf32>
    %swap3A_256 = vector.shape_cast %max3A_250 : vector<64x4096xf32> to vector<1x64x4096xf32>
    tpu.vector_store %arg6[%swap3A_251, %swap3A_252, %swap3A_253], %swap3A_256 {strides = array<i32>} : memref<1x64x4096xf32, #tpu.memory_space<vmem>>, vector<1x64x4096xf32>,
    %slice3A_257 = vector.extract_strided_slice %get3A_16 {offsets = [0, 9, 0], sizes = [14, 1, 4096], strides = [1, 1, 1]} : vector<14x32x4096xf32> to vector<14x1x4096xf32>
    %squeeze3A_258 = vector.shape_cast %slice3A_257 : vector<14x1x4096xf32> to vector<14x4096xf32>
    %dot_general3A_259 = arith.constant dense<0.000000e+00> : vector<32x4096xf32>
    %dot_general3A_260 = tpu.matmul %get3A_1, %squeeze3A_258, %dot_general3A_259 {dimension_numbers = #tpu.dot_dimension_numbers<[1], [0], [0], [1], [0, 0, 1, 1], [], []>, transpose_lhs_hint = false} : vector<32x14xf32>, vector<14x4096xf32>, vector<32x4096xf32> -> vector<32x4096xf32>
    %add3A_261 = vector.broadcast %get3A_7 : vector<32x1xf32> to vector<32x4096xf32>
    %add3A_262 = arith.addf %dot_general3A_260, %add3A_261 : vector<32x4096xf32>
    %max3A_263 = arith.constant 0.000000e+00 : f32
    %max3A_264 = vector.broadcast %max3A_263 : f32 to vector<32x4096xf32>
    %max3A_265 = arith.maximumf %add3A_262, %max3A_264 : vector<32x4096xf32>
    %dot_general3A_266 = arith.constant dense<0.000000e+00> : vector<64x4096xf32>
    %dot_general3A_267 = tpu.matmul %get3A_4, %max3A_265, %dot_general3A_266 {dimension_numbers = #tpu.dot_dimension_numbers<[1], [0], [0], [1], [0, 0, 1, 1], [], []>, transpose_lhs_hint = false} : vector<64x32xf32>, vector<32x4096xf32>, vector<64x4096xf32> -> vector<64x4096xf32>
    %add3A_268 = vector.broadcast %get3A_10 : vector<64x1xf32> to vector<64x4096xf32>
    %add3A_269 = arith.addf %dot_general3A_267, %add3A_268 : vector<64x4096xf32>
    %max3A_270 = arith.constant 0.000000e+00 : f32
    %max3A_271 = vector.broadcast %max3A_270 : f32 to vector<64x4096xf32>
    %max3A_272 = arith.maximumf %add3A_269, %max3A_271 : vector<64x4096xf32>
    %get3A_273 = arith.constant 0 : index
    %get3A_274 = arith.constant 0 : index
    %get3A_275 = arith.constant 0 : index
    %get3A_276 = vector.load %arg6[%get3A_273, %get3A_274, %get3A_275] : memref<1x64x4096xf32, #tpu.memory_space<vmem>>, vector<1x64x4096xf32>
    %get3A_277 = vector.shape_cast %get3A_276 : vector<1x64x4096xf32> to vector<64x4096xf32>
    %max3A_278 = arith.maximumf %get3A_277, %max3A_272 : vector<64x4096xf32>
    %swap3A_279 = arith.constant 0 : index
    %swap3A_280 = arith.constant 0 : index
    %swap3A_281 = arith.constant 0 : index
    %swap3A_282 = vector.load %arg6[%swap3A_279, %swap3A_280, %swap3A_281] : memref<1x64x4096xf32, #tpu.memory_space<vmem>>, vector<1x64x4096xf32>
    %swap3A_283 = vector.shape_cast %swap3A_282 : vector<1x64x4096xf32> to vector<64x4096xf32>
    %swap3A_284 = vector.shape_cast %max3A_278 : vector<64x4096xf32> to vector<1x64x4096xf32>
    tpu.vector_store %arg6[%swap3A_279, %swap3A_280, %swap3A_281], %swap3A_284 {strides = array<i32>} : memref<1x64x4096xf32, #tpu.memory_space<vmem>>, vector<1x64x4096xf32>,
    %slice3A_285 = vector.extract_strided_slice %get3A_16 {offsets = [0, 10, 0], sizes = [14, 1, 4096], strides = [1, 1, 1]} : vector<14x32x4096xf32> to vector<14x1x4096xf32>
    %squeeze3A_286 = vector.shape_cast %slice3A_285 : vector<14x1x4096xf32> to vector<14x4096xf32>
    %dot_general3A_287 = arith.constant dense<0.000000e+00> : vector<32x4096xf32>
    %dot_general3A_288 = tpu.matmul %get3A_1, %squeeze3A_286, %dot_general3A_287 {dimension_numbers = #tpu.dot_dimension_numbers<[1], [0], [0], [1], [0, 0, 1, 1], [], []>, transpose_lhs_hint = false} : vector<32x14xf32>, vector<14x4096xf32>, vector<32x4096xf32> -> vector<32x4096xf32>
    %add3A_289 = vector.broadcast %get3A_7 : vector<32x1xf32> to vector<32x4096xf32>
    %add3A_290 = arith.addf %dot_general3A_288, %add3A_289 : vector<32x4096xf32>
    %max3A_291 = arith.constant 0.000000e+00 : f32
    %max3A_292 = vector.broadcast %max3A_291 : f32 to vector<32x4096xf32>
    %max3A_293 = arith.maximumf %add3A_290, %max3A_292 : vector<32x4096xf32>
    %dot_general3A_294 = arith.constant dense<0.000000e+00> : vector<64x4096xf32>
    %dot_general3A_295 = tpu.matmul %get3A_4, %max3A_293, %dot_general3A_294 {dimension_numbers = #tpu.dot_dimension_numbers<[1], [0], [0], [1], [0, 0, 1, 1], [], []>, transpose_lhs_hint = false} : vector<64x32xf32>, vector<32x4096xf32>, vector<64x4096xf32> -> vector<64x4096xf32>
    %add3A_296 = vector.broadcast %get3A_10 : vector<64x1xf32> to vector<64x4096xf32>
    %add3A_297 = arith.addf %dot_general3A_295, %add3A_296 : vector<64x4096xf32>
    %max3A_298 = arith.constant 0.000000e+00 : f32
    %max3A_299 = vector.broadcast %max3A_298 : f32 to vector<64x4096xf32>
    %max3A_300 = arith.maximumf %add3A_297, %max3A_299 : vector<64x4096xf32>
    %get3A_301 = arith.constant 0 : index
    %get3A_302 = arith.constant 0 : index
    %get3A_303 = arith.constant 0 : index
    %get3A_304 = vector.load %arg6[%get3A_301, %get3A_302, %get3A_303] : memref<1x64x4096xf32, #tpu.memory_space<vmem>>, vector<1x64x4096xf32>
    %get3A_305 = vector.shape_cast %get3A_304 : vector<1x64x4096xf32> to vector<64x4096xf32>
    %max3A_306 = arith.maximumf %get3A_305, %max3A_300 : vector<64x4096xf32>
    %swap3A_307 = arith.constant 0 : index
    %swap3A_308 = arith.constant 0 : index
    %swap3A_309 = arith.constant 0 : index
    %swap3A_310 = vector.load %arg6[%swap3A_307, %swap3A_308, %swap3A_309] : memref<1x64x4096xf32, #tpu.memory_space<vmem>>, vector<1x64x4096xf32>
    %swap3A_311 = vector.shape_cast %swap3A_310 : vector<1x64x4096xf32> to vector<64x4096xf32>
    %swap3A_312 = vector.shape_cast %max3A_306 : vector<64x4096xf32> to vector<1x64x4096xf32>
    tpu.vector_store %arg6[%swap3A_307, %swap3A_308, %swap3A_309], %swap3A_312 {strides = array<i32>} : memref<1x64x4096xf32, #tpu.memory_space<vmem>>, vector<1x64x4096xf32>,
    %slice3A_313 = vector.extract_strided_slice %get3A_16 {offsets = [0, 11, 0], sizes = [14, 1, 4096], strides = [1, 1, 1]} : vector<14x32x4096xf32> to vector<14x1x4096xf32>
    %squeeze3A_314 = vector.shape_cast %slice3A_313 : vector<14x1x4096xf32> to vector<14x4096xf32>
    %dot_general3A_315 = arith.constant dense<0.000000e+00> : vector<32x4096xf32>
    %dot_general3A_316 = tpu.matmul %get3A_1, %squeeze3A_314, %dot_general3A_315 {dimension_numbers = #tpu.dot_dimension_numbers<[1], [0], [0], [1], [0, 0, 1, 1], [], []>, transpose_lhs_hint = false} : vector<32x14xf32>, vector<14x4096xf32>, vector<32x4096xf32> -> vector<32x4096xf32>
    %add3A_317 = vector.broadcast %get3A_7 : vector<32x1xf32> to vector<32x4096xf32>
    %add3A_318 = arith.addf %dot_general3A_316, %add3A_317 : vector<32x4096xf32>
    %max3A_319 = arith.constant 0.000000e+00 : f32
    %max3A_320 = vector.broadcast %max3A_319 : f32 to vector<32x4096xf32>
    %max3A_321 = arith.maximumf %add3A_318, %max3A_320 : vector<32x4096xf32>
    %dot_general3A_322 = arith.constant dense<0.000000e+00> : vector<64x4096xf32>
    %dot_general3A_323 = tpu.matmul %get3A_4, %max3A_321, %dot_general3A_322 {dimension_numbers = #tpu.dot_dimension_numbers<[1], [0], [0], [1], [0, 0, 1, 1], [], []>, transpose_lhs_hint = false} : vector<64x32xf32>, vector<32x4096xf32>, vector<64x4096xf32> -> vector<64x4096xf32>
    %add3A_324 = vector.broadcast %get3A_10 : vector<64x1xf32> to vector<64x4096xf32>
    %add3A_325 = arith.addf %dot_general3A_323, %add3A_324 : vector<64x4096xf32>
    %max3A_326 = arith.constant 0.000000e+00 : f32
    %max3A_327 = vector.broadcast %max3A_326 : f32 to vector<64x4096xf32>
    %max3A_328 = arith.maximumf %add3A_325, %max3A_327 : vector<64x4096xf32>
    %get3A_329 = arith.constant 0 : index
    %get3A_330 = arith.constant 0 : index
    %get3A_331 = arith.constant 0 : index
    %get3A_332 = vector.load %arg6[%get3A_329, %get3A_330, %get3A_331] : memref<1x64x4096xf32, #tpu.memory_space<vmem>>, vector<1x64x4096xf32>
    %get3A_333 = vector.shape_cast %get3A_332 : vector<1x64x4096xf32> to vector<64x4096xf32>
    %max3A_334 = arith.maximumf %get3A_333, %max3A_328 : vector<64x4096xf32>
    %swap3A_335 = arith.constant 0 : index
    %swap3A_336 = arith.constant 0 : index
    %swap3A_337 = arith.constant 0 : index
    %swap3A_338 = vector.load %arg6[%swap3A_335, %swap3A_336, %swap3A_337] : memref<1x64x4096xf32, #tpu.memory_space<vmem>>, vector<1x64x4096xf32>
    %swap3A_339 = vector.shape_cast %swap3A_338 : vector<1x64x4096xf32> to vector<64x4096xf32>
    %swap3A_340 = vector.shape_cast %max3A_334 : vector<64x4096xf32> to vector<1x64x4096xf32>
    tpu.vector_store %arg6[%swap3A_335, %swap3A_336, %swap3A_337], %swap3A_340 {strides = array<i32>} : memref<1x64x4096xf32, #tpu.memory_space<vmem>>, vector<1x64x4096xf32>,
    %slice3A_341 = vector.extract_strided_slice %get3A_16 {offsets = [0, 12, 0], sizes = [14, 1, 4096], strides = [1, 1, 1]} : vector<14x32x4096xf32> to vector<14x1x4096xf32>
    %squeeze3A_342 = vector.shape_cast %slice3A_341 : vector<14x1x4096xf32> to vector<14x4096xf32>
    %dot_general3A_343 = arith.constant dense<0.000000e+00> : vector<32x4096xf32>
    %dot_general3A_344 = tpu.matmul %get3A_1, %squeeze3A_342, %dot_general3A_343 {dimension_numbers = #tpu.dot_dimension_numbers<[1], [0], [0], [1], [0, 0, 1, 1], [], []>, transpose_lhs_hint = false} : vector<32x14xf32>, vector<14x4096xf32>, vector<32x4096xf32> -> vector<32x4096xf32>
    %add3A_345 = vector.broadcast %get3A_7 : vector<32x1xf32> to vector<32x4096xf32>
    %add3A_346 = arith.addf %dot_general3A_344, %add3A_345 : vector<32x4096xf32>
    %max3A_347 = arith.constant 0.000000e+00 : f32
    %max3A_348 = vector.broadcast %max3A_347 : f32 to vector<32x4096xf32>
    %max3A_349 = arith.maximumf %add3A_346, %max3A_348 : vector<32x4096xf32>
    %dot_general3A_350 = arith.constant dense<0.000000e+00> : vector<64x4096xf32>
    %dot_general3A_351 = tpu.matmul %get3A_4, %max3A_349, %dot_general3A_350 {dimension_numbers = #tpu.dot_dimension_numbers<[1], [0], [0], [1], [0, 0, 1, 1], [], []>, transpose_lhs_hint = false} : vector<64x32xf32>, vector<32x4096xf32>, vector<64x4096xf32> -> vector<64x4096xf32>
    %add3A_352 = vector.broadcast %get3A_10 : vector<64x1xf32> to vector<64x4096xf32>
    %add3A_353 = arith.addf %dot_general3A_351, %add3A_352 : vector<64x4096xf32>
    %max3A_354 = arith.constant 0.000000e+00 : f32
    %max3A_355 = vector.broadcast %max3A_354 : f32 to vector<64x4096xf32>
    %max3A_356 = arith.maximumf %add3A_353, %max3A_355 : vector<64x4096xf32>
    %get3A_357 = arith.constant 0 : index
    %get3A_358 = arith.constant 0 : index
    %get3A_359 = arith.constant 0 : index
    %get3A_360 = vector.load %arg6[%get3A_357, %get3A_358, %get3A_359] : memref<1x64x4096xf32, #tpu.memory_space<vmem>>, vector<1x64x4096xf32>
    %get3A_361 = vector.shape_cast %get3A_360 : vector<1x64x4096xf32> to vector<64x4096xf32>
    %max3A_362 = arith.maximumf %get3A_361, %max3A_356 : vector<64x4096xf32>
    %swap3A_363 = arith.constant 0 : index
    %swap3A_364 = arith.constant 0 : index
    %swap3A_365 = arith.constant 0 : index
    %swap3A_366 = vector.load %arg6[%swap3A_363, %swap3A_364, %swap3A_365] : memref<1x64x4096xf32, #tpu.memory_space<vmem>>, vector<1x64x4096xf32>
    %swap3A_367 = vector.shape_cast %swap3A_366 : vector<1x64x4096xf32> to vector<64x4096xf32>
    %swap3A_368 = vector.shape_cast %max3A_362 : vector<64x4096xf32> to vector<1x64x4096xf32>
    tpu.vector_store %arg6[%swap3A_363, %swap3A_364, %swap3A_365], %swap3A_368 {strides = array<i32>} : memref<1x64x4096xf32, #tpu.memory_space<vmem>>, vector<1x64x4096xf32>,
    %slice3A_369 = vector.extract_strided_slice %get3A_16 {offsets = [0, 13, 0], sizes = [14, 1, 4096], strides = [1, 1, 1]} : vector<14x32x4096xf32> to vector<14x1x4096xf32>
    %squeeze3A_370 = vector.shape_cast %slice3A_369 : vector<14x1x4096xf32> to vector<14x4096xf32>
    %dot_general3A_371 = arith.constant dense<0.000000e+00> : vector<32x4096xf32>
    %dot_general3A_372 = tpu.matmul %get3A_1, %squeeze3A_370, %dot_general3A_371 {dimension_numbers = #tpu.dot_dimension_numbers<[1], [0], [0], [1], [0, 0, 1, 1], [], []>, transpose_lhs_hint = false} : vector<32x14xf32>, vector<14x4096xf32>, vector<32x4096xf32> -> vector<32x4096xf32>
    %add3A_373 = vector.broadcast %get3A_7 : vector<32x1xf32> to vector<32x4096xf32>
    %add3A_374 = arith.addf %dot_general3A_372, %add3A_373 : vector<32x4096xf32>
    %max3A_375 = arith.constant 0.000000e+00 : f32
    %max3A_376 = vector.broadcast %max3A_375 : f32 to vector<32x4096xf32>
    %max3A_377 = arith.maximumf %add3A_374, %max3A_376 : vector<32x4096xf32>
    %dot_general3A_378 = arith.constant dense<0.000000e+00> : vector<64x4096xf32>
    %dot_general3A_379 = tpu.matmul %get3A_4, %max3A_377, %dot_general3A_378 {dimension_numbers = #tpu.dot_dimension_numbers<[1], [0], [0], [1], [0, 0, 1, 1], [], []>, transpose_lhs_hint = false} : vector<64x32xf32>, vector<32x4096xf32>, vector<64x4096xf32> -> vector<64x4096xf32>
    %add3A_380 = vector.broadcast %get3A_10 : vector<64x1xf32> to vector<64x4096xf32>
    %add3A_381 = arith.addf %dot_general3A_379, %add3A_380 : vector<64x4096xf32>
    %max3A_382 = arith.constant 0.000000e+00 : f32
    %max3A_383 = vector.broadcast %max3A_382 : f32 to vector<64x4096xf32>
    %max3A_384 = arith.maximumf %add3A_381, %max3A_383 : vector<64x4096xf32>
    %get3A_385 = arith.constant 0 : index
    %get3A_386 = arith.constant 0 : index
    %get3A_387 = arith.constant 0 : index
    %get3A_388 = vector.load %arg6[%get3A_385, %get3A_386, %get3A_387] : memref<1x64x4096xf32, #tpu.memory_space<vmem>>, vector<1x64x4096xf32>
    %get3A_389 = vector.shape_cast %get3A_388 : vector<1x64x4096xf32> to vector<64x4096xf32>
    %max3A_390 = arith.maximumf %get3A_389, %max3A_384 : vector<64x4096xf32>
    %swap3A_391 = arith.constant 0 : index
    %swap3A_392 = arith.constant 0 : index
    %swap3A_393 = arith.constant 0 : index
    %swap3A_394 = vector.load %arg6[%swap3A_391, %swap3A_392, %swap3A_393] : memref<1x64x4096xf32, #tpu.memory_space<vmem>>, vector<1x64x4096xf32>
    %swap3A_395 = vector.shape_cast %swap3A_394 : vector<1x64x4096xf32> to vector<64x4096xf32>
    %swap3A_396 = vector.shape_cast %max3A_390 : vector<64x4096xf32> to vector<1x64x4096xf32>
    tpu.vector_store %arg6[%swap3A_391, %swap3A_392, %swap3A_393], %swap3A_396 {strides = array<i32>} : memref<1x64x4096xf32, #tpu.memory_space<vmem>>, vector<1x64x4096xf32>,
    %slice3A_397 = vector.extract_strided_slice %get3A_16 {offsets = [0, 14, 0], sizes = [14, 1, 4096], strides = [1, 1, 1]} : vector<14x32x4096xf32> to vector<14x1x4096xf32>
    %squeeze3A_398 = vector.shape_cast %slice3A_397 : vector<14x1x4096xf32> to vector<14x4096xf32>
    %dot_general3A_399 = arith.constant dense<0.000000e+00> : vector<32x4096xf32>
    %dot_general3A_400 = tpu.matmul %get3A_1, %squeeze3A_398, %dot_general3A_399 {dimension_numbers = #tpu.dot_dimension_numbers<[1], [0], [0], [1], [0, 0, 1, 1], [], []>, transpose_lhs_hint = false} : vector<32x14xf32>, vector<14x4096xf32>, vector<32x4096xf32> -> vector<32x4096xf32>
    %add3A_401 = vector.broadcast %get3A_7 : vector<32x1xf32> to vector<32x4096xf32>
    %add3A_402 = arith.addf %dot_general3A_400, %add3A_401 : vector<32x4096xf32>
    %max3A_403 = arith.constant 0.000000e+00 : f32
    %max3A_404 = vector.broadcast %max3A_403 : f32 to vector<32x4096xf32>
    %max3A_405 = arith.maximumf %add3A_402, %max3A_404 : vector<32x4096xf32>
    %dot_general3A_406 = arith.constant dense<0.000000e+00> : vector<64x4096xf32>
    %dot_general3A_407 = tpu.matmul %get3A_4, %max3A_405, %dot_general3A_406 {dimension_numbers = #tpu.dot_dimension_numbers<[1], [0], [0], [1], [0, 0, 1, 1], [], []>, transpose_lhs_hint = false} : vector<64x32xf32>, vector<32x4096xf32>, vector<64x4096xf32> -> vector<64x4096xf32>
    %add3A_408 = vector.broadcast %get3A_10 : vector<64x1xf32> to vector<64x4096xf32>
    %add3A_409 = arith.addf %dot_general3A_407, %add3A_408 : vector<64x4096xf32>
    %max3A_410 = arith.constant 0.000000e+00 : f32
    %max3A_411 = vector.broadcast %max3A_410 : f32 to vector<64x4096xf32>
    %max3A_412 = arith.maximumf %add3A_409, %max3A_411 : vector<64x4096xf32>
    %get3A_413 = arith.constant 0 : index
    %get3A_414 = arith.constant 0 : index
    %get3A_415 = arith.constant 0 : index
    %get3A_416 = vector.load %arg6[%get3A_413, %get3A_414, %get3A_415] : memref<1x64x4096xf32, #tpu.memory_space<vmem>>, vector<1x64x4096xf32>
    %get3A_417 = vector.shape_cast %get3A_416 : vector<1x64x4096xf32> to vector<64x4096xf32>
    %max3A_418 = arith.maximumf %get3A_417, %max3A_412 : vector<64x4096xf32>
    %swap3A_419 = arith.constant 0 : index
    %swap3A_420 = arith.constant 0 : index
    %swap3A_421 = arith.constant 0 : index
    %swap3A_422 = vector.load %arg6[%swap3A_419, %swap3A_420, %swap3A_421] : memref<1x64x4096xf32, #tpu.memory_space<vmem>>, vector<1x64x4096xf32>
    %swap3A_423 = vector.shape_cast %swap3A_422 : vector<1x64x4096xf32> to vector<64x4096xf32>
    %swap3A_424 = vector.shape_cast %max3A_418 : vector<64x4096xf32> to vector<1x64x4096xf32>
    tpu.vector_store %arg6[%swap3A_419, %swap3A_420, %swap3A_421], %swap3A_424 {strides = array<i32>} : memref<1x64x4096xf32, #tpu.memory_space<vmem>>, vector<1x64x4096xf32>,
    %slice3A_425 = vector.extract_strided_slice %get3A_16 {offsets = [0, 15, 0], sizes = [14, 1, 4096], strides = [1, 1, 1]} : vector<14x32x4096xf32> to vector<14x1x4096xf32>
    %squeeze3A_426 = vector.shape_cast %slice3A_425 : vector<14x1x4096xf32> to vector<14x4096xf32>
    %dot_general3A_427 = arith.constant dense<0.000000e+00> : vector<32x4096xf32>
    %dot_general3A_428 = tpu.matmul %get3A_1, %squeeze3A_426, %dot_general3A_427 {dimension_numbers = #tpu.dot_dimension_numbers<[1], [0], [0], [1], [0, 0, 1, 1], [], []>, transpose_lhs_hint = false} : vector<32x14xf32>, vector<14x4096xf32>, vector<32x4096xf32> -> vector<32x4096xf32>
    %add3A_429 = vector.broadcast %get3A_7 : vector<32x1xf32> to vector<32x4096xf32>
    %add3A_430 = arith.addf %dot_general3A_428, %add3A_429 : vector<32x4096xf32>
    %max3A_431 = arith.constant 0.000000e+00 : f32
    %max3A_432 = vector.broadcast %max3A_431 : f32 to vector<32x4096xf32>
    %max3A_433 = arith.maximumf %add3A_430, %max3A_432 : vector<32x4096xf32>
    %dot_general3A_434 = arith.constant dense<0.000000e+00> : vector<64x4096xf32>
    %dot_general3A_435 = tpu.matmul %get3A_4, %max3A_433, %dot_general3A_434 {dimension_numbers = #tpu.dot_dimension_numbers<[1], [0], [0], [1], [0, 0, 1, 1], [], []>, transpose_lhs_hint = false} : vector<64x32xf32>, vector<32x4096xf32>, vector<64x4096xf32> -> vector<64x4096xf32>
    %add3A_436 = vector.broadcast %get3A_10 : vector<64x1xf32> to vector<64x4096xf32>
    %add3A_437 = arith.addf %dot_general3A_435, %add3A_436 : vector<64x4096xf32>
    %max3A_438 = arith.constant 0.000000e+00 : f32
    %max3A_439 = vector.broadcast %max3A_438 : f32 to vector<64x4096xf32>
    %max3A_440 = arith.maximumf %add3A_437, %max3A_439 : vector<64x4096xf32>
    %get3A_441 = arith.constant 0 : index
    %get3A_442 = arith.constant 0 : index
    %get3A_443 = arith.constant 0 : index
    %get3A_444 = vector.load %arg6[%get3A_441, %get3A_442, %get3A_443] : memref<1x64x4096xf32, #tpu.memory_space<vmem>>, vector<1x64x4096xf32>
    %get3A_445 = vector.shape_cast %get3A_444 : vector<1x64x4096xf32> to vector<64x4096xf32>
    %max3A_446 = arith.maximumf %get3A_445, %max3A_440 : vector<64x4096xf32>
    %swap3A_447 = arith.constant 0 : index
    %swap3A_448 = arith.constant 0 : index
    %swap3A_449 = arith.constant 0 : index
    %swap3A_450 = vector.load %arg6[%swap3A_447, %swap3A_448, %swap3A_449] : memref<1x64x4096xf32, #tpu.memory_space<vmem>>, vector<1x64x4096xf32>
    %swap3A_451 = vector.shape_cast %swap3A_450 : vector<1x64x4096xf32> to vector<64x4096xf32>
    %swap3A_452 = vector.shape_cast %max3A_446 : vector<64x4096xf32> to vector<1x64x4096xf32>
    tpu.vector_store %arg6[%swap3A_447, %swap3A_448, %swap3A_449], %swap3A_452 {strides = array<i32>} : memref<1x64x4096xf32, #tpu.memory_space<vmem>>, vector<1x64x4096xf32>,
    %slice3A_453 = vector.extract_strided_slice %get3A_16 {offsets = [0, 16, 0], sizes = [14, 1, 4096], strides = [1, 1, 1]} : vector<14x32x4096xf32> to vector<14x1x4096xf32>
    %squeeze3A_454 = vector.shape_cast %slice3A_453 : vector<14x1x4096xf32> to vector<14x4096xf32>
    %dot_general3A_455 = arith.constant dense<0.000000e+00> : vector<32x4096xf32>
    %dot_general3A_456 = tpu.matmul %get3A_1, %squeeze3A_454, %dot_general3A_455 {dimension_numbers = #tpu.dot_dimension_numbers<[1], [0], [0], [1], [0, 0, 1, 1], [], []>, transpose_lhs_hint = false} : vector<32x14xf32>, vector<14x4096xf32>, vector<32x4096xf32> -> vector<32x4096xf32>
    %add3A_457 = vector.broadcast %get3A_7 : vector<32x1xf32> to vector<32x4096xf32>
    %add3A_458 = arith.addf %dot_general3A_456, %add3A_457 : vector<32x4096xf32>
    %max3A_459 = arith.constant 0.000000e+00 : f32
    %max3A_460 = vector.broadcast %max3A_459 : f32 to vector<32x4096xf32>
    %max3A_461 = arith.maximumf %add3A_458, %max3A_460 : vector<32x4096xf32>
    %dot_general3A_462 = arith.constant dense<0.000000e+00> : vector<64x4096xf32>
    %dot_general3A_463 = tpu.matmul %get3A_4, %max3A_461, %dot_general3A_462 {dimension_numbers = #tpu.dot_dimension_numbers<[1], [0], [0], [1], [0, 0, 1, 1], [], []>, transpose_lhs_hint = false} : vector<64x32xf32>, vector<32x4096xf32>, vector<64x4096xf32> -> vector<64x4096xf32>
    %add3A_464 = vector.broadcast %get3A_10 : vector<64x1xf32> to vector<64x4096xf32>
    %add3A_465 = arith.addf %dot_general3A_463, %add3A_464 : vector<64x4096xf32>
    %max3A_466 = arith.constant 0.000000e+00 : f32
    %max3A_467 = vector.broadcast %max3A_466 : f32 to vector<64x4096xf32>
    %max3A_468 = arith.maximumf %add3A_465, %max3A_467 : vector<64x4096xf32>
    %get3A_469 = arith.constant 0 : index
    %get3A_470 = arith.constant 0 : index
    %get3A_471 = arith.constant 0 : index
    %get3A_472 = vector.load %arg6[%get3A_469, %get3A_470, %get3A_471] : memref<1x64x4096xf32, #tpu.memory_space<vmem>>, vector<1x64x4096xf32>
    %get3A_473 = vector.shape_cast %get3A_472 : vector<1x64x4096xf32> to vector<64x4096xf32>
    %max3A_474 = arith.maximumf %get3A_473, %max3A_468 : vector<64x4096xf32>
    %swap3A_475 = arith.constant 0 : index
    %swap3A_476 = arith.constant 0 : index
    %swap3A_477 = arith.constant 0 : index
    %swap3A_478 = vector.load %arg6[%swap3A_475, %swap3A_476, %swap3A_477] : memref<1x64x4096xf32, #tpu.memory_space<vmem>>, vector<1x64x4096xf32>
    %swap3A_479 = vector.shape_cast %swap3A_478 : vector<1x64x4096xf32> to vector<64x4096xf32>
    %swap3A_480 = vector.shape_cast %max3A_474 : vector<64x4096xf32> to vector<1x64x4096xf32>
    tpu.vector_store %arg6[%swap3A_475, %swap3A_476, %swap3A_477], %swap3A_480 {strides = array<i32>} : memref<1x64x4096xf32, #tpu.memory_space<vmem>>, vector<1x64x4096xf32>,
    %slice3A_481 = vector.extract_strided_slice %get3A_16 {offsets = [0, 17, 0], sizes = [14, 1, 4096], strides = [1, 1, 1]} : vector<14x32x4096xf32> to vector<14x1x4096xf32>
    %squeeze3A_482 = vector.shape_cast %slice3A_481 : vector<14x1x4096xf32> to vector<14x4096xf32>
    %dot_general3A_483 = arith.constant dense<0.000000e+00> : vector<32x4096xf32>
    %dot_general3A_484 = tpu.matmul %get3A_1, %squeeze3A_482, %dot_general3A_483 {dimension_numbers = #tpu.dot_dimension_numbers<[1], [0], [0], [1], [0, 0, 1, 1], [], []>, transpose_lhs_hint = false} : vector<32x14xf32>, vector<14x4096xf32>, vector<32x4096xf32> -> vector<32x4096xf32>
    %add3A_485 = vector.broadcast %get3A_7 : vector<32x1xf32> to vector<32x4096xf32>
    %add3A_486 = arith.addf %dot_general3A_484, %add3A_485 : vector<32x4096xf32>
    %max3A_487 = arith.constant 0.000000e+00 : f32
    %max3A_488 = vector.broadcast %max3A_487 : f32 to vector<32x4096xf32>
    %max3A_489 = arith.maximumf %add3A_486, %max3A_488 : vector<32x4096xf32>
    %dot_general3A_490 = arith.constant dense<0.000000e+00> : vector<64x4096xf32>
    %dot_general3A_491 = tpu.matmul %get3A_4, %max3A_489, %dot_general3A_490 {dimension_numbers = #tpu.dot_dimension_numbers<[1], [0], [0], [1], [0, 0, 1, 1], [], []>, transpose_lhs_hint = false} : vector<64x32xf32>, vector<32x4096xf32>, vector<64x4096xf32> -> vector<64x4096xf32>
    %add3A_492 = vector.broadcast %get3A_10 : vector<64x1xf32> to vector<64x4096xf32>
    %add3A_493 = arith.addf %dot_general3A_491, %add3A_492 : vector<64x4096xf32>
    %max3A_494 = arith.constant 0.000000e+00 : f32
    %max3A_495 = vector.broadcast %max3A_494 : f32 to vector<64x4096xf32>
    %max3A_496 = arith.maximumf %add3A_493, %max3A_495 : vector<64x4096xf32>
    %get3A_497 = arith.constant 0 : index
    %get3A_498 = arith.constant 0 : index
    %get3A_499 = arith.constant 0 : index
    %get3A_500 = vector.load %arg6[%get3A_497, %get3A_498, %get3A_499] : memref<1x64x4096xf32, #tpu.memory_space<vmem>>, vector<1x64x4096xf32>
    %get3A_501 = vector.shape_cast %get3A_500 : vector<1x64x4096xf32> to vector<64x4096xf32>
    %max3A_502 = arith.maximumf %get3A_501, %max3A_496 : vector<64x4096xf32>
    %swap3A_503 = arith.constant 0 : index
    %swap3A_504 = arith.constant 0 : index
    %swap3A_505 = arith.constant 0 : index
    %swap3A_506 = vector.load %arg6[%swap3A_503, %swap3A_504, %swap3A_505] : memref<1x64x4096xf32, #tpu.memory_space<vmem>>, vector<1x64x4096xf32>
    %swap3A_507 = vector.shape_cast %swap3A_506 : vector<1x64x4096xf32> to vector<64x4096xf32>
    %swap3A_508 = vector.shape_cast %max3A_502 : vector<64x4096xf32> to vector<1x64x4096xf32>
    tpu.vector_store %arg6[%swap3A_503, %swap3A_504, %swap3A_505], %swap3A_508 {strides = array<i32>} : memref<1x64x4096xf32, #tpu.memory_space<vmem>>, vector<1x64x4096xf32>,
    %slice3A_509 = vector.extract_strided_slice %get3A_16 {offsets = [0, 18, 0], sizes = [14, 1, 4096], strides = [1, 1, 1]} : vector<14x32x4096xf32> to vector<14x1x4096xf32>
    %squeeze3A_510 = vector.shape_cast %slice3A_509 : vector<14x1x4096xf32> to vector<14x4096xf32>
    %dot_general3A_511 = arith.constant dense<0.000000e+00> : vector<32x4096xf32>
    %dot_general3A_512 = tpu.matmul %get3A_1, %squeeze3A_510, %dot_general3A_511 {dimension_numbers = #tpu.dot_dimension_numbers<[1], [0], [0], [1], [0, 0, 1, 1], [], []>, transpose_lhs_hint = false} : vector<32x14xf32>, vector<14x4096xf32>, vector<32x4096xf32> -> vector<32x4096xf32>
    %add3A_513 = vector.broadcast %get3A_7 : vector<32x1xf32> to vector<32x4096xf32>
    %add3A_514 = arith.addf %dot_general3A_512, %add3A_513 : vector<32x4096xf32>
    %max3A_515 = arith.constant 0.000000e+00 : f32
    %max3A_516 = vector.broadcast %max3A_515 : f32 to vector<32x4096xf32>
    %max3A_517 = arith.maximumf %add3A_514, %max3A_516 : vector<32x4096xf32>
    %dot_general3A_518 = arith.constant dense<0.000000e+00> : vector<64x4096xf32>
    %dot_general3A_519 = tpu.matmul %get3A_4, %max3A_517, %dot_general3A_518 {dimension_numbers = #tpu.dot_dimension_numbers<[1], [0], [0], [1], [0, 0, 1, 1], [], []>, transpose_lhs_hint = false} : vector<64x32xf32>, vector<32x4096xf32>, vector<64x4096xf32> -> vector<64x4096xf32>
    %add3A_520 = vector.broadcast %get3A_10 : vector<64x1xf32> to vector<64x4096xf32>
    %add3A_521 = arith.addf %dot_general3A_519, %add3A_520 : vector<64x4096xf32>
    %max3A_522 = arith.constant 0.000000e+00 : f32
    %max3A_523 = vector.broadcast %max3A_522 : f32 to vector<64x4096xf32>
    %max3A_524 = arith.maximumf %add3A_521, %max3A_523 : vector<64x4096xf32>
    %get3A_525 = arith.constant 0 : index
    %get3A_526 = arith.constant 0 : index
    %get3A_527 = arith.constant 0 : index
    %get3A_528 = vector.load %arg6[%get3A_525, %get3A_526, %get3A_527] : memref<1x64x4096xf32, #tpu.memory_space<vmem>>, vector<1x64x4096xf32>
    %get3A_529 = vector.shape_cast %get3A_528 : vector<1x64x4096xf32> to vector<64x4096xf32>
    %max3A_530 = arith.maximumf %get3A_529, %max3A_524 : vector<64x4096xf32>
    %swap3A_531 = arith.constant 0 : index
    %swap3A_532 = arith.constant 0 : index
    %swap3A_533 = arith.constant 0 : index
    %swap3A_534 = vector.load %arg6[%swap3A_531, %swap3A_532, %swap3A_533] : memref<1x64x4096xf32, #tpu.memory_space<vmem>>, vector<1x64x4096xf32>
    %swap3A_535 = vector.shape_cast %swap3A_534 : vector<1x64x4096xf32> to vector<64x4096xf32>
    %swap3A_536 = vector.shape_cast %max3A_530 : vector<64x4096xf32> to vector<1x64x4096xf32>
    tpu.vector_store %arg6[%swap3A_531, %swap3A_532, %swap3A_533], %swap3A_536 {strides = array<i32>} : memref<1x64x4096xf32, #tpu.memory_space<vmem>>, vector<1x64x4096xf32>,
    %slice3A_537 = vector.extract_strided_slice %get3A_16 {offsets = [0, 19, 0], sizes = [14, 1, 4096], strides = [1, 1, 1]} : vector<14x32x4096xf32> to vector<14x1x4096xf32>
    %squeeze3A_538 = vector.shape_cast %slice3A_537 : vector<14x1x4096xf32> to vector<14x4096xf32>
    %dot_general3A_539 = arith.constant dense<0.000000e+00> : vector<32x4096xf32>
    %dot_general3A_540 = tpu.matmul %get3A_1, %squeeze3A_538, %dot_general3A_539 {dimension_numbers = #tpu.dot_dimension_numbers<[1], [0], [0], [1], [0, 0, 1, 1], [], []>, transpose_lhs_hint = false} : vector<32x14xf32>, vector<14x4096xf32>, vector<32x4096xf32> -> vector<32x4096xf32>
    %add3A_541 = vector.broadcast %get3A_7 : vector<32x1xf32> to vector<32x4096xf32>
    %add3A_542 = arith.addf %dot_general3A_540, %add3A_541 : vector<32x4096xf32>
    %max3A_543 = arith.constant 0.000000e+00 : f32
    %max3A_544 = vector.broadcast %max3A_543 : f32 to vector<32x4096xf32>
    %max3A_545 = arith.maximumf %add3A_542, %max3A_544 : vector<32x4096xf32>
    %dot_general3A_546 = arith.constant dense<0.000000e+00> : vector<64x4096xf32>
    %dot_general3A_547 = tpu.matmul %get3A_4, %max3A_545, %dot_general3A_546 {dimension_numbers = #tpu.dot_dimension_numbers<[1], [0], [0], [1], [0, 0, 1, 1], [], []>, transpose_lhs_hint = false} : vector<64x32xf32>, vector<32x4096xf32>, vector<64x4096xf32> -> vector<64x4096xf32>
    %add3A_548 = vector.broadcast %get3A_10 : vector<64x1xf32> to vector<64x4096xf32>
    %add3A_549 = arith.addf %dot_general3A_547, %add3A_548 : vector<64x4096xf32>
    %max3A_550 = arith.constant 0.000000e+00 : f32
    %max3A_551 = vector.broadcast %max3A_550 : f32 to vector<64x4096xf32>
    %max3A_552 = arith.maximumf %add3A_549, %max3A_551 : vector<64x4096xf32>
    %get3A_553 = arith.constant 0 : index
    %get3A_554 = arith.constant 0 : index
    %get3A_555 = arith.constant 0 : index
    %get3A_556 = vector.load %arg6[%get3A_553, %get3A_554, %get3A_555] : memref<1x64x4096xf32, #tpu.memory_space<vmem>>, vector<1x64x4096xf32>
    %get3A_557 = vector.shape_cast %get3A_556 : vector<1x64x4096xf32> to vector<64x4096xf32>
    %max3A_558 = arith.maximumf %get3A_557, %max3A_552 : vector<64x4096xf32>
    %swap3A_559 = arith.constant 0 : index
    %swap3A_560 = arith.constant 0 : index
    %swap3A_561 = arith.constant 0 : index
    %swap3A_562 = vector.load %arg6[%swap3A_559, %swap3A_560, %swap3A_561] : memref<1x64x4096xf32, #tpu.memory_space<vmem>>, vector<1x64x4096xf32>
    %swap3A_563 = vector.shape_cast %swap3A_562 : vector<1x64x4096xf32> to vector<64x4096xf32>
    %swap3A_564 = vector.shape_cast %max3A_558 : vector<64x4096xf32> to vector<1x64x4096xf32>
    tpu.vector_store %arg6[%swap3A_559, %swap3A_560, %swap3A_561], %swap3A_564 {strides = array<i32>} : memref<1x64x4096xf32, #tpu.memory_space<vmem>>, vector<1x64x4096xf32>,
    %slice3A_565 = vector.extract_strided_slice %get3A_16 {offsets = [0, 20, 0], sizes = [14, 1, 4096], strides = [1, 1, 1]} : vector<14x32x4096xf32> to vector<14x1x4096xf32>
    %squeeze3A_566 = vector.shape_cast %slice3A_565 : vector<14x1x4096xf32> to vector<14x4096xf32>
    %dot_general3A_567 = arith.constant dense<0.000000e+00> : vector<32x4096xf32>
    %dot_general3A_568 = tpu.matmul %get3A_1, %squeeze3A_566, %dot_general3A_567 {dimension_numbers = #tpu.dot_dimension_numbers<[1], [0], [0], [1], [0, 0, 1, 1], [], []>, transpose_lhs_hint = false} : vector<32x14xf32>, vector<14x4096xf32>, vector<32x4096xf32> -> vector<32x4096xf32>
    %add3A_569 = vector.broadcast %get3A_7 : vector<32x1xf32> to vector<32x4096xf32>
    %add3A_570 = arith.addf %dot_general3A_568, %add3A_569 : vector<32x4096xf32>
    %max3A_571 = arith.constant 0.000000e+00 : f32
    %max3A_572 = vector.broadcast %max3A_571 : f32 to vector<32x4096xf32>
    %max3A_573 = arith.maximumf %add3A_570, %max3A_572 : vector<32x4096xf32>
    %dot_general3A_574 = arith.constant dense<0.000000e+00> : vector<64x4096xf32>
    %dot_general3A_575 = tpu.matmul %get3A_4, %max3A_573, %dot_general3A_574 {dimension_numbers = #tpu.dot_dimension_numbers<[1], [0], [0], [1], [0, 0, 1, 1], [], []>, transpose_lhs_hint = false} : vector<64x32xf32>, vector<32x4096xf32>, vector<64x4096xf32> -> vector<64x4096xf32>
    %add3A_576 = vector.broadcast %get3A_10 : vector<64x1xf32> to vector<64x4096xf32>
    %add3A_577 = arith.addf %dot_general3A_575, %add3A_576 : vector<64x4096xf32>
    %max3A_578 = arith.constant 0.000000e+00 : f32
    %max3A_579 = vector.broadcast %max3A_578 : f32 to vector<64x4096xf32>
    %max3A_580 = arith.maximumf %add3A_577, %max3A_579 : vector<64x4096xf32>
    %get3A_581 = arith.constant 0 : index
    %get3A_582 = arith.constant 0 : index
    %get3A_583 = arith.constant 0 : index
    %get3A_584 = vector.load %arg6[%get3A_581, %get3A_582, %get3A_583] : memref<1x64x4096xf32, #tpu.memory_space<vmem>>, vector<1x64x4096xf32>
    %get3A_585 = vector.shape_cast %get3A_584 : vector<1x64x4096xf32> to vector<64x4096xf32>
    %max3A_586 = arith.maximumf %get3A_585, %max3A_580 : vector<64x4096xf32>
    %swap3A_587 = arith.constant 0 : index
    %swap3A_588 = arith.constant 0 : index
    %swap3A_589 = arith.constant 0 : index
    %swap3A_590 = vector.load %arg6[%swap3A_587, %swap3A_588, %swap3A_589] : memref<1x64x4096xf32, #tpu.memory_space<vmem>>, vector<1x64x4096xf32>
    %swap3A_591 = vector.shape_cast %swap3A_590 : vector<1x64x4096xf32> to vector<64x4096xf32>
    %swap3A_592 = vector.shape_cast %max3A_586 : vector<64x4096xf32> to vector<1x64x4096xf32>
    tpu.vector_store %arg6[%swap3A_587, %swap3A_588, %swap3A_589], %swap3A_592 {strides = array<i32>} : memref<1x64x4096xf32, #tpu.memory_space<vmem>>, vector<1x64x4096xf32>,
    %slice3A_593 = vector.extract_strided_slice %get3A_16 {offsets = [0, 21, 0], sizes = [14, 1, 4096], strides = [1, 1, 1]} : vector<14x32x4096xf32> to vector<14x1x4096xf32>
    %squeeze3A_594 = vector.shape_cast %slice3A_593 : vector<14x1x4096xf32> to vector<14x4096xf32>
    %dot_general3A_595 = arith.constant dense<0.000000e+00> : vector<32x4096xf32>
    %dot_general3A_596 = tpu.matmul %get3A_1, %squeeze3A_594, %dot_general3A_595 {dimension_numbers = #tpu.dot_dimension_numbers<[1], [0], [0], [1], [0, 0, 1, 1], [], []>, transpose_lhs_hint = false} : vector<32x14xf32>, vector<14x4096xf32>, vector<32x4096xf32> -> vector<32x4096xf32>
    %add3A_597 = vector.broadcast %get3A_7 : vector<32x1xf32> to vector<32x4096xf32>
    %add3A_598 = arith.addf %dot_general3A_596, %add3A_597 : vector<32x4096xf32>
    %max3A_599 = arith.constant 0.000000e+00 : f32
    %max3A_600 = vector.broadcast %max3A_599 : f32 to vector<32x4096xf32>
    %max3A_601 = arith.maximumf %add3A_598, %max3A_600 : vector<32x4096xf32>
    %dot_general3A_602 = arith.constant dense<0.000000e+00> : vector<64x4096xf32>
    %dot_general3A_603 = tpu.matmul %get3A_4, %max3A_601, %dot_general3A_602 {dimension_numbers = #tpu.dot_dimension_numbers<[1], [0], [0], [1], [0, 0, 1, 1], [], []>, transpose_lhs_hint = false} : vector<64x32xf32>, vector<32x4096xf32>, vector<64x4096xf32> -> vector<64x4096xf32>
    %add3A_604 = vector.broadcast %get3A_10 : vector<64x1xf32> to vector<64x4096xf32>
    %add3A_605 = arith.addf %dot_general3A_603, %add3A_604 : vector<64x4096xf32>
    %max3A_606 = arith.constant 0.000000e+00 : f32
    %max3A_607 = vector.broadcast %max3A_606 : f32 to vector<64x4096xf32>
    %max3A_608 = arith.maximumf %add3A_605, %max3A_607 : vector<64x4096xf32>
    %get3A_609 = arith.constant 0 : index
    %get3A_610 = arith.constant 0 : index
    %get3A_611 = arith.constant 0 : index
    %get3A_612 = vector.load %arg6[%get3A_609, %get3A_610, %get3A_611] : memref<1x64x4096xf32, #tpu.memory_space<vmem>>, vector<1x64x4096xf32>
    %get3A_613 = vector.shape_cast %get3A_612 : vector<1x64x4096xf32> to vector<64x4096xf32>
    %max3A_614 = arith.maximumf %get3A_613, %max3A_608 : vector<64x4096xf32>
    %swap3A_615 = arith.constant 0 : index
    %swap3A_616 = arith.constant 0 : index
    %swap3A_617 = arith.constant 0 : index
    %swap3A_618 = vector.load %arg6[%swap3A_615, %swap3A_616, %swap3A_617] : memref<1x64x4096xf32, #tpu.memory_space<vmem>>, vector<1x64x4096xf32>
    %swap3A_619 = vector.shape_cast %swap3A_618 : vector<1x64x4096xf32> to vector<64x4096xf32>
    %swap3A_620 = vector.shape_cast %max3A_614 : vector<64x4096xf32> to vector<1x64x4096xf32>
    tpu.vector_store %arg6[%swap3A_615, %swap3A_616, %swap3A_617], %swap3A_620 {strides = array<i32>} : memref<1x64x4096xf32, #tpu.memory_space<vmem>>, vector<1x64x4096xf32>,
    %slice3A_621 = vector.extract_strided_slice %get3A_16 {offsets = [0, 22, 0], sizes = [14, 1, 4096], strides = [1, 1, 1]} : vector<14x32x4096xf32> to vector<14x1x4096xf32>
    %squeeze3A_622 = vector.shape_cast %slice3A_621 : vector<14x1x4096xf32> to vector<14x4096xf32>
    %dot_general3A_623 = arith.constant dense<0.000000e+00> : vector<32x4096xf32>
    %dot_general3A_624 = tpu.matmul %get3A_1, %squeeze3A_622, %dot_general3A_623 {dimension_numbers = #tpu.dot_dimension_numbers<[1], [0], [0], [1], [0, 0, 1, 1], [], []>, transpose_lhs_hint = false} : vector<32x14xf32>, vector<14x4096xf32>, vector<32x4096xf32> -> vector<32x4096xf32>
    %add3A_625 = vector.broadcast %get3A_7 : vector<32x1xf32> to vector<32x4096xf32>
    %add3A_626 = arith.addf %dot_general3A_624, %add3A_625 : vector<32x4096xf32>
    %max3A_627 = arith.constant 0.000000e+00 : f32
    %max3A_628 = vector.broadcast %max3A_627 : f32 to vector<32x4096xf32>
    %max3A_629 = arith.maximumf %add3A_626, %max3A_628 : vector<32x4096xf32>
    %dot_general3A_630 = arith.constant dense<0.000000e+00> : vector<64x4096xf32>
    %dot_general3A_631 = tpu.matmul %get3A_4, %max3A_629, %dot_general3A_630 {dimension_numbers = #tpu.dot_dimension_numbers<[1], [0], [0], [1], [0, 0, 1, 1], [], []>, transpose_lhs_hint = false} : vector<64x32xf32>, vector<32x4096xf32>, vector<64x4096xf32> -> vector<64x4096xf32>
    %add3A_632 = vector.broadcast %get3A_10 : vector<64x1xf32> to vector<64x4096xf32>
    %add3A_633 = arith.addf %dot_general3A_631, %add3A_632 : vector<64x4096xf32>
    %max3A_634 = arith.constant 0.000000e+00 : f32
    %max3A_635 = vector.broadcast %max3A_634 : f32 to vector<64x4096xf32>
    %max3A_636 = arith.maximumf %add3A_633, %max3A_635 : vector<64x4096xf32>
    %get3A_637 = arith.constant 0 : index
    %get3A_638 = arith.constant 0 : index
    %get3A_639 = arith.constant 0 : index
    %get3A_640 = vector.load %arg6[%get3A_637, %get3A_638, %get3A_639] : memref<1x64x4096xf32, #tpu.memory_space<vmem>>, vector<1x64x4096xf32>
    %get3A_641 = vector.shape_cast %get3A_640 : vector<1x64x4096xf32> to vector<64x4096xf32>
    %max3A_642 = arith.maximumf %get3A_641, %max3A_636 : vector<64x4096xf32>
    %swap3A_643 = arith.constant 0 : index
    %swap3A_644 = arith.constant 0 : index
    %swap3A_645 = arith.constant 0 : index
    %swap3A_646 = vector.load %arg6[%swap3A_643, %swap3A_644, %swap3A_645] : memref<1x64x4096xf32, #tpu.memory_space<vmem>>, vector<1x64x4096xf32>
    %swap3A_647 = vector.shape_cast %swap3A_646 : vector<1x64x4096xf32> to vector<64x4096xf32>
    %swap3A_648 = vector.shape_cast %max3A_642 : vector<64x4096xf32> to vector<1x64x4096xf32>
    tpu.vector_store %arg6[%swap3A_643, %swap3A_644, %swap3A_645], %swap3A_648 {strides = array<i32>} : memref<1x64x4096xf32, #tpu.memory_space<vmem>>, vector<1x64x4096xf32>,
    %slice3A_649 = vector.extract_strided_slice %get3A_16 {offsets = [0, 23, 0], sizes = [14, 1, 4096], strides = [1, 1, 1]} : vector<14x32x4096xf32> to vector<14x1x4096xf32>
    %squeeze3A_650 = vector.shape_cast %slice3A_649 : vector<14x1x4096xf32> to vector<14x4096xf32>
    %dot_general3A_651 = arith.constant dense<0.000000e+00> : vector<32x4096xf32>
    %dot_general3A_652 = tpu.matmul %get3A_1, %squeeze3A_650, %dot_general3A_651 {dimension_numbers = #tpu.dot_dimension_numbers<[1], [0], [0], [1], [0, 0, 1, 1], [], []>, transpose_lhs_hint = false} : vector<32x14xf32>, vector<14x4096xf32>, vector<32x4096xf32> -> vector<32x4096xf32>
    %add3A_653 = vector.broadcast %get3A_7 : vector<32x1xf32> to vector<32x4096xf32>
    %add3A_654 = arith.addf %dot_general3A_652, %add3A_653 : vector<32x4096xf32>
    %max3A_655 = arith.constant 0.000000e+00 : f32
    %max3A_656 = vector.broadcast %max3A_655 : f32 to vector<32x4096xf32>
    %max3A_657 = arith.maximumf %add3A_654, %max3A_656 : vector<32x4096xf32>
    %dot_general3A_658 = arith.constant dense<0.000000e+00> : vector<64x4096xf32>
    %dot_general3A_659 = tpu.matmul %get3A_4, %max3A_657, %dot_general3A_658 {dimension_numbers = #tpu.dot_dimension_numbers<[1], [0], [0], [1], [0, 0, 1, 1], [], []>, transpose_lhs_hint = false} : vector<64x32xf32>, vector<32x4096xf32>, vector<64x4096xf32> -> vector<64x4096xf32>
    %add3A_660 = vector.broadcast %get3A_10 : vector<64x1xf32> to vector<64x4096xf32>
    %add3A_661 = arith.addf %dot_general3A_659, %add3A_660 : vector<64x4096xf32>
    %max3A_662 = arith.constant 0.000000e+00 : f32
    %max3A_663 = vector.broadcast %max3A_662 : f32 to vector<64x4096xf32>
    %max3A_664 = arith.maximumf %add3A_661, %max3A_663 : vector<64x4096xf32>
    %get3A_665 = arith.constant 0 : index
    %get3A_666 = arith.constant 0 : index
    %get3A_667 = arith.constant 0 : index
    %get3A_668 = vector.load %arg6[%get3A_665, %get3A_666, %get3A_667] : memref<1x64x4096xf32, #tpu.memory_space<vmem>>, vector<1x64x4096xf32>
    %get3A_669 = vector.shape_cast %get3A_668 : vector<1x64x4096xf32> to vector<64x4096xf32>
    %max3A_670 = arith.maximumf %get3A_669, %max3A_664 : vector<64x4096xf32>
    %swap3A_671 = arith.constant 0 : index
    %swap3A_672 = arith.constant 0 : index
    %swap3A_673 = arith.constant 0 : index
    %swap3A_674 = vector.load %arg6[%swap3A_671, %swap3A_672, %swap3A_673] : memref<1x64x4096xf32, #tpu.memory_space<vmem>>, vector<1x64x4096xf32>
    %swap3A_675 = vector.shape_cast %swap3A_674 : vector<1x64x4096xf32> to vector<64x4096xf32>
    %swap3A_676 = vector.shape_cast %max3A_670 : vector<64x4096xf32> to vector<1x64x4096xf32>
    tpu.vector_store %arg6[%swap3A_671, %swap3A_672, %swap3A_673], %swap3A_676 {strides = array<i32>} : memref<1x64x4096xf32, #tpu.memory_space<vmem>>, vector<1x64x4096xf32>,
    %slice3A_677 = vector.extract_strided_slice %get3A_16 {offsets = [0, 24, 0], sizes = [14, 1, 4096], strides = [1, 1, 1]} : vector<14x32x4096xf32> to vector<14x1x4096xf32>
    %squeeze3A_678 = vector.shape_cast %slice3A_677 : vector<14x1x4096xf32> to vector<14x4096xf32>
    %dot_general3A_679 = arith.constant dense<0.000000e+00> : vector<32x4096xf32>
    %dot_general3A_680 = tpu.matmul %get3A_1, %squeeze3A_678, %dot_general3A_679 {dimension_numbers = #tpu.dot_dimension_numbers<[1], [0], [0], [1], [0, 0, 1, 1], [], []>, transpose_lhs_hint = false} : vector<32x14xf32>, vector<14x4096xf32>, vector<32x4096xf32> -> vector<32x4096xf32>
    %add3A_681 = vector.broadcast %get3A_7 : vector<32x1xf32> to vector<32x4096xf32>
    %add3A_682 = arith.addf %dot_general3A_680, %add3A_681 : vector<32x4096xf32>
    %max3A_683 = arith.constant 0.000000e+00 : f32
    %max3A_684 = vector.broadcast %max3A_683 : f32 to vector<32x4096xf32>
    %max3A_685 = arith.maximumf %add3A_682, %max3A_684 : vector<32x4096xf32>
    %dot_general3A_686 = arith.constant dense<0.000000e+00> : vector<64x4096xf32>
    %dot_general3A_687 = tpu.matmul %get3A_4, %max3A_685, %dot_general3A_686 {dimension_numbers = #tpu.dot_dimension_numbers<[1], [0], [0], [1], [0, 0, 1, 1], [], []>, transpose_lhs_hint = false} : vector<64x32xf32>, vector<32x4096xf32>, vector<64x4096xf32> -> vector<64x4096xf32>
    %add3A_688 = vector.broadcast %get3A_10 : vector<64x1xf32> to vector<64x4096xf32>
    %add3A_689 = arith.addf %dot_general3A_687, %add3A_688 : vector<64x4096xf32>
    %max3A_690 = arith.constant 0.000000e+00 : f32
    %max3A_691 = vector.broadcast %max3A_690 : f32 to vector<64x4096xf32>
    %max3A_692 = arith.maximumf %add3A_689, %max3A_691 : vector<64x4096xf32>
    %get3A_693 = arith.constant 0 : index
    %get3A_694 = arith.constant 0 : index
    %get3A_695 = arith.constant 0 : index
    %get3A_696 = vector.load %arg6[%get3A_693, %get3A_694, %get3A_695] : memref<1x64x4096xf32, #tpu.memory_space<vmem>>, vector<1x64x4096xf32>
    %get3A_697 = vector.shape_cast %get3A_696 : vector<1x64x4096xf32> to vector<64x4096xf32>
    %max3A_698 = arith.maximumf %get3A_697, %max3A_692 : vector<64x4096xf32>
    %swap3A_699 = arith.constant 0 : index
    %swap3A_700 = arith.constant 0 : index
    %swap3A_701 = arith.constant 0 : index
    %swap3A_702 = vector.load %arg6[%swap3A_699, %swap3A_700, %swap3A_701] : memref<1x64x4096xf32, #tpu.memory_space<vmem>>, vector<1x64x4096xf32>
    %swap3A_703 = vector.shape_cast %swap3A_702 : vector<1x64x4096xf32> to vector<64x4096xf32>
    %swap3A_704 = vector.shape_cast %max3A_698 : vector<64x4096xf32> to vector<1x64x4096xf32>
    tpu.vector_store %arg6[%swap3A_699, %swap3A_700, %swap3A_701], %swap3A_704 {strides = array<i32>} : memref<1x64x4096xf32, #tpu.memory_space<vmem>>, vector<1x64x4096xf32>,
    %slice3A_705 = vector.extract_strided_slice %get3A_16 {offsets = [0, 25, 0], sizes = [14, 1, 4096], strides = [1, 1, 1]} : vector<14x32x4096xf32> to vector<14x1x4096xf32>
    %squeeze3A_706 = vector.shape_cast %slice3A_705 : vector<14x1x4096xf32> to vector<14x4096xf32>
    %dot_general3A_707 = arith.constant dense<0.000000e+00> : vector<32x4096xf32>
    %dot_general3A_708 = tpu.matmul %get3A_1, %squeeze3A_706, %dot_general3A_707 {dimension_numbers = #tpu.dot_dimension_numbers<[1], [0], [0], [1], [0, 0, 1, 1], [], []>, transpose_lhs_hint = false} : vector<32x14xf32>, vector<14x4096xf32>, vector<32x4096xf32> -> vector<32x4096xf32>
    %add3A_709 = vector.broadcast %get3A_7 : vector<32x1xf32> to vector<32x4096xf32>
    %add3A_710 = arith.addf %dot_general3A_708, %add3A_709 : vector<32x4096xf32>
    %max3A_711 = arith.constant 0.000000e+00 : f32
    %max3A_712 = vector.broadcast %max3A_711 : f32 to vector<32x4096xf32>
    %max3A_713 = arith.maximumf %add3A_710, %max3A_712 : vector<32x4096xf32>
    %dot_general3A_714 = arith.constant dense<0.000000e+00> : vector<64x4096xf32>
    %dot_general3A_715 = tpu.matmul %get3A_4, %max3A_713, %dot_general3A_714 {dimension_numbers = #tpu.dot_dimension_numbers<[1], [0], [0], [1], [0, 0, 1, 1], [], []>, transpose_lhs_hint = false} : vector<64x32xf32>, vector<32x4096xf32>, vector<64x4096xf32> -> vector<64x4096xf32>
    %add3A_716 = vector.broadcast %get3A_10 : vector<64x1xf32> to vector<64x4096xf32>
    %add3A_717 = arith.addf %dot_general3A_715, %add3A_716 : vector<64x4096xf32>
    %max3A_718 = arith.constant 0.000000e+00 : f32
    %max3A_719 = vector.broadcast %max3A_718 : f32 to vector<64x4096xf32>
    %max3A_720 = arith.maximumf %add3A_717, %max3A_719 : vector<64x4096xf32>
    %get3A_721 = arith.constant 0 : index
    %get3A_722 = arith.constant 0 : index
    %get3A_723 = arith.constant 0 : index
    %get3A_724 = vector.load %arg6[%get3A_721, %get3A_722, %get3A_723] : memref<1x64x4096xf32, #tpu.memory_space<vmem>>, vector<1x64x4096xf32>
    %get3A_725 = vector.shape_cast %get3A_724 : vector<1x64x4096xf32> to vector<64x4096xf32>
    %max3A_726 = arith.maximumf %get3A_725, %max3A_720 : vector<64x4096xf32>
    %swap3A_727 = arith.constant 0 : index
    %swap3A_728 = arith.constant 0 : index
    %swap3A_729 = arith.constant 0 : index
    %swap3A_730 = vector.load %arg6[%swap3A_727, %swap3A_728, %swap3A_729] : memref<1x64x4096xf32, #tpu.memory_space<vmem>>, vector<1x64x4096xf32>
    %swap3A_731 = vector.shape_cast %swap3A_730 : vector<1x64x4096xf32> to vector<64x4096xf32>
    %swap3A_732 = vector.shape_cast %max3A_726 : vector<64x4096xf32> to vector<1x64x4096xf32>
    tpu.vector_store %arg6[%swap3A_727, %swap3A_728, %swap3A_729], %swap3A_732 {strides = array<i32>} : memref<1x64x4096xf32, #tpu.memory_space<vmem>>, vector<1x64x4096xf32>,
    %slice3A_733 = vector.extract_strided_slice %get3A_16 {offsets = [0, 26, 0], sizes = [14, 1, 4096], strides = [1, 1, 1]} : vector<14x32x4096xf32> to vector<14x1x4096xf32>
    %squeeze3A_734 = vector.shape_cast %slice3A_733 : vector<14x1x4096xf32> to vector<14x4096xf32>
    %dot_general3A_735 = arith.constant dense<0.000000e+00> : vector<32x4096xf32>
    %dot_general3A_736 = tpu.matmul %get3A_1, %squeeze3A_734, %dot_general3A_735 {dimension_numbers = #tpu.dot_dimension_numbers<[1], [0], [0], [1], [0, 0, 1, 1], [], []>, transpose_lhs_hint = false} : vector<32x14xf32>, vector<14x4096xf32>, vector<32x4096xf32> -> vector<32x4096xf32>
    %add3A_737 = vector.broadcast %get3A_7 : vector<32x1xf32> to vector<32x4096xf32>
    %add3A_738 = arith.addf %dot_general3A_736, %add3A_737 : vector<32x4096xf32>
    %max3A_739 = arith.constant 0.000000e+00 : f32
    %max3A_740 = vector.broadcast %max3A_739 : f32 to vector<32x4096xf32>
    %max3A_741 = arith.maximumf %add3A_738, %max3A_740 : vector<32x4096xf32>
    %dot_general3A_742 = arith.constant dense<0.000000e+00> : vector<64x4096xf32>
    %dot_general3A_743 = tpu.matmul %get3A_4, %max3A_741, %dot_general3A_742 {dimension_numbers = #tpu.dot_dimension_numbers<[1], [0], [0], [1], [0, 0, 1, 1], [], []>, transpose_lhs_hint = false} : vector<64x32xf32>, vector<32x4096xf32>, vector<64x4096xf32> -> vector<64x4096xf32>
    %add3A_744 = vector.broadcast %get3A_10 : vector<64x1xf32> to vector<64x4096xf32>
    %add3A_745 = arith.addf %dot_general3A_743, %add3A_744 : vector<64x4096xf32>
    %max3A_746 = arith.constant 0.000000e+00 : f32
    %max3A_747 = vector.broadcast %max3A_746 : f32 to vector<64x4096xf32>
    %max3A_748 = arith.maximumf %add3A_745, %max3A_747 : vector<64x4096xf32>
    %get3A_749 = arith.constant 0 : index
    %get3A_750 = arith.constant 0 : index
    %get3A_751 = arith.constant 0 : index
    %get3A_752 = vector.load %arg6[%get3A_749, %get3A_750, %get3A_751] : memref<1x64x4096xf32, #tpu.memory_space<vmem>>, vector<1x64x4096xf32>
    %get3A_753 = vector.shape_cast %get3A_752 : vector<1x64x4096xf32> to vector<64x4096xf32>
    %max3A_754 = arith.maximumf %get3A_753, %max3A_748 : vector<64x4096xf32>
    %swap3A_755 = arith.constant 0 : index
    %swap3A_756 = arith.constant 0 : index
    %swap3A_757 = arith.constant 0 : index
    %swap3A_758 = vector.load %arg6[%swap3A_755, %swap3A_756, %swap3A_757] : memref<1x64x4096xf32, #tpu.memory_space<vmem>>, vector<1x64x4096xf32>
    %swap3A_759 = vector.shape_cast %swap3A_758 : vector<1x64x4096xf32> to vector<64x4096xf32>
    %swap3A_760 = vector.shape_cast %max3A_754 : vector<64x4096xf32> to vector<1x64x4096xf32>
    tpu.vector_store %arg6[%swap3A_755, %swap3A_756, %swap3A_757], %swap3A_760 {strides = array<i32>} : memref<1x64x4096xf32, #tpu.memory_space<vmem>>, vector<1x64x4096xf32>,
    %slice3A_761 = vector.extract_strided_slice %get3A_16 {offsets = [0, 27, 0], sizes = [14, 1, 4096], strides = [1, 1, 1]} : vector<14x32x4096xf32> to vector<14x1x4096xf32>
    %squeeze3A_762 = vector.shape_cast %slice3A_761 : vector<14x1x4096xf32> to vector<14x4096xf32>
    %dot_general3A_763 = arith.constant dense<0.000000e+00> : vector<32x4096xf32>
    %dot_general3A_764 = tpu.matmul %get3A_1, %squeeze3A_762, %dot_general3A_763 {dimension_numbers = #tpu.dot_dimension_numbers<[1], [0], [0], [1], [0, 0, 1, 1], [], []>, transpose_lhs_hint = false} : vector<32x14xf32>, vector<14x4096xf32>, vector<32x4096xf32> -> vector<32x4096xf32>
    %add3A_765 = vector.broadcast %get3A_7 : vector<32x1xf32> to vector<32x4096xf32>
    %add3A_766 = arith.addf %dot_general3A_764, %add3A_765 : vector<32x4096xf32>
    %max3A_767 = arith.constant 0.000000e+00 : f32
    %max3A_768 = vector.broadcast %max3A_767 : f32 to vector<32x4096xf32>
    %max3A_769 = arith.maximumf %add3A_766, %max3A_768 : vector<32x4096xf32>
    %dot_general3A_770 = arith.constant dense<0.000000e+00> : vector<64x4096xf32>
    %dot_general3A_771 = tpu.matmul %get3A_4, %max3A_769, %dot_general3A_770 {dimension_numbers = #tpu.dot_dimension_numbers<[1], [0], [0], [1], [0, 0, 1, 1], [], []>, transpose_lhs_hint = false} : vector<64x32xf32>, vector<32x4096xf32>, vector<64x4096xf32> -> vector<64x4096xf32>
    %add3A_772 = vector.broadcast %get3A_10 : vector<64x1xf32> to vector<64x4096xf32>
    %add3A_773 = arith.addf %dot_general3A_771, %add3A_772 : vector<64x4096xf32>
    %max3A_774 = arith.constant 0.000000e+00 : f32
    %max3A_775 = vector.broadcast %max3A_774 : f32 to vector<64x4096xf32>
    %max3A_776 = arith.maximumf %add3A_773, %max3A_775 : vector<64x4096xf32>
    %get3A_777 = arith.constant 0 : index
    %get3A_778 = arith.constant 0 : index
    %get3A_779 = arith.constant 0 : index
    %get3A_780 = vector.load %arg6[%get3A_777, %get3A_778, %get3A_779] : memref<1x64x4096xf32, #tpu.memory_space<vmem>>, vector<1x64x4096xf32>
    %get3A_781 = vector.shape_cast %get3A_780 : vector<1x64x4096xf32> to vector<64x4096xf32>
    %max3A_782 = arith.maximumf %get3A_781, %max3A_776 : vector<64x4096xf32>
    %swap3A_783 = arith.constant 0 : index
    %swap3A_784 = arith.constant 0 : index
    %swap3A_785 = arith.constant 0 : index
    %swap3A_786 = vector.load %arg6[%swap3A_783, %swap3A_784, %swap3A_785] : memref<1x64x4096xf32, #tpu.memory_space<vmem>>, vector<1x64x4096xf32>
    %swap3A_787 = vector.shape_cast %swap3A_786 : vector<1x64x4096xf32> to vector<64x4096xf32>
    %swap3A_788 = vector.shape_cast %max3A_782 : vector<64x4096xf32> to vector<1x64x4096xf32>
    tpu.vector_store %arg6[%swap3A_783, %swap3A_784, %swap3A_785], %swap3A_788 {strides = array<i32>} : memref<1x64x4096xf32, #tpu.memory_space<vmem>>, vector<1x64x4096xf32>,
    %slice3A_789 = vector.extract_strided_slice %get3A_16 {offsets = [0, 28, 0], sizes = [14, 1, 4096], strides = [1, 1, 1]} : vector<14x32x4096xf32> to vector<14x1x4096xf32>
    %squeeze3A_790 = vector.shape_cast %slice3A_789 : vector<14x1x4096xf32> to vector<14x4096xf32>
    %dot_general3A_791 = arith.constant dense<0.000000e+00> : vector<32x4096xf32>
    %dot_general3A_792 = tpu.matmul %get3A_1, %squeeze3A_790, %dot_general3A_791 {dimension_numbers = #tpu.dot_dimension_numbers<[1], [0], [0], [1], [0, 0, 1, 1], [], []>, transpose_lhs_hint = false} : vector<32x14xf32>, vector<14x4096xf32>, vector<32x4096xf32> -> vector<32x4096xf32>
    %add3A_793 = vector.broadcast %get3A_7 : vector<32x1xf32> to vector<32x4096xf32>
    %add3A_794 = arith.addf %dot_general3A_792, %add3A_793 : vector<32x4096xf32>
    %max3A_795 = arith.constant 0.000000e+00 : f32
    %max3A_796 = vector.broadcast %max3A_795 : f32 to vector<32x4096xf32>
    %max3A_797 = arith.maximumf %add3A_794, %max3A_796 : vector<32x4096xf32>
    %dot_general3A_798 = arith.constant dense<0.000000e+00> : vector<64x4096xf32>
    %dot_general3A_799 = tpu.matmul %get3A_4, %max3A_797, %dot_general3A_798 {dimension_numbers = #tpu.dot_dimension_numbers<[1], [0], [0], [1], [0, 0, 1, 1], [], []>, transpose_lhs_hint = false} : vector<64x32xf32>, vector<32x4096xf32>, vector<64x4096xf32> -> vector<64x4096xf32>
    %add3A_800 = vector.broadcast %get3A_10 : vector<64x1xf32> to vector<64x4096xf32>
    %add3A_801 = arith.addf %dot_general3A_799, %add3A_800 : vector<64x4096xf32>
    %max3A_802 = arith.constant 0.000000e+00 : f32
    %max3A_803 = vector.broadcast %max3A_802 : f32 to vector<64x4096xf32>
    %max3A_804 = arith.maximumf %add3A_801, %max3A_803 : vector<64x4096xf32>
    %get3A_805 = arith.constant 0 : index
    %get3A_806 = arith.constant 0 : index
    %get3A_807 = arith.constant 0 : index
    %get3A_808 = vector.load %arg6[%get3A_805, %get3A_806, %get3A_807] : memref<1x64x4096xf32, #tpu.memory_space<vmem>>, vector<1x64x4096xf32>
    %get3A_809 = vector.shape_cast %get3A_808 : vector<1x64x4096xf32> to vector<64x4096xf32>
    %max3A_810 = arith.maximumf %get3A_809, %max3A_804 : vector<64x4096xf32>
    %swap3A_811 = arith.constant 0 : index
    %swap3A_812 = arith.constant 0 : index
    %swap3A_813 = arith.constant 0 : index
    %swap3A_814 = vector.load %arg6[%swap3A_811, %swap3A_812, %swap3A_813] : memref<1x64x4096xf32, #tpu.memory_space<vmem>>, vector<1x64x4096xf32>
    %swap3A_815 = vector.shape_cast %swap3A_814 : vector<1x64x4096xf32> to vector<64x4096xf32>
    %swap3A_816 = vector.shape_cast %max3A_810 : vector<64x4096xf32> to vector<1x64x4096xf32>
    tpu.vector_store %arg6[%swap3A_811, %swap3A_812, %swap3A_813], %swap3A_816 {strides = array<i32>} : memref<1x64x4096xf32, #tpu.memory_space<vmem>>, vector<1x64x4096xf32>,
    %slice3A_817 = vector.extract_strided_slice %get3A_16 {offsets = [0, 29, 0], sizes = [14, 1, 4096], strides = [1, 1, 1]} : vector<14x32x4096xf32> to vector<14x1x4096xf32>
    %squeeze3A_818 = vector.shape_cast %slice3A_817 : vector<14x1x4096xf32> to vector<14x4096xf32>
    %dot_general3A_819 = arith.constant dense<0.000000e+00> : vector<32x4096xf32>
    %dot_general3A_820 = tpu.matmul %get3A_1, %squeeze3A_818, %dot_general3A_819 {dimension_numbers = #tpu.dot_dimension_numbers<[1], [0], [0], [1], [0, 0, 1, 1], [], []>, transpose_lhs_hint = false} : vector<32x14xf32>, vector<14x4096xf32>, vector<32x4096xf32> -> vector<32x4096xf32>
    %add3A_821 = vector.broadcast %get3A_7 : vector<32x1xf32> to vector<32x4096xf32>
    %add3A_822 = arith.addf %dot_general3A_820, %add3A_821 : vector<32x4096xf32>
    %max3A_823 = arith.constant 0.000000e+00 : f32
    %max3A_824 = vector.broadcast %max3A_823 : f32 to vector<32x4096xf32>
    %max3A_825 = arith.maximumf %add3A_822, %max3A_824 : vector<32x4096xf32>
    %dot_general3A_826 = arith.constant dense<0.000000e+00> : vector<64x4096xf32>
    %dot_general3A_827 = tpu.matmul %get3A_4, %max3A_825, %dot_general3A_826 {dimension_numbers = #tpu.dot_dimension_numbers<[1], [0], [0], [1], [0, 0, 1, 1], [], []>, transpose_lhs_hint = false} : vector<64x32xf32>, vector<32x4096xf32>, vector<64x4096xf32> -> vector<64x4096xf32>
    %add3A_828 = vector.broadcast %get3A_10 : vector<64x1xf32> to vector<64x4096xf32>
    %add3A_829 = arith.addf %dot_general3A_827, %add3A_828 : vector<64x4096xf32>
    %max3A_830 = arith.constant 0.000000e+00 : f32
    %max3A_831 = vector.broadcast %max3A_830 : f32 to vector<64x4096xf32>
    %max3A_832 = arith.maximumf %add3A_829, %max3A_831 : vector<64x4096xf32>
    %get3A_833 = arith.constant 0 : index
    %get3A_834 = arith.constant 0 : index
    %get3A_835 = arith.constant 0 : index
    %get3A_836 = vector.load %arg6[%get3A_833, %get3A_834, %get3A_835] : memref<1x64x4096xf32, #tpu.memory_space<vmem>>, vector<1x64x4096xf32>
    %get3A_837 = vector.shape_cast %get3A_836 : vector<1x64x4096xf32> to vector<64x4096xf32>
    %max3A_838 = arith.maximumf %get3A_837, %max3A_832 : vector<64x4096xf32>
    %swap3A_839 = arith.constant 0 : index
    %swap3A_840 = arith.constant 0 : index
    %swap3A_841 = arith.constant 0 : index
    %swap3A_842 = vector.load %arg6[%swap3A_839, %swap3A_840, %swap3A_841] : memref<1x64x4096xf32, #tpu.memory_space<vmem>>, vector<1x64x4096xf32>
    %swap3A_843 = vector.shape_cast %swap3A_842 : vector<1x64x4096xf32> to vector<64x4096xf32>
    %swap3A_844 = vector.shape_cast %max3A_838 : vector<64x4096xf32> to vector<1x64x4096xf32>
    tpu.vector_store %arg6[%swap3A_839, %swap3A_840, %swap3A_841], %swap3A_844 {strides = array<i32>} : memref<1x64x4096xf32, #tpu.memory_space<vmem>>, vector<1x64x4096xf32>,
    %slice3A_845 = vector.extract_strided_slice %get3A_16 {offsets = [0, 30, 0], sizes = [14, 1, 4096], strides = [1, 1, 1]} : vector<14x32x4096xf32> to vector<14x1x4096xf32>
    %squeeze3A_846 = vector.shape_cast %slice3A_845 : vector<14x1x4096xf32> to vector<14x4096xf32>
    %dot_general3A_847 = arith.constant dense<0.000000e+00> : vector<32x4096xf32>
    %dot_general3A_848 = tpu.matmul %get3A_1, %squeeze3A_846, %dot_general3A_847 {dimension_numbers = #tpu.dot_dimension_numbers<[1], [0], [0], [1], [0, 0, 1, 1], [], []>, transpose_lhs_hint = false} : vector<32x14xf32>, vector<14x4096xf32>, vector<32x4096xf32> -> vector<32x4096xf32>
    %add3A_849 = vector.broadcast %get3A_7 : vector<32x1xf32> to vector<32x4096xf32>
    %add3A_850 = arith.addf %dot_general3A_848, %add3A_849 : vector<32x4096xf32>
    %max3A_851 = arith.constant 0.000000e+00 : f32
    %max3A_852 = vector.broadcast %max3A_851 : f32 to vector<32x4096xf32>
    %max3A_853 = arith.maximumf %add3A_850, %max3A_852 : vector<32x4096xf32>
    %dot_general3A_854 = arith.constant dense<0.000000e+00> : vector<64x4096xf32>
    %dot_general3A_855 = tpu.matmul %get3A_4, %max3A_853, %dot_general3A_854 {dimension_numbers = #tpu.dot_dimension_numbers<[1], [0], [0], [1], [0, 0, 1, 1], [], []>, transpose_lhs_hint = false} : vector<64x32xf32>, vector<32x4096xf32>, vector<64x4096xf32> -> vector<64x4096xf32>
    %add3A_856 = vector.broadcast %get3A_10 : vector<64x1xf32> to vector<64x4096xf32>
    %add3A_857 = arith.addf %dot_general3A_855, %add3A_856 : vector<64x4096xf32>
    %max3A_858 = arith.constant 0.000000e+00 : f32
    %max3A_859 = vector.broadcast %max3A_858 : f32 to vector<64x4096xf32>
    %max3A_860 = arith.maximumf %add3A_857, %max3A_859 : vector<64x4096xf32>
    %get3A_861 = arith.constant 0 : index
    %get3A_862 = arith.constant 0 : index
    %get3A_863 = arith.constant 0 : index
    %get3A_864 = vector.load %arg6[%get3A_861, %get3A_862, %get3A_863] : memref<1x64x4096xf32, #tpu.memory_space<vmem>>, vector<1x64x4096xf32>
    %get3A_865 = vector.shape_cast %get3A_864 : vector<1x64x4096xf32> to vector<64x4096xf32>
    %max3A_866 = arith.maximumf %get3A_865, %max3A_860 : vector<64x4096xf32>
    %swap3A_867 = arith.constant 0 : index
    %swap3A_868 = arith.constant 0 : index
    %swap3A_869 = arith.constant 0 : index
    %swap3A_870 = vector.load %arg6[%swap3A_867, %swap3A_868, %swap3A_869] : memref<1x64x4096xf32, #tpu.memory_space<vmem>>, vector<1x64x4096xf32>
    %swap3A_871 = vector.shape_cast %swap3A_870 : vector<1x64x4096xf32> to vector<64x4096xf32>
    %swap3A_872 = vector.shape_cast %max3A_866 : vector<64x4096xf32> to vector<1x64x4096xf32>
    tpu.vector_store %arg6[%swap3A_867, %swap3A_868, %swap3A_869], %swap3A_872 {strides = array<i32>} : memref<1x64x4096xf32, #tpu.memory_space<vmem>>, vector<1x64x4096xf32>,
    %slice3A_873 = vector.extract_strided_slice %get3A_16 {offsets = [0, 31, 0], sizes = [14, 1, 4096], strides = [1, 1, 1]} : vector<14x32x4096xf32> to vector<14x1x4096xf32>
    %squeeze3A_874 = vector.shape_cast %slice3A_873 : vector<14x1x4096xf32> to vector<14x4096xf32>
    %dot_general3A_875 = arith.constant dense<0.000000e+00> : vector<32x4096xf32>
    %dot_general3A_876 = tpu.matmul %get3A_1, %squeeze3A_874, %dot_general3A_875 {dimension_numbers = #tpu.dot_dimension_numbers<[1], [0], [0], [1], [0, 0, 1, 1], [], []>, transpose_lhs_hint = false} : vector<32x14xf32>, vector<14x4096xf32>, vector<32x4096xf32> -> vector<32x4096xf32>
    %add3A_877 = vector.broadcast %get3A_7 : vector<32x1xf32> to vector<32x4096xf32>
    %add3A_878 = arith.addf %dot_general3A_876, %add3A_877 : vector<32x4096xf32>
    %max3A_879 = arith.constant 0.000000e+00 : f32
    %max3A_880 = vector.broadcast %max3A_879 : f32 to vector<32x4096xf32>
    %max3A_881 = arith.maximumf %add3A_878, %max3A_880 : vector<32x4096xf32>
    %dot_general3A_882 = arith.constant dense<0.000000e+00> : vector<64x4096xf32>
    %dot_general3A_883 = tpu.matmul %get3A_4, %max3A_881, %dot_general3A_882 {dimension_numbers = #tpu.dot_dimension_numbers<[1], [0], [0], [1], [0, 0, 1, 1], [], []>, transpose_lhs_hint = false} : vector<64x32xf32>, vector<32x4096xf32>, vector<64x4096xf32> -> vector<64x4096xf32>
    %add3A_884 = vector.broadcast %get3A_10 : vector<64x1xf32> to vector<64x4096xf32>
    %add3A_885 = arith.addf %dot_general3A_883, %add3A_884 : vector<64x4096xf32>
    %max3A_886 = arith.constant 0.000000e+00 : f32
    %max3A_887 = vector.broadcast %max3A_886 : f32 to vector<64x4096xf32>
    %max3A_888 = arith.maximumf %add3A_885, %max3A_887 : vector<64x4096xf32>
    %get3A_889 = arith.constant 0 : index
    %get3A_890 = arith.constant 0 : index
    %get3A_891 = arith.constant 0 : index
    %get3A_892 = vector.load %arg6[%get3A_889, %get3A_890, %get3A_891] : memref<1x64x4096xf32, #tpu.memory_space<vmem>>, vector<1x64x4096xf32>
    %get3A_893 = vector.shape_cast %get3A_892 : vector<1x64x4096xf32> to vector<64x4096xf32>
    %max3A_894 = arith.maximumf %get3A_893, %max3A_888 : vector<64x4096xf32>
    %swap3A_895 = arith.constant 0 : index
    %swap3A_896 = arith.constant 0 : index
    %swap3A_897 = arith.constant 0 : index
    %swap3A_898 = vector.load %arg6[%swap3A_895, %swap3A_896, %swap3A_897] : memref<1x64x4096xf32, #tpu.memory_space<vmem>>, vector<1x64x4096xf32>
    %swap3A_899 = vector.shape_cast %swap3A_898 : vector<1x64x4096xf32> to vector<64x4096xf32>
    %swap3A_900 = vector.shape_cast %max3A_894 : vector<64x4096xf32> to vector<1x64x4096xf32>
    tpu.vector_store %arg6[%swap3A_895, %swap3A_896, %swap3A_897], %swap3A_900 {strides = array<i32>} : memref<1x64x4096xf32, #tpu.memory_space<vmem>>, vector<1x64x4096xf32>,
    return
  }
  func.func @transform_0(%arg0: i32) -> (i32, i32, i32, i32) {
    %c0_i32 = arith.constant 0 : i32
    %c0_i32_0 = arith.constant 0 : i32
    %c0_i32_1 = arith.constant 0 : i32
    %c0_i32_2 = arith.constant 0 : i32
    return %arg0, %c0_i32, %c0_i32_0, %c0_i32_1 : i32, i32, i32, i32
  }
  func.func @transform_1(%arg0: i32) -> (i32, i32) {
    %c0_i32 = arith.constant 0 : i32
    %c0_i32_0 = arith.constant 0 : i32
    %c0_i32_1 = arith.constant 0 : i32
    return %c0_i32, %c0_i32_0 : i32, i32
  }
  func.func @transform_2(%arg0: i32) -> (i32, i32) {
    %c0_i32 = arith.constant 0 : i32
    %c0_i32_0 = arith.constant 0 : i32
    %c0_i32_1 = arith.constant 0 : i32
    return %c0_i32, %c0_i32_0 : i32, i32
  }
  func.func @transform_3(%arg0: i32) -> (i32, i32) {
    %c0_i32 = arith.constant 0 : i32
    %c0_i32_0 = arith.constant 0 : i32
    %c0_i32_1 = arith.constant 0 : i32
    return %c0_i32, %c0_i32_0 : i32, i32
  }
  func.func @transform_4(%arg0: i32) -> (i32, i32) {
    %c0_i32 = arith.constant 0 : i32
    %c0_i32_0 = arith.constant 0 : i32
    %c0_i32_1 = arith.constant 0 : i32
    return %c0_i32, %c0_i32_0 : i32, i32
  }
  func.func @transform_5(%arg0: i32) -> (i32, i32, i32) {
    %c0_i32 = arith.constant 0 : i32
    %c0_i32_0 = arith.constant 0 : i32
    %c0_i32_1 = arith.constant 0 : i32
    return %arg0, %c0_i32, %c0_i32_0 : i32, i32, i32
  }
}

</mosaic_0001>

<sc_bundles>
// kernel: kernel.5.cloned.1.call-start
scs
__scs_entry_jumppad:
0x0: {  	(pc) =	sbr.rel $0x88, $3  }
0x1: {  	(tag) =	ssettag $0x0;
	lr =	simm.s32 $0x1  }
0x2: {  	[smem:$0x3F99] =	sst lr;
	_ =	strace $0xD0000000  }
0x3: {  	_ = 	snop  }
0x4: {  	_ = 	snop  }
0x5: {  	_ = 	snop  }
0x6: {  	_ = 	snop  }
0x7: {  	_ = 	snop  }
__scs_overlays_trampoline_lowered:
0x8: {  	[smem:$0x3FA8] =	sst s0  }
0x9: {  	[smem:$0x3FA9] =	sst s1  }
0xa: {  	[smem:$0x3FAA] =	sst s2  }
0xb: {  	[smem:$0x3FAB] =	sst s3  }
0xc: {  	[smem:$0x3FAC] =	sst s4  }
0xd: {  	[smem:$0x3FAD] =	sst s5  }
0xe: {  	[smem:$0x3FAE] =	sst s6  }
0xf: {  	[smem:$0x3FAF] =	sst s7  }
0x10: {  	[smem:$0x3FB0] =	sst s8  }
0x11: {  	[smem:$0x3FB1] =	sst s9;
	s0 =	simm.s32 @!p0 $0x0  }
0x12: {  	s1 =	sld [smem:$0x3F97];
	s0 =	simm.s32 @p0 $0x1  }
0x13: {  	[smem:$0x3FB2] =	sst s0;
	s0 =	simm.s32 @!p1 $0x0  }
0x14: {  	s2 =	sld [smem:$0x3F96];
	s0 =	simm.s32 @p1 $0x1  }
0x15: {  	[smem:$0x3FB3] =	sst s0;
	s0 =	simm.s32 @!p2 $0x0  }
0x16: {  	s3 =	sld [smem:$0x3FDB];
	s0 =	simm.s32 @p2 $0x1  }
0x17: {  	s4 =	simm.s32 $0x1BF5;
	[smem:$0x3FB5] =	sst s0  }
0x18: {  	s0 =	sld [smem:$0x3F98];
	_ =	swait.ge [sflag:s4], $0x0  }
0x19: {  	s7 =	sld [smem:$0x3F99]  }
0x1a: {  	s8 =	sadd.s32 $0xFFFFE003, lr  }
0x1b: {  	s9 =	sadd.s32 $0xFFFFFEF7, lr;
	s5 =	simm.s32 $0xFFFFFFFF;
	p2 =	slt.u32 s8, $0xFFFFF086  }
0x1c: {  	p1 =	slt.u32 s9, $0xF7A;
	s5 =	simm.s32 @!p2 $0x0  }
0x1d: {  	s5 =	simm.s32 @p1 $0x1;
	p0 =	seq.s32 s7, s2  }
0x1e: {  	s7 =	smul.u32 @!p0 $0xF7A, s2;
	p2 =	seq.s32 @!p0 s5, $0x0  }
0x1f: {  	s9 =	smul.u32 $0xF7A, s1;
	s8 =	simm.s32 @!p0 $0x1BF5;
	p2 =	por !p2, p0  }
0x20: {  	[sflag:s8] =	ssyncset.s32 @!p0 $0xFFFFF086;
	s6 =	sadd.s32 @!p0 s3, s7;
	s7 =	simm.s32 @!p0 $0x108  }
0x21: {  	s3 =	sadd.s32 s3, s9;
	s6 =	sadd.s32 @!p0 $0x88, s6;
	s7 =	simm.s32 @p2 $0x1082  }
0x22: {  	[simem:s7], [sflag:s8] =	dma.local @!p0 [hbm:s6], $0xF7A  }
0x23: {  	s9 =	sor.u32 $0xD0000000, s2;
	s6 =	simm.s32 $0x108;
	_ =	swait.ge @!p0 [sflag:s8], $0x0  }
0x24: {  	s3 =	sadd.s32 $0x88, s3;
	s6 =	simm.s32 @!p1 $0x1082;
	[sflag:s4] =	ssyncset.s32 $0xFFFFF086  }
0x25: {  	[simem:s6], [sflag:s4] =	dma.local [hbm:s3], $0xF7A  }
0x26: {  	[smem:$0x3F99] =	sst s1;
	(tag) =	ssettag s2;
	_ =	strace s9  }
0x27: {  	s1 =	sld [smem:$0x3FA9]  }
0x28: {  	s2 =	sld [smem:$0x3FAA]  }
0x29: {  	s4 =	sld [smem:$0x3FAC]  }
0x2a: {  	p0 =	seq.s32 s5, $0x0;
	s5 =	sld [smem:$0x3FAD]  }
0x2b: {  	s6 =	sld [smem:$0x3FAE]  }
0x2c: {  	s7 =	sld [smem:$0x3FAF]  }
0x2d: {  	s3 =	simm.s32 $0x108;
	s8 =	sld [smem:$0x3FB0]  }
0x2e: {  	s3 =	simm.s32 @!p0 $0x1082;
	s9 =	sld [smem:$0x3FB1]  }
0x2f: {  	lr =	sadd.s32 s0, s3;
	s0 =	sld [smem:$0x3FA8]  }
0x30: {  	s3 =	sld [smem:$0x3FAB]  }
0x31: {  	[smem:$0x3FB4] =	sst s10  }
0x32: {  	s10 =	sld [smem:$0x3FB2];
	_ =	sdelay $0x3  }
0x33: {  	p0 =	seq.s32 s10, $0x1;
	s10 =	sld [smem:$0x3FB4];
	_ =	sdelay $0x3  }
0x34: {  	[smem:$0x3FB4] =	sst s10  }
0x35: {  	s10 =	sld [smem:$0x3FB3];
	_ =	sdelay $0x3  }
0x36: {  	p1 =	seq.s32 s10, $0x1;
	s10 =	sld [smem:$0x3FB4];
	_ =	sdelay $0x3  }
0x37: {  	[smem:$0x3FB4] =	sst s10  }
0x38: {  	s10 =	sld [smem:$0x3FB5]  }
0x39: {  	_ = 	snop;
	(pc) =	sbr.ind lr, $3  }
0x3a: {  	_ = 	snop  }
0x3b: {  	_ = 	snop  }
0x3c: {  	p2 =	seq.s32 s10, $0x1;
	s10 =	sld [smem:$0x3FB4]  }
0x3d: {  	_ =	shalt  }
0x3e: {  	_ =	shalt  }
0x3f: {  	_ =	shalt  }
0x40: {  	_ =	shalt  }
0x41: {  	_ =	shalt  }
0x42: {  	_ =	shalt  }
0x43: {  	_ =	shalt  }
0x44: {  	_ =	shalt  }
0x45: {  	_ =	shalt  }
0x46: {  	_ =	shalt  }
0x47: {  	_ =	shalt  }
0x48: {  	_ =	shalt  }
0x49: {  	_ =	shalt  }
0x4a: {  	_ =	shalt  }
0x4b: {  	_ =	shalt  }
0x4c: {  	_ =	shalt  }
0x4d: {  	_ =	shalt  }
0x4e: {  	_ =	shalt  }
0x4f: {  	_ =	shalt  }
0x50: {  	_ =	shalt  }
0x51: {  	_ =	shalt  }
0x52: {  	_ =	shalt  }
0x53: {  	_ =	shalt  }
0x54: {  	_ =	shalt  }
0x55: {  	_ =	shalt  }
0x56: {  	_ =	shalt  }
0x57: {  	_ =	shalt  }
0x58: {  	_ =	shalt  }
0x59: {  	_ =	shalt  }
0x5a: {  	_ =	shalt  }
0x5b: {  	_ =	shalt  }
0x5c: {  	_ =	shalt  }
0x5d: {  	_ =	shalt  }
0x5e: {  	_ =	shalt  }
0x5f: {  	_ =	shalt  }
0x60: {  	_ =	shalt  }
0x61: {  	_ =	shalt  }
0x62: {  	_ =	shalt  }
0x63: {  	_ =	shalt  }
0x64: {  	_ =	shalt  }
0x65: {  	_ =	shalt  }
0x66: {  	_ =	shalt  }
0x67: {  	_ =	shalt  }
0x68: {  	_ =	shalt  }
0x69: {  	_ =	shalt  }
0x6a: {  	_ =	shalt  }
0x6b: {  	_ =	shalt  }
0x6c: {  	_ =	shalt  }
0x6d: {  	_ =	shalt  }
0x6e: {  	_ =	shalt  }
0x6f: {  	_ =	shalt  }
0x70: {  	_ =	shalt  }
0x71: {  	_ =	shalt  }
0x72: {  	_ =	shalt  }
0x73: {  	_ =	shalt  }
0x74: {  	_ =	shalt  }
0x75: {  	_ =	shalt  }
0x76: {  	_ =	shalt  }
0x77: {  	_ =	shalt  }
0x78: {  	_ =	shalt  }
0x79: {  	_ =	shalt  }
0x7a: {  	_ =	shalt  }
0x7b: {  	_ =	shalt  }
0x7c: {  	_ =	shalt  }
0x7d: {  	_ =	shalt  }
0x7e: {  	_ =	shalt  }
0x7f: {  	_ =	shalt  }
0x80: {  	_ =	shalt  }
0x81: {  	_ =	shalt  }
0x82: {  	_ =	shalt  }
0x83: {  	_ =	shalt  }
0x84: {  	_ =	shalt  }
0x85: {  	_ =	shalt  }
0x86: {  	_ =	shalt  }
0x87: {  	_ =	shalt  }
.Lfunc_end0:
.L_simem_size_0:
called_computation_lowered:
.L_overlay_start_0:
0x88: {  	s2 =	sld [smem:$0x3FD9]  }
0x89: {  	s3 =	sld [smem:$0x3FFE];
	_ =	sdelay $0x1  }
0x8a: {  	s1 =	srdreg.scid  }
0x8b: {  	s0 =	sand.u32 $0x1, s1  }
0x8c: {  	s14 =	sshll.u32 s0, $0xA;
	s2 =	sadd.s32 s3, s2  }
0x8d: {  	s2 =	sadd.s32 s2, s14  }
0x8e: {  	[smem:$0x3FC0] =	sst s2  }
0x8f: {  	_ = 	snop  }
0x90: {  	s2 =	sld [smem:$0x3FD0];
	_ =	sdelay $0x2  }
0x91: {  	s15 =	simm.s32 $0xA;
	s4 =	simm.s32 $0x10  }
0x92: {  	[smem:s4], [sflag:s15] =	dma.local [hbm:s2], $0x1  }
0x93: {  	_ =	swait.eq [sflag:s15], $0x1  }
0x94: {  	[sflag:s15] =	ssyncset.done $0x0  }
0x95: {  	[sflag:s15] =	ssyncadd.s32 $0xFFFFFFFF  }
0x96: {  	s16 =	sld [smem:$0x12];
	(tm) =	ssettm $0x1  }
0x97: {  	s17 =	sld [smem:$0x3FFB];
	_ =	sdelay $0x3  }
0x98: {  	_ =	strace s17  }
0x99: {  	s3 =	sld [smem:$0x3FFC];
	_ =	sdelay $0x3  }
0x9a: {  	_ =	strace s3  }
0x9b: {  	s3 =	sld [smem:$0x3FFD];
	_ =	sdelay $0x3  }
0x9c: {  	_ =	strace s3  }
0x9d: {  	_ =	strace $0x8FFFFFFF  }
0x9e: {  	s18 =	sld [smem:$0x3FDB];
	_ =	sdelay $0x1  }
0x9f: {  	s19 =	simm.s32 $_scs_section_size  }
0xa0: {  	s5 =	simm.s32 $_size__tile_overlayer_lowered;
	s6 =	simm.s32 $_tile_overlayer_lowered  }
0xa1: {  	s22 =	simm.s32 $0x1BFF;
	s21 =	sshll.u32 s6, $0x1;
	s3 =	sadd.s32 s19, s18  }
0xa2: {  	s7 =	simm.s32 $0x0;
	s20 =	sshll.u32 s5, $0x1;
	s5 =	sadd.s32 s21, s3  }
0xa3: {  	[timem:s7], [sflag:s22] =	dma.local [hbm:s5], s20  }
0xa4: {  	_ =	swait.ge [sflag:s22], s20  }
0xa5: {  	s4 =	ssub.s32 $0x0, s20;
	[sflag:s22] =	ssyncset.done $0x0  }
0xa6: {  	[sflag:s22] =	ssyncadd.s32 s4;
	_ =	sdelay $0x1  }
0xa7: {  	s23 =	simm.s32 $0x1B8B  }
0xa8: {  	_ =	swait.ge [sflag:s23], $0x1  }
0xa9: {  	[sflag:s23] =	ssyncset.done $0x0  }
0xaa: {  	s25 =	simm.s32 $0x1B8E;
	s24 =	sld [smem:$0x3FFE];
	[sflag:s23] =	ssyncadd.s32 $0xFFFFFFFF  }
0xab: {  	s26 =	simm.s32 $execute0_lowered;
	[smem:$0x3FD2] =	sst s25  }
0xac: {  	s5 =	sshll.u32 s26, $0x1;
	_ =	strace $0x80000046;
	[dreg:$0x1] =	wrdreg $0xFFFFFFFF  }
0xad: {  	s28 =	simm.s32 $_size_execute0_lowered;
	s3 =	sadd.s32 s3, s5;
	[dreg:$0x0] =	wrdreg $0x0  }
0xae: {  	s5 =	sshll.u32 s28, $0x1;
	[dreg:$0x2] =	wrdreg s3  }
0xaf: {  	[dreg:$0x3] =	wrdreg s5  }
0xb0: {  	[dreg:$0x4] =	wrdreg $0xC0  }
0xb1: {  	_ =	task [dreg:s7], $0x5FFFF  }
0xb2: {  	[dreg:$0x1] =	wrdreg $0xFFFFFFFF  }
0xb3: {  	[dreg:$0x0] =	wrdreg $0x60  }
0xb4: {  	[dreg:$0x2] =	wrdreg s16  }
0xb5: {  	[dreg:$0x3] =	wrdreg s24  }
0xb6: {  	[dreg:$0x4] =	wrdreg $0x9  }
0xb7: {  	_ =	task.clear_ibuf [dreg:s7], $0x5FFFF;
	_ =	strace $0x90000046  }
0xb8: {  	s29 =	simm.s32 $0x9;
	_ =	strace $0x80000048  }
0xb9: {  	_ =	swait.ge [sflag:s29], $0x1  }
0xba: {  	[sflag:s29] =	ssyncadd.s32 $0xFFFFFFFF  }
0xbb: {  	_ =	strace $0x90000048  }
0xbc: {  	_ =	sfence  }
0xbd: {  	s30 =	sld [smem:$0x0];
	_ =	sdelay $0x2  }
0xbe: {  	s31 =	sshll.u32 s1, $0xD;
	s1 =	sshrl.u32 s1, $0x2  }
0xbf: {  	s3 =	sand.u32 $0x4000, s31;
	s1 =	sadd.s32 s1, s30  }
0xc0: {  	s0 =	sor.u32 s3, s0;
	s1 =	sshll.u32 s1, $0x11  }
0xc1: {  	s0 =	sor.u32 s1, s0  }
0xc2: {  	s0 =	sadd.s32 $0x8F2B, s0  }
0xc3: {  	[sflag:s0] =	ssyncadd.remote.s32 $0x1  }
0xc4: {  	_ =	sfence.sel $0xFFFF  }
0xc5: {  	[dreg:$0x0] =	wrdreg $0xFFFFFFFF;
	(pc) =	sbr.abs _section_cstart, $3  }
0xc6: {  	[dreg:$0x1] =	wrdreg $0xFFFFFFFF  }
0xc7: {  	_ =	task.clear_ibuf [dreg:s7], $0x2FFFF;
	_ =	strace $0x9FFFFFFF  }
0xc8: {  	(tm) =	ssettm $0x7FFFFFFF  }
0xc9: {  	_ =	shalt  }
tec
execute0_lowered:
.L_overlay_start_1:
0x0: {  	(tag) =	ssettag $0x1  }
0x1: {  	s1 =	srdreg.scid;
	s0 =	stileid.u32  }
0x2: {  	s21 =	sand.u32 $0x1, s1;
	s30 =	sshll.u32 s0, $0x1  }
0x3: {  	s2 =	rddreg [dreg:$0x0];
	s1 =	sor.u32 s21, s30  }
0x4: {  	s18 =	rddreg [dreg:$0x1];
	s3 =	simm.s32 $0x0;
	s4 =	smul.u32 $0x4200, s1  }
0x5: {  	[smem:$0x7FF] =	sst s3  }
0x6: {  	s20 =	sadd.s32 $0x1000, s18;
	s1 =	rddreg [dreg:$0x2];
	s22 =	sshrl.u32 s4, $0x3  }
0x7: {  	_ =	strace $0x80000047;
	s4 =	simm.s32 $0x2;
	s5 =	sadd.s32 s20, s22  }
0x8: {  	[tilespmem:s3], [sflag:$0x2] =	stream.linear.gather [hbm4b:s5+s3], $0x2100, $0x38;
	[tilespmem:$0xE700] =	vst v63  }
0x9: {  	_ =	swait.ge [sflag:s4], $0x2100  }
0xa: {  	[sflag:s4] =	ssyncset.done $0x0  }
0xb: {  	s6 =	simm.s32 $0x2100;
	[sflag:s4] =	ssyncadd.s32 $0xFFFFDF00  }
0xc: {  	[tilespmem:s6], [sflag:$0x1] =	stream.indirect.gather [hbm4b:s2+s6], $0x1, s3, s6, $0xb8;
	[tilespmem:$0xE700] =	vst v63  }
0xd: {  	s8 =	simm.s32 $0x4200;
	s7 =	sadd.s32 $0x4000, s2  }
0xe: {  	[tilespmem:s8], [sflag:$0x1] =	stream.indirect.gather [hbm4b:s7+s6], $0x1, s3, s6, $0xb8;
	[tilespmem:$0xE700] =	vst v63  }
0xf: {  	s10 =	simm.s32 $0x6300;
	s9 =	sadd.s32 $0x8000, s2  }
0x10: {  	[tilespmem:s10], [sflag:$0x1] =	stream.indirect.gather [hbm4b:s9+s6], $0x1, s3, s6, $0xb8;
	[tilespmem:$0xE700] =	vst v63  }
0x11: {  	s12 =	simm.s32 $0x8400;
	s11 =	sadd.s32 $0xC000, s2  }
0x12: {  	[tilespmem:s12], [sflag:$0x1] =	stream.indirect.gather [hbm4b:s11+s6], $0x1, s3, s6, $0xb8;
	[tilespmem:$0xE700] =	vst v63  }
0x13: {  	s14 =	simm.s32 $0xA500;
	s13 =	sadd.s32 $0x10000, s2  }
0x14: {  	[tilespmem:s14], [sflag:$0x1] =	stream.indirect.gather [hbm4b:s13+s6], $0x1, s3, s6, $0xb8;
	[tilespmem:$0xE700] =	vst v63  }
0x15: {  	s16 =	simm.s32 $0xC600;
	s17 =	simm.s32 $0x1;
	s15 =	sadd.s32 $0x14000, s2  }
0x16: {  	[tilespmem:s16], [sflag:$0x1] =	stream.indirect.gather [hbm4b:s15+s6], $0x1, s3, s6, $0xb8;
	[tilespmem:$0xE700] =	vst v63  }
0x17: {  	_ =	swait.ge [sflag:s17], $0x2100  }
0x18: {  	[sflag:s17] =	ssyncset.done $0x0  }
0x19: {  	[sflag:s17] =	ssyncadd.s32 $0xFFFFDF00  }
0x1a: {  	_ =	swait.ge [sflag:s17], $0x2100  }
0x1b: {  	[sflag:s17] =	ssyncset.done $0x0  }
0x1c: {  	[sflag:s17] =	ssyncadd.s32 $0xFFFFDF00  }
0x1d: {  	_ =	swait.ge [sflag:s17], $0x2100  }
0x1e: {  	[sflag:s17] =	ssyncset.done $0x0  }
0x1f: {  	[sflag:s17] =	ssyncadd.s32 $0xFFFFDF00  }
0x20: {  	_ =	swait.ge [sflag:s17], $0x2100  }
0x21: {  	[sflag:s17] =	ssyncset.done $0x0  }
0x22: {  	[sflag:s17] =	ssyncadd.s32 $0xFFFFDF00  }
0x23: {  	_ =	swait.ge [sflag:s17], $0x2100  }
0x24: {  	[sflag:s17] =	ssyncset.done $0x0  }
0x25: {  	[sflag:s17] =	ssyncadd.s32 $0xFFFFDF00  }
0x26: {  	_ =	swait.ge [sflag:s17], $0x2100  }
0x27: {  	s23 =	sadd.s32 $0x11800, s18;
	[sflag:s17] =	ssyncset.done $0x0  }
0x28: {  	s19 =	simm.s32 $0x84000;
	s18 =	sadd.s32 s23, s22;
	[sflag:s17] =	ssyncadd.s32 $0xFFFFDF00  }
0x29: {  	[hbm4b:s18+s6] =	stream.strided.scatter [tilespmem:s6], [sflag:$0x2], $0xC600, s19, s6, $0x38;
	[tilespmem:$0xE700] =	vst v63  }
0x2a: {  	_ =	swait.ge [sflag:s4], $0xC600  }
0x2b: {  	s22 =	sadd.s32 $0x420, s22;
	[sflag:s4] =	ssyncset.done $0x0  }
0x2c: {  	s20 =	sadd.s32 s20, s22;
	[sflag:s4] =	ssyncadd.s32 $0xFFFF3A00  }
0x2d: {  	[tilespmem:s3], [sflag:$0x2] =	stream.linear.gather [hbm4b:s20+s3], $0x2100, $0x38;
	[tilespmem:$0xE700] =	vst v63  }
0x2e: {  	_ =	swait.ge [sflag:s4], $0x2100  }
0x2f: {  	[sflag:s4] =	ssyncset.done $0x0  }
0x30: {  	[sflag:s4] =	ssyncadd.s32 $0xFFFFDF00  }
0x31: {  	[tilespmem:s6], [sflag:$0x1] =	stream.indirect.gather [hbm4b:s2+s6], $0x1, s3, s6, $0xb8;
	[tilespmem:$0xE700] =	vst v63  }
0x32: {  	_ = 	snop  }
0x33: {  	[tilespmem:s8], [sflag:$0x1] =	stream.indirect.gather [hbm4b:s7+s6], $0x1, s3, s6, $0xb8;
	[tilespmem:$0xE700] =	vst v63  }
0x34: {  	_ = 	snop  }
0x35: {  	[tilespmem:s10], [sflag:$0x1] =	stream.indirect.gather [hbm4b:s9+s6], $0x1, s3, s6, $0xb8;
	[tilespmem:$0xE700] =	vst v63  }
0x36: {  	_ = 	snop  }
0x37: {  	[tilespmem:s12], [sflag:$0x1] =	stream.indirect.gather [hbm4b:s11+s6], $0x1, s3, s6, $0xb8;
	[tilespmem:$0xE700] =	vst v63  }
0x38: {  	_ = 	snop  }
0x39: {  	[tilespmem:s14], [sflag:$0x1] =	stream.indirect.gather [hbm4b:s13+s6], $0x1, s3, s6, $0xb8;
	[tilespmem:$0xE700] =	vst v63  }
0x3a: {  	_ = 	snop  }
0x3b: {  	[tilespmem:s16], [sflag:$0x1] =	stream.indirect.gather [hbm4b:s15+s6], $0x1, s3, s6, $0xb8;
	[tilespmem:$0xE700] =	vst v63  }
0x3c: {  	_ =	swait.ge [sflag:s17], $0x2100  }
0x3d: {  	[sflag:s17] =	ssyncset.done $0x0  }
0x3e: {  	[sflag:s17] =	ssyncadd.s32 $0xFFFFDF00  }
0x3f: {  	_ =	swait.ge [sflag:s17], $0x2100  }
0x40: {  	[sflag:s17] =	ssyncset.done $0x0  }
0x41: {  	[sflag:s17] =	ssyncadd.s32 $0xFFFFDF00  }
0x42: {  	_ =	swait.ge [sflag:s17], $0x2100  }
0x43: {  	[sflag:s17] =	ssyncset.done $0x0  }
0x44: {  	[sflag:s17] =	ssyncadd.s32 $0xFFFFDF00  }
0x45: {  	_ =	swait.ge [sflag:s17], $0x2100  }
0x46: {  	[sflag:s17] =	ssyncset.done $0x0  }
0x47: {  	s21 =	ssub.s32 $0x2, s21;
	[sflag:s17] =	ssyncadd.s32 $0xFFFFDF00  }
0x48: {  	s24 =	sshrl.u32 s21, $0x1;
	_ =	swait.ge [sflag:s17], $0x2100  }
0x49: {  	s24 =	ssub.s32 s21, s24;
	[sflag:s17] =	ssyncset.done $0x0  }
0x4a: {  	s31 =	smax.u32 s24, $0x1;
	[sflag:s17] =	ssyncadd.s32 $0xFFFFDF00  }
0x4b: {  	p0 =	sne.s32 s31, $0x1;
	_ =	swait.ge [sflag:s17], $0x2100  }
.Ltmp0:
0x4c: {  	[sflag:s17] =	ssyncset.done $0x0;
	(pc) =	sbr.rel @!p0 .LBB2_2-.Ltmp0, $4  }
0x4d: {  	s21 =	sadd.s32 s23, s22;
	[sflag:s17] =	ssyncadd.s32 $0xFFFFDF00  }
0x4e: {  	[hbm4b:s21+s6] =	stream.strided.scatter [tilespmem:s6], [sflag:$0x2], $0xC600, s19, s6, $0x38;
	[tilespmem:$0xE700] =	vst v63  }
0x4f: {  	_ =	swait.ge [sflag:s4], $0xC600  }
0x50: {  	s22 =	sadd.s32 $0xFFFFFFFF, s31;
	[sflag:s4] =	ssyncset.done $0x0  }
.LBB2_1:
0x51: {  	p0 =	sne.s32 s22, $0x1;
	s22 =	sadd.s32 $0xFFFFFFFF, s22;
	[sflag:s4] =	ssyncadd.s32 $0xFFFF3A00  }
0x52: {  	[tilespmem:s3], [sflag:$0x2] =	stream.linear.gather [hbm4b:s5+s3], $0x2100, $0x38;
	[tilespmem:$0xE700] =	vst v63  }
0x53: {  	_ =	swait.ge [sflag:s4], $0x2100  }
0x54: {  	[sflag:s4] =	ssyncset.done $0x0  }
0x55: {  	[sflag:s4] =	ssyncadd.s32 $0xFFFFDF00  }
0x56: {  	[tilespmem:s6], [sflag:$0x1] =	stream.indirect.gather [hbm4b:s2+s6], $0x1, s3, s6, $0xb8;
	[tilespmem:$0xE700] =	vst v63  }
0x57: {  	_ = 	snop  }
0x58: {  	[tilespmem:s8], [sflag:$0x1] =	stream.indirect.gather [hbm4b:s7+s6], $0x1, s3, s6, $0xb8;
	[tilespmem:$0xE700] =	vst v63  }
0x59: {  	_ = 	snop  }
0x5a: {  	[tilespmem:s10], [sflag:$0x1] =	stream.indirect.gather [hbm4b:s9+s6], $0x1, s3, s6, $0xb8;
	[tilespmem:$0xE700] =	vst v63  }
0x5b: {  	_ = 	snop  }
0x5c: {  	[tilespmem:s12], [sflag:$0x1] =	stream.indirect.gather [hbm4b:s11+s6], $0x1, s3, s6, $0xb8;
	[tilespmem:$0xE700] =	vst v63  }
0x5d: {  	_ = 	snop  }
0x5e: {  	[tilespmem:s14], [sflag:$0x1] =	stream.indirect.gather [hbm4b:s13+s6], $0x1, s3, s6, $0xb8;
	[tilespmem:$0xE700] =	vst v63  }
0x5f: {  	_ = 	snop  }
0x60: {  	[tilespmem:s16], [sflag:$0x1] =	stream.indirect.gather [hbm4b:s15+s6], $0x1, s3, s6, $0xb8;
	[tilespmem:$0xE700] =	vst v63  }
0x61: {  	_ =	swait.ge [sflag:s17], $0x2100  }
0x62: {  	[sflag:s17] =	ssyncset.done $0x0  }
0x63: {  	[sflag:s17] =	ssyncadd.s32 $0xFFFFDF00  }
0x64: {  	_ =	swait.ge [sflag:s17], $0x2100  }
0x65: {  	[sflag:s17] =	ssyncset.done $0x0  }
0x66: {  	[sflag:s17] =	ssyncadd.s32 $0xFFFFDF00  }
0x67: {  	_ =	swait.ge [sflag:s17], $0x2100  }
0x68: {  	[sflag:s17] =	ssyncset.done $0x0  }
0x69: {  	[sflag:s17] =	ssyncadd.s32 $0xFFFFDF00  }
0x6a: {  	_ =	swait.ge [sflag:s17], $0x2100  }
0x6b: {  	[sflag:s17] =	ssyncset.done $0x0  }
0x6c: {  	[sflag:s17] =	ssyncadd.s32 $0xFFFFDF00  }
0x6d: {  	_ =	swait.ge [sflag:s17], $0x2100  }
0x6e: {  	[sflag:s17] =	ssyncset.done $0x0  }
0x6f: {  	[sflag:s17] =	ssyncadd.s32 $0xFFFFDF00  }
0x70: {  	_ =	swait.ge [sflag:s17], $0x2100  }
0x71: {  	[sflag:s17] =	ssyncset.done $0x0  }
0x72: {  	[sflag:s17] =	ssyncadd.s32 $0xFFFFDF00  }
0x73: {  	[hbm4b:s18+s6] =	stream.strided.scatter [tilespmem:s6], [sflag:$0x2], $0xC600, s19, s6, $0x38;
	[tilespmem:$0xE700] =	vst v63  }
0x74: {  	_ =	swait.ge [sflag:s4], $0xC600  }
0x75: {  	[sflag:s4] =	ssyncset.done $0x0  }
0x76: {  	[sflag:s4] =	ssyncadd.s32 $0xFFFF3A00  }
0x77: {  	[tilespmem:s3], [sflag:$0x2] =	stream.linear.gather [hbm4b:s20+s3], $0x2100, $0x38;
	[tilespmem:$0xE700] =	vst v63  }
0x78: {  	_ =	swait.ge [sflag:s4], $0x2100  }
0x79: {  	[sflag:s4] =	ssyncset.done $0x0  }
0x7a: {  	[sflag:s4] =	ssyncadd.s32 $0xFFFFDF00  }
0x7b: {  	[tilespmem:s6], [sflag:$0x1] =	stream.indirect.gather [hbm4b:s2+s6], $0x1, s3, s6, $0xb8;
	[tilespmem:$0xE700] =	vst v63  }
0x7c: {  	_ = 	snop  }
0x7d: {  	[tilespmem:s8], [sflag:$0x1] =	stream.indirect.gather [hbm4b:s7+s6], $0x1, s3, s6, $0xb8;
	[tilespmem:$0xE700] =	vst v63  }
0x7e: {  	_ = 	snop  }
0x7f: {  	[tilespmem:s10], [sflag:$0x1] =	stream.indirect.gather [hbm4b:s9+s6], $0x1, s3, s6, $0xb8;
	[tilespmem:$0xE700] =	vst v63  }
0x80: {  	_ = 	snop  }
0x81: {  	[tilespmem:s12], [sflag:$0x1] =	stream.indirect.gather [hbm4b:s11+s6], $0x1, s3, s6, $0xb8;
	[tilespmem:$0xE700] =	vst v63  }
0x82: {  	_ = 	snop  }
0x83: {  	[tilespmem:s14], [sflag:$0x1] =	stream.indirect.gather [hbm4b:s13+s6], $0x1, s3, s6, $0xb8;
	[tilespmem:$0xE700] =	vst v63  }
0x84: {  	_ = 	snop  }
0x85: {  	[tilespmem:s16], [sflag:$0x1] =	stream.indirect.gather [hbm4b:s15+s6], $0x1, s3, s6, $0xb8;
	[tilespmem:$0xE700] =	vst v63  }
0x86: {  	_ =	swait.ge [sflag:s17], $0x2100  }
0x87: {  	[sflag:s17] =	ssyncset.done $0x0  }
0x88: {  	[sflag:s17] =	ssyncadd.s32 $0xFFFFDF00  }
0x89: {  	_ =	swait.ge [sflag:s17], $0x2100  }
0x8a: {  	[sflag:s17] =	ssyncset.done $0x0  }
0x8b: {  	[sflag:s17] =	ssyncadd.s32 $0xFFFFDF00  }
0x8c: {  	_ =	swait.ge [sflag:s17], $0x2100  }
0x8d: {  	[sflag:s17] =	ssyncset.done $0x0  }
0x8e: {  	[sflag:s17] =	ssyncadd.s32 $0xFFFFDF00  }
0x8f: {  	_ =	swait.ge [sflag:s17], $0x2100  }
0x90: {  	[sflag:s17] =	ssyncset.done $0x0  }
0x91: {  	[sflag:s17] =	ssyncadd.s32 $0xFFFFDF00  }
0x92: {  	_ =	swait.ge [sflag:s17], $0x2100  }
0x93: {  	[sflag:s17] =	ssyncset.done $0x0  }
0x94: {  	[sflag:s17] =	ssyncadd.s32 $0xFFFFDF00  }
0x95: {  	_ =	swait.ge [sflag:s17], $0x2100  }
.Ltmp1:
0x96: {  	[sflag:s17] =	ssyncset.done $0x0;
	(pc) =	sbr.rel @p0 .LBB2_1-.Ltmp1, $4  }
0x97: {  	[sflag:s17] =	ssyncadd.s32 $0xFFFFDF00  }
0x98: {  	[hbm4b:s21+s6] =	stream.strided.scatter [tilespmem:s6], [sflag:$0x2], $0xC600, s19, s6, $0x38;
	[tilespmem:$0xE700] =	vst v63  }
0x99: {  	_ =	swait.ge [sflag:s4], $0xC600  }
0x9a: {  	[sflag:s4] =	ssyncset.done $0x0  }
.LBB2_2:
0x9b: {  	[sflag:s4] =	ssyncadd.s32 $0xFFFF3A00  }
0x9c: {  	_ =	sfence.sel $0x180000  }
0x9d: {  	[bflag:$0x0] =	sbarrier.arrive $0xFFFF  }
0x9e: {  	p0 =	sne.s32 s0, $0x0;
	_ =	strace $0x90000047  }
0x9f: {  	s0 =	sadd.s32 @!p0 $0x100000, s1;
	[bflag:$0x2] =	sbarrier.arrive $0xFFFF  }
0xa0: {  	[sflag:s0] =	ssyncadd.tile.s32 @!p0 $0x1;
	_ =	shalt  }
.Lfunc_end2:
_tile_overlayer_lowered:
.L_overlay_start_2:
0xa1: {  	(tag) =	ssettag $0x2  }
0xa2: {  	s0 =	rddreg [dreg:$0x0];
	s2 =	stileid.u32  }
0xa3: {  	s1 =	rddreg [dreg:$0x1];
	p0 =	sne.s32 s2, $0x0  }
0xa4: {  	s3 =	rddreg [dreg:$0x2];
	[bflag:$0x3] =	sbarrier.arrive $0xFFFF;
	s2 =	simm.s32 @!p0 $0x1C02  }
0xa5: {  	[timem:s3], [sflag:s2] =	dma.local @!p0 [hbm:s0], s1  }
0xa6: {  	s0 =	simm.s32 @!p0 $0x2  }
0xa7: {  	_ =	swait.ge @!p0 [sflag:s0], s1  }
0xa8: {  	s1 =	ssub.s32 @!p0 $0x0, s1;
	[sflag:s0] =	ssyncset.done @!p0 $0x0  }
0xa9: {  	[sflag:s0] =	ssyncadd.s32 @!p0 s1  }
0xaa: {  	[bflag:$0x3] =	sbarrier.arrive $0xFFFF  }
0xab: {  	_ =	shalt  }

</sc_bundles>
